<compile_context>
chip_gen: v7x
topology: tpu7x:2x2x1
jax: 0.10.2.dev20260603
libtpu: 0.0.44.dev20260713+nightly
codegen_flags: <defaults>
</compile_context>

<pallas_src>
import functools

import jax
import jax.numpy as jnp
from jax import lax
from jax.experimental import pallas as pl
from jax.experimental.pallas import tpu as pltpu
from jax.experimental.pallas import tpu_sc as plsc

_ROWS = 128
_N = 8192
_TOPK1 = 65
_EPS = 1e-07
_NEG_INF = float("-inf")

_NC = 2
_NS = 16
_NW = _NC * _NS
_RPW = _ROWS // _NW
_NVEC = _N // 16
_CB = _RPW * _N


def _iota16():
    return lax.broadcasted_iota(jnp.int32, (16,), 0)


def _lane(s, j):
    return jnp.max(jnp.where(_iota16() == j, s, jnp.float32(_NEG_INF)))


def _pivot_j_static(n, rank):
    rank_bot = n + 1 - rank
    m = n // 8 + 8
    if rank <= rank_bot:
        t = min(rank + m, n - 1)
        return 16 - min(max((17 * t + (n + 1) // 2) // (n + 1), 1), 16)
    t = min(rank_bot + m, n - 1)
    return min(max((17 * t + (n + 1) // 2) // (n + 1), 1), 16) - 1


def _pivot_j(n, rank):
    rank_bot = n + 1 - rank
    m = n // 8 + 8
    np1 = n + 1
    t_top = jnp.minimum(rank + m, n - 1)
    j_top = 16 - jnp.clip((17 * t_top + np1 // 2) // np1, 1, 16)
    t_bot = jnp.minimum(rank_bot + m, n - 1)
    j_bot = jnp.clip((17 * t_bot + np1 // 2) // np1, 1, 16) - 1
    return jnp.where(rank <= rank_bot, j_top, j_bot)


def _merge16(a, b):
    rb = lax.rev(b, (0,))
    return lax.sort(jnp.minimum(a, rb)), lax.sort(jnp.maximum(a, rb))


def _merge32(alo, ahi, blo, bhi):
    rbl = lax.rev(bhi, (0,))
    rbh = lax.rev(blo, (0,))
    l0 = jnp.minimum(alo, rbl)
    l1 = jnp.minimum(ahi, rbh)
    h0 = jnp.maximum(alo, rbl)
    h1 = jnp.maximum(ahi, rbh)
    w0 = lax.sort(jnp.minimum(l0, l1))
    w1 = lax.sort(jnp.maximum(l0, l1))
    w2 = lax.sort(jnp.minimum(h0, h1))
    w3 = lax.sort(jnp.maximum(h0, h1))
    return w0, w1, w2, w3


def _select_threshold(buf, row_base):
    iota = _iota16()

    mx = plsc.load_gather(buf, [row_base + iota * (_N // 128)])
    for v in range(1, 8):
        mx = jnp.maximum(
            mx,
            plsc.load_gather(
                buf, [row_base + v * (_N // 8) + iota * (_N // 128)]
            ),
        )
    piv0 = _lane(lax.sort(mx), 11)
    piv0_v = jnp.broadcast_to(piv0, (16,))
    zi = jnp.zeros((16,), jnp.int32)

    @plsc.parallel_loop(0, _N, 16, unroll=8, carry=zi)
    def _p1(i, offa):
        x = buf[pl.ds(row_base + i, 16)]
        ma = x > piv0_v
        ia = ma.astype(jnp.int32)
        csa = plsc.cumsum(ia)
        plsc.store_scatter(buf, [_CB + offa + csa - ia], x, mask=ma)
        return offa + plsc.all_reduce_population_count(ma)

    c0 = jnp.max(_p1)

    ok = c0 >= _TOPK1
    n = jnp.where(ok, c0, jnp.int32(_N))
    src_base = jnp.where(ok, jnp.int32(_CB), jnp.int32(row_base))

    def cond(st):
        n, rank, src_base, phase, done, delta, s_acc, c_acc = st
        return jnp.logical_and(done == 0, n > 64)

    def body(st):
        n, rank, src_base, phase, done, delta, s_acc, c_acc = st
        smp = lax.sort(
            plsc.load_gather(buf, [src_base + _iota16() * (n // 16)])
        )
        pivot = _lane(smp, _pivot_j(n, rank))
        pivot_v = jnp.broadcast_to(pivot, (16,))
        dst_a = _CB + _N + phase * (2 * _N)
        dst_b = jnp.where(phase == 0, dst_a + _N, jnp.int32(_CB))
        zi = jnp.zeros((16,), jnp.int32)
        zf = jnp.zeros((16,), jnp.float32)

        def pbody(i, carry):
            offa, offb, sacc = carry
            x = buf[pl.ds(src_base + i * 16, 16)]
            valid = (i * 16 + iota) < n
            ma = jnp.logical_and(x > pivot_v, valid)
            mb = jnp.logical_and(x < pivot_v, valid)
            ia = ma.astype(jnp.int32)
            ib = mb.astype(jnp.int32)
            csa = plsc.cumsum(ia)
            csb = plsc.cumsum(ib)
            plsc.store_scatter(buf, [dst_a + offa + csa - ia], x, mask=ma)
            plsc.store_scatter(buf, [dst_b + offb + csb - ib], x, mask=mb)
            offa = offa + plsc.all_reduce_population_count(ma)
            offb = offb + plsc.all_reduce_population_count(mb)
            sacc = sacc + jnp.where(ma, x, 0.0)
            return offa, offb, sacc

        nvec = (n + 15) // 16
        offa, offb, sacc = lax.fori_loop(0, nvec, pbody, (zi, zi, zf))
        c = jnp.max(offa)
        nb = jnp.max(offb)
        sa = jnp.sum(sacc)

        e = n - c - nb
        go_above = rank <= c
        now_done = jnp.logical_and(jnp.logical_not(go_above), rank <= c + e)
        delta = jnp.where(now_done, pivot, delta)
        ef = e.astype(jnp.float32)
        ds = jnp.where(go_above, jnp.float32(0.0),
                       jnp.where(now_done, sa, sa + pivot * ef))
        dc = jnp.where(go_above, jnp.int32(0),
                       jnp.where(now_done, c, c + e))
        n2 = jnp.where(go_above, c, nb)
        rank2 = jnp.where(go_above, rank, rank - (c + e))
        src2 = jnp.where(go_above, dst_a, dst_b)
        done2 = jnp.where(now_done, jnp.int32(1), done)
        return (n2, rank2, src2, 1 - phase, done2, delta,
                s_acc + ds, c_acc + dc)

    st = (n, jnp.int32(_TOPK1), src_base, jnp.int32(0), jnp.int32(0),
          jnp.float32(0.0), jnp.float32(0.0), jnp.int32(0))
    st = lax.while_loop(cond, body, st)
    n, rank, src_base, phase, done, delta, s_acc, c_acc = st

    vs = []
    for k in range(4):
        vk = buf[pl.ds(src_base + 16 * k, 16)]
        vs.append(
            jnp.where(iota + 16 * k < n, vk, jnp.float32(_NEG_INF))
        )
    alo, ahi = _merge16(lax.sort(vs[0]), lax.sort(vs[1]))
    blo, bhi = _merge16(lax.sort(vs[2]), lax.sort(vs[3]))
    w = _merge32(alo, ahi, blo, bhi)
    idx = 64 - rank
    k_sel = idx // 16
    lane = idx % 16
    dsmall = jnp.float32(_NEG_INF)
    for k in range(4):
        dsmall = jnp.where(k_sel == k, _lane(w[k], lane), dsmall)
    delta = jnp.where(done == 0, dsmall, delta)
    delta_v = jnp.broadcast_to(delta, (16,))
    sv_acc = jnp.zeros((16,), jnp.float32)
    cv_acc = jnp.zeros((16,), jnp.int32)
    live = done == 0
    for k in range(4):
        mv = jnp.logical_and(live, vs[k] > delta_v)
        sv_acc = sv_acc + jnp.where(mv, vs[k], jnp.float32(0.0))
        cv_acc = cv_acc + plsc.all_reduce_population_count(mv)
    s_acc = s_acc + jnp.sum(sv_acc)
    c_acc = c_acc + jnp.max(cv_acc)
    return delta, s_acc, c_acc


def _normalize_row(buf, row_base, delta, s_acc, c_acc):
    wsum = s_acc - delta * c_acc.astype(jnp.float32)
    denom_v = jnp.broadcast_to(wsum + jnp.float32(_EPS), (16,))
    scale_v = jnp.ones((16,), jnp.float32) / denom_v
    delta_v = jnp.broadcast_to(delta, (16,))

    @plsc.parallel_loop(0, _N, 16, unroll=8)
    def _p2(i):
        sl = pl.ds(row_base + i, 16)
        buf[sl] = jnp.maximum(buf[sl] - delta_v, 0.0) * scale_v


def _sc_body(x_hbm, out_hbm, buf):
    wid = lax.axis_index("s") * _NC + lax.axis_index("c")
    base = wid * (_RPW * _N)
    pltpu.sync_copy(x_hbm.at[pl.ds(base, _RPW * _N)], buf.at[pl.ds(0, _CB)])
    for r in range(_RPW):
        row_base = r * _N
        delta, s_acc, c_acc = _select_threshold(buf, row_base)
        _normalize_row(buf, row_base, delta, s_acc, c_acc)
    pltpu.sync_copy(buf.at[pl.ds(0, _CB)], out_hbm.at[pl.ds(base, _RPW * _N)])


@jax.jit
def kernel(attn_s):
    b, one, n = attn_s.shape
    x = attn_s.reshape(b * n)
    mesh = plsc.VectorSubcoreMesh(
        core_axis_name="c", subcore_axis_name="s",
        num_cores=_NC, num_subcores=_NS,
    )
    out = pl.kernel(
        _sc_body,
        out_type=jax.ShapeDtypeStruct((b * n,), jnp.float32),
        mesh=mesh,
        scratch_types=[
            pltpu.VMEM((_CB + 4 * _N,), jnp.float32),
        ],
        compiler_params=pltpu.CompilerParams(needs_layout_passes=False),
    )(x)
    return out.reshape(b, one, n)

# --- scband reference (transcript-rebuilt; emitter-appended) ---
"""Pipeline reference for scband-sparse-attention-46600395162111 (READ-ONLY COPY).

The authoritative reference and input builder live on the scoring server;
editing this copy changes nothing except your own understanding.
"""

import jax, jax.numpy as jnp
import numpy as np

TOP_K = 64
NUM_RULES = 8192

def setup_inputs(seed: int = 0) -> dict:
    key = jax.random.key(seed)
    attn_s = jax.random.normal(key, (128, 1, 8192), dtype=jnp.float32)
    return {"attn_s": attn_s}

def reference(attn_s):
    eps = 1e-07
    time_step = attn_s.shape[2]
    bottom_k = time_step - TOP_K
    # torch.kthvalue(attn_s, bottom_k, dim=2)[0]: k-th smallest (1-indexed) along dim 2
    sorted_s = jnp.sort(attn_s, axis=2)
    delta = sorted_s[:, :, bottom_k - 1]  # [B, X]
    # delta.repeat(1, num_rules).unsqueeze(1) -> [B, 1, X*num_rules]
    delta_rep = jnp.tile(delta, (1, NUM_RULES))[:, None, :]
    attn_w = attn_s - delta_rep
    attn_w = jnp.maximum(attn_w, 0.0)  # clamp(min=0)
    attn_w_sum = jnp.sum(attn_w, axis=2)  # [B, X]
    attn_w_sum = attn_w_sum + eps
    denom = jnp.tile(attn_w_sum, (1, NUM_RULES))[:, None, :]
    attn_w_normalize = attn_w / denom
    return attn_w_normalize

if __name__ == "__main__":
    import jax
    _d = setup_inputs()
    print(jax.jit(kernel)(*tuple(_d.values())))

</pallas_src>

<mosaic_0001>
#map = affine_map<(d0, d1) -> (0)>
module attributes {stable_mosaic.version = 14 : i64} {
  func.func @_sc_body(%arg0: i32, %arg1: i32, %arg2: memref<1048576xf32, #tpu.memory_space<hbm>>, %arg3: memref<1048576xf32, #tpu.memory_space<hbm>>, %arg4: memref<65536xf32, #tpu.memory_space<vmem>>) attributes {dimension_semantics = [#tpu.dimension_semantics<core_parallel>, #tpu.dimension_semantics<subcore_parallel>], iteration_bounds = array<i64: 2, 16>, scalar_prefetch = 0 : i64, scratch_operands = 1 : i64, tpu.core_type = #tpu.core_type<sc_vector_subcore>, window_params = [{transform_indices = #map}, {transform_indices = #map}]} {
    %mul3A = arith.constant 2 : i32
    %mul3A_0 = arith.muli %arg1, %mul3A : i32
    %add3A = arith.addi %mul3A_0, %arg0 : i32
    %mul3A_1 = arith.constant 32768 : i32
    %mul3A_2 = arith.muli %add3A, %mul3A_1 : i32
    "tpu.region"() ({
      %run_scoped3A = tpu.sem_alloc : memref<!tpu.dma_semaphore, #tpu.memory_space<semaphore_mem>>
      %dma_start3A = arith.constant 0 : i32
      %dma_start3A_1593 = tpu.memref_slice %arg4[%dma_start3A] : memref<65536xf32, #tpu.memory_space<vmem>> -> memref<32768xf32, #tpu.memory_space<vmem>>
      %dma_start3A_1594 = tpu.memref_slice %arg2[%mul3A_2] : memref<1048576xf32, #tpu.memory_space<hbm>> -> memref<32768xf32, #tpu.memory_space<hbm>>
      %dma_start3A_1595 = arith.constant 0 : i32
      %dma_start3A_1596 = tpu.memref_slice %arg4[%dma_start3A_1595] : memref<65536xf32, #tpu.memory_space<vmem>> -> memref<32768xf32, #tpu.memory_space<vmem>>
      %dma_start3A_1597 = tpu.memref_slice %arg2[%mul3A_2] : memref<1048576xf32, #tpu.memory_space<hbm>> -> memref<32768xf32, #tpu.memory_space<hbm>>
      tpu.enqueue_dma source(%dma_start3A_1597 : memref<32768xf32, #tpu.memory_space<hbm>>) target(%dma_start3A_1596 : memref<32768xf32, #tpu.memory_space<vmem>>) target_semaphore(%run_scoped3A : memref<!tpu.dma_semaphore, #tpu.memory_space<semaphore_mem>>)
      %dma_wait3A = arith.constant 0 : i32
      %dma_wait3A_1598 = tpu.memref_slice %arg4[%dma_wait3A] : memref<65536xf32, #tpu.memory_space<vmem>> -> memref<32768xf32, #tpu.memory_space<vmem>>
      %dma_wait3A_1599 = tpu.memref_slice %arg2[%mul3A_2] : memref<1048576xf32, #tpu.memory_space<hbm>> -> memref<32768xf32, #tpu.memory_space<hbm>>
      %dma_wait3A_1600 = arith.constant 0 : i32
      %dma_wait3A_1601 = tpu.memref_slice %arg4[%dma_wait3A_1600] : memref<65536xf32, #tpu.memory_space<vmem>> -> memref<32768xf32, #tpu.memory_space<vmem>>
      %dma_wait3A_1602 = tpu.memref_slice %arg2[%mul3A_2] : memref<1048576xf32, #tpu.memory_space<hbm>> -> memref<32768xf32, #tpu.memory_space<hbm>>
      tpu.wait_dma2 semaphore(%run_scoped3A : memref<!tpu.dma_semaphore, #tpu.memory_space<semaphore_mem>>) src(%dma_wait3A_1602 : memref<32768xf32, #tpu.memory_space<hbm>>) dst(%dma_wait3A_1601 : memref<32768xf32, #tpu.memory_space<vmem>>)
      tpu.yield
    }) : () -> ()
    %iota3A = tpu.iota {dimensions = array<i32: 0>} : vector<16xi32>
    %mul3A_3 = arith.constant 64 : i32
    %mul3A_4 = vector.broadcast %mul3A_3 : i32 to vector<16xi32>
    %mul3A_5 = arith.muli %iota3A, %mul3A_4 : vector<16xi32>
    %add3A_6 = arith.constant 0 : i32
    %add3A_7 = vector.broadcast %add3A_6 : i32 to vector<16xi32>
    %add3A_8 = arith.addi %add3A_7, %mul3A_5 : vector<16xi32>
    %gather3A = tpu.vector_load_idx %arg4[%add3A_8] : memref<65536xf32, #tpu.memory_space<vmem>>[vector<16xi32>], vector<16xf32>,
    %mul3A_9 = arith.constant 64 : i32
    %mul3A_10 = vector.broadcast %mul3A_9 : i32 to vector<16xi32>
    %mul3A_11 = arith.muli %iota3A, %mul3A_10 : vector<16xi32>
    %add3A_12 = arith.constant 1024 : i32
    %add3A_13 = vector.broadcast %add3A_12 : i32 to vector<16xi32>
    %add3A_14 = arith.addi %add3A_13, %mul3A_11 : vector<16xi32>
    %gather3A_15 = tpu.vector_load_idx %arg4[%add3A_14] : memref<65536xf32, #tpu.memory_space<vmem>>[vector<16xi32>], vector<16xf32>,
    %max3A = arith.maximumf %gather3A, %gather3A_15 : vector<16xf32>
    %mul3A_16 = arith.constant 64 : i32
    %mul3A_17 = vector.broadcast %mul3A_16 : i32 to vector<16xi32>
    %mul3A_18 = arith.muli %iota3A, %mul3A_17 : vector<16xi32>
    %add3A_19 = arith.constant 2048 : i32
    %add3A_20 = vector.broadcast %add3A_19 : i32 to vector<16xi32>
    %add3A_21 = arith.addi %add3A_20, %mul3A_18 : vector<16xi32>
    %gather3A_22 = tpu.vector_load_idx %arg4[%add3A_21] : memref<65536xf32, #tpu.memory_space<vmem>>[vector<16xi32>], vector<16xf32>,
    %max3A_23 = arith.maximumf %max3A, %gather3A_22 : vector<16xf32>
    %mul3A_24 = arith.constant 64 : i32
    %mul3A_25 = vector.broadcast %mul3A_24 : i32 to vector<16xi32>
    %mul3A_26 = arith.muli %iota3A, %mul3A_25 : vector<16xi32>
    %add3A_27 = arith.constant 3072 : i32
    %add3A_28 = vector.broadcast %add3A_27 : i32 to vector<16xi32>
    %add3A_29 = arith.addi %add3A_28, %mul3A_26 : vector<16xi32>
    %gather3A_30 = tpu.vector_load_idx %arg4[%add3A_29] : memref<65536xf32, #tpu.memory_space<vmem>>[vector<16xi32>], vector<16xf32>,
    %max3A_31 = arith.maximumf %max3A_23, %gather3A_30 : vector<16xf32>
    %mul3A_32 = arith.constant 64 : i32
    %mul3A_33 = vector.broadcast %mul3A_32 : i32 to vector<16xi32>
    %mul3A_34 = arith.muli %iota3A, %mul3A_33 : vector<16xi32>
    %add3A_35 = arith.constant 4096 : i32
    %add3A_36 = vector.broadcast %add3A_35 : i32 to vector<16xi32>
    %add3A_37 = arith.addi %add3A_36, %mul3A_34 : vector<16xi32>
    %gather3A_38 = tpu.vector_load_idx %arg4[%add3A_37] : memref<65536xf32, #tpu.memory_space<vmem>>[vector<16xi32>], vector<16xf32>,
    %max3A_39 = arith.maximumf %max3A_31, %gather3A_38 : vector<16xf32>
    %mul3A_40 = arith.constant 64 : i32
    %mul3A_41 = vector.broadcast %mul3A_40 : i32 to vector<16xi32>
    %mul3A_42 = arith.muli %iota3A, %mul3A_41 : vector<16xi32>
    %add3A_43 = arith.constant 5120 : i32
    %add3A_44 = vector.broadcast %add3A_43 : i32 to vector<16xi32>
    %add3A_45 = arith.addi %add3A_44, %mul3A_42 : vector<16xi32>
    %gather3A_46 = tpu.vector_load_idx %arg4[%add3A_45] : memref<65536xf32, #tpu.memory_space<vmem>>[vector<16xi32>], vector<16xf32>,
    %max3A_47 = arith.maximumf %max3A_39, %gather3A_46 : vector<16xf32>
    %mul3A_48 = arith.constant 64 : i32
    %mul3A_49 = vector.broadcast %mul3A_48 : i32 to vector<16xi32>
    %mul3A_50 = arith.muli %iota3A, %mul3A_49 : vector<16xi32>
    %add3A_51 = arith.constant 6144 : i32
    %add3A_52 = vector.broadcast %add3A_51 : i32 to vector<16xi32>
    %add3A_53 = arith.addi %add3A_52, %mul3A_50 : vector<16xi32>
    %gather3A_54 = tpu.vector_load_idx %arg4[%add3A_53] : memref<65536xf32, #tpu.memory_space<vmem>>[vector<16xi32>], vector<16xf32>,
    %max3A_55 = arith.maximumf %max3A_47, %gather3A_54 : vector<16xf32>
    %mul3A_56 = arith.constant 64 : i32
    %mul3A_57 = vector.broadcast %mul3A_56 : i32 to vector<16xi32>
    %mul3A_58 = arith.muli %iota3A, %mul3A_57 : vector<16xi32>
    %add3A_59 = arith.constant 7168 : i32
    %add3A_60 = vector.broadcast %add3A_59 : i32 to vector<16xi32>
    %add3A_61 = arith.addi %add3A_60, %mul3A_58 : vector<16xi32>
    %gather3A_62 = tpu.vector_load_idx %arg4[%add3A_61] : memref<65536xf32, #tpu.memory_space<vmem>>[vector<16xi32>], vector<16xf32>,
    %max3A_63 = arith.maximumf %max3A_55, %gather3A_62 : vector<16xf32>
    %sort3A = arith.constant dense<true> : vector<16xi1>
    %sort3A_64, %sort3A_65, %sort3A_66 = tpu.sort %max3A_63, %max3A_63 masked %sort3A : (vector<16xf32>, vector<16xf32>, vector<16xi1>) -> (vector<16xi1>, vector<16xf32>, vector<16xf32>)
    %iota3A_67 = tpu.iota {dimensions = array<i32: 0>} : vector<16xi32>
    %eq3A = arith.constant 11 : i32
    %eq3A_68 = vector.broadcast %eq3A : i32 to vector<16xi32>
    %eq3A_69 = arith.cmpi eq, %iota3A_67, %eq3A_68 : vector<16xi32>
    %jit3A = arith.constant 0xFF800000 : f32
    %broadcast_in_dim3A = vector.broadcast %jit3A : f32 to vector<16xf32>
    %select_n3A = arith.select %eq3A_69, %sort3A_65, %broadcast_in_dim3A : vector<16xi1>, vector<16xf32>
    %reduce_max3A = arith.constant true
    %reduce_max3A_70 = vector.broadcast %reduce_max3A : i1 to vector<16xi1>
    %reduce_max3A_71 = tpu.scan <max>, %select_n3A masked %reduce_max3A_70 : vector<16xf32>, vector<16xi1> -> vector<16xf32>
    %reduce_max3A_72 = vector.extract %reduce_max3A_71[15] : f32 from vector<16xf32>
    %broadcast_in_dim3A_73 = vector.broadcast %reduce_max3A_72 : f32 to vector<16xf32>
    %broadcast_in_dim3A_74 = arith.constant 0 : i32
    %broadcast_in_dim3A_75 = vector.broadcast %broadcast_in_dim3A_74 : i32 to vector<16xi32>
    %parallel_loop3A = arith.constant 0 : i32
    %parallel_loop3A_76 = arith.constant 8192 : i32
    %parallel_loop3A_77 = arith.constant 16 : i32
    %parallel_loop3A_78 = scf.for %parallel_loop3A_1593 = %parallel_loop3A to %parallel_loop3A_76 step %parallel_loop3A_77 iter_args(%parallel_loop3A_1594 = %broadcast_in_dim3A_75) -> (vector<16xi32>)  : i32 {
      %parallel_loop3A_1595 = arith.constant 0 : i32
      %parallel_loop3A_1596 = arith.addi %parallel_loop3A_1595, %parallel_loop3A_1593 : i32
      %parallel_loop3A_1597 = arith.index_cast %parallel_loop3A_1596 : i32 to index
      %parallel_loop3A_1598 = tpu.vector_load %arg4[%parallel_loop3A_1597] {strides = array<i32>} : memref<65536xf32, #tpu.memory_space<vmem>>, vector<16xf32>,
      %parallel_loop3A_1599 = arith.cmpf ogt, %parallel_loop3A_1598, %broadcast_in_dim3A_73 : vector<16xf32>
      %parallel_loop3A_1600 = arith.extui %parallel_loop3A_1599 : vector<16xi1> to vector<16xi32>
      %parallel_loop3A_1601 = arith.constant true
      %parallel_loop3A_1602 = vector.broadcast %parallel_loop3A_1601 : i1 to vector<16xi1>
      %parallel_loop3A_1603 = tpu.scan <sum>, %parallel_loop3A_1600 masked %parallel_loop3A_1602 : vector<16xi32>, vector<16xi1> -> vector<16xi32>
      %parallel_loop3A_1604 = arith.constant 32768 : i32
      %parallel_loop3A_1605 = vector.broadcast %parallel_loop3A_1604 : i32 to vector<16xi32>
      %parallel_loop3A_1606 = arith.addi %parallel_loop3A_1605, %parallel_loop3A_1594 : vector<16xi32>
      %parallel_loop3A_1607 = arith.addi %parallel_loop3A_1606, %parallel_loop3A_1603 : vector<16xi32>
      %parallel_loop3A_1608 = arith.subi %parallel_loop3A_1607, %parallel_loop3A_1600 : vector<16xi32>
      tpu.vector_store_idx %arg4[%parallel_loop3A_1608], %parallel_loop3A_1598 masked %parallel_loop3A_1599 : memref<65536xf32, #tpu.memory_space<vmem>>[vector<16xi32>], vector<16xf32>, vector<16xi1>
      %parallel_loop3A_1609 = tpu.all_reduce %parallel_loop3A_1599 {dim = 0 : i64, kind = #tpu.reduction_kind<sum>} : vector<16xi1> -> vector<16xi32>
      %parallel_loop3A_1610 = arith.addi %parallel_loop3A_1594, %parallel_loop3A_1609 : vector<16xi32>
      scf.yield %parallel_loop3A_1610 : vector<16xi32>
    } {sc.loop_unroll_factor = 8 : i64, sc.parallel_access}
    %reduce_max3A_79 = arith.constant true
    %reduce_max3A_80 = vector.broadcast %reduce_max3A_79 : i1 to vector<16xi1>
    %reduce_max3A_81 = arith.constant -2147483648 : i32
    %reduce_max3A_82 = vector.broadcast %reduce_max3A_81 : i32 to vector<16xi32>
    %reduce_max3A_83 = arith.xori %parallel_loop3A_78, %reduce_max3A_82 : vector<16xi32>
    %reduce_max3A_84 = tpu.scan <max>, %reduce_max3A_83 masked %reduce_max3A_80 : vector<16xi32>, vector<16xi1> -> vector<16xi32>
    %reduce_max3A_85 = arith.xori %reduce_max3A_84, %reduce_max3A_82 : vector<16xi32>
    %reduce_max3A_86 = vector.extract %reduce_max3A_85[15] : i32 from vector<16xi32>
    %ge3A = arith.constant 65 : i32
    %ge3A_87 = arith.cmpi sge, %reduce_max3A_86, %ge3A : i32
    %jit3A_88 = arith.constant 8192 : i32
    %select_n3A_89 = arith.select %ge3A_87, %reduce_max3A_86, %jit3A_88 : i32
    %jit3A_90 = arith.constant 32768 : i32
    %jit3A_91 = arith.constant 0 : i32
    %select_n3A_92 = arith.select %ge3A_87, %jit3A_90, %jit3A_91 : i32
    %while3A = arith.constant 65 : i32
    %while3A_93 = arith.constant 0 : i32
    %while3A_94 = arith.constant 0 : i32
    %while3A_95 = arith.constant 0.000000e+00 : f32
    %while3A_96 = arith.constant 0.000000e+00 : f32
    %while3A_97 = arith.constant 0 : i32
    %while3A_98:8 = scf.while (%while3A_1593 = %select_n3A_89, %while3A_1594 = %while3A, %while3A_1595 = %select_n3A_92, %while3A_1596 = %while3A_93, %while3A_1597 = %while3A_94, %while3A_1598 = %while3A_95, %while3A_1599 = %while3A_96, %while3A_1600 = %while3A_97) : (i32, i32, i32, i32, i32, f32, f32, i32) -> (i32, i32, i32, i32, i32, f32, f32, i32) {
      %eq3A_1601 = arith.constant 0 : i32
      %eq3A_1602 = arith.cmpi eq, %while3A_1597, %eq3A_1601 : i32
      %gt3A_1603 = arith.constant 64 : i32
      %gt3A_1604 = arith.cmpi sgt, %while3A_1593, %gt3A_1603 : i32
      %and3A_1605 = arith.andi %eq3A_1602, %gt3A_1604 : i1
      scf.condition(%and3A_1605) %while3A_1593, %while3A_1594, %while3A_1595, %while3A_1596, %while3A_1597, %while3A_1598, %while3A_1599, %while3A_1600 : i32, i32, i32, i32, i32, f32, f32, i32
    } do {
    ^bb0(%while3A_1593: i32, %while3A_1594: i32, %while3A_1595: i32, %while3A_1596: i32, %while3A_1597: i32, %while3A_1598: f32, %while3A_1599: f32, %while3A_1600: i32):
      %iota3A_1601 = tpu.iota {dimensions = array<i32: 0>} : vector<16xi32>
      %jit3A_1602 = arith.constant 16 : i32
      %div3A_1603 = arith.divsi %while3A_1593, %jit3A_1602 : i32
      %sign3A_1604 = arith.constant 0 : i32
      %sign3A_1605 = arith.cmpi sgt, %while3A_1593, %sign3A_1604 : i32
      %sign3A_1606 = arith.extui %sign3A_1605 : i1 to i32
      %sign3A_1607 = arith.constant 0 : i32
      %sign3A_1608 = arith.cmpi slt, %while3A_1593, %sign3A_1607 : i32
      %sign3A_1609 = arith.extui %sign3A_1608 : i1 to i32
      %sign3A_1610 = arith.subi %sign3A_1606, %sign3A_1609 : i32
      %sign3A_1611 = arith.constant 0 : i32
      %sign3A_1612 = arith.cmpi sgt, %jit3A_1602, %sign3A_1611 : i32
      %sign3A_1613 = arith.extui %sign3A_1612 : i1 to i32
      %sign3A_1614 = arith.constant 0 : i32
      %sign3A_1615 = arith.cmpi slt, %jit3A_1602, %sign3A_1614 : i32
      %sign3A_1616 = arith.extui %sign3A_1615 : i1 to i32
      %sign3A_1617 = arith.subi %sign3A_1613, %sign3A_1616 : i32
      %ne3A_1618 = arith.cmpi ne, %sign3A_1610, %sign3A_1617 : i32
      %rem3A_1619 = arith.remsi %while3A_1593, %jit3A_1602 : i32
      %ne3A_1620 = arith.constant 0 : i32
      %ne3A_1621 = arith.cmpi ne, %rem3A_1619, %ne3A_1620 : i32
      %and3A_1622 = arith.andi %ne3A_1618, %ne3A_1621 : i1
      %sub3A_1623 = arith.constant 1 : i32
      %sub3A_1624 = arith.subi %div3A_1603, %sub3A_1623 : i32
      %select_n3A_1625 = arith.select %and3A_1622, %sub3A_1624, %div3A_1603 : i32
      %mul3A_1626 = vector.broadcast %select_n3A_1625 : i32 to vector<16xi32>
      %mul3A_1627 = arith.muli %iota3A_1601, %mul3A_1626 : vector<16xi32>
      %add3A_1628 = vector.broadcast %while3A_1595 : i32 to vector<16xi32>
      %add3A_1629 = arith.addi %add3A_1628, %mul3A_1627 : vector<16xi32>
      %gather3A_1630 = tpu.vector_load_idx %arg4[%add3A_1629] : memref<65536xf32, #tpu.memory_space<vmem>>[vector<16xi32>], vector<16xf32>,
      %sort3A_1631 = arith.constant dense<true> : vector<16xi1>
      %sort3A_1632, %sort3A_1633, %sort3A_1634 = tpu.sort %gather3A_1630, %gather3A_1630 masked %sort3A_1631 : (vector<16xf32>, vector<16xf32>, vector<16xi1>) -> (vector<16xi1>, vector<16xf32>, vector<16xf32>)
      %add3A_1635 = arith.constant 1 : i32
      %add3A_1636 = arith.addi %while3A_1593, %add3A_1635 : i32
      %sub3A_1637 = arith.subi %add3A_1636, %while3A_1594 : i32
      %jit3A_1638 = arith.constant 8 : i32
      %div3A_1639 = arith.divsi %while3A_1593, %jit3A_1638 : i32
      %sign3A_1640 = arith.constant 0 : i32
      %sign3A_1641 = arith.cmpi sgt, %while3A_1593, %sign3A_1640 : i32
      %sign3A_1642 = arith.extui %sign3A_1641 : i1 to i32
      %sign3A_1643 = arith.constant 0 : i32
      %sign3A_1644 = arith.cmpi slt, %while3A_1593, %sign3A_1643 : i32
      %sign3A_1645 = arith.extui %sign3A_1644 : i1 to i32
      %sign3A_1646 = arith.subi %sign3A_1642, %sign3A_1645 : i32
      %sign3A_1647 = arith.constant 0 : i32
      %sign3A_1648 = arith.cmpi sgt, %jit3A_1638, %sign3A_1647 : i32
      %sign3A_1649 = arith.extui %sign3A_1648 : i1 to i32
      %sign3A_1650 = arith.constant 0 : i32
      %sign3A_1651 = arith.cmpi slt, %jit3A_1638, %sign3A_1650 : i32
      %sign3A_1652 = arith.extui %sign3A_1651 : i1 to i32
      %sign3A_1653 = arith.subi %sign3A_1649, %sign3A_1652 : i32
      %ne3A_1654 = arith.cmpi ne, %sign3A_1646, %sign3A_1653 : i32
      %rem3A_1655 = arith.remsi %while3A_1593, %jit3A_1638 : i32
      %ne3A_1656 = arith.constant 0 : i32
      %ne3A_1657 = arith.cmpi ne, %rem3A_1655, %ne3A_1656 : i32
      %and3A_1658 = arith.andi %ne3A_1654, %ne3A_1657 : i1
      %sub3A_1659 = arith.constant 1 : i32
      %sub3A_1660 = arith.subi %div3A_1639, %sub3A_1659 : i32
      %select_n3A_1661 = arith.select %and3A_1658, %sub3A_1660, %div3A_1639 : i32
      %add3A_1662 = arith.constant 8 : i32
      %add3A_1663 = arith.addi %select_n3A_1661, %add3A_1662 : i32
      %add3A_1664 = arith.constant 1 : i32
      %add3A_1665 = arith.addi %while3A_1593, %add3A_1664 : i32
      %add3A_1666 = arith.addi %while3A_1594, %add3A_1663 : i32
      %sub3A_1667 = arith.constant 1 : i32
      %sub3A_1668 = arith.subi %while3A_1593, %sub3A_1667 : i32
      %min3A_1669 = arith.minsi %add3A_1666, %sub3A_1668 : i32
      %mul3A_1670 = arith.constant 17 : i32
      %mul3A_1671 = arith.muli %mul3A_1670, %min3A_1669 : i32
      %jit3A_1672 = arith.constant 2 : i32
      %div3A_1673 = arith.divsi %add3A_1665, %jit3A_1672 : i32
      %sign3A_1674 = arith.constant 0 : i32
      %sign3A_1675 = arith.cmpi sgt, %add3A_1665, %sign3A_1674 : i32
      %sign3A_1676 = arith.extui %sign3A_1675 : i1 to i32
      %sign3A_1677 = arith.constant 0 : i32
      %sign3A_1678 = arith.cmpi slt, %add3A_1665, %sign3A_1677 : i32
      %sign3A_1679 = arith.extui %sign3A_1678 : i1 to i32
      %sign3A_1680 = arith.subi %sign3A_1676, %sign3A_1679 : i32
      %sign3A_1681 = arith.constant 0 : i32
      %sign3A_1682 = arith.cmpi sgt, %jit3A_1672, %sign3A_1681 : i32
      %sign3A_1683 = arith.extui %sign3A_1682 : i1 to i32
      %sign3A_1684 = arith.constant 0 : i32
      %sign3A_1685 = arith.cmpi slt, %jit3A_1672, %sign3A_1684 : i32
      %sign3A_1686 = arith.extui %sign3A_1685 : i1 to i32
      %sign3A_1687 = arith.subi %sign3A_1683, %sign3A_1686 : i32
      %ne3A_1688 = arith.cmpi ne, %sign3A_1680, %sign3A_1687 : i32
      %rem3A_1689 = arith.remsi %add3A_1665, %jit3A_1672 : i32
      %ne3A_1690 = arith.constant 0 : i32
      %ne3A_1691 = arith.cmpi ne, %rem3A_1689, %ne3A_1690 : i32
      %and3A_1692 = arith.andi %ne3A_1688, %ne3A_1691 : i1
      %sub3A_1693 = arith.constant 1 : i32
      %sub3A_1694 = arith.subi %div3A_1673, %sub3A_1693 : i32
      %select_n3A_1695 = arith.select %and3A_1692, %sub3A_1694, %div3A_1673 : i32
      %add3A_1696 = arith.addi %mul3A_1671, %select_n3A_1695 : i32
      %div3A_1697 = arith.divsi %add3A_1696, %add3A_1665 : i32
      %sign3A_1698 = arith.constant 0 : i32
      %sign3A_1699 = arith.cmpi sgt, %add3A_1696, %sign3A_1698 : i32
      %sign3A_1700 = arith.extui %sign3A_1699 : i1 to i32
      %sign3A_1701 = arith.constant 0 : i32
      %sign3A_1702 = arith.cmpi slt, %add3A_1696, %sign3A_1701 : i32
      %sign3A_1703 = arith.extui %sign3A_1702 : i1 to i32
      %sign3A_1704 = arith.subi %sign3A_1700, %sign3A_1703 : i32
      %sign3A_1705 = arith.constant 0 : i32
      %sign3A_1706 = arith.cmpi sgt, %add3A_1665, %sign3A_1705 : i32
      %sign3A_1707 = arith.extui %sign3A_1706 : i1 to i32
      %sign3A_1708 = arith.constant 0 : i32
      %sign3A_1709 = arith.cmpi slt, %add3A_1665, %sign3A_1708 : i32
      %sign3A_1710 = arith.extui %sign3A_1709 : i1 to i32
      %sign3A_1711 = arith.subi %sign3A_1707, %sign3A_1710 : i32
      %ne3A_1712 = arith.cmpi ne, %sign3A_1704, %sign3A_1711 : i32
      %rem3A_1713 = arith.remsi %add3A_1696, %add3A_1665 : i32
      %ne3A_1714 = arith.constant 0 : i32
      %ne3A_1715 = arith.cmpi ne, %rem3A_1713, %ne3A_1714 : i32
      %and3A_1716 = arith.andi %ne3A_1712, %ne3A_1715 : i1
      %sub3A_1717 = arith.constant 1 : i32
      %sub3A_1718 = arith.subi %div3A_1697, %sub3A_1717 : i32
      %select_n3A_1719 = arith.select %and3A_1716, %sub3A_1718, %div3A_1697 : i32
      %jit3A_1720 = arith.constant 1 : i32
      %jit3A_1721 = arith.constant 16 : i32
      %max3A_1722 = arith.maxsi %jit3A_1720, %select_n3A_1719 : i32
      %min3A_1723 = arith.minsi %jit3A_1721, %max3A_1722 : i32
      %sub3A_1724 = arith.constant 16 : i32
      %sub3A_1725 = arith.subi %sub3A_1724, %min3A_1723 : i32
      %add3A_1726 = arith.addi %sub3A_1637, %add3A_1663 : i32
      %sub3A_1727 = arith.constant 1 : i32
      %sub3A_1728 = arith.subi %while3A_1593, %sub3A_1727 : i32
      %min3A_1729 = arith.minsi %add3A_1726, %sub3A_1728 : i32
      %mul3A_1730 = arith.constant 17 : i32
      %mul3A_1731 = arith.muli %mul3A_1730, %min3A_1729 : i32
      %jit3A_1732 = arith.constant 2 : i32
      %div3A_1733 = arith.divsi %add3A_1665, %jit3A_1732 : i32
      %sign3A_1734 = arith.constant 0 : i32
      %sign3A_1735 = arith.cmpi sgt, %add3A_1665, %sign3A_1734 : i32
      %sign3A_1736 = arith.extui %sign3A_1735 : i1 to i32
      %sign3A_1737 = arith.constant 0 : i32
      %sign3A_1738 = arith.cmpi slt, %add3A_1665, %sign3A_1737 : i32
      %sign3A_1739 = arith.extui %sign3A_1738 : i1 to i32
      %sign3A_1740 = arith.subi %sign3A_1736, %sign3A_1739 : i32
      %sign3A_1741 = arith.constant 0 : i32
      %sign3A_1742 = arith.cmpi sgt, %jit3A_1732, %sign3A_1741 : i32
      %sign3A_1743 = arith.extui %sign3A_1742 : i1 to i32
      %sign3A_1744 = arith.constant 0 : i32
      %sign3A_1745 = arith.cmpi slt, %jit3A_1732, %sign3A_1744 : i32
      %sign3A_1746 = arith.extui %sign3A_1745 : i1 to i32
      %sign3A_1747 = arith.subi %sign3A_1743, %sign3A_1746 : i32
      %ne3A_1748 = arith.cmpi ne, %sign3A_1740, %sign3A_1747 : i32
      %rem3A_1749 = arith.remsi %add3A_1665, %jit3A_1732 : i32
      %ne3A_1750 = arith.constant 0 : i32
      %ne3A_1751 = arith.cmpi ne, %rem3A_1749, %ne3A_1750 : i32
      %and3A_1752 = arith.andi %ne3A_1748, %ne3A_1751 : i1
      %sub3A_1753 = arith.constant 1 : i32
      %sub3A_1754 = arith.subi %div3A_1733, %sub3A_1753 : i32
      %select_n3A_1755 = arith.select %and3A_1752, %sub3A_1754, %div3A_1733 : i32
      %add3A_1756 = arith.addi %mul3A_1731, %select_n3A_1755 : i32
      %div3A_1757 = arith.divsi %add3A_1756, %add3A_1665 : i32
      %sign3A_1758 = arith.constant 0 : i32
      %sign3A_1759 = arith.cmpi sgt, %add3A_1756, %sign3A_1758 : i32
      %sign3A_1760 = arith.extui %sign3A_1759 : i1 to i32
      %sign3A_1761 = arith.constant 0 : i32
      %sign3A_1762 = arith.cmpi slt, %add3A_1756, %sign3A_1761 : i32
      %sign3A_1763 = arith.extui %sign3A_1762 : i1 to i32
      %sign3A_1764 = arith.subi %sign3A_1760, %sign3A_1763 : i32
      %sign3A_1765 = arith.constant 0 : i32
      %sign3A_1766 = arith.cmpi sgt, %add3A_1665, %sign3A_1765 : i32
      %sign3A_1767 = arith.extui %sign3A_1766 : i1 to i32
      %sign3A_1768 = arith.constant 0 : i32
      %sign3A_1769 = arith.cmpi slt, %add3A_1665, %sign3A_1768 : i32
      %sign3A_1770 = arith.extui %sign3A_1769 : i1 to i32
      %sign3A_1771 = arith.subi %sign3A_1767, %sign3A_1770 : i32
      %ne3A_1772 = arith.cmpi ne, %sign3A_1764, %sign3A_1771 : i32
      %rem3A_1773 = arith.remsi %add3A_1756, %add3A_1665 : i32
      %ne3A_1774 = arith.constant 0 : i32
      %ne3A_1775 = arith.cmpi ne, %rem3A_1773, %ne3A_1774 : i32
      %and3A_1776 = arith.andi %ne3A_1772, %ne3A_1775 : i1
      %sub3A_1777 = arith.constant 1 : i32
      %sub3A_1778 = arith.subi %div3A_1757, %sub3A_1777 : i32
      %select_n3A_1779 = arith.select %and3A_1776, %sub3A_1778, %div3A_1757 : i32
      %jit3A_1780 = arith.constant 1 : i32
      %jit3A_1781 = arith.constant 16 : i32
      %max3A_1782 = arith.maxsi %jit3A_1780, %select_n3A_1779 : i32
      %min3A_1783 = arith.minsi %jit3A_1781, %max3A_1782 : i32
      %sub3A_1784 = arith.constant 1 : i32
      %sub3A_1785 = arith.subi %min3A_1783, %sub3A_1784 : i32
      %le3A = arith.cmpi sle, %while3A_1594, %sub3A_1637 : i32
      %select_n3A_1786 = arith.select %le3A, %sub3A_1725, %sub3A_1785 : i32
      %iota3A_1787 = tpu.iota {dimensions = array<i32: 0>} : vector<16xi32>
      %eq3A_1788 = vector.broadcast %select_n3A_1786 : i32 to vector<16xi32>
      %eq3A_1789 = arith.cmpi eq, %iota3A_1787, %eq3A_1788 : vector<16xi32>
      %jit3A_1790 = arith.constant 0xFF800000 : f32
      %broadcast_in_dim3A_1791 = vector.broadcast %jit3A_1790 : f32 to vector<16xf32>
      %select_n3A_1792 = arith.select %eq3A_1789, %sort3A_1633, %broadcast_in_dim3A_1791 : vector<16xi1>, vector<16xf32>
      %reduce_max3A_1793 = arith.constant true
      %reduce_max3A_1794 = vector.broadcast %reduce_max3A_1793 : i1 to vector<16xi1>
      %reduce_max3A_1795 = tpu.scan <max>, %select_n3A_1792 masked %reduce_max3A_1794 : vector<16xf32>, vector<16xi1> -> vector<16xf32>
      %reduce_max3A_1796 = vector.extract %reduce_max3A_1795[15] : f32 from vector<16xf32>
      %broadcast_in_dim3A_1797 = vector.broadcast %reduce_max3A_1796 : f32 to vector<16xf32>
      %mul3A_1798 = arith.constant 16384 : i32
      %mul3A_1799 = arith.muli %while3A_1596, %mul3A_1798 : i32
      %add3A_1800 = arith.constant 40960 : i32
      %add3A_1801 = arith.addi %add3A_1800, %mul3A_1799 : i32
      %eq3A_1802 = arith.constant 0 : i32
      %eq3A_1803 = arith.cmpi eq, %while3A_1596, %eq3A_1802 : i32
      %add3A_1804 = arith.constant 8192 : i32
      %add3A_1805 = arith.addi %add3A_1801, %add3A_1804 : i32
      %jit3A_1806 = arith.constant 32768 : i32
      %select_n3A_1807 = arith.select %eq3A_1803, %add3A_1805, %jit3A_1806 : i32
      %broadcast_in_dim3A_1808 = arith.constant 0 : i32
      %broadcast_in_dim3A_1809 = vector.broadcast %broadcast_in_dim3A_1808 : i32 to vector<16xi32>
      %broadcast_in_dim3A_1810 = arith.constant 0.000000e+00 : f32
      %broadcast_in_dim3A_1811 = vector.broadcast %broadcast_in_dim3A_1810 : f32 to vector<16xf32>
      %add3A_1812 = arith.constant 15 : i32
      %add3A_1813 = arith.addi %while3A_1593, %add3A_1812 : i32
      %jit3A_1814 = arith.constant 16 : i32
      %div3A_1815 = arith.divsi %add3A_1813, %jit3A_1814 : i32
      %sign3A_1816 = arith.constant 0 : i32
      %sign3A_1817 = arith.cmpi sgt, %add3A_1813, %sign3A_1816 : i32
      %sign3A_1818 = arith.extui %sign3A_1817 : i1 to i32
      %sign3A_1819 = arith.constant 0 : i32
      %sign3A_1820 = arith.cmpi slt, %add3A_1813, %sign3A_1819 : i32
      %sign3A_1821 = arith.extui %sign3A_1820 : i1 to i32
      %sign3A_1822 = arith.subi %sign3A_1818, %sign3A_1821 : i32
      %sign3A_1823 = arith.constant 0 : i32
      %sign3A_1824 = arith.cmpi sgt, %jit3A_1814, %sign3A_1823 : i32
      %sign3A_1825 = arith.extui %sign3A_1824 : i1 to i32
      %sign3A_1826 = arith.constant 0 : i32
      %sign3A_1827 = arith.cmpi slt, %jit3A_1814, %sign3A_1826 : i32
      %sign3A_1828 = arith.extui %sign3A_1827 : i1 to i32
      %sign3A_1829 = arith.subi %sign3A_1825, %sign3A_1828 : i32
      %ne3A_1830 = arith.cmpi ne, %sign3A_1822, %sign3A_1829 : i32
      %rem3A_1831 = arith.remsi %add3A_1813, %jit3A_1814 : i32
      %ne3A_1832 = arith.constant 0 : i32
      %ne3A_1833 = arith.cmpi ne, %rem3A_1831, %ne3A_1832 : i32
      %and3A_1834 = arith.andi %ne3A_1830, %ne3A_1833 : i1
      %sub3A_1835 = arith.constant 1 : i32
      %sub3A_1836 = arith.subi %div3A_1815, %sub3A_1835 : i32
      %select_n3A_1837 = arith.select %and3A_1834, %sub3A_1836, %div3A_1815 : i32
      %while3A_1838 = arith.constant 0 : i32
      %while3A_1839 = arith.subi %select_n3A_1837, %while3A_1838 : i32
      %while3A_1840 = arith.addi %while3A_1838, %while3A_1839 : i32
      %while3A_1841 = arith.constant 1 : i32
      %while3A_1842 = arith.divsi %while3A_1839, %while3A_1841 : i32
      %while3A_1843 = arith.muli %while3A_1842, %while3A_1841 : i32
      %while3A_1844 = arith.addi %while3A_1838, %while3A_1843 : i32
      %while3A_1845 = arith.constant 1 : i32
      %while3A_1846:3 = scf.for %while3A_1898 = %while3A_1838 to %while3A_1844 step %while3A_1845 iter_args(%while3A_1899 = %broadcast_in_dim3A_1809, %while3A_1900 = %broadcast_in_dim3A_1809, %while3A_1901 = %broadcast_in_dim3A_1811) -> (vector<16xi32>, vector<16xi32>, vector<16xf32>)  : i32 {
        %mul3A_1902 = arith.constant 16 : i32
        %mul3A_1903 = arith.muli %while3A_1898, %mul3A_1902 : i32
        %add3A_1904 = arith.addi %while3A_1595, %mul3A_1903 : i32
        %get3A_1905 = arith.index_cast %add3A_1904 : i32 to index
        %get3A_1906 = tpu.vector_load %arg4[%get3A_1905] {strides = array<i32>} : memref<65536xf32, #tpu.memory_space<vmem>>, vector<16xf32>,
        %mul3A_1907 = arith.constant 16 : i32
        %mul3A_1908 = arith.muli %while3A_1898, %mul3A_1907 : i32
        %add3A_1909 = vector.broadcast %mul3A_1908 : i32 to vector<16xi32>
        %add3A_1910 = arith.addi %add3A_1909, %iota3A : vector<16xi32>
        %lt3A_1911 = vector.broadcast %while3A_1593 : i32 to vector<16xi32>
        %lt3A_1912 = arith.cmpi slt, %add3A_1910, %lt3A_1911 : vector<16xi32>
        %gt3A_1913 = arith.cmpf ogt, %get3A_1906, %broadcast_in_dim3A_1797 : vector<16xf32>
        %and3A_1914 = arith.andi %gt3A_1913, %lt3A_1912 : vector<16xi1>
        %lt3A_1915 = arith.cmpf olt, %get3A_1906, %broadcast_in_dim3A_1797 : vector<16xf32>
        %and3A_1916 = arith.andi %lt3A_1915, %lt3A_1912 : vector<16xi1>
        %convert_element_type3A_1917 = arith.extui %and3A_1914 : vector<16xi1> to vector<16xi32>
        %convert_element_type3A_1918 = arith.extui %and3A_1916 : vector<16xi1> to vector<16xi32>
        %broadcast_in_dim3A_1919 = arith.constant true
        %broadcast_in_dim3A_1920 = vector.broadcast %broadcast_in_dim3A_1919 : i1 to vector<16xi1>
        %masked_cumsum3A = tpu.scan <sum>, %convert_element_type3A_1917 masked %broadcast_in_dim3A_1920 : vector<16xi32>, vector<16xi1> -> vector<16xi32>
        %broadcast_in_dim3A_1921 = arith.constant true
        %broadcast_in_dim3A_1922 = vector.broadcast %broadcast_in_dim3A_1921 : i1 to vector<16xi1>
        %masked_cumsum3A_1923 = tpu.scan <sum>, %convert_element_type3A_1918 masked %broadcast_in_dim3A_1922 : vector<16xi32>, vector<16xi1> -> vector<16xi32>
        %add3A_1924 = vector.broadcast %add3A_1801 : i32 to vector<16xi32>
        %add3A_1925 = arith.addi %add3A_1924, %while3A_1899 : vector<16xi32>
        %add3A_1926 = arith.addi %add3A_1925, %masked_cumsum3A : vector<16xi32>
        %sub3A_1927 = arith.subi %add3A_1926, %convert_element_type3A_1917 : vector<16xi32>
        tpu.vector_store_idx %arg4[%sub3A_1927], %get3A_1906 masked %and3A_1914 : memref<65536xf32, #tpu.memory_space<vmem>>[vector<16xi32>], vector<16xf32>, vector<16xi1>
        %add3A_1928 = vector.broadcast %select_n3A_1807 : i32 to vector<16xi32>
        %add3A_1929 = arith.addi %add3A_1928, %while3A_1900 : vector<16xi32>
        %add3A_1930 = arith.addi %add3A_1929, %masked_cumsum3A_1923 : vector<16xi32>
        %sub3A_1931 = arith.subi %add3A_1930, %convert_element_type3A_1918 : vector<16xi32>
        tpu.vector_store_idx %arg4[%sub3A_1931], %get3A_1906 masked %and3A_1916 : memref<65536xf32, #tpu.memory_space<vmem>>[vector<16xi32>], vector<16xf32>, vector<16xi1>
        %all_reduce_population_count3A_1932 = tpu.all_reduce %and3A_1914 {dim = 0 : i64, kind = #tpu.reduction_kind<sum>} : vector<16xi1> -> vector<16xi32>
        %add3A_1933 = arith.addi %while3A_1899, %all_reduce_population_count3A_1932 : vector<16xi32>
        %all_reduce_population_count3A_1934 = tpu.all_reduce %and3A_1916 {dim = 0 : i64, kind = #tpu.reduction_kind<sum>} : vector<16xi1> -> vector<16xi32>
        %add3A_1935 = arith.addi %while3A_1900, %all_reduce_population_count3A_1934 : vector<16xi32>
        %jit3A_1936 = arith.constant 0.000000e+00 : f32
        %broadcast_in_dim3A_1937 = vector.broadcast %jit3A_1936 : f32 to vector<16xf32>
        %select_n3A_1938 = arith.select %and3A_1914, %get3A_1906, %broadcast_in_dim3A_1937 : vector<16xi1>, vector<16xf32>
        %add3A_1939 = arith.addf %while3A_1901, %select_n3A_1938 : vector<16xf32>
        scf.yield %add3A_1933, %add3A_1935, %add3A_1939 : vector<16xi32>, vector<16xi32>, vector<16xf32>
      }
      %while3A_1847 = arith.constant 1 : i32
      %while3A_1848:3 = scf.for %while3A_1898 = %while3A_1844 to %while3A_1840 step %while3A_1847 iter_args(%while3A_1899 = %while3A_1846#0, %while3A_1900 = %while3A_1846#1, %while3A_1901 = %while3A_1846#2) -> (vector<16xi32>, vector<16xi32>, vector<16xf32>)  : i32 {
        %mul3A_1902 = arith.constant 16 : i32
        %mul3A_1903 = arith.muli %while3A_1898, %mul3A_1902 : i32
        %add3A_1904 = arith.addi %while3A_1595, %mul3A_1903 : i32
        %get3A_1905 = arith.index_cast %add3A_1904 : i32 to index
        %get3A_1906 = tpu.vector_load %arg4[%get3A_1905] {strides = array<i32>} : memref<65536xf32, #tpu.memory_space<vmem>>, vector<16xf32>,
        %mul3A_1907 = arith.constant 16 : i32
        %mul3A_1908 = arith.muli %while3A_1898, %mul3A_1907 : i32
        %add3A_1909 = vector.broadcast %mul3A_1908 : i32 to vector<16xi32>
        %add3A_1910 = arith.addi %add3A_1909, %iota3A : vector<16xi32>
        %lt3A_1911 = vector.broadcast %while3A_1593 : i32 to vector<16xi32>
        %lt3A_1912 = arith.cmpi slt, %add3A_1910, %lt3A_1911 : vector<16xi32>
        %gt3A_1913 = arith.cmpf ogt, %get3A_1906, %broadcast_in_dim3A_1797 : vector<16xf32>
        %and3A_1914 = arith.andi %gt3A_1913, %lt3A_1912 : vector<16xi1>
        %lt3A_1915 = arith.cmpf olt, %get3A_1906, %broadcast_in_dim3A_1797 : vector<16xf32>
        %and3A_1916 = arith.andi %lt3A_1915, %lt3A_1912 : vector<16xi1>
        %convert_element_type3A_1917 = arith.extui %and3A_1914 : vector<16xi1> to vector<16xi32>
        %convert_element_type3A_1918 = arith.extui %and3A_1916 : vector<16xi1> to vector<16xi32>
        %broadcast_in_dim3A_1919 = arith.constant true
        %broadcast_in_dim3A_1920 = vector.broadcast %broadcast_in_dim3A_1919 : i1 to vector<16xi1>
        %masked_cumsum3A = tpu.scan <sum>, %convert_element_type3A_1917 masked %broadcast_in_dim3A_1920 : vector<16xi32>, vector<16xi1> -> vector<16xi32>
        %broadcast_in_dim3A_1921 = arith.constant true
        %broadcast_in_dim3A_1922 = vector.broadcast %broadcast_in_dim3A_1921 : i1 to vector<16xi1>
        %masked_cumsum3A_1923 = tpu.scan <sum>, %convert_element_type3A_1918 masked %broadcast_in_dim3A_1922 : vector<16xi32>, vector<16xi1> -> vector<16xi32>
        %add3A_1924 = vector.broadcast %add3A_1801 : i32 to vector<16xi32>
        %add3A_1925 = arith.addi %add3A_1924, %while3A_1899 : vector<16xi32>
        %add3A_1926 = arith.addi %add3A_1925, %masked_cumsum3A : vector<16xi32>
        %sub3A_1927 = arith.subi %add3A_1926, %convert_element_type3A_1917 : vector<16xi32>
        tpu.vector_store_idx %arg4[%sub3A_1927], %get3A_1906 masked %and3A_1914 : memref<65536xf32, #tpu.memory_space<vmem>>[vector<16xi32>], vector<16xf32>, vector<16xi1>
        %add3A_1928 = vector.broadcast %select_n3A_1807 : i32 to vector<16xi32>
        %add3A_1929 = arith.addi %add3A_1928, %while3A_1900 : vector<16xi32>
        %add3A_1930 = arith.addi %add3A_1929, %masked_cumsum3A_1923 : vector<16xi32>
        %sub3A_1931 = arith.subi %add3A_1930, %convert_element_type3A_1918 : vector<16xi32>
        tpu.vector_store_idx %arg4[%sub3A_1931], %get3A_1906 masked %and3A_1916 : memref<65536xf32, #tpu.memory_space<vmem>>[vector<16xi32>], vector<16xf32>, vector<16xi1>
        %all_reduce_population_count3A_1932 = tpu.all_reduce %and3A_1914 {dim = 0 : i64, kind = #tpu.reduction_kind<sum>} : vector<16xi1> -> vector<16xi32>
        %add3A_1933 = arith.addi %while3A_1899, %all_reduce_population_count3A_1932 : vector<16xi32>
        %all_reduce_population_count3A_1934 = tpu.all_reduce %and3A_1916 {dim = 0 : i64, kind = #tpu.reduction_kind<sum>} : vector<16xi1> -> vector<16xi32>
        %add3A_1935 = arith.addi %while3A_1900, %all_reduce_population_count3A_1934 : vector<16xi32>
        %jit3A_1936 = arith.constant 0.000000e+00 : f32
        %broadcast_in_dim3A_1937 = vector.broadcast %jit3A_1936 : f32 to vector<16xf32>
        %select_n3A_1938 = arith.select %and3A_1914, %get3A_1906, %broadcast_in_dim3A_1937 : vector<16xi1>, vector<16xf32>
        %add3A_1939 = arith.addf %while3A_1901, %select_n3A_1938 : vector<16xf32>
        scf.yield %add3A_1933, %add3A_1935, %add3A_1939 : vector<16xi32>, vector<16xi32>, vector<16xf32>
      }
      %reduce_max3A_1849 = arith.constant true
      %reduce_max3A_1850 = vector.broadcast %reduce_max3A_1849 : i1 to vector<16xi1>
      %reduce_max3A_1851 = arith.constant -2147483648 : i32
      %reduce_max3A_1852 = vector.broadcast %reduce_max3A_1851 : i32 to vector<16xi32>
      %reduce_max3A_1853 = arith.xori %while3A_1848#0, %reduce_max3A_1852 : vector<16xi32>
      %reduce_max3A_1854 = tpu.scan <max>, %reduce_max3A_1853 masked %reduce_max3A_1850 : vector<16xi32>, vector<16xi1> -> vector<16xi32>
      %reduce_max3A_1855 = arith.xori %reduce_max3A_1854, %reduce_max3A_1852 : vector<16xi32>
      %reduce_max3A_1856 = vector.extract %reduce_max3A_1855[15] : i32 from vector<16xi32>
      %reduce_max3A_1857 = arith.constant true
      %reduce_max3A_1858 = vector.broadcast %reduce_max3A_1857 : i1 to vector<16xi1>
      %reduce_max3A_1859 = arith.constant -2147483648 : i32
      %reduce_max3A_1860 = vector.broadcast %reduce_max3A_1859 : i32 to vector<16xi32>
      %reduce_max3A_1861 = arith.xori %while3A_1848#1, %reduce_max3A_1860 : vector<16xi32>
      %reduce_max3A_1862 = tpu.scan <max>, %reduce_max3A_1861 masked %reduce_max3A_1858 : vector<16xi32>, vector<16xi1> -> vector<16xi32>
      %reduce_max3A_1863 = arith.xori %reduce_max3A_1862, %reduce_max3A_1860 : vector<16xi32>
      %reduce_max3A_1864 = vector.extract %reduce_max3A_1863[15] : i32 from vector<16xi32>
      %reduce_sum3A_1865 = arith.constant true
      %reduce_sum3A_1866 = vector.broadcast %reduce_sum3A_1865 : i1 to vector<16xi1>
      %reduce_sum3A_1867 = tpu.scan <sum>, %while3A_1848#2 masked %reduce_sum3A_1866 : vector<16xf32>, vector<16xi1> -> vector<16xf32>
      %reduce_sum3A_1868 = vector.extract %reduce_sum3A_1867[15] : f32 from vector<16xf32>
      %sub3A_1869 = arith.subi %while3A_1593, %reduce_max3A_1856 : i32
      %sub3A_1870 = arith.subi %sub3A_1869, %reduce_max3A_1864 : i32
      %le3A_1871 = arith.cmpi sle, %while3A_1594, %reduce_max3A_1856 : i32
      %not3A = arith.constant true
      %not3A_1872 = arith.xori %le3A_1871, %not3A : i1
      %add3A_1873 = arith.addi %reduce_max3A_1856, %sub3A_1870 : i32
      %le3A_1874 = arith.cmpi sle, %while3A_1594, %add3A_1873 : i32
      %and3A_1875 = arith.andi %not3A_1872, %le3A_1874 : i1
      %select_n3A_1876 = arith.select %and3A_1875, %reduce_max3A_1796, %while3A_1598 : f32
      %convert_element_type3A_1877 = arith.sitofp %sub3A_1870 : i32 to f32
      %mul3A_1878 = arith.mulf %reduce_max3A_1796, %convert_element_type3A_1877 : f32
      %add3A_1879 = arith.addf %reduce_sum3A_1868, %mul3A_1878 : f32
      %select_n3A_1880 = arith.select %and3A_1875, %reduce_sum3A_1868, %add3A_1879 : f32
      %jit3A_1881 = arith.constant 0.000000e+00 : f32
      %select_n3A_1882 = arith.select %le3A_1871, %jit3A_1881, %select_n3A_1880 : f32
      %add3A_1883 = arith.addi %reduce_max3A_1856, %sub3A_1870 : i32
      %select_n3A_1884 = arith.select %and3A_1875, %reduce_max3A_1856, %add3A_1883 : i32
      %jit3A_1885 = arith.constant 0 : i32
      %select_n3A_1886 = arith.select %le3A_1871, %jit3A_1885, %select_n3A_1884 : i32
      %select_n3A_1887 = arith.select %le3A_1871, %reduce_max3A_1856, %reduce_max3A_1864 : i32
      %add3A_1888 = arith.addi %reduce_max3A_1856, %sub3A_1870 : i32
      %sub3A_1889 = arith.subi %while3A_1594, %add3A_1888 : i32
      %select_n3A_1890 = arith.select %le3A_1871, %while3A_1594, %sub3A_1889 : i32
      %select_n3A_1891 = arith.select %le3A_1871, %add3A_1801, %select_n3A_1807 : i32
      %jit3A_1892 = arith.constant 1 : i32
      %select_n3A_1893 = arith.select %and3A_1875, %jit3A_1892, %while3A_1597 : i32
      %sub3A_1894 = arith.constant 1 : i32
      %sub3A_1895 = arith.subi %sub3A_1894, %while3A_1596 : i32
      %add3A_1896 = arith.addf %while3A_1599, %select_n3A_1882 : f32
      %add3A_1897 = arith.addi %while3A_1600, %select_n3A_1886 : i32
      scf.yield %select_n3A_1887, %select_n3A_1890, %select_n3A_1891, %sub3A_1895, %select_n3A_1893, %select_n3A_1876, %add3A_1896, %add3A_1897 : i32, i32, i32, i32, i32, f32, f32, i32
    }
    %add3A_99 = arith.constant 0 : i32
    %add3A_100 = arith.addi %while3A_98#2, %add3A_99 : i32
    %get3A = arith.index_cast %add3A_100 : i32 to index
    %get3A_101 = tpu.vector_load %arg4[%get3A] {strides = array<i32>} : memref<65536xf32, #tpu.memory_space<vmem>>, vector<16xf32>,
    %add3A_102 = arith.constant 0 : i32
    %add3A_103 = vector.broadcast %add3A_102 : i32 to vector<16xi32>
    %add3A_104 = arith.addi %iota3A, %add3A_103 : vector<16xi32>
    %lt3A = vector.broadcast %while3A_98#0 : i32 to vector<16xi32>
    %lt3A_105 = arith.cmpi slt, %add3A_104, %lt3A : vector<16xi32>
    %jit3A_106 = arith.constant 0xFF800000 : f32
    %broadcast_in_dim3A_107 = vector.broadcast %jit3A_106 : f32 to vector<16xf32>
    %select_n3A_108 = arith.select %lt3A_105, %get3A_101, %broadcast_in_dim3A_107 : vector<16xi1>, vector<16xf32>
    %add3A_109 = arith.constant 16 : i32
    %add3A_110 = arith.addi %while3A_98#2, %add3A_109 : i32
    %get3A_111 = arith.index_cast %add3A_110 : i32 to index
    %get3A_112 = tpu.vector_load %arg4[%get3A_111] {strides = array<i32>} : memref<65536xf32, #tpu.memory_space<vmem>>, vector<16xf32>,
    %add3A_113 = arith.constant 16 : i32
    %add3A_114 = vector.broadcast %add3A_113 : i32 to vector<16xi32>
    %add3A_115 = arith.addi %iota3A, %add3A_114 : vector<16xi32>
    %lt3A_116 = vector.broadcast %while3A_98#0 : i32 to vector<16xi32>
    %lt3A_117 = arith.cmpi slt, %add3A_115, %lt3A_116 : vector<16xi32>
    %jit3A_118 = arith.constant 0xFF800000 : f32
    %broadcast_in_dim3A_119 = vector.broadcast %jit3A_118 : f32 to vector<16xf32>
    %select_n3A_120 = arith.select %lt3A_117, %get3A_112, %broadcast_in_dim3A_119 : vector<16xi1>, vector<16xf32>
    %add3A_121 = arith.constant 32 : i32
    %add3A_122 = arith.addi %while3A_98#2, %add3A_121 : i32
    %get3A_123 = arith.index_cast %add3A_122 : i32 to index
    %get3A_124 = tpu.vector_load %arg4[%get3A_123] {strides = array<i32>} : memref<65536xf32, #tpu.memory_space<vmem>>, vector<16xf32>,
    %add3A_125 = arith.constant 32 : i32
    %add3A_126 = vector.broadcast %add3A_125 : i32 to vector<16xi32>
    %add3A_127 = arith.addi %iota3A, %add3A_126 : vector<16xi32>
    %lt3A_128 = vector.broadcast %while3A_98#0 : i32 to vector<16xi32>
    %lt3A_129 = arith.cmpi slt, %add3A_127, %lt3A_128 : vector<16xi32>
    %jit3A_130 = arith.constant 0xFF800000 : f32
    %broadcast_in_dim3A_131 = vector.broadcast %jit3A_130 : f32 to vector<16xf32>
    %select_n3A_132 = arith.select %lt3A_129, %get3A_124, %broadcast_in_dim3A_131 : vector<16xi1>, vector<16xf32>
    %add3A_133 = arith.constant 48 : i32
    %add3A_134 = arith.addi %while3A_98#2, %add3A_133 : i32
    %get3A_135 = arith.index_cast %add3A_134 : i32 to index
    %get3A_136 = tpu.vector_load %arg4[%get3A_135] {strides = array<i32>} : memref<65536xf32, #tpu.memory_space<vmem>>, vector<16xf32>,
    %add3A_137 = arith.constant 48 : i32
    %add3A_138 = vector.broadcast %add3A_137 : i32 to vector<16xi32>
    %add3A_139 = arith.addi %iota3A, %add3A_138 : vector<16xi32>
    %lt3A_140 = vector.broadcast %while3A_98#0 : i32 to vector<16xi32>
    %lt3A_141 = arith.cmpi slt, %add3A_139, %lt3A_140 : vector<16xi32>
    %jit3A_142 = arith.constant 0xFF800000 : f32
    %broadcast_in_dim3A_143 = vector.broadcast %jit3A_142 : f32 to vector<16xf32>
    %select_n3A_144 = arith.select %lt3A_141, %get3A_136, %broadcast_in_dim3A_143 : vector<16xi1>, vector<16xf32>
    %sort3A_145 = arith.constant dense<true> : vector<16xi1>
    %sort3A_146, %sort3A_147, %sort3A_148 = tpu.sort %select_n3A_108, %select_n3A_108 masked %sort3A_145 : (vector<16xf32>, vector<16xf32>, vector<16xi1>) -> (vector<16xi1>, vector<16xf32>, vector<16xf32>)
    %sort3A_149 = arith.constant dense<true> : vector<16xi1>
    %sort3A_150, %sort3A_151, %sort3A_152 = tpu.sort %select_n3A_120, %select_n3A_120 masked %sort3A_149 : (vector<16xf32>, vector<16xf32>, vector<16xi1>) -> (vector<16xi1>, vector<16xf32>, vector<16xf32>)
    %rev3A = arith.constant 15 : i32
    %rev3A_153 = vector.broadcast %rev3A : i32 to vector<16xi32>
    %rev3A_154 = tpu.iota {dimensions = array<i32: 0>} : vector<16xi32>
    %rev3A_155 = arith.subi %rev3A_153, %rev3A_154 : vector<16xi32>
    %rev3A_156 = tpu.dynamic_gather %sort3A_151[%rev3A_155] in [0] : vector<16xf32>, vector<16xi32> -> vector<16xf32>
    %min3A = arith.minimumf %sort3A_147, %rev3A_156 : vector<16xf32>
    %sort3A_157 = arith.constant dense<true> : vector<16xi1>
    %sort3A_158, %sort3A_159, %sort3A_160 = tpu.sort %min3A, %min3A masked %sort3A_157 : (vector<16xf32>, vector<16xf32>, vector<16xi1>) -> (vector<16xi1>, vector<16xf32>, vector<16xf32>)
    %max3A_161 = arith.maximumf %sort3A_147, %rev3A_156 : vector<16xf32>
    %sort3A_162 = arith.constant dense<true> : vector<16xi1>
    %sort3A_163, %sort3A_164, %sort3A_165 = tpu.sort %max3A_161, %max3A_161 masked %sort3A_162 : (vector<16xf32>, vector<16xf32>, vector<16xi1>) -> (vector<16xi1>, vector<16xf32>, vector<16xf32>)
    %sort3A_166 = arith.constant dense<true> : vector<16xi1>
    %sort3A_167, %sort3A_168, %sort3A_169 = tpu.sort %select_n3A_132, %select_n3A_132 masked %sort3A_166 : (vector<16xf32>, vector<16xf32>, vector<16xi1>) -> (vector<16xi1>, vector<16xf32>, vector<16xf32>)
    %sort3A_170 = arith.constant dense<true> : vector<16xi1>
    %sort3A_171, %sort3A_172, %sort3A_173 = tpu.sort %select_n3A_144, %select_n3A_144 masked %sort3A_170 : (vector<16xf32>, vector<16xf32>, vector<16xi1>) -> (vector<16xi1>, vector<16xf32>, vector<16xf32>)
    %rev3A_174 = arith.constant 15 : i32
    %rev3A_175 = vector.broadcast %rev3A_174 : i32 to vector<16xi32>
    %rev3A_176 = tpu.iota {dimensions = array<i32: 0>} : vector<16xi32>
    %rev3A_177 = arith.subi %rev3A_175, %rev3A_176 : vector<16xi32>
    %rev3A_178 = tpu.dynamic_gather %sort3A_172[%rev3A_177] in [0] : vector<16xf32>, vector<16xi32> -> vector<16xf32>
    %min3A_179 = arith.minimumf %sort3A_168, %rev3A_178 : vector<16xf32>
    %sort3A_180 = arith.constant dense<true> : vector<16xi1>
    %sort3A_181, %sort3A_182, %sort3A_183 = tpu.sort %min3A_179, %min3A_179 masked %sort3A_180 : (vector<16xf32>, vector<16xf32>, vector<16xi1>) -> (vector<16xi1>, vector<16xf32>, vector<16xf32>)
    %max3A_184 = arith.maximumf %sort3A_168, %rev3A_178 : vector<16xf32>
    %sort3A_185 = arith.constant dense<true> : vector<16xi1>
    %sort3A_186, %sort3A_187, %sort3A_188 = tpu.sort %max3A_184, %max3A_184 masked %sort3A_185 : (vector<16xf32>, vector<16xf32>, vector<16xi1>) -> (vector<16xi1>, vector<16xf32>, vector<16xf32>)
    %rev3A_189 = arith.constant 15 : i32
    %rev3A_190 = vector.broadcast %rev3A_189 : i32 to vector<16xi32>
    %rev3A_191 = tpu.iota {dimensions = array<i32: 0>} : vector<16xi32>
    %rev3A_192 = arith.subi %rev3A_190, %rev3A_191 : vector<16xi32>
    %rev3A_193 = tpu.dynamic_gather %sort3A_187[%rev3A_192] in [0] : vector<16xf32>, vector<16xi32> -> vector<16xf32>
    %rev3A_194 = arith.constant 15 : i32
    %rev3A_195 = vector.broadcast %rev3A_194 : i32 to vector<16xi32>
    %rev3A_196 = tpu.iota {dimensions = array<i32: 0>} : vector<16xi32>
    %rev3A_197 = arith.subi %rev3A_195, %rev3A_196 : vector<16xi32>
    %rev3A_198 = tpu.dynamic_gather %sort3A_182[%rev3A_197] in [0] : vector<16xf32>, vector<16xi32> -> vector<16xf32>
    %min3A_199 = arith.minimumf %sort3A_159, %rev3A_193 : vector<16xf32>
    %min3A_200 = arith.minimumf %sort3A_164, %rev3A_198 : vector<16xf32>
    %max3A_201 = arith.maximumf %sort3A_159, %rev3A_193 : vector<16xf32>
    %max3A_202 = arith.maximumf %sort3A_164, %rev3A_198 : vector<16xf32>
    %min3A_203 = arith.minimumf %min3A_199, %min3A_200 : vector<16xf32>
    %sort3A_204 = arith.constant dense<true> : vector<16xi1>
    %sort3A_205, %sort3A_206, %sort3A_207 = tpu.sort %min3A_203, %min3A_203 masked %sort3A_204 : (vector<16xf32>, vector<16xf32>, vector<16xi1>) -> (vector<16xi1>, vector<16xf32>, vector<16xf32>)
    %max3A_208 = arith.maximumf %min3A_199, %min3A_200 : vector<16xf32>
    %sort3A_209 = arith.constant dense<true> : vector<16xi1>
    %sort3A_210, %sort3A_211, %sort3A_212 = tpu.sort %max3A_208, %max3A_208 masked %sort3A_209 : (vector<16xf32>, vector<16xf32>, vector<16xi1>) -> (vector<16xi1>, vector<16xf32>, vector<16xf32>)
    %min3A_213 = arith.minimumf %max3A_201, %max3A_202 : vector<16xf32>
    %sort3A_214 = arith.constant dense<true> : vector<16xi1>
    %sort3A_215, %sort3A_216, %sort3A_217 = tpu.sort %min3A_213, %min3A_213 masked %sort3A_214 : (vector<16xf32>, vector<16xf32>, vector<16xi1>) -> (vector<16xi1>, vector<16xf32>, vector<16xf32>)
    %max3A_218 = arith.maximumf %max3A_201, %max3A_202 : vector<16xf32>
    %sort3A_219 = arith.constant dense<true> : vector<16xi1>
    %sort3A_220, %sort3A_221, %sort3A_222 = tpu.sort %max3A_218, %max3A_218 masked %sort3A_219 : (vector<16xf32>, vector<16xf32>, vector<16xi1>) -> (vector<16xi1>, vector<16xf32>, vector<16xf32>)
    %sub3A = arith.constant 64 : i32
    %sub3A_223 = arith.subi %sub3A, %while3A_98#1 : i32
    %jit3A_224 = arith.constant 16 : i32
    %div3A = arith.divsi %sub3A_223, %jit3A_224 : i32
    %sign3A = arith.constant 0 : i32
    %sign3A_225 = arith.cmpi sgt, %sub3A_223, %sign3A : i32
    %sign3A_226 = arith.extui %sign3A_225 : i1 to i32
    %sign3A_227 = arith.constant 0 : i32
    %sign3A_228 = arith.cmpi slt, %sub3A_223, %sign3A_227 : i32
    %sign3A_229 = arith.extui %sign3A_228 : i1 to i32
    %sign3A_230 = arith.subi %sign3A_226, %sign3A_229 : i32
    %sign3A_231 = arith.constant 0 : i32
    %sign3A_232 = arith.cmpi sgt, %jit3A_224, %sign3A_231 : i32
    %sign3A_233 = arith.extui %sign3A_232 : i1 to i32
    %sign3A_234 = arith.constant 0 : i32
    %sign3A_235 = arith.cmpi slt, %jit3A_224, %sign3A_234 : i32
    %sign3A_236 = arith.extui %sign3A_235 : i1 to i32
    %sign3A_237 = arith.subi %sign3A_233, %sign3A_236 : i32
    %ne3A = arith.cmpi ne, %sign3A_230, %sign3A_237 : i32
    %rem3A = arith.remsi %sub3A_223, %jit3A_224 : i32
    %ne3A_238 = arith.constant 0 : i32
    %ne3A_239 = arith.cmpi ne, %rem3A, %ne3A_238 : i32
    %and3A = arith.andi %ne3A, %ne3A_239 : i1
    %sub3A_240 = arith.constant 1 : i32
    %sub3A_241 = arith.subi %div3A, %sub3A_240 : i32
    %select_n3A_242 = arith.select %and3A, %sub3A_241, %div3A : i32
    %jit3A_243 = arith.constant 16 : i32
    %eq3A_244 = arith.constant 0 : i32
    %eq3A_245 = arith.cmpi eq, %jit3A_243, %eq3A_244 : i32
    %jit3A_246 = arith.constant 1 : i32
    %select_n3A_247 = arith.select %eq3A_245, %jit3A_246, %jit3A_243 : i32
    %rem3A_248 = arith.remsi %sub3A_223, %select_n3A_247 : i32
    %ne3A_249 = arith.constant 0 : i32
    %ne3A_250 = arith.cmpi ne, %rem3A_248, %ne3A_249 : i32
    %lt3A_251 = arith.constant 0 : i32
    %lt3A_252 = arith.cmpi slt, %rem3A_248, %lt3A_251 : i32
    %lt3A_253 = arith.constant 0 : i32
    %lt3A_254 = arith.cmpi slt, %select_n3A_247, %lt3A_253 : i32
    %ne3A_255 = arith.xori %lt3A_252, %lt3A_254 : i1
    %and3A_256 = arith.andi %ne3A_255, %ne3A_250 : i1
    %add3A_257 = arith.addi %rem3A_248, %select_n3A_247 : i32
    %select_n3A_258 = arith.select %and3A_256, %add3A_257, %rem3A_248 : i32
    %eq3A_259 = arith.constant 0 : i32
    %eq3A_260 = arith.cmpi eq, %select_n3A_242, %eq3A_259 : i32
    %iota3A_261 = tpu.iota {dimensions = array<i32: 0>} : vector<16xi32>
    %eq3A_262 = vector.broadcast %select_n3A_258 : i32 to vector<16xi32>
    %eq3A_263 = arith.cmpi eq, %iota3A_261, %eq3A_262 : vector<16xi32>
    %jit3A_264 = arith.constant 0xFF800000 : f32
    %broadcast_in_dim3A_265 = vector.broadcast %jit3A_264 : f32 to vector<16xf32>
    %select_n3A_266 = arith.select %eq3A_263, %sort3A_206, %broadcast_in_dim3A_265 : vector<16xi1>, vector<16xf32>
    %reduce_max3A_267 = arith.constant true
    %reduce_max3A_268 = vector.broadcast %reduce_max3A_267 : i1 to vector<16xi1>
    %reduce_max3A_269 = tpu.scan <max>, %select_n3A_266 masked %reduce_max3A_268 : vector<16xf32>, vector<16xi1> -> vector<16xf32>
    %reduce_max3A_270 = vector.extract %reduce_max3A_269[15] : f32 from vector<16xf32>
    %jit3A_271 = arith.constant 0xFF800000 : f32
    %select_n3A_272 = arith.select %eq3A_260, %reduce_max3A_270, %jit3A_271 : f32
    %eq3A_273 = arith.constant 1 : i32
    %eq3A_274 = arith.cmpi eq, %select_n3A_242, %eq3A_273 : i32
    %iota3A_275 = tpu.iota {dimensions = array<i32: 0>} : vector<16xi32>
    %eq3A_276 = vector.broadcast %select_n3A_258 : i32 to vector<16xi32>
    %eq3A_277 = arith.cmpi eq, %iota3A_275, %eq3A_276 : vector<16xi32>
    %jit3A_278 = arith.constant 0xFF800000 : f32
    %broadcast_in_dim3A_279 = vector.broadcast %jit3A_278 : f32 to vector<16xf32>
    %select_n3A_280 = arith.select %eq3A_277, %sort3A_211, %broadcast_in_dim3A_279 : vector<16xi1>, vector<16xf32>
    %reduce_max3A_281 = arith.constant true
    %reduce_max3A_282 = vector.broadcast %reduce_max3A_281 : i1 to vector<16xi1>
    %reduce_max3A_283 = tpu.scan <max>, %select_n3A_280 masked %reduce_max3A_282 : vector<16xf32>, vector<16xi1> -> vector<16xf32>
    %reduce_max3A_284 = vector.extract %reduce_max3A_283[15] : f32 from vector<16xf32>
    %select_n3A_285 = arith.select %eq3A_274, %reduce_max3A_284, %select_n3A_272 : f32
    %eq3A_286 = arith.constant 2 : i32
    %eq3A_287 = arith.cmpi eq, %select_n3A_242, %eq3A_286 : i32
    %iota3A_288 = tpu.iota {dimensions = array<i32: 0>} : vector<16xi32>
    %eq3A_289 = vector.broadcast %select_n3A_258 : i32 to vector<16xi32>
    %eq3A_290 = arith.cmpi eq, %iota3A_288, %eq3A_289 : vector<16xi32>
    %jit3A_291 = arith.constant 0xFF800000 : f32
    %broadcast_in_dim3A_292 = vector.broadcast %jit3A_291 : f32 to vector<16xf32>
    %select_n3A_293 = arith.select %eq3A_290, %sort3A_216, %broadcast_in_dim3A_292 : vector<16xi1>, vector<16xf32>
    %reduce_max3A_294 = arith.constant true
    %reduce_max3A_295 = vector.broadcast %reduce_max3A_294 : i1 to vector<16xi1>
    %reduce_max3A_296 = tpu.scan <max>, %select_n3A_293 masked %reduce_max3A_295 : vector<16xf32>, vector<16xi1> -> vector<16xf32>
    %reduce_max3A_297 = vector.extract %reduce_max3A_296[15] : f32 from vector<16xf32>
    %select_n3A_298 = arith.select %eq3A_287, %reduce_max3A_297, %select_n3A_285 : f32
    %eq3A_299 = arith.constant 3 : i32
    %eq3A_300 = arith.cmpi eq, %select_n3A_242, %eq3A_299 : i32
    %iota3A_301 = tpu.iota {dimensions = array<i32: 0>} : vector<16xi32>
    %eq3A_302 = vector.broadcast %select_n3A_258 : i32 to vector<16xi32>
    %eq3A_303 = arith.cmpi eq, %iota3A_301, %eq3A_302 : vector<16xi32>
    %jit3A_304 = arith.constant 0xFF800000 : f32
    %broadcast_in_dim3A_305 = vector.broadcast %jit3A_304 : f32 to vector<16xf32>
    %select_n3A_306 = arith.select %eq3A_303, %sort3A_221, %broadcast_in_dim3A_305 : vector<16xi1>, vector<16xf32>
    %reduce_max3A_307 = arith.constant true
    %reduce_max3A_308 = vector.broadcast %reduce_max3A_307 : i1 to vector<16xi1>
    %reduce_max3A_309 = tpu.scan <max>, %select_n3A_306 masked %reduce_max3A_308 : vector<16xf32>, vector<16xi1> -> vector<16xf32>
    %reduce_max3A_310 = vector.extract %reduce_max3A_309[15] : f32 from vector<16xf32>
    %select_n3A_311 = arith.select %eq3A_300, %reduce_max3A_310, %select_n3A_298 : f32
    %eq3A_312 = arith.constant 0 : i32
    %eq3A_313 = arith.cmpi eq, %while3A_98#4, %eq3A_312 : i32
    %select_n3A_314 = arith.select %eq3A_313, %select_n3A_311, %while3A_98#5 : f32
    %broadcast_in_dim3A_315 = vector.broadcast %select_n3A_314 : f32 to vector<16xf32>
    %broadcast_in_dim3A_316 = arith.constant 0.000000e+00 : f32
    %broadcast_in_dim3A_317 = vector.broadcast %broadcast_in_dim3A_316 : f32 to vector<16xf32>
    %broadcast_in_dim3A_318 = arith.constant 0 : i32
    %broadcast_in_dim3A_319 = vector.broadcast %broadcast_in_dim3A_318 : i32 to vector<16xi32>
    %eq3A_320 = arith.constant 0 : i32
    %eq3A_321 = arith.cmpi eq, %while3A_98#4, %eq3A_320 : i32
    %gt3A = arith.cmpf ogt, %select_n3A_108, %broadcast_in_dim3A_315 : vector<16xf32>
    %and3A_322 = vector.broadcast %eq3A_321 : i1 to vector<16xi1>
    %and3A_323 = arith.andi %and3A_322, %gt3A : vector<16xi1>
    %jit3A_324 = arith.constant 0.000000e+00 : f32
    %broadcast_in_dim3A_325 = vector.broadcast %jit3A_324 : f32 to vector<16xf32>
    %select_n3A_326 = arith.select %and3A_323, %select_n3A_108, %broadcast_in_dim3A_325 : vector<16xi1>, vector<16xf32>
    %add3A_327 = arith.addf %broadcast_in_dim3A_317, %select_n3A_326 : vector<16xf32>
    %all_reduce_population_count3A = tpu.all_reduce %and3A_323 {dim = 0 : i64, kind = #tpu.reduction_kind<sum>} : vector<16xi1> -> vector<16xi32>
    %add3A_328 = arith.addi %broadcast_in_dim3A_319, %all_reduce_population_count3A : vector<16xi32>
    %gt3A_329 = arith.cmpf ogt, %select_n3A_120, %broadcast_in_dim3A_315 : vector<16xf32>
    %and3A_330 = vector.broadcast %eq3A_321 : i1 to vector<16xi1>
    %and3A_331 = arith.andi %and3A_330, %gt3A_329 : vector<16xi1>
    %jit3A_332 = arith.constant 0.000000e+00 : f32
    %broadcast_in_dim3A_333 = vector.broadcast %jit3A_332 : f32 to vector<16xf32>
    %select_n3A_334 = arith.select %and3A_331, %select_n3A_120, %broadcast_in_dim3A_333 : vector<16xi1>, vector<16xf32>
    %add3A_335 = arith.addf %add3A_327, %select_n3A_334 : vector<16xf32>
    %all_reduce_population_count3A_336 = tpu.all_reduce %and3A_331 {dim = 0 : i64, kind = #tpu.reduction_kind<sum>} : vector<16xi1> -> vector<16xi32>
    %add3A_337 = arith.addi %add3A_328, %all_reduce_population_count3A_336 : vector<16xi32>
    %gt3A_338 = arith.cmpf ogt, %select_n3A_132, %broadcast_in_dim3A_315 : vector<16xf32>
    %and3A_339 = vector.broadcast %eq3A_321 : i1 to vector<16xi1>
    %and3A_340 = arith.andi %and3A_339, %gt3A_338 : vector<16xi1>
    %jit3A_341 = arith.constant 0.000000e+00 : f32
    %broadcast_in_dim3A_342 = vector.broadcast %jit3A_341 : f32 to vector<16xf32>
    %select_n3A_343 = arith.select %and3A_340, %select_n3A_132, %broadcast_in_dim3A_342 : vector<16xi1>, vector<16xf32>
    %add3A_344 = arith.addf %add3A_335, %select_n3A_343 : vector<16xf32>
    %all_reduce_population_count3A_345 = tpu.all_reduce %and3A_340 {dim = 0 : i64, kind = #tpu.reduction_kind<sum>} : vector<16xi1> -> vector<16xi32>
    %add3A_346 = arith.addi %add3A_337, %all_reduce_population_count3A_345 : vector<16xi32>
    %gt3A_347 = arith.cmpf ogt, %select_n3A_144, %broadcast_in_dim3A_315 : vector<16xf32>
    %and3A_348 = vector.broadcast %eq3A_321 : i1 to vector<16xi1>
    %and3A_349 = arith.andi %and3A_348, %gt3A_347 : vector<16xi1>
    %jit3A_350 = arith.constant 0.000000e+00 : f32
    %broadcast_in_dim3A_351 = vector.broadcast %jit3A_350 : f32 to vector<16xf32>
    %select_n3A_352 = arith.select %and3A_349, %select_n3A_144, %broadcast_in_dim3A_351 : vector<16xi1>, vector<16xf32>
    %add3A_353 = arith.addf %add3A_344, %select_n3A_352 : vector<16xf32>
    %all_reduce_population_count3A_354 = tpu.all_reduce %and3A_349 {dim = 0 : i64, kind = #tpu.reduction_kind<sum>} : vector<16xi1> -> vector<16xi32>
    %add3A_355 = arith.addi %add3A_346, %all_reduce_population_count3A_354 : vector<16xi32>
    %reduce_sum3A = arith.constant true
    %reduce_sum3A_356 = vector.broadcast %reduce_sum3A : i1 to vector<16xi1>
    %reduce_sum3A_357 = tpu.scan <sum>, %add3A_353 masked %reduce_sum3A_356 : vector<16xf32>, vector<16xi1> -> vector<16xf32>
    %reduce_sum3A_358 = vector.extract %reduce_sum3A_357[15] : f32 from vector<16xf32>
    %add3A_359 = arith.addf %while3A_98#6, %reduce_sum3A_358 : f32
    %reduce_max3A_360 = arith.constant true
    %reduce_max3A_361 = vector.broadcast %reduce_max3A_360 : i1 to vector<16xi1>
    %reduce_max3A_362 = arith.constant -2147483648 : i32
    %reduce_max3A_363 = vector.broadcast %reduce_max3A_362 : i32 to vector<16xi32>
    %reduce_max3A_364 = arith.xori %add3A_355, %reduce_max3A_363 : vector<16xi32>
    %reduce_max3A_365 = tpu.scan <max>, %reduce_max3A_364 masked %reduce_max3A_361 : vector<16xi32>, vector<16xi1> -> vector<16xi32>
    %reduce_max3A_366 = arith.xori %reduce_max3A_365, %reduce_max3A_363 : vector<16xi32>
    %reduce_max3A_367 = vector.extract %reduce_max3A_366[15] : i32 from vector<16xi32>
    %add3A_368 = arith.addi %while3A_98#7, %reduce_max3A_367 : i32
    %convert_element_type3A = arith.sitofp %add3A_368 : i32 to f32
    %mul3A_369 = arith.mulf %select_n3A_314, %convert_element_type3A : f32
    %sub3A_370 = arith.subf %add3A_359, %mul3A_369 : f32
    %add3A_371 = arith.constant 1.000000e-07 : f32
    %add3A_372 = arith.addf %sub3A_370, %add3A_371 : f32
    %broadcast_in_dim3A_373 = vector.broadcast %add3A_372 : f32 to vector<16xf32>
    %broadcast_in_dim3A_374 = arith.constant 1.000000e+00 : f32
    %broadcast_in_dim3A_375 = vector.broadcast %broadcast_in_dim3A_374 : f32 to vector<16xf32>
    %div3A_376 = arith.divf %broadcast_in_dim3A_375, %broadcast_in_dim3A_373 : vector<16xf32>
    %broadcast_in_dim3A_377 = vector.broadcast %select_n3A_314 : f32 to vector<16xf32>
    %parallel_loop3A_378 = arith.constant 0 : i32
    %parallel_loop3A_379 = arith.constant 8192 : i32
    %parallel_loop3A_380 = arith.constant 16 : i32
    scf.for %parallel_loop3A_1593 = %parallel_loop3A_378 to %parallel_loop3A_379 step %parallel_loop3A_380  : i32 {
      %parallel_loop3A_1594 = arith.constant 0 : i32
      %parallel_loop3A_1595 = arith.addi %parallel_loop3A_1594, %parallel_loop3A_1593 : i32
      %parallel_loop3A_1596 = arith.index_cast %parallel_loop3A_1595 : i32 to index
      %parallel_loop3A_1597 = tpu.vector_load %arg4[%parallel_loop3A_1596] {strides = array<i32>} : memref<65536xf32, #tpu.memory_space<vmem>>, vector<16xf32>,
      %parallel_loop3A_1598 = arith.subf %parallel_loop3A_1597, %broadcast_in_dim3A_377 : vector<16xf32>
      %parallel_loop3A_1599 = arith.constant 0.000000e+00 : f32
      %parallel_loop3A_1600 = vector.broadcast %parallel_loop3A_1599 : f32 to vector<16xf32>
      %parallel_loop3A_1601 = arith.maximumf %parallel_loop3A_1598, %parallel_loop3A_1600 : vector<16xf32>
      %parallel_loop3A_1602 = arith.mulf %parallel_loop3A_1601, %div3A_376 : vector<16xf32>
      %parallel_loop3A_1603 = arith.index_cast %parallel_loop3A_1595 : i32 to index
      %parallel_loop3A_1604 = tpu.vector_load %arg4[%parallel_loop3A_1603] {strides = array<i32>} : memref<65536xf32, #tpu.memory_space<vmem>>, vector<16xf32>,
      tpu.vector_store %arg4[%parallel_loop3A_1603], %parallel_loop3A_1602 {strides = array<i32>} : memref<65536xf32, #tpu.memory_space<vmem>>, vector<16xf32>,
    } {sc.loop_unroll_factor = 8 : i64, sc.parallel_access}
    %iota3A_381 = tpu.iota {dimensions = array<i32: 0>} : vector<16xi32>
    %mul3A_382 = arith.constant 64 : i32
    %mul3A_383 = vector.broadcast %mul3A_382 : i32 to vector<16xi32>
    %mul3A_384 = arith.muli %iota3A_381, %mul3A_383 : vector<16xi32>
    %add3A_385 = arith.constant 8192 : i32
    %add3A_386 = vector.broadcast %add3A_385 : i32 to vector<16xi32>
    %add3A_387 = arith.addi %add3A_386, %mul3A_384 : vector<16xi32>
    %gather3A_388 = tpu.vector_load_idx %arg4[%add3A_387] : memref<65536xf32, #tpu.memory_space<vmem>>[vector<16xi32>], vector<16xf32>,
    %mul3A_389 = arith.constant 64 : i32
    %mul3A_390 = vector.broadcast %mul3A_389 : i32 to vector<16xi32>
    %mul3A_391 = arith.muli %iota3A_381, %mul3A_390 : vector<16xi32>
    %add3A_392 = arith.constant 9216 : i32
    %add3A_393 = vector.broadcast %add3A_392 : i32 to vector<16xi32>
    %add3A_394 = arith.addi %add3A_393, %mul3A_391 : vector<16xi32>
    %gather3A_395 = tpu.vector_load_idx %arg4[%add3A_394] : memref<65536xf32, #tpu.memory_space<vmem>>[vector<16xi32>], vector<16xf32>,
    %max3A_396 = arith.maximumf %gather3A_388, %gather3A_395 : vector<16xf32>
    %mul3A_397 = arith.constant 64 : i32
    %mul3A_398 = vector.broadcast %mul3A_397 : i32 to vector<16xi32>
    %mul3A_399 = arith.muli %iota3A_381, %mul3A_398 : vector<16xi32>
    %add3A_400 = arith.constant 10240 : i32
    %add3A_401 = vector.broadcast %add3A_400 : i32 to vector<16xi32>
    %add3A_402 = arith.addi %add3A_401, %mul3A_399 : vector<16xi32>
    %gather3A_403 = tpu.vector_load_idx %arg4[%add3A_402] : memref<65536xf32, #tpu.memory_space<vmem>>[vector<16xi32>], vector<16xf32>,
    %max3A_404 = arith.maximumf %max3A_396, %gather3A_403 : vector<16xf32>
    %mul3A_405 = arith.constant 64 : i32
    %mul3A_406 = vector.broadcast %mul3A_405 : i32 to vector<16xi32>
    %mul3A_407 = arith.muli %iota3A_381, %mul3A_406 : vector<16xi32>
    %add3A_408 = arith.constant 11264 : i32
    %add3A_409 = vector.broadcast %add3A_408 : i32 to vector<16xi32>
    %add3A_410 = arith.addi %add3A_409, %mul3A_407 : vector<16xi32>
    %gather3A_411 = tpu.vector_load_idx %arg4[%add3A_410] : memref<65536xf32, #tpu.memory_space<vmem>>[vector<16xi32>], vector<16xf32>,
    %max3A_412 = arith.maximumf %max3A_404, %gather3A_411 : vector<16xf32>
    %mul3A_413 = arith.constant 64 : i32
    %mul3A_414 = vector.broadcast %mul3A_413 : i32 to vector<16xi32>
    %mul3A_415 = arith.muli %iota3A_381, %mul3A_414 : vector<16xi32>
    %add3A_416 = arith.constant 12288 : i32
    %add3A_417 = vector.broadcast %add3A_416 : i32 to vector<16xi32>
    %add3A_418 = arith.addi %add3A_417, %mul3A_415 : vector<16xi32>
    %gather3A_419 = tpu.vector_load_idx %arg4[%add3A_418] : memref<65536xf32, #tpu.memory_space<vmem>>[vector<16xi32>], vector<16xf32>,
    %max3A_420 = arith.maximumf %max3A_412, %gather3A_419 : vector<16xf32>
    %mul3A_421 = arith.constant 64 : i32
    %mul3A_422 = vector.broadcast %mul3A_421 : i32 to vector<16xi32>
    %mul3A_423 = arith.muli %iota3A_381, %mul3A_422 : vector<16xi32>
    %add3A_424 = arith.constant 13312 : i32
    %add3A_425 = vector.broadcast %add3A_424 : i32 to vector<16xi32>
    %add3A_426 = arith.addi %add3A_425, %mul3A_423 : vector<16xi32>
    %gather3A_427 = tpu.vector_load_idx %arg4[%add3A_426] : memref<65536xf32, #tpu.memory_space<vmem>>[vector<16xi32>], vector<16xf32>,
    %max3A_428 = arith.maximumf %max3A_420, %gather3A_427 : vector<16xf32>
    %mul3A_429 = arith.constant 64 : i32
    %mul3A_430 = vector.broadcast %mul3A_429 : i32 to vector<16xi32>
    %mul3A_431 = arith.muli %iota3A_381, %mul3A_430 : vector<16xi32>
    %add3A_432 = arith.constant 14336 : i32
    %add3A_433 = vector.broadcast %add3A_432 : i32 to vector<16xi32>
    %add3A_434 = arith.addi %add3A_433, %mul3A_431 : vector<16xi32>
    %gather3A_435 = tpu.vector_load_idx %arg4[%add3A_434] : memref<65536xf32, #tpu.memory_space<vmem>>[vector<16xi32>], vector<16xf32>,
    %max3A_436 = arith.maximumf %max3A_428, %gather3A_435 : vector<16xf32>
    %mul3A_437 = arith.constant 64 : i32
    %mul3A_438 = vector.broadcast %mul3A_437 : i32 to vector<16xi32>
    %mul3A_439 = arith.muli %iota3A_381, %mul3A_438 : vector<16xi32>
    %add3A_440 = arith.constant 15360 : i32
    %add3A_441 = vector.broadcast %add3A_440 : i32 to vector<16xi32>
    %add3A_442 = arith.addi %add3A_441, %mul3A_439 : vector<16xi32>
    %gather3A_443 = tpu.vector_load_idx %arg4[%add3A_442] : memref<65536xf32, #tpu.memory_space<vmem>>[vector<16xi32>], vector<16xf32>,
    %max3A_444 = arith.maximumf %max3A_436, %gather3A_443 : vector<16xf32>
    %sort3A_445 = arith.constant dense<true> : vector<16xi1>
    %sort3A_446, %sort3A_447, %sort3A_448 = tpu.sort %max3A_444, %max3A_444 masked %sort3A_445 : (vector<16xf32>, vector<16xf32>, vector<16xi1>) -> (vector<16xi1>, vector<16xf32>, vector<16xf32>)
    %iota3A_449 = tpu.iota {dimensions = array<i32: 0>} : vector<16xi32>
    %eq3A_450 = arith.constant 11 : i32
    %eq3A_451 = vector.broadcast %eq3A_450 : i32 to vector<16xi32>
    %eq3A_452 = arith.cmpi eq, %iota3A_449, %eq3A_451 : vector<16xi32>
    %jit3A_453 = arith.constant 0xFF800000 : f32
    %broadcast_in_dim3A_454 = vector.broadcast %jit3A_453 : f32 to vector<16xf32>
    %select_n3A_455 = arith.select %eq3A_452, %sort3A_447, %broadcast_in_dim3A_454 : vector<16xi1>, vector<16xf32>
    %reduce_max3A_456 = arith.constant true
    %reduce_max3A_457 = vector.broadcast %reduce_max3A_456 : i1 to vector<16xi1>
    %reduce_max3A_458 = tpu.scan <max>, %select_n3A_455 masked %reduce_max3A_457 : vector<16xf32>, vector<16xi1> -> vector<16xf32>
    %reduce_max3A_459 = vector.extract %reduce_max3A_458[15] : f32 from vector<16xf32>
    %broadcast_in_dim3A_460 = vector.broadcast %reduce_max3A_459 : f32 to vector<16xf32>
    %broadcast_in_dim3A_461 = arith.constant 0 : i32
    %broadcast_in_dim3A_462 = vector.broadcast %broadcast_in_dim3A_461 : i32 to vector<16xi32>
    %parallel_loop3A_463 = arith.constant 0 : i32
    %parallel_loop3A_464 = arith.constant 8192 : i32
    %parallel_loop3A_465 = arith.constant 16 : i32
    %parallel_loop3A_466 = scf.for %parallel_loop3A_1593 = %parallel_loop3A_463 to %parallel_loop3A_464 step %parallel_loop3A_465 iter_args(%parallel_loop3A_1594 = %broadcast_in_dim3A_462) -> (vector<16xi32>)  : i32 {
      %parallel_loop3A_1595 = arith.constant 8192 : i32
      %parallel_loop3A_1596 = arith.addi %parallel_loop3A_1595, %parallel_loop3A_1593 : i32
      %parallel_loop3A_1597 = arith.index_cast %parallel_loop3A_1596 : i32 to index
      %parallel_loop3A_1598 = tpu.vector_load %arg4[%parallel_loop3A_1597] {strides = array<i32>} : memref<65536xf32, #tpu.memory_space<vmem>>, vector<16xf32>,
      %parallel_loop3A_1599 = arith.cmpf ogt, %parallel_loop3A_1598, %broadcast_in_dim3A_460 : vector<16xf32>
      %parallel_loop3A_1600 = arith.extui %parallel_loop3A_1599 : vector<16xi1> to vector<16xi32>
      %parallel_loop3A_1601 = arith.constant true
      %parallel_loop3A_1602 = vector.broadcast %parallel_loop3A_1601 : i1 to vector<16xi1>
      %parallel_loop3A_1603 = tpu.scan <sum>, %parallel_loop3A_1600 masked %parallel_loop3A_1602 : vector<16xi32>, vector<16xi1> -> vector<16xi32>
      %parallel_loop3A_1604 = arith.constant 32768 : i32
      %parallel_loop3A_1605 = vector.broadcast %parallel_loop3A_1604 : i32 to vector<16xi32>
      %parallel_loop3A_1606 = arith.addi %parallel_loop3A_1605, %parallel_loop3A_1594 : vector<16xi32>
      %parallel_loop3A_1607 = arith.addi %parallel_loop3A_1606, %parallel_loop3A_1603 : vector<16xi32>
      %parallel_loop3A_1608 = arith.subi %parallel_loop3A_1607, %parallel_loop3A_1600 : vector<16xi32>
      tpu.vector_store_idx %arg4[%parallel_loop3A_1608], %parallel_loop3A_1598 masked %parallel_loop3A_1599 : memref<65536xf32, #tpu.memory_space<vmem>>[vector<16xi32>], vector<16xf32>, vector<16xi1>
      %parallel_loop3A_1609 = tpu.all_reduce %parallel_loop3A_1599 {dim = 0 : i64, kind = #tpu.reduction_kind<sum>} : vector<16xi1> -> vector<16xi32>
      %parallel_loop3A_1610 = arith.addi %parallel_loop3A_1594, %parallel_loop3A_1609 : vector<16xi32>
      scf.yield %parallel_loop3A_1610 : vector<16xi32>
    } {sc.loop_unroll_factor = 8 : i64, sc.parallel_access}
    %reduce_max3A_467 = arith.constant true
    %reduce_max3A_468 = vector.broadcast %reduce_max3A_467 : i1 to vector<16xi1>
    %reduce_max3A_469 = arith.constant -2147483648 : i32
    %reduce_max3A_470 = vector.broadcast %reduce_max3A_469 : i32 to vector<16xi32>
    %reduce_max3A_471 = arith.xori %parallel_loop3A_466, %reduce_max3A_470 : vector<16xi32>
    %reduce_max3A_472 = tpu.scan <max>, %reduce_max3A_471 masked %reduce_max3A_468 : vector<16xi32>, vector<16xi1> -> vector<16xi32>
    %reduce_max3A_473 = arith.xori %reduce_max3A_472, %reduce_max3A_470 : vector<16xi32>
    %reduce_max3A_474 = vector.extract %reduce_max3A_473[15] : i32 from vector<16xi32>
    %ge3A_475 = arith.constant 65 : i32
    %ge3A_476 = arith.cmpi sge, %reduce_max3A_474, %ge3A_475 : i32
    %jit3A_477 = arith.constant 8192 : i32
    %select_n3A_478 = arith.select %ge3A_476, %reduce_max3A_474, %jit3A_477 : i32
    %jit3A_479 = arith.constant 32768 : i32
    %jit3A_480 = arith.constant 8192 : i32
    %select_n3A_481 = arith.select %ge3A_476, %jit3A_479, %jit3A_480 : i32
    %while3A_482 = arith.constant 65 : i32
    %while3A_483 = arith.constant 0 : i32
    %while3A_484 = arith.constant 0 : i32
    %while3A_485 = arith.constant 0.000000e+00 : f32
    %while3A_486 = arith.constant 0.000000e+00 : f32
    %while3A_487 = arith.constant 0 : i32
    %while3A_488:8 = scf.while (%while3A_1593 = %select_n3A_478, %while3A_1594 = %while3A_482, %while3A_1595 = %select_n3A_481, %while3A_1596 = %while3A_483, %while3A_1597 = %while3A_484, %while3A_1598 = %while3A_485, %while3A_1599 = %while3A_486, %while3A_1600 = %while3A_487) : (i32, i32, i32, i32, i32, f32, f32, i32) -> (i32, i32, i32, i32, i32, f32, f32, i32) {
      %eq3A_1601 = arith.constant 0 : i32
      %eq3A_1602 = arith.cmpi eq, %while3A_1597, %eq3A_1601 : i32
      %gt3A_1603 = arith.constant 64 : i32
      %gt3A_1604 = arith.cmpi sgt, %while3A_1593, %gt3A_1603 : i32
      %and3A_1605 = arith.andi %eq3A_1602, %gt3A_1604 : i1
      scf.condition(%and3A_1605) %while3A_1593, %while3A_1594, %while3A_1595, %while3A_1596, %while3A_1597, %while3A_1598, %while3A_1599, %while3A_1600 : i32, i32, i32, i32, i32, f32, f32, i32
    } do {
    ^bb0(%while3A_1593: i32, %while3A_1594: i32, %while3A_1595: i32, %while3A_1596: i32, %while3A_1597: i32, %while3A_1598: f32, %while3A_1599: f32, %while3A_1600: i32):
      %iota3A_1601 = tpu.iota {dimensions = array<i32: 0>} : vector<16xi32>
      %jit3A_1602 = arith.constant 16 : i32
      %div3A_1603 = arith.divsi %while3A_1593, %jit3A_1602 : i32
      %sign3A_1604 = arith.constant 0 : i32
      %sign3A_1605 = arith.cmpi sgt, %while3A_1593, %sign3A_1604 : i32
      %sign3A_1606 = arith.extui %sign3A_1605 : i1 to i32
      %sign3A_1607 = arith.constant 0 : i32
      %sign3A_1608 = arith.cmpi slt, %while3A_1593, %sign3A_1607 : i32
      %sign3A_1609 = arith.extui %sign3A_1608 : i1 to i32
      %sign3A_1610 = arith.subi %sign3A_1606, %sign3A_1609 : i32
      %sign3A_1611 = arith.constant 0 : i32
      %sign3A_1612 = arith.cmpi sgt, %jit3A_1602, %sign3A_1611 : i32
      %sign3A_1613 = arith.extui %sign3A_1612 : i1 to i32
      %sign3A_1614 = arith.constant 0 : i32
      %sign3A_1615 = arith.cmpi slt, %jit3A_1602, %sign3A_1614 : i32
      %sign3A_1616 = arith.extui %sign3A_1615 : i1 to i32
      %sign3A_1617 = arith.subi %sign3A_1613, %sign3A_1616 : i32
      %ne3A_1618 = arith.cmpi ne, %sign3A_1610, %sign3A_1617 : i32
      %rem3A_1619 = arith.remsi %while3A_1593, %jit3A_1602 : i32
      %ne3A_1620 = arith.constant 0 : i32
      %ne3A_1621 = arith.cmpi ne, %rem3A_1619, %ne3A_1620 : i32
      %and3A_1622 = arith.andi %ne3A_1618, %ne3A_1621 : i1
      %sub3A_1623 = arith.constant 1 : i32
      %sub3A_1624 = arith.subi %div3A_1603, %sub3A_1623 : i32
      %select_n3A_1625 = arith.select %and3A_1622, %sub3A_1624, %div3A_1603 : i32
      %mul3A_1626 = vector.broadcast %select_n3A_1625 : i32 to vector<16xi32>
      %mul3A_1627 = arith.muli %iota3A_1601, %mul3A_1626 : vector<16xi32>
      %add3A_1628 = vector.broadcast %while3A_1595 : i32 to vector<16xi32>
      %add3A_1629 = arith.addi %add3A_1628, %mul3A_1627 : vector<16xi32>
      %gather3A_1630 = tpu.vector_load_idx %arg4[%add3A_1629] : memref<65536xf32, #tpu.memory_space<vmem>>[vector<16xi32>], vector<16xf32>,
      %sort3A_1631 = arith.constant dense<true> : vector<16xi1>
      %sort3A_1632, %sort3A_1633, %sort3A_1634 = tpu.sort %gather3A_1630, %gather3A_1630 masked %sort3A_1631 : (vector<16xf32>, vector<16xf32>, vector<16xi1>) -> (vector<16xi1>, vector<16xf32>, vector<16xf32>)
      %add3A_1635 = arith.constant 1 : i32
      %add3A_1636 = arith.addi %while3A_1593, %add3A_1635 : i32
      %sub3A_1637 = arith.subi %add3A_1636, %while3A_1594 : i32
      %jit3A_1638 = arith.constant 8 : i32
      %div3A_1639 = arith.divsi %while3A_1593, %jit3A_1638 : i32
      %sign3A_1640 = arith.constant 0 : i32
      %sign3A_1641 = arith.cmpi sgt, %while3A_1593, %sign3A_1640 : i32
      %sign3A_1642 = arith.extui %sign3A_1641 : i1 to i32
      %sign3A_1643 = arith.constant 0 : i32
      %sign3A_1644 = arith.cmpi slt, %while3A_1593, %sign3A_1643 : i32
      %sign3A_1645 = arith.extui %sign3A_1644 : i1 to i32
      %sign3A_1646 = arith.subi %sign3A_1642, %sign3A_1645 : i32
      %sign3A_1647 = arith.constant 0 : i32
      %sign3A_1648 = arith.cmpi sgt, %jit3A_1638, %sign3A_1647 : i32
      %sign3A_1649 = arith.extui %sign3A_1648 : i1 to i32
      %sign3A_1650 = arith.constant 0 : i32
      %sign3A_1651 = arith.cmpi slt, %jit3A_1638, %sign3A_1650 : i32
      %sign3A_1652 = arith.extui %sign3A_1651 : i1 to i32
      %sign3A_1653 = arith.subi %sign3A_1649, %sign3A_1652 : i32
      %ne3A_1654 = arith.cmpi ne, %sign3A_1646, %sign3A_1653 : i32
      %rem3A_1655 = arith.remsi %while3A_1593, %jit3A_1638 : i32
      %ne3A_1656 = arith.constant 0 : i32
      %ne3A_1657 = arith.cmpi ne, %rem3A_1655, %ne3A_1656 : i32
      %and3A_1658 = arith.andi %ne3A_1654, %ne3A_1657 : i1
      %sub3A_1659 = arith.constant 1 : i32
      %sub3A_1660 = arith.subi %div3A_1639, %sub3A_1659 : i32
      %select_n3A_1661 = arith.select %and3A_1658, %sub3A_1660, %div3A_1639 : i32
      %add3A_1662 = arith.constant 8 : i32
      %add3A_1663 = arith.addi %select_n3A_1661, %add3A_1662 : i32
      %add3A_1664 = arith.constant 1 : i32
      %add3A_1665 = arith.addi %while3A_1593, %add3A_1664 : i32
      %add3A_1666 = arith.addi %while3A_1594, %add3A_1663 : i32
      %sub3A_1667 = arith.constant 1 : i32
      %sub3A_1668 = arith.subi %while3A_1593, %sub3A_1667 : i32
      %min3A_1669 = arith.minsi %add3A_1666, %sub3A_1668 : i32
      %mul3A_1670 = arith.constant 17 : i32
      %mul3A_1671 = arith.muli %mul3A_1670, %min3A_1669 : i32
      %jit3A_1672 = arith.constant 2 : i32
      %div3A_1673 = arith.divsi %add3A_1665, %jit3A_1672 : i32
      %sign3A_1674 = arith.constant 0 : i32
      %sign3A_1675 = arith.cmpi sgt, %add3A_1665, %sign3A_1674 : i32
      %sign3A_1676 = arith.extui %sign3A_1675 : i1 to i32
      %sign3A_1677 = arith.constant 0 : i32
      %sign3A_1678 = arith.cmpi slt, %add3A_1665, %sign3A_1677 : i32
      %sign3A_1679 = arith.extui %sign3A_1678 : i1 to i32
      %sign3A_1680 = arith.subi %sign3A_1676, %sign3A_1679 : i32
      %sign3A_1681 = arith.constant 0 : i32
      %sign3A_1682 = arith.cmpi sgt, %jit3A_1672, %sign3A_1681 : i32
      %sign3A_1683 = arith.extui %sign3A_1682 : i1 to i32
      %sign3A_1684 = arith.constant 0 : i32
      %sign3A_1685 = arith.cmpi slt, %jit3A_1672, %sign3A_1684 : i32
      %sign3A_1686 = arith.extui %sign3A_1685 : i1 to i32
      %sign3A_1687 = arith.subi %sign3A_1683, %sign3A_1686 : i32
      %ne3A_1688 = arith.cmpi ne, %sign3A_1680, %sign3A_1687 : i32
      %rem3A_1689 = arith.remsi %add3A_1665, %jit3A_1672 : i32
      %ne3A_1690 = arith.constant 0 : i32
      %ne3A_1691 = arith.cmpi ne, %rem3A_1689, %ne3A_1690 : i32
      %and3A_1692 = arith.andi %ne3A_1688, %ne3A_1691 : i1
      %sub3A_1693 = arith.constant 1 : i32
      %sub3A_1694 = arith.subi %div3A_1673, %sub3A_1693 : i32
      %select_n3A_1695 = arith.select %and3A_1692, %sub3A_1694, %div3A_1673 : i32
      %add3A_1696 = arith.addi %mul3A_1671, %select_n3A_1695 : i32
      %div3A_1697 = arith.divsi %add3A_1696, %add3A_1665 : i32
      %sign3A_1698 = arith.constant 0 : i32
      %sign3A_1699 = arith.cmpi sgt, %add3A_1696, %sign3A_1698 : i32
      %sign3A_1700 = arith.extui %sign3A_1699 : i1 to i32
      %sign3A_1701 = arith.constant 0 : i32
      %sign3A_1702 = arith.cmpi slt, %add3A_1696, %sign3A_1701 : i32
      %sign3A_1703 = arith.extui %sign3A_1702 : i1 to i32
      %sign3A_1704 = arith.subi %sign3A_1700, %sign3A_1703 : i32
      %sign3A_1705 = arith.constant 0 : i32
      %sign3A_1706 = arith.cmpi sgt, %add3A_1665, %sign3A_1705 : i32
      %sign3A_1707 = arith.extui %sign3A_1706 : i1 to i32
      %sign3A_1708 = arith.constant 0 : i32
      %sign3A_1709 = arith.cmpi slt, %add3A_1665, %sign3A_1708 : i32
      %sign3A_1710 = arith.extui %sign3A_1709 : i1 to i32
      %sign3A_1711 = arith.subi %sign3A_1707, %sign3A_1710 : i32
      %ne3A_1712 = arith.cmpi ne, %sign3A_1704, %sign3A_1711 : i32
      %rem3A_1713 = arith.remsi %add3A_1696, %add3A_1665 : i32
      %ne3A_1714 = arith.constant 0 : i32
      %ne3A_1715 = arith.cmpi ne, %rem3A_1713, %ne3A_1714 : i32
      %and3A_1716 = arith.andi %ne3A_1712, %ne3A_1715 : i1
      %sub3A_1717 = arith.constant 1 : i32
      %sub3A_1718 = arith.subi %div3A_1697, %sub3A_1717 : i32
      %select_n3A_1719 = arith.select %and3A_1716, %sub3A_1718, %div3A_1697 : i32
      %jit3A_1720 = arith.constant 1 : i32
      %jit3A_1721 = arith.constant 16 : i32
      %max3A_1722 = arith.maxsi %jit3A_1720, %select_n3A_1719 : i32
      %min3A_1723 = arith.minsi %jit3A_1721, %max3A_1722 : i32
      %sub3A_1724 = arith.constant 16 : i32
      %sub3A_1725 = arith.subi %sub3A_1724, %min3A_1723 : i32
      %add3A_1726 = arith.addi %sub3A_1637, %add3A_1663 : i32
      %sub3A_1727 = arith.constant 1 : i32
      %sub3A_1728 = arith.subi %while3A_1593, %sub3A_1727 : i32
      %min3A_1729 = arith.minsi %add3A_1726, %sub3A_1728 : i32
      %mul3A_1730 = arith.constant 17 : i32
      %mul3A_1731 = arith.muli %mul3A_1730, %min3A_1729 : i32
      %jit3A_1732 = arith.constant 2 : i32
      %div3A_1733 = arith.divsi %add3A_1665, %jit3A_1732 : i32
      %sign3A_1734 = arith.constant 0 : i32
      %sign3A_1735 = arith.cmpi sgt, %add3A_1665, %sign3A_1734 : i32
      %sign3A_1736 = arith.extui %sign3A_1735 : i1 to i32
      %sign3A_1737 = arith.constant 0 : i32
      %sign3A_1738 = arith.cmpi slt, %add3A_1665, %sign3A_1737 : i32
      %sign3A_1739 = arith.extui %sign3A_1738 : i1 to i32
      %sign3A_1740 = arith.subi %sign3A_1736, %sign3A_1739 : i32
      %sign3A_1741 = arith.constant 0 : i32
      %sign3A_1742 = arith.cmpi sgt, %jit3A_1732, %sign3A_1741 : i32
      %sign3A_1743 = arith.extui %sign3A_1742 : i1 to i32
      %sign3A_1744 = arith.constant 0 : i32
      %sign3A_1745 = arith.cmpi slt, %jit3A_1732, %sign3A_1744 : i32
      %sign3A_1746 = arith.extui %sign3A_1745 : i1 to i32
      %sign3A_1747 = arith.subi %sign3A_1743, %sign3A_1746 : i32
      %ne3A_1748 = arith.cmpi ne, %sign3A_1740, %sign3A_1747 : i32
      %rem3A_1749 = arith.remsi %add3A_1665, %jit3A_1732 : i32
      %ne3A_1750 = arith.constant 0 : i32
      %ne3A_1751 = arith.cmpi ne, %rem3A_1749, %ne3A_1750 : i32
      %and3A_1752 = arith.andi %ne3A_1748, %ne3A_1751 : i1
      %sub3A_1753 = arith.constant 1 : i32
      %sub3A_1754 = arith.subi %div3A_1733, %sub3A_1753 : i32
      %select_n3A_1755 = arith.select %and3A_1752, %sub3A_1754, %div3A_1733 : i32
      %add3A_1756 = arith.addi %mul3A_1731, %select_n3A_1755 : i32
      %div3A_1757 = arith.divsi %add3A_1756, %add3A_1665 : i32
      %sign3A_1758 = arith.constant 0 : i32
      %sign3A_1759 = arith.cmpi sgt, %add3A_1756, %sign3A_1758 : i32
      %sign3A_1760 = arith.extui %sign3A_1759 : i1 to i32
      %sign3A_1761 = arith.constant 0 : i32
      %sign3A_1762 = arith.cmpi slt, %add3A_1756, %sign3A_1761 : i32
      %sign3A_1763 = arith.extui %sign3A_1762 : i1 to i32
      %sign3A_1764 = arith.subi %sign3A_1760, %sign3A_1763 : i32
      %sign3A_1765 = arith.constant 0 : i32
      %sign3A_1766 = arith.cmpi sgt, %add3A_1665, %sign3A_1765 : i32
      %sign3A_1767 = arith.extui %sign3A_1766 : i1 to i32
      %sign3A_1768 = arith.constant 0 : i32
      %sign3A_1769 = arith.cmpi slt, %add3A_1665, %sign3A_1768 : i32
      %sign3A_1770 = arith.extui %sign3A_1769 : i1 to i32
      %sign3A_1771 = arith.subi %sign3A_1767, %sign3A_1770 : i32
      %ne3A_1772 = arith.cmpi ne, %sign3A_1764, %sign3A_1771 : i32
      %rem3A_1773 = arith.remsi %add3A_1756, %add3A_1665 : i32
      %ne3A_1774 = arith.constant 0 : i32
      %ne3A_1775 = arith.cmpi ne, %rem3A_1773, %ne3A_1774 : i32
      %and3A_1776 = arith.andi %ne3A_1772, %ne3A_1775 : i1
      %sub3A_1777 = arith.constant 1 : i32
      %sub3A_1778 = arith.subi %div3A_1757, %sub3A_1777 : i32
      %select_n3A_1779 = arith.select %and3A_1776, %sub3A_1778, %div3A_1757 : i32
      %jit3A_1780 = arith.constant 1 : i32
      %jit3A_1781 = arith.constant 16 : i32
      %max3A_1782 = arith.maxsi %jit3A_1780, %select_n3A_1779 : i32
      %min3A_1783 = arith.minsi %jit3A_1781, %max3A_1782 : i32
      %sub3A_1784 = arith.constant 1 : i32
      %sub3A_1785 = arith.subi %min3A_1783, %sub3A_1784 : i32
      %le3A = arith.cmpi sle, %while3A_1594, %sub3A_1637 : i32
      %select_n3A_1786 = arith.select %le3A, %sub3A_1725, %sub3A_1785 : i32
      %iota3A_1787 = tpu.iota {dimensions = array<i32: 0>} : vector<16xi32>
      %eq3A_1788 = vector.broadcast %select_n3A_1786 : i32 to vector<16xi32>
      %eq3A_1789 = arith.cmpi eq, %iota3A_1787, %eq3A_1788 : vector<16xi32>
      %jit3A_1790 = arith.constant 0xFF800000 : f32
      %broadcast_in_dim3A_1791 = vector.broadcast %jit3A_1790 : f32 to vector<16xf32>
      %select_n3A_1792 = arith.select %eq3A_1789, %sort3A_1633, %broadcast_in_dim3A_1791 : vector<16xi1>, vector<16xf32>
      %reduce_max3A_1793 = arith.constant true
      %reduce_max3A_1794 = vector.broadcast %reduce_max3A_1793 : i1 to vector<16xi1>
      %reduce_max3A_1795 = tpu.scan <max>, %select_n3A_1792 masked %reduce_max3A_1794 : vector<16xf32>, vector<16xi1> -> vector<16xf32>
      %reduce_max3A_1796 = vector.extract %reduce_max3A_1795[15] : f32 from vector<16xf32>
      %broadcast_in_dim3A_1797 = vector.broadcast %reduce_max3A_1796 : f32 to vector<16xf32>
      %mul3A_1798 = arith.constant 16384 : i32
      %mul3A_1799 = arith.muli %while3A_1596, %mul3A_1798 : i32
      %add3A_1800 = arith.constant 40960 : i32
      %add3A_1801 = arith.addi %add3A_1800, %mul3A_1799 : i32
      %eq3A_1802 = arith.constant 0 : i32
      %eq3A_1803 = arith.cmpi eq, %while3A_1596, %eq3A_1802 : i32
      %add3A_1804 = arith.constant 8192 : i32
      %add3A_1805 = arith.addi %add3A_1801, %add3A_1804 : i32
      %jit3A_1806 = arith.constant 32768 : i32
      %select_n3A_1807 = arith.select %eq3A_1803, %add3A_1805, %jit3A_1806 : i32
      %broadcast_in_dim3A_1808 = arith.constant 0 : i32
      %broadcast_in_dim3A_1809 = vector.broadcast %broadcast_in_dim3A_1808 : i32 to vector<16xi32>
      %broadcast_in_dim3A_1810 = arith.constant 0.000000e+00 : f32
      %broadcast_in_dim3A_1811 = vector.broadcast %broadcast_in_dim3A_1810 : f32 to vector<16xf32>
      %add3A_1812 = arith.constant 15 : i32
      %add3A_1813 = arith.addi %while3A_1593, %add3A_1812 : i32
      %jit3A_1814 = arith.constant 16 : i32
      %div3A_1815 = arith.divsi %add3A_1813, %jit3A_1814 : i32
      %sign3A_1816 = arith.constant 0 : i32
      %sign3A_1817 = arith.cmpi sgt, %add3A_1813, %sign3A_1816 : i32
      %sign3A_1818 = arith.extui %sign3A_1817 : i1 to i32
      %sign3A_1819 = arith.constant 0 : i32
      %sign3A_1820 = arith.cmpi slt, %add3A_1813, %sign3A_1819 : i32
      %sign3A_1821 = arith.extui %sign3A_1820 : i1 to i32
      %sign3A_1822 = arith.subi %sign3A_1818, %sign3A_1821 : i32
      %sign3A_1823 = arith.constant 0 : i32
      %sign3A_1824 = arith.cmpi sgt, %jit3A_1814, %sign3A_1823 : i32
      %sign3A_1825 = arith.extui %sign3A_1824 : i1 to i32
      %sign3A_1826 = arith.constant 0 : i32
      %sign3A_1827 = arith.cmpi slt, %jit3A_1814, %sign3A_1826 : i32
      %sign3A_1828 = arith.extui %sign3A_1827 : i1 to i32
      %sign3A_1829 = arith.subi %sign3A_1825, %sign3A_1828 : i32
      %ne3A_1830 = arith.cmpi ne, %sign3A_1822, %sign3A_1829 : i32
      %rem3A_1831 = arith.remsi %add3A_1813, %jit3A_1814 : i32
      %ne3A_1832 = arith.constant 0 : i32
      %ne3A_1833 = arith.cmpi ne, %rem3A_1831, %ne3A_1832 : i32
      %and3A_1834 = arith.andi %ne3A_1830, %ne3A_1833 : i1
      %sub3A_1835 = arith.constant 1 : i32
      %sub3A_1836 = arith.subi %div3A_1815, %sub3A_1835 : i32
      %select_n3A_1837 = arith.select %and3A_1834, %sub3A_1836, %div3A_1815 : i32
      %while3A_1838 = arith.constant 0 : i32
      %while3A_1839 = arith.subi %select_n3A_1837, %while3A_1838 : i32
      %while3A_1840 = arith.addi %while3A_1838, %while3A_1839 : i32
      %while3A_1841 = arith.constant 1 : i32
      %while3A_1842 = arith.divsi %while3A_1839, %while3A_1841 : i32
      %while3A_1843 = arith.muli %while3A_1842, %while3A_1841 : i32
      %while3A_1844 = arith.addi %while3A_1838, %while3A_1843 : i32
      %while3A_1845 = arith.constant 1 : i32
      %while3A_1846:3 = scf.for %while3A_1898 = %while3A_1838 to %while3A_1844 step %while3A_1845 iter_args(%while3A_1899 = %broadcast_in_dim3A_1809, %while3A_1900 = %broadcast_in_dim3A_1809, %while3A_1901 = %broadcast_in_dim3A_1811) -> (vector<16xi32>, vector<16xi32>, vector<16xf32>)  : i32 {
        %mul3A_1902 = arith.constant 16 : i32
        %mul3A_1903 = arith.muli %while3A_1898, %mul3A_1902 : i32
        %add3A_1904 = arith.addi %while3A_1595, %mul3A_1903 : i32
        %get3A_1905 = arith.index_cast %add3A_1904 : i32 to index
        %get3A_1906 = tpu.vector_load %arg4[%get3A_1905] {strides = array<i32>} : memref<65536xf32, #tpu.memory_space<vmem>>, vector<16xf32>,
        %mul3A_1907 = arith.constant 16 : i32
        %mul3A_1908 = arith.muli %while3A_1898, %mul3A_1907 : i32
        %add3A_1909 = vector.broadcast %mul3A_1908 : i32 to vector<16xi32>
        %add3A_1910 = arith.addi %add3A_1909, %iota3A_381 : vector<16xi32>
        %lt3A_1911 = vector.broadcast %while3A_1593 : i32 to vector<16xi32>
        %lt3A_1912 = arith.cmpi slt, %add3A_1910, %lt3A_1911 : vector<16xi32>
        %gt3A_1913 = arith.cmpf ogt, %get3A_1906, %broadcast_in_dim3A_1797 : vector<16xf32>
        %and3A_1914 = arith.andi %gt3A_1913, %lt3A_1912 : vector<16xi1>
        %lt3A_1915 = arith.cmpf olt, %get3A_1906, %broadcast_in_dim3A_1797 : vector<16xf32>
        %and3A_1916 = arith.andi %lt3A_1915, %lt3A_1912 : vector<16xi1>
        %convert_element_type3A_1917 = arith.extui %and3A_1914 : vector<16xi1> to vector<16xi32>
        %convert_element_type3A_1918 = arith.extui %and3A_1916 : vector<16xi1> to vector<16xi32>
        %broadcast_in_dim3A_1919 = arith.constant true
        %broadcast_in_dim3A_1920 = vector.broadcast %broadcast_in_dim3A_1919 : i1 to vector<16xi1>
        %masked_cumsum3A = tpu.scan <sum>, %convert_element_type3A_1917 masked %broadcast_in_dim3A_1920 : vector<16xi32>, vector<16xi1> -> vector<16xi32>
        %broadcast_in_dim3A_1921 = arith.constant true
        %broadcast_in_dim3A_1922 = vector.broadcast %broadcast_in_dim3A_1921 : i1 to vector<16xi1>
        %masked_cumsum3A_1923 = tpu.scan <sum>, %convert_element_type3A_1918 masked %broadcast_in_dim3A_1922 : vector<16xi32>, vector<16xi1> -> vector<16xi32>
        %add3A_1924 = vector.broadcast %add3A_1801 : i32 to vector<16xi32>
        %add3A_1925 = arith.addi %add3A_1924, %while3A_1899 : vector<16xi32>
        %add3A_1926 = arith.addi %add3A_1925, %masked_cumsum3A : vector<16xi32>
        %sub3A_1927 = arith.subi %add3A_1926, %convert_element_type3A_1917 : vector<16xi32>
        tpu.vector_store_idx %arg4[%sub3A_1927], %get3A_1906 masked %and3A_1914 : memref<65536xf32, #tpu.memory_space<vmem>>[vector<16xi32>], vector<16xf32>, vector<16xi1>
        %add3A_1928 = vector.broadcast %select_n3A_1807 : i32 to vector<16xi32>
        %add3A_1929 = arith.addi %add3A_1928, %while3A_1900 : vector<16xi32>
        %add3A_1930 = arith.addi %add3A_1929, %masked_cumsum3A_1923 : vector<16xi32>
        %sub3A_1931 = arith.subi %add3A_1930, %convert_element_type3A_1918 : vector<16xi32>
        tpu.vector_store_idx %arg4[%sub3A_1931], %get3A_1906 masked %and3A_1916 : memref<65536xf32, #tpu.memory_space<vmem>>[vector<16xi32>], vector<16xf32>, vector<16xi1>
        %all_reduce_population_count3A_1932 = tpu.all_reduce %and3A_1914 {dim = 0 : i64, kind = #tpu.reduction_kind<sum>} : vector<16xi1> -> vector<16xi32>
        %add3A_1933 = arith.addi %while3A_1899, %all_reduce_population_count3A_1932 : vector<16xi32>
        %all_reduce_population_count3A_1934 = tpu.all_reduce %and3A_1916 {dim = 0 : i64, kind = #tpu.reduction_kind<sum>} : vector<16xi1> -> vector<16xi32>
        %add3A_1935 = arith.addi %while3A_1900, %all_reduce_population_count3A_1934 : vector<16xi32>
        %jit3A_1936 = arith.constant 0.000000e+00 : f32
        %broadcast_in_dim3A_1937 = vector.broadcast %jit3A_1936 : f32 to vector<16xf32>
        %select_n3A_1938 = arith.select %and3A_1914, %get3A_1906, %broadcast_in_dim3A_1937 : vector<16xi1>, vector<16xf32>
        %add3A_1939 = arith.addf %while3A_1901, %select_n3A_1938 : vector<16xf32>
        scf.yield %add3A_1933, %add3A_1935, %add3A_1939 : vector<16xi32>, vector<16xi32>, vector<16xf32>
      }
      %while3A_1847 = arith.constant 1 : i32
      %while3A_1848:3 = scf.for %while3A_1898 = %while3A_1844 to %while3A_1840 step %while3A_1847 iter_args(%while3A_1899 = %while3A_1846#0, %while3A_1900 = %while3A_1846#1, %while3A_1901 = %while3A_1846#2) -> (vector<16xi32>, vector<16xi32>, vector<16xf32>)  : i32 {
        %mul3A_1902 = arith.constant 16 : i32
        %mul3A_1903 = arith.muli %while3A_1898, %mul3A_1902 : i32
        %add3A_1904 = arith.addi %while3A_1595, %mul3A_1903 : i32
        %get3A_1905 = arith.index_cast %add3A_1904 : i32 to index
        %get3A_1906 = tpu.vector_load %arg4[%get3A_1905] {strides = array<i32>} : memref<65536xf32, #tpu.memory_space<vmem>>, vector<16xf32>,
        %mul3A_1907 = arith.constant 16 : i32
        %mul3A_1908 = arith.muli %while3A_1898, %mul3A_1907 : i32
        %add3A_1909 = vector.broadcast %mul3A_1908 : i32 to vector<16xi32>
        %add3A_1910 = arith.addi %add3A_1909, %iota3A_381 : vector<16xi32>
        %lt3A_1911 = vector.broadcast %while3A_1593 : i32 to vector<16xi32>
        %lt3A_1912 = arith.cmpi slt, %add3A_1910, %lt3A_1911 : vector<16xi32>
        %gt3A_1913 = arith.cmpf ogt, %get3A_1906, %broadcast_in_dim3A_1797 : vector<16xf32>
        %and3A_1914 = arith.andi %gt3A_1913, %lt3A_1912 : vector<16xi1>
        %lt3A_1915 = arith.cmpf olt, %get3A_1906, %broadcast_in_dim3A_1797 : vector<16xf32>
        %and3A_1916 = arith.andi %lt3A_1915, %lt3A_1912 : vector<16xi1>
        %convert_element_type3A_1917 = arith.extui %and3A_1914 : vector<16xi1> to vector<16xi32>
        %convert_element_type3A_1918 = arith.extui %and3A_1916 : vector<16xi1> to vector<16xi32>
        %broadcast_in_dim3A_1919 = arith.constant true
        %broadcast_in_dim3A_1920 = vector.broadcast %broadcast_in_dim3A_1919 : i1 to vector<16xi1>
        %masked_cumsum3A = tpu.scan <sum>, %convert_element_type3A_1917 masked %broadcast_in_dim3A_1920 : vector<16xi32>, vector<16xi1> -> vector<16xi32>
        %broadcast_in_dim3A_1921 = arith.constant true
        %broadcast_in_dim3A_1922 = vector.broadcast %broadcast_in_dim3A_1921 : i1 to vector<16xi1>
        %masked_cumsum3A_1923 = tpu.scan <sum>, %convert_element_type3A_1918 masked %broadcast_in_dim3A_1922 : vector<16xi32>, vector<16xi1> -> vector<16xi32>
        %add3A_1924 = vector.broadcast %add3A_1801 : i32 to vector<16xi32>
        %add3A_1925 = arith.addi %add3A_1924, %while3A_1899 : vector<16xi32>
        %add3A_1926 = arith.addi %add3A_1925, %masked_cumsum3A : vector<16xi32>
        %sub3A_1927 = arith.subi %add3A_1926, %convert_element_type3A_1917 : vector<16xi32>
        tpu.vector_store_idx %arg4[%sub3A_1927], %get3A_1906 masked %and3A_1914 : memref<65536xf32, #tpu.memory_space<vmem>>[vector<16xi32>], vector<16xf32>, vector<16xi1>
        %add3A_1928 = vector.broadcast %select_n3A_1807 : i32 to vector<16xi32>
        %add3A_1929 = arith.addi %add3A_1928, %while3A_1900 : vector<16xi32>
        %add3A_1930 = arith.addi %add3A_1929, %masked_cumsum3A_1923 : vector<16xi32>
        %sub3A_1931 = arith.subi %add3A_1930, %convert_element_type3A_1918 : vector<16xi32>
        tpu.vector_store_idx %arg4[%sub3A_1931], %get3A_1906 masked %and3A_1916 : memref<65536xf32, #tpu.memory_space<vmem>>[vector<16xi32>], vector<16xf32>, vector<16xi1>
        %all_reduce_population_count3A_1932 = tpu.all_reduce %and3A_1914 {dim = 0 : i64, kind = #tpu.reduction_kind<sum>} : vector<16xi1> -> vector<16xi32>
        %add3A_1933 = arith.addi %while3A_1899, %all_reduce_population_count3A_1932 : vector<16xi32>
        %all_reduce_population_count3A_1934 = tpu.all_reduce %and3A_1916 {dim = 0 : i64, kind = #tpu.reduction_kind<sum>} : vector<16xi1> -> vector<16xi32>
        %add3A_1935 = arith.addi %while3A_1900, %all_reduce_population_count3A_1934 : vector<16xi32>
        %jit3A_1936 = arith.constant 0.000000e+00 : f32
        %broadcast_in_dim3A_1937 = vector.broadcast %jit3A_1936 : f32 to vector<16xf32>
        %select_n3A_1938 = arith.select %and3A_1914, %get3A_1906, %broadcast_in_dim3A_1937 : vector<16xi1>, vector<16xf32>
        %add3A_1939 = arith.addf %while3A_1901, %select_n3A_1938 : vector<16xf32>
        scf.yield %add3A_1933, %add3A_1935, %add3A_1939 : vector<16xi32>, vector<16xi32>, vector<16xf32>
      }
      %reduce_max3A_1849 = arith.constant true
      %reduce_max3A_1850 = vector.broadcast %reduce_max3A_1849 : i1 to vector<16xi1>
      %reduce_max3A_1851 = arith.constant -2147483648 : i32
      %reduce_max3A_1852 = vector.broadcast %reduce_max3A_1851 : i32 to vector<16xi32>
      %reduce_max3A_1853 = arith.xori %while3A_1848#0, %reduce_max3A_1852 : vector<16xi32>
      %reduce_max3A_1854 = tpu.scan <max>, %reduce_max3A_1853 masked %reduce_max3A_1850 : vector<16xi32>, vector<16xi1> -> vector<16xi32>
      %reduce_max3A_1855 = arith.xori %reduce_max3A_1854, %reduce_max3A_1852 : vector<16xi32>
      %reduce_max3A_1856 = vector.extract %reduce_max3A_1855[15] : i32 from vector<16xi32>
      %reduce_max3A_1857 = arith.constant true
      %reduce_max3A_1858 = vector.broadcast %reduce_max3A_1857 : i1 to vector<16xi1>
      %reduce_max3A_1859 = arith.constant -2147483648 : i32
      %reduce_max3A_1860 = vector.broadcast %reduce_max3A_1859 : i32 to vector<16xi32>
      %reduce_max3A_1861 = arith.xori %while3A_1848#1, %reduce_max3A_1860 : vector<16xi32>
      %reduce_max3A_1862 = tpu.scan <max>, %reduce_max3A_1861 masked %reduce_max3A_1858 : vector<16xi32>, vector<16xi1> -> vector<16xi32>
      %reduce_max3A_1863 = arith.xori %reduce_max3A_1862, %reduce_max3A_1860 : vector<16xi32>
      %reduce_max3A_1864 = vector.extract %reduce_max3A_1863[15] : i32 from vector<16xi32>
      %reduce_sum3A_1865 = arith.constant true
      %reduce_sum3A_1866 = vector.broadcast %reduce_sum3A_1865 : i1 to vector<16xi1>
      %reduce_sum3A_1867 = tpu.scan <sum>, %while3A_1848#2 masked %reduce_sum3A_1866 : vector<16xf32>, vector<16xi1> -> vector<16xf32>
      %reduce_sum3A_1868 = vector.extract %reduce_sum3A_1867[15] : f32 from vector<16xf32>
      %sub3A_1869 = arith.subi %while3A_1593, %reduce_max3A_1856 : i32
      %sub3A_1870 = arith.subi %sub3A_1869, %reduce_max3A_1864 : i32
      %le3A_1871 = arith.cmpi sle, %while3A_1594, %reduce_max3A_1856 : i32
      %not3A = arith.constant true
      %not3A_1872 = arith.xori %le3A_1871, %not3A : i1
      %add3A_1873 = arith.addi %reduce_max3A_1856, %sub3A_1870 : i32
      %le3A_1874 = arith.cmpi sle, %while3A_1594, %add3A_1873 : i32
      %and3A_1875 = arith.andi %not3A_1872, %le3A_1874 : i1
      %select_n3A_1876 = arith.select %and3A_1875, %reduce_max3A_1796, %while3A_1598 : f32
      %convert_element_type3A_1877 = arith.sitofp %sub3A_1870 : i32 to f32
      %mul3A_1878 = arith.mulf %reduce_max3A_1796, %convert_element_type3A_1877 : f32
      %add3A_1879 = arith.addf %reduce_sum3A_1868, %mul3A_1878 : f32
      %select_n3A_1880 = arith.select %and3A_1875, %reduce_sum3A_1868, %add3A_1879 : f32
      %jit3A_1881 = arith.constant 0.000000e+00 : f32
      %select_n3A_1882 = arith.select %le3A_1871, %jit3A_1881, %select_n3A_1880 : f32
      %add3A_1883 = arith.addi %reduce_max3A_1856, %sub3A_1870 : i32
      %select_n3A_1884 = arith.select %and3A_1875, %reduce_max3A_1856, %add3A_1883 : i32
      %jit3A_1885 = arith.constant 0 : i32
      %select_n3A_1886 = arith.select %le3A_1871, %jit3A_1885, %select_n3A_1884 : i32
      %select_n3A_1887 = arith.select %le3A_1871, %reduce_max3A_1856, %reduce_max3A_1864 : i32
      %add3A_1888 = arith.addi %reduce_max3A_1856, %sub3A_1870 : i32
      %sub3A_1889 = arith.subi %while3A_1594, %add3A_1888 : i32
      %select_n3A_1890 = arith.select %le3A_1871, %while3A_1594, %sub3A_1889 : i32
      %select_n3A_1891 = arith.select %le3A_1871, %add3A_1801, %select_n3A_1807 : i32
      %jit3A_1892 = arith.constant 1 : i32
      %select_n3A_1893 = arith.select %and3A_1875, %jit3A_1892, %while3A_1597 : i32
      %sub3A_1894 = arith.constant 1 : i32
      %sub3A_1895 = arith.subi %sub3A_1894, %while3A_1596 : i32
      %add3A_1896 = arith.addf %while3A_1599, %select_n3A_1882 : f32
      %add3A_1897 = arith.addi %while3A_1600, %select_n3A_1886 : i32
      scf.yield %select_n3A_1887, %select_n3A_1890, %select_n3A_1891, %sub3A_1895, %select_n3A_1893, %select_n3A_1876, %add3A_1896, %add3A_1897 : i32, i32, i32, i32, i32, f32, f32, i32
    }
    %add3A_489 = arith.constant 0 : i32
    %add3A_490 = arith.addi %while3A_488#2, %add3A_489 : i32
    %get3A_491 = arith.index_cast %add3A_490 : i32 to index
    %get3A_492 = tpu.vector_load %arg4[%get3A_491] {strides = array<i32>} : memref<65536xf32, #tpu.memory_space<vmem>>, vector<16xf32>,
    %add3A_493 = arith.constant 0 : i32
    %add3A_494 = vector.broadcast %add3A_493 : i32 to vector<16xi32>
    %add3A_495 = arith.addi %iota3A_381, %add3A_494 : vector<16xi32>
    %lt3A_496 = vector.broadcast %while3A_488#0 : i32 to vector<16xi32>
    %lt3A_497 = arith.cmpi slt, %add3A_495, %lt3A_496 : vector<16xi32>
    %jit3A_498 = arith.constant 0xFF800000 : f32
    %broadcast_in_dim3A_499 = vector.broadcast %jit3A_498 : f32 to vector<16xf32>
    %select_n3A_500 = arith.select %lt3A_497, %get3A_492, %broadcast_in_dim3A_499 : vector<16xi1>, vector<16xf32>
    %add3A_501 = arith.constant 16 : i32
    %add3A_502 = arith.addi %while3A_488#2, %add3A_501 : i32
    %get3A_503 = arith.index_cast %add3A_502 : i32 to index
    %get3A_504 = tpu.vector_load %arg4[%get3A_503] {strides = array<i32>} : memref<65536xf32, #tpu.memory_space<vmem>>, vector<16xf32>,
    %add3A_505 = arith.constant 16 : i32
    %add3A_506 = vector.broadcast %add3A_505 : i32 to vector<16xi32>
    %add3A_507 = arith.addi %iota3A_381, %add3A_506 : vector<16xi32>
    %lt3A_508 = vector.broadcast %while3A_488#0 : i32 to vector<16xi32>
    %lt3A_509 = arith.cmpi slt, %add3A_507, %lt3A_508 : vector<16xi32>
    %jit3A_510 = arith.constant 0xFF800000 : f32
    %broadcast_in_dim3A_511 = vector.broadcast %jit3A_510 : f32 to vector<16xf32>
    %select_n3A_512 = arith.select %lt3A_509, %get3A_504, %broadcast_in_dim3A_511 : vector<16xi1>, vector<16xf32>
    %add3A_513 = arith.constant 32 : i32
    %add3A_514 = arith.addi %while3A_488#2, %add3A_513 : i32
    %get3A_515 = arith.index_cast %add3A_514 : i32 to index
    %get3A_516 = tpu.vector_load %arg4[%get3A_515] {strides = array<i32>} : memref<65536xf32, #tpu.memory_space<vmem>>, vector<16xf32>,
    %add3A_517 = arith.constant 32 : i32
    %add3A_518 = vector.broadcast %add3A_517 : i32 to vector<16xi32>
    %add3A_519 = arith.addi %iota3A_381, %add3A_518 : vector<16xi32>
    %lt3A_520 = vector.broadcast %while3A_488#0 : i32 to vector<16xi32>
    %lt3A_521 = arith.cmpi slt, %add3A_519, %lt3A_520 : vector<16xi32>
    %jit3A_522 = arith.constant 0xFF800000 : f32
    %broadcast_in_dim3A_523 = vector.broadcast %jit3A_522 : f32 to vector<16xf32>
    %select_n3A_524 = arith.select %lt3A_521, %get3A_516, %broadcast_in_dim3A_523 : vector<16xi1>, vector<16xf32>
    %add3A_525 = arith.constant 48 : i32
    %add3A_526 = arith.addi %while3A_488#2, %add3A_525 : i32
    %get3A_527 = arith.index_cast %add3A_526 : i32 to index
    %get3A_528 = tpu.vector_load %arg4[%get3A_527] {strides = array<i32>} : memref<65536xf32, #tpu.memory_space<vmem>>, vector<16xf32>,
    %add3A_529 = arith.constant 48 : i32
    %add3A_530 = vector.broadcast %add3A_529 : i32 to vector<16xi32>
    %add3A_531 = arith.addi %iota3A_381, %add3A_530 : vector<16xi32>
    %lt3A_532 = vector.broadcast %while3A_488#0 : i32 to vector<16xi32>
    %lt3A_533 = arith.cmpi slt, %add3A_531, %lt3A_532 : vector<16xi32>
    %jit3A_534 = arith.constant 0xFF800000 : f32
    %broadcast_in_dim3A_535 = vector.broadcast %jit3A_534 : f32 to vector<16xf32>
    %select_n3A_536 = arith.select %lt3A_533, %get3A_528, %broadcast_in_dim3A_535 : vector<16xi1>, vector<16xf32>
    %sort3A_537 = arith.constant dense<true> : vector<16xi1>
    %sort3A_538, %sort3A_539, %sort3A_540 = tpu.sort %select_n3A_500, %select_n3A_500 masked %sort3A_537 : (vector<16xf32>, vector<16xf32>, vector<16xi1>) -> (vector<16xi1>, vector<16xf32>, vector<16xf32>)
    %sort3A_541 = arith.constant dense<true> : vector<16xi1>
    %sort3A_542, %sort3A_543, %sort3A_544 = tpu.sort %select_n3A_512, %select_n3A_512 masked %sort3A_541 : (vector<16xf32>, vector<16xf32>, vector<16xi1>) -> (vector<16xi1>, vector<16xf32>, vector<16xf32>)
    %rev3A_545 = arith.constant 15 : i32
    %rev3A_546 = vector.broadcast %rev3A_545 : i32 to vector<16xi32>
    %rev3A_547 = tpu.iota {dimensions = array<i32: 0>} : vector<16xi32>
    %rev3A_548 = arith.subi %rev3A_546, %rev3A_547 : vector<16xi32>
    %rev3A_549 = tpu.dynamic_gather %sort3A_543[%rev3A_548] in [0] : vector<16xf32>, vector<16xi32> -> vector<16xf32>
    %min3A_550 = arith.minimumf %sort3A_539, %rev3A_549 : vector<16xf32>
    %sort3A_551 = arith.constant dense<true> : vector<16xi1>
    %sort3A_552, %sort3A_553, %sort3A_554 = tpu.sort %min3A_550, %min3A_550 masked %sort3A_551 : (vector<16xf32>, vector<16xf32>, vector<16xi1>) -> (vector<16xi1>, vector<16xf32>, vector<16xf32>)
    %max3A_555 = arith.maximumf %sort3A_539, %rev3A_549 : vector<16xf32>
    %sort3A_556 = arith.constant dense<true> : vector<16xi1>
    %sort3A_557, %sort3A_558, %sort3A_559 = tpu.sort %max3A_555, %max3A_555 masked %sort3A_556 : (vector<16xf32>, vector<16xf32>, vector<16xi1>) -> (vector<16xi1>, vector<16xf32>, vector<16xf32>)
    %sort3A_560 = arith.constant dense<true> : vector<16xi1>
    %sort3A_561, %sort3A_562, %sort3A_563 = tpu.sort %select_n3A_524, %select_n3A_524 masked %sort3A_560 : (vector<16xf32>, vector<16xf32>, vector<16xi1>) -> (vector<16xi1>, vector<16xf32>, vector<16xf32>)
    %sort3A_564 = arith.constant dense<true> : vector<16xi1>
    %sort3A_565, %sort3A_566, %sort3A_567 = tpu.sort %select_n3A_536, %select_n3A_536 masked %sort3A_564 : (vector<16xf32>, vector<16xf32>, vector<16xi1>) -> (vector<16xi1>, vector<16xf32>, vector<16xf32>)
    %rev3A_568 = arith.constant 15 : i32
    %rev3A_569 = vector.broadcast %rev3A_568 : i32 to vector<16xi32>
    %rev3A_570 = tpu.iota {dimensions = array<i32: 0>} : vector<16xi32>
    %rev3A_571 = arith.subi %rev3A_569, %rev3A_570 : vector<16xi32>
    %rev3A_572 = tpu.dynamic_gather %sort3A_566[%rev3A_571] in [0] : vector<16xf32>, vector<16xi32> -> vector<16xf32>
    %min3A_573 = arith.minimumf %sort3A_562, %rev3A_572 : vector<16xf32>
    %sort3A_574 = arith.constant dense<true> : vector<16xi1>
    %sort3A_575, %sort3A_576, %sort3A_577 = tpu.sort %min3A_573, %min3A_573 masked %sort3A_574 : (vector<16xf32>, vector<16xf32>, vector<16xi1>) -> (vector<16xi1>, vector<16xf32>, vector<16xf32>)
    %max3A_578 = arith.maximumf %sort3A_562, %rev3A_572 : vector<16xf32>
    %sort3A_579 = arith.constant dense<true> : vector<16xi1>
    %sort3A_580, %sort3A_581, %sort3A_582 = tpu.sort %max3A_578, %max3A_578 masked %sort3A_579 : (vector<16xf32>, vector<16xf32>, vector<16xi1>) -> (vector<16xi1>, vector<16xf32>, vector<16xf32>)
    %rev3A_583 = arith.constant 15 : i32
    %rev3A_584 = vector.broadcast %rev3A_583 : i32 to vector<16xi32>
    %rev3A_585 = tpu.iota {dimensions = array<i32: 0>} : vector<16xi32>
    %rev3A_586 = arith.subi %rev3A_584, %rev3A_585 : vector<16xi32>
    %rev3A_587 = tpu.dynamic_gather %sort3A_581[%rev3A_586] in [0] : vector<16xf32>, vector<16xi32> -> vector<16xf32>
    %rev3A_588 = arith.constant 15 : i32
    %rev3A_589 = vector.broadcast %rev3A_588 : i32 to vector<16xi32>
    %rev3A_590 = tpu.iota {dimensions = array<i32: 0>} : vector<16xi32>
    %rev3A_591 = arith.subi %rev3A_589, %rev3A_590 : vector<16xi32>
    %rev3A_592 = tpu.dynamic_gather %sort3A_576[%rev3A_591] in [0] : vector<16xf32>, vector<16xi32> -> vector<16xf32>
    %min3A_593 = arith.minimumf %sort3A_553, %rev3A_587 : vector<16xf32>
    %min3A_594 = arith.minimumf %sort3A_558, %rev3A_592 : vector<16xf32>
    %max3A_595 = arith.maximumf %sort3A_553, %rev3A_587 : vector<16xf32>
    %max3A_596 = arith.maximumf %sort3A_558, %rev3A_592 : vector<16xf32>
    %min3A_597 = arith.minimumf %min3A_593, %min3A_594 : vector<16xf32>
    %sort3A_598 = arith.constant dense<true> : vector<16xi1>
    %sort3A_599, %sort3A_600, %sort3A_601 = tpu.sort %min3A_597, %min3A_597 masked %sort3A_598 : (vector<16xf32>, vector<16xf32>, vector<16xi1>) -> (vector<16xi1>, vector<16xf32>, vector<16xf32>)
    %max3A_602 = arith.maximumf %min3A_593, %min3A_594 : vector<16xf32>
    %sort3A_603 = arith.constant dense<true> : vector<16xi1>
    %sort3A_604, %sort3A_605, %sort3A_606 = tpu.sort %max3A_602, %max3A_602 masked %sort3A_603 : (vector<16xf32>, vector<16xf32>, vector<16xi1>) -> (vector<16xi1>, vector<16xf32>, vector<16xf32>)
    %min3A_607 = arith.minimumf %max3A_595, %max3A_596 : vector<16xf32>
    %sort3A_608 = arith.constant dense<true> : vector<16xi1>
    %sort3A_609, %sort3A_610, %sort3A_611 = tpu.sort %min3A_607, %min3A_607 masked %sort3A_608 : (vector<16xf32>, vector<16xf32>, vector<16xi1>) -> (vector<16xi1>, vector<16xf32>, vector<16xf32>)
    %max3A_612 = arith.maximumf %max3A_595, %max3A_596 : vector<16xf32>
    %sort3A_613 = arith.constant dense<true> : vector<16xi1>
    %sort3A_614, %sort3A_615, %sort3A_616 = tpu.sort %max3A_612, %max3A_612 masked %sort3A_613 : (vector<16xf32>, vector<16xf32>, vector<16xi1>) -> (vector<16xi1>, vector<16xf32>, vector<16xf32>)
    %sub3A_617 = arith.constant 64 : i32
    %sub3A_618 = arith.subi %sub3A_617, %while3A_488#1 : i32
    %jit3A_619 = arith.constant 16 : i32
    %div3A_620 = arith.divsi %sub3A_618, %jit3A_619 : i32
    %sign3A_621 = arith.constant 0 : i32
    %sign3A_622 = arith.cmpi sgt, %sub3A_618, %sign3A_621 : i32
    %sign3A_623 = arith.extui %sign3A_622 : i1 to i32
    %sign3A_624 = arith.constant 0 : i32
    %sign3A_625 = arith.cmpi slt, %sub3A_618, %sign3A_624 : i32
    %sign3A_626 = arith.extui %sign3A_625 : i1 to i32
    %sign3A_627 = arith.subi %sign3A_623, %sign3A_626 : i32
    %sign3A_628 = arith.constant 0 : i32
    %sign3A_629 = arith.cmpi sgt, %jit3A_619, %sign3A_628 : i32
    %sign3A_630 = arith.extui %sign3A_629 : i1 to i32
    %sign3A_631 = arith.constant 0 : i32
    %sign3A_632 = arith.cmpi slt, %jit3A_619, %sign3A_631 : i32
    %sign3A_633 = arith.extui %sign3A_632 : i1 to i32
    %sign3A_634 = arith.subi %sign3A_630, %sign3A_633 : i32
    %ne3A_635 = arith.cmpi ne, %sign3A_627, %sign3A_634 : i32
    %rem3A_636 = arith.remsi %sub3A_618, %jit3A_619 : i32
    %ne3A_637 = arith.constant 0 : i32
    %ne3A_638 = arith.cmpi ne, %rem3A_636, %ne3A_637 : i32
    %and3A_639 = arith.andi %ne3A_635, %ne3A_638 : i1
    %sub3A_640 = arith.constant 1 : i32
    %sub3A_641 = arith.subi %div3A_620, %sub3A_640 : i32
    %select_n3A_642 = arith.select %and3A_639, %sub3A_641, %div3A_620 : i32
    %jit3A_643 = arith.constant 16 : i32
    %eq3A_644 = arith.constant 0 : i32
    %eq3A_645 = arith.cmpi eq, %jit3A_643, %eq3A_644 : i32
    %jit3A_646 = arith.constant 1 : i32
    %select_n3A_647 = arith.select %eq3A_645, %jit3A_646, %jit3A_643 : i32
    %rem3A_648 = arith.remsi %sub3A_618, %select_n3A_647 : i32
    %ne3A_649 = arith.constant 0 : i32
    %ne3A_650 = arith.cmpi ne, %rem3A_648, %ne3A_649 : i32
    %lt3A_651 = arith.constant 0 : i32
    %lt3A_652 = arith.cmpi slt, %rem3A_648, %lt3A_651 : i32
    %lt3A_653 = arith.constant 0 : i32
    %lt3A_654 = arith.cmpi slt, %select_n3A_647, %lt3A_653 : i32
    %ne3A_655 = arith.xori %lt3A_652, %lt3A_654 : i1
    %and3A_656 = arith.andi %ne3A_655, %ne3A_650 : i1
    %add3A_657 = arith.addi %rem3A_648, %select_n3A_647 : i32
    %select_n3A_658 = arith.select %and3A_656, %add3A_657, %rem3A_648 : i32
    %eq3A_659 = arith.constant 0 : i32
    %eq3A_660 = arith.cmpi eq, %select_n3A_642, %eq3A_659 : i32
    %iota3A_661 = tpu.iota {dimensions = array<i32: 0>} : vector<16xi32>
    %eq3A_662 = vector.broadcast %select_n3A_658 : i32 to vector<16xi32>
    %eq3A_663 = arith.cmpi eq, %iota3A_661, %eq3A_662 : vector<16xi32>
    %jit3A_664 = arith.constant 0xFF800000 : f32
    %broadcast_in_dim3A_665 = vector.broadcast %jit3A_664 : f32 to vector<16xf32>
    %select_n3A_666 = arith.select %eq3A_663, %sort3A_600, %broadcast_in_dim3A_665 : vector<16xi1>, vector<16xf32>
    %reduce_max3A_667 = arith.constant true
    %reduce_max3A_668 = vector.broadcast %reduce_max3A_667 : i1 to vector<16xi1>
    %reduce_max3A_669 = tpu.scan <max>, %select_n3A_666 masked %reduce_max3A_668 : vector<16xf32>, vector<16xi1> -> vector<16xf32>
    %reduce_max3A_670 = vector.extract %reduce_max3A_669[15] : f32 from vector<16xf32>
    %jit3A_671 = arith.constant 0xFF800000 : f32
    %select_n3A_672 = arith.select %eq3A_660, %reduce_max3A_670, %jit3A_671 : f32
    %eq3A_673 = arith.constant 1 : i32
    %eq3A_674 = arith.cmpi eq, %select_n3A_642, %eq3A_673 : i32
    %iota3A_675 = tpu.iota {dimensions = array<i32: 0>} : vector<16xi32>
    %eq3A_676 = vector.broadcast %select_n3A_658 : i32 to vector<16xi32>
    %eq3A_677 = arith.cmpi eq, %iota3A_675, %eq3A_676 : vector<16xi32>
    %jit3A_678 = arith.constant 0xFF800000 : f32
    %broadcast_in_dim3A_679 = vector.broadcast %jit3A_678 : f32 to vector<16xf32>
    %select_n3A_680 = arith.select %eq3A_677, %sort3A_605, %broadcast_in_dim3A_679 : vector<16xi1>, vector<16xf32>
    %reduce_max3A_681 = arith.constant true
    %reduce_max3A_682 = vector.broadcast %reduce_max3A_681 : i1 to vector<16xi1>
    %reduce_max3A_683 = tpu.scan <max>, %select_n3A_680 masked %reduce_max3A_682 : vector<16xf32>, vector<16xi1> -> vector<16xf32>
    %reduce_max3A_684 = vector.extract %reduce_max3A_683[15] : f32 from vector<16xf32>
    %select_n3A_685 = arith.select %eq3A_674, %reduce_max3A_684, %select_n3A_672 : f32
    %eq3A_686 = arith.constant 2 : i32
    %eq3A_687 = arith.cmpi eq, %select_n3A_642, %eq3A_686 : i32
    %iota3A_688 = tpu.iota {dimensions = array<i32: 0>} : vector<16xi32>
    %eq3A_689 = vector.broadcast %select_n3A_658 : i32 to vector<16xi32>
    %eq3A_690 = arith.cmpi eq, %iota3A_688, %eq3A_689 : vector<16xi32>
    %jit3A_691 = arith.constant 0xFF800000 : f32
    %broadcast_in_dim3A_692 = vector.broadcast %jit3A_691 : f32 to vector<16xf32>
    %select_n3A_693 = arith.select %eq3A_690, %sort3A_610, %broadcast_in_dim3A_692 : vector<16xi1>, vector<16xf32>
    %reduce_max3A_694 = arith.constant true
    %reduce_max3A_695 = vector.broadcast %reduce_max3A_694 : i1 to vector<16xi1>
    %reduce_max3A_696 = tpu.scan <max>, %select_n3A_693 masked %reduce_max3A_695 : vector<16xf32>, vector<16xi1> -> vector<16xf32>
    %reduce_max3A_697 = vector.extract %reduce_max3A_696[15] : f32 from vector<16xf32>
    %select_n3A_698 = arith.select %eq3A_687, %reduce_max3A_697, %select_n3A_685 : f32
    %eq3A_699 = arith.constant 3 : i32
    %eq3A_700 = arith.cmpi eq, %select_n3A_642, %eq3A_699 : i32
    %iota3A_701 = tpu.iota {dimensions = array<i32: 0>} : vector<16xi32>
    %eq3A_702 = vector.broadcast %select_n3A_658 : i32 to vector<16xi32>
    %eq3A_703 = arith.cmpi eq, %iota3A_701, %eq3A_702 : vector<16xi32>
    %jit3A_704 = arith.constant 0xFF800000 : f32
    %broadcast_in_dim3A_705 = vector.broadcast %jit3A_704 : f32 to vector<16xf32>
    %select_n3A_706 = arith.select %eq3A_703, %sort3A_615, %broadcast_in_dim3A_705 : vector<16xi1>, vector<16xf32>
    %reduce_max3A_707 = arith.constant true
    %reduce_max3A_708 = vector.broadcast %reduce_max3A_707 : i1 to vector<16xi1>
    %reduce_max3A_709 = tpu.scan <max>, %select_n3A_706 masked %reduce_max3A_708 : vector<16xf32>, vector<16xi1> -> vector<16xf32>
    %reduce_max3A_710 = vector.extract %reduce_max3A_709[15] : f32 from vector<16xf32>
    %select_n3A_711 = arith.select %eq3A_700, %reduce_max3A_710, %select_n3A_698 : f32
    %eq3A_712 = arith.constant 0 : i32
    %eq3A_713 = arith.cmpi eq, %while3A_488#4, %eq3A_712 : i32
    %select_n3A_714 = arith.select %eq3A_713, %select_n3A_711, %while3A_488#5 : f32
    %broadcast_in_dim3A_715 = vector.broadcast %select_n3A_714 : f32 to vector<16xf32>
    %broadcast_in_dim3A_716 = arith.constant 0.000000e+00 : f32
    %broadcast_in_dim3A_717 = vector.broadcast %broadcast_in_dim3A_716 : f32 to vector<16xf32>
    %broadcast_in_dim3A_718 = arith.constant 0 : i32
    %broadcast_in_dim3A_719 = vector.broadcast %broadcast_in_dim3A_718 : i32 to vector<16xi32>
    %eq3A_720 = arith.constant 0 : i32
    %eq3A_721 = arith.cmpi eq, %while3A_488#4, %eq3A_720 : i32
    %gt3A_722 = arith.cmpf ogt, %select_n3A_500, %broadcast_in_dim3A_715 : vector<16xf32>
    %and3A_723 = vector.broadcast %eq3A_721 : i1 to vector<16xi1>
    %and3A_724 = arith.andi %and3A_723, %gt3A_722 : vector<16xi1>
    %jit3A_725 = arith.constant 0.000000e+00 : f32
    %broadcast_in_dim3A_726 = vector.broadcast %jit3A_725 : f32 to vector<16xf32>
    %select_n3A_727 = arith.select %and3A_724, %select_n3A_500, %broadcast_in_dim3A_726 : vector<16xi1>, vector<16xf32>
    %add3A_728 = arith.addf %broadcast_in_dim3A_717, %select_n3A_727 : vector<16xf32>
    %all_reduce_population_count3A_729 = tpu.all_reduce %and3A_724 {dim = 0 : i64, kind = #tpu.reduction_kind<sum>} : vector<16xi1> -> vector<16xi32>
    %add3A_730 = arith.addi %broadcast_in_dim3A_719, %all_reduce_population_count3A_729 : vector<16xi32>
    %gt3A_731 = arith.cmpf ogt, %select_n3A_512, %broadcast_in_dim3A_715 : vector<16xf32>
    %and3A_732 = vector.broadcast %eq3A_721 : i1 to vector<16xi1>
    %and3A_733 = arith.andi %and3A_732, %gt3A_731 : vector<16xi1>
    %jit3A_734 = arith.constant 0.000000e+00 : f32
    %broadcast_in_dim3A_735 = vector.broadcast %jit3A_734 : f32 to vector<16xf32>
    %select_n3A_736 = arith.select %and3A_733, %select_n3A_512, %broadcast_in_dim3A_735 : vector<16xi1>, vector<16xf32>
    %add3A_737 = arith.addf %add3A_728, %select_n3A_736 : vector<16xf32>
    %all_reduce_population_count3A_738 = tpu.all_reduce %and3A_733 {dim = 0 : i64, kind = #tpu.reduction_kind<sum>} : vector<16xi1> -> vector<16xi32>
    %add3A_739 = arith.addi %add3A_730, %all_reduce_population_count3A_738 : vector<16xi32>
    %gt3A_740 = arith.cmpf ogt, %select_n3A_524, %broadcast_in_dim3A_715 : vector<16xf32>
    %and3A_741 = vector.broadcast %eq3A_721 : i1 to vector<16xi1>
    %and3A_742 = arith.andi %and3A_741, %gt3A_740 : vector<16xi1>
    %jit3A_743 = arith.constant 0.000000e+00 : f32
    %broadcast_in_dim3A_744 = vector.broadcast %jit3A_743 : f32 to vector<16xf32>
    %select_n3A_745 = arith.select %and3A_742, %select_n3A_524, %broadcast_in_dim3A_744 : vector<16xi1>, vector<16xf32>
    %add3A_746 = arith.addf %add3A_737, %select_n3A_745 : vector<16xf32>
    %all_reduce_population_count3A_747 = tpu.all_reduce %and3A_742 {dim = 0 : i64, kind = #tpu.reduction_kind<sum>} : vector<16xi1> -> vector<16xi32>
    %add3A_748 = arith.addi %add3A_739, %all_reduce_population_count3A_747 : vector<16xi32>
    %gt3A_749 = arith.cmpf ogt, %select_n3A_536, %broadcast_in_dim3A_715 : vector<16xf32>
    %and3A_750 = vector.broadcast %eq3A_721 : i1 to vector<16xi1>
    %and3A_751 = arith.andi %and3A_750, %gt3A_749 : vector<16xi1>
    %jit3A_752 = arith.constant 0.000000e+00 : f32
    %broadcast_in_dim3A_753 = vector.broadcast %jit3A_752 : f32 to vector<16xf32>
    %select_n3A_754 = arith.select %and3A_751, %select_n3A_536, %broadcast_in_dim3A_753 : vector<16xi1>, vector<16xf32>
    %add3A_755 = arith.addf %add3A_746, %select_n3A_754 : vector<16xf32>
    %all_reduce_population_count3A_756 = tpu.all_reduce %and3A_751 {dim = 0 : i64, kind = #tpu.reduction_kind<sum>} : vector<16xi1> -> vector<16xi32>
    %add3A_757 = arith.addi %add3A_748, %all_reduce_population_count3A_756 : vector<16xi32>
    %reduce_sum3A_758 = arith.constant true
    %reduce_sum3A_759 = vector.broadcast %reduce_sum3A_758 : i1 to vector<16xi1>
    %reduce_sum3A_760 = tpu.scan <sum>, %add3A_755 masked %reduce_sum3A_759 : vector<16xf32>, vector<16xi1> -> vector<16xf32>
    %reduce_sum3A_761 = vector.extract %reduce_sum3A_760[15] : f32 from vector<16xf32>
    %add3A_762 = arith.addf %while3A_488#6, %reduce_sum3A_761 : f32
    %reduce_max3A_763 = arith.constant true
    %reduce_max3A_764 = vector.broadcast %reduce_max3A_763 : i1 to vector<16xi1>
    %reduce_max3A_765 = arith.constant -2147483648 : i32
    %reduce_max3A_766 = vector.broadcast %reduce_max3A_765 : i32 to vector<16xi32>
    %reduce_max3A_767 = arith.xori %add3A_757, %reduce_max3A_766 : vector<16xi32>
    %reduce_max3A_768 = tpu.scan <max>, %reduce_max3A_767 masked %reduce_max3A_764 : vector<16xi32>, vector<16xi1> -> vector<16xi32>
    %reduce_max3A_769 = arith.xori %reduce_max3A_768, %reduce_max3A_766 : vector<16xi32>
    %reduce_max3A_770 = vector.extract %reduce_max3A_769[15] : i32 from vector<16xi32>
    %add3A_771 = arith.addi %while3A_488#7, %reduce_max3A_770 : i32
    %convert_element_type3A_772 = arith.sitofp %add3A_771 : i32 to f32
    %mul3A_773 = arith.mulf %select_n3A_714, %convert_element_type3A_772 : f32
    %sub3A_774 = arith.subf %add3A_762, %mul3A_773 : f32
    %add3A_775 = arith.constant 1.000000e-07 : f32
    %add3A_776 = arith.addf %sub3A_774, %add3A_775 : f32
    %broadcast_in_dim3A_777 = vector.broadcast %add3A_776 : f32 to vector<16xf32>
    %broadcast_in_dim3A_778 = arith.constant 1.000000e+00 : f32
    %broadcast_in_dim3A_779 = vector.broadcast %broadcast_in_dim3A_778 : f32 to vector<16xf32>
    %div3A_780 = arith.divf %broadcast_in_dim3A_779, %broadcast_in_dim3A_777 : vector<16xf32>
    %broadcast_in_dim3A_781 = vector.broadcast %select_n3A_714 : f32 to vector<16xf32>
    %parallel_loop3A_782 = arith.constant 0 : i32
    %parallel_loop3A_783 = arith.constant 8192 : i32
    %parallel_loop3A_784 = arith.constant 16 : i32
    scf.for %parallel_loop3A_1593 = %parallel_loop3A_782 to %parallel_loop3A_783 step %parallel_loop3A_784  : i32 {
      %parallel_loop3A_1594 = arith.constant 8192 : i32
      %parallel_loop3A_1595 = arith.addi %parallel_loop3A_1594, %parallel_loop3A_1593 : i32
      %parallel_loop3A_1596 = arith.index_cast %parallel_loop3A_1595 : i32 to index
      %parallel_loop3A_1597 = tpu.vector_load %arg4[%parallel_loop3A_1596] {strides = array<i32>} : memref<65536xf32, #tpu.memory_space<vmem>>, vector<16xf32>,
      %parallel_loop3A_1598 = arith.subf %parallel_loop3A_1597, %broadcast_in_dim3A_781 : vector<16xf32>
      %parallel_loop3A_1599 = arith.constant 0.000000e+00 : f32
      %parallel_loop3A_1600 = vector.broadcast %parallel_loop3A_1599 : f32 to vector<16xf32>
      %parallel_loop3A_1601 = arith.maximumf %parallel_loop3A_1598, %parallel_loop3A_1600 : vector<16xf32>
      %parallel_loop3A_1602 = arith.mulf %parallel_loop3A_1601, %div3A_780 : vector<16xf32>
      %parallel_loop3A_1603 = arith.index_cast %parallel_loop3A_1595 : i32 to index
      %parallel_loop3A_1604 = tpu.vector_load %arg4[%parallel_loop3A_1603] {strides = array<i32>} : memref<65536xf32, #tpu.memory_space<vmem>>, vector<16xf32>,
      tpu.vector_store %arg4[%parallel_loop3A_1603], %parallel_loop3A_1602 {strides = array<i32>} : memref<65536xf32, #tpu.memory_space<vmem>>, vector<16xf32>,
    } {sc.loop_unroll_factor = 8 : i64, sc.parallel_access}
    %iota3A_785 = tpu.iota {dimensions = array<i32: 0>} : vector<16xi32>
    %mul3A_786 = arith.constant 64 : i32
    %mul3A_787 = vector.broadcast %mul3A_786 : i32 to vector<16xi32>
    %mul3A_788 = arith.muli %iota3A_785, %mul3A_787 : vector<16xi32>
    %add3A_789 = arith.constant 16384 : i32
    %add3A_790 = vector.broadcast %add3A_789 : i32 to vector<16xi32>
    %add3A_791 = arith.addi %add3A_790, %mul3A_788 : vector<16xi32>
    %gather3A_792 = tpu.vector_load_idx %arg4[%add3A_791] : memref<65536xf32, #tpu.memory_space<vmem>>[vector<16xi32>], vector<16xf32>,
    %mul3A_793 = arith.constant 64 : i32
    %mul3A_794 = vector.broadcast %mul3A_793 : i32 to vector<16xi32>
    %mul3A_795 = arith.muli %iota3A_785, %mul3A_794 : vector<16xi32>
    %add3A_796 = arith.constant 17408 : i32
    %add3A_797 = vector.broadcast %add3A_796 : i32 to vector<16xi32>
    %add3A_798 = arith.addi %add3A_797, %mul3A_795 : vector<16xi32>
    %gather3A_799 = tpu.vector_load_idx %arg4[%add3A_798] : memref<65536xf32, #tpu.memory_space<vmem>>[vector<16xi32>], vector<16xf32>,
    %max3A_800 = arith.maximumf %gather3A_792, %gather3A_799 : vector<16xf32>
    %mul3A_801 = arith.constant 64 : i32
    %mul3A_802 = vector.broadcast %mul3A_801 : i32 to vector<16xi32>
    %mul3A_803 = arith.muli %iota3A_785, %mul3A_802 : vector<16xi32>
    %add3A_804 = arith.constant 18432 : i32
    %add3A_805 = vector.broadcast %add3A_804 : i32 to vector<16xi32>
    %add3A_806 = arith.addi %add3A_805, %mul3A_803 : vector<16xi32>
    %gather3A_807 = tpu.vector_load_idx %arg4[%add3A_806] : memref<65536xf32, #tpu.memory_space<vmem>>[vector<16xi32>], vector<16xf32>,
    %max3A_808 = arith.maximumf %max3A_800, %gather3A_807 : vector<16xf32>
    %mul3A_809 = arith.constant 64 : i32
    %mul3A_810 = vector.broadcast %mul3A_809 : i32 to vector<16xi32>
    %mul3A_811 = arith.muli %iota3A_785, %mul3A_810 : vector<16xi32>
    %add3A_812 = arith.constant 19456 : i32
    %add3A_813 = vector.broadcast %add3A_812 : i32 to vector<16xi32>
    %add3A_814 = arith.addi %add3A_813, %mul3A_811 : vector<16xi32>
    %gather3A_815 = tpu.vector_load_idx %arg4[%add3A_814] : memref<65536xf32, #tpu.memory_space<vmem>>[vector<16xi32>], vector<16xf32>,
    %max3A_816 = arith.maximumf %max3A_808, %gather3A_815 : vector<16xf32>
    %mul3A_817 = arith.constant 64 : i32
    %mul3A_818 = vector.broadcast %mul3A_817 : i32 to vector<16xi32>
    %mul3A_819 = arith.muli %iota3A_785, %mul3A_818 : vector<16xi32>
    %add3A_820 = arith.constant 20480 : i32
    %add3A_821 = vector.broadcast %add3A_820 : i32 to vector<16xi32>
    %add3A_822 = arith.addi %add3A_821, %mul3A_819 : vector<16xi32>
    %gather3A_823 = tpu.vector_load_idx %arg4[%add3A_822] : memref<65536xf32, #tpu.memory_space<vmem>>[vector<16xi32>], vector<16xf32>,
    %max3A_824 = arith.maximumf %max3A_816, %gather3A_823 : vector<16xf32>
    %mul3A_825 = arith.constant 64 : i32
    %mul3A_826 = vector.broadcast %mul3A_825 : i32 to vector<16xi32>
    %mul3A_827 = arith.muli %iota3A_785, %mul3A_826 : vector<16xi32>
    %add3A_828 = arith.constant 21504 : i32
    %add3A_829 = vector.broadcast %add3A_828 : i32 to vector<16xi32>
    %add3A_830 = arith.addi %add3A_829, %mul3A_827 : vector<16xi32>
    %gather3A_831 = tpu.vector_load_idx %arg4[%add3A_830] : memref<65536xf32, #tpu.memory_space<vmem>>[vector<16xi32>], vector<16xf32>,
    %max3A_832 = arith.maximumf %max3A_824, %gather3A_831 : vector<16xf32>
    %mul3A_833 = arith.constant 64 : i32
    %mul3A_834 = vector.broadcast %mul3A_833 : i32 to vector<16xi32>
    %mul3A_835 = arith.muli %iota3A_785, %mul3A_834 : vector<16xi32>
    %add3A_836 = arith.constant 22528 : i32
    %add3A_837 = vector.broadcast %add3A_836 : i32 to vector<16xi32>
    %add3A_838 = arith.addi %add3A_837, %mul3A_835 : vector<16xi32>
    %gather3A_839 = tpu.vector_load_idx %arg4[%add3A_838] : memref<65536xf32, #tpu.memory_space<vmem>>[vector<16xi32>], vector<16xf32>,
    %max3A_840 = arith.maximumf %max3A_832, %gather3A_839 : vector<16xf32>
    %mul3A_841 = arith.constant 64 : i32
    %mul3A_842 = vector.broadcast %mul3A_841 : i32 to vector<16xi32>
    %mul3A_843 = arith.muli %iota3A_785, %mul3A_842 : vector<16xi32>
    %add3A_844 = arith.constant 23552 : i32
    %add3A_845 = vector.broadcast %add3A_844 : i32 to vector<16xi32>
    %add3A_846 = arith.addi %add3A_845, %mul3A_843 : vector<16xi32>
    %gather3A_847 = tpu.vector_load_idx %arg4[%add3A_846] : memref<65536xf32, #tpu.memory_space<vmem>>[vector<16xi32>], vector<16xf32>,
    %max3A_848 = arith.maximumf %max3A_840, %gather3A_847 : vector<16xf32>
    %sort3A_849 = arith.constant dense<true> : vector<16xi1>
    %sort3A_850, %sort3A_851, %sort3A_852 = tpu.sort %max3A_848, %max3A_848 masked %sort3A_849 : (vector<16xf32>, vector<16xf32>, vector<16xi1>) -> (vector<16xi1>, vector<16xf32>, vector<16xf32>)
    %iota3A_853 = tpu.iota {dimensions = array<i32: 0>} : vector<16xi32>
    %eq3A_854 = arith.constant 11 : i32
    %eq3A_855 = vector.broadcast %eq3A_854 : i32 to vector<16xi32>
    %eq3A_856 = arith.cmpi eq, %iota3A_853, %eq3A_855 : vector<16xi32>
    %jit3A_857 = arith.constant 0xFF800000 : f32
    %broadcast_in_dim3A_858 = vector.broadcast %jit3A_857 : f32 to vector<16xf32>
    %select_n3A_859 = arith.select %eq3A_856, %sort3A_851, %broadcast_in_dim3A_858 : vector<16xi1>, vector<16xf32>
    %reduce_max3A_860 = arith.constant true
    %reduce_max3A_861 = vector.broadcast %reduce_max3A_860 : i1 to vector<16xi1>
    %reduce_max3A_862 = tpu.scan <max>, %select_n3A_859 masked %reduce_max3A_861 : vector<16xf32>, vector<16xi1> -> vector<16xf32>
    %reduce_max3A_863 = vector.extract %reduce_max3A_862[15] : f32 from vector<16xf32>
    %broadcast_in_dim3A_864 = vector.broadcast %reduce_max3A_863 : f32 to vector<16xf32>
    %broadcast_in_dim3A_865 = arith.constant 0 : i32
    %broadcast_in_dim3A_866 = vector.broadcast %broadcast_in_dim3A_865 : i32 to vector<16xi32>
    %parallel_loop3A_867 = arith.constant 0 : i32
    %parallel_loop3A_868 = arith.constant 8192 : i32
    %parallel_loop3A_869 = arith.constant 16 : i32
    %parallel_loop3A_870 = scf.for %parallel_loop3A_1593 = %parallel_loop3A_867 to %parallel_loop3A_868 step %parallel_loop3A_869 iter_args(%parallel_loop3A_1594 = %broadcast_in_dim3A_866) -> (vector<16xi32>)  : i32 {
      %parallel_loop3A_1595 = arith.constant 16384 : i32
      %parallel_loop3A_1596 = arith.addi %parallel_loop3A_1595, %parallel_loop3A_1593 : i32
      %parallel_loop3A_1597 = arith.index_cast %parallel_loop3A_1596 : i32 to index
      %parallel_loop3A_1598 = tpu.vector_load %arg4[%parallel_loop3A_1597] {strides = array<i32>} : memref<65536xf32, #tpu.memory_space<vmem>>, vector<16xf32>,
      %parallel_loop3A_1599 = arith.cmpf ogt, %parallel_loop3A_1598, %broadcast_in_dim3A_864 : vector<16xf32>
      %parallel_loop3A_1600 = arith.extui %parallel_loop3A_1599 : vector<16xi1> to vector<16xi32>
      %parallel_loop3A_1601 = arith.constant true
      %parallel_loop3A_1602 = vector.broadcast %parallel_loop3A_1601 : i1 to vector<16xi1>
      %parallel_loop3A_1603 = tpu.scan <sum>, %parallel_loop3A_1600 masked %parallel_loop3A_1602 : vector<16xi32>, vector<16xi1> -> vector<16xi32>
      %parallel_loop3A_1604 = arith.constant 32768 : i32
      %parallel_loop3A_1605 = vector.broadcast %parallel_loop3A_1604 : i32 to vector<16xi32>
      %parallel_loop3A_1606 = arith.addi %parallel_loop3A_1605, %parallel_loop3A_1594 : vector<16xi32>
      %parallel_loop3A_1607 = arith.addi %parallel_loop3A_1606, %parallel_loop3A_1603 : vector<16xi32>
      %parallel_loop3A_1608 = arith.subi %parallel_loop3A_1607, %parallel_loop3A_1600 : vector<16xi32>
      tpu.vector_store_idx %arg4[%parallel_loop3A_1608], %parallel_loop3A_1598 masked %parallel_loop3A_1599 : memref<65536xf32, #tpu.memory_space<vmem>>[vector<16xi32>], vector<16xf32>, vector<16xi1>
      %parallel_loop3A_1609 = tpu.all_reduce %parallel_loop3A_1599 {dim = 0 : i64, kind = #tpu.reduction_kind<sum>} : vector<16xi1> -> vector<16xi32>
      %parallel_loop3A_1610 = arith.addi %parallel_loop3A_1594, %parallel_loop3A_1609 : vector<16xi32>
      scf.yield %parallel_loop3A_1610 : vector<16xi32>
    } {sc.loop_unroll_factor = 8 : i64, sc.parallel_access}
    %reduce_max3A_871 = arith.constant true
    %reduce_max3A_872 = vector.broadcast %reduce_max3A_871 : i1 to vector<16xi1>
    %reduce_max3A_873 = arith.constant -2147483648 : i32
    %reduce_max3A_874 = vector.broadcast %reduce_max3A_873 : i32 to vector<16xi32>
    %reduce_max3A_875 = arith.xori %parallel_loop3A_870, %reduce_max3A_874 : vector<16xi32>
    %reduce_max3A_876 = tpu.scan <max>, %reduce_max3A_875 masked %reduce_max3A_872 : vector<16xi32>, vector<16xi1> -> vector<16xi32>
    %reduce_max3A_877 = arith.xori %reduce_max3A_876, %reduce_max3A_874 : vector<16xi32>
    %reduce_max3A_878 = vector.extract %reduce_max3A_877[15] : i32 from vector<16xi32>
    %ge3A_879 = arith.constant 65 : i32
    %ge3A_880 = arith.cmpi sge, %reduce_max3A_878, %ge3A_879 : i32
    %jit3A_881 = arith.constant 8192 : i32
    %select_n3A_882 = arith.select %ge3A_880, %reduce_max3A_878, %jit3A_881 : i32
    %jit3A_883 = arith.constant 32768 : i32
    %jit3A_884 = arith.constant 16384 : i32
    %select_n3A_885 = arith.select %ge3A_880, %jit3A_883, %jit3A_884 : i32
    %while3A_886 = arith.constant 65 : i32
    %while3A_887 = arith.constant 0 : i32
    %while3A_888 = arith.constant 0 : i32
    %while3A_889 = arith.constant 0.000000e+00 : f32
    %while3A_890 = arith.constant 0.000000e+00 : f32
    %while3A_891 = arith.constant 0 : i32
    %while3A_892:8 = scf.while (%while3A_1593 = %select_n3A_882, %while3A_1594 = %while3A_886, %while3A_1595 = %select_n3A_885, %while3A_1596 = %while3A_887, %while3A_1597 = %while3A_888, %while3A_1598 = %while3A_889, %while3A_1599 = %while3A_890, %while3A_1600 = %while3A_891) : (i32, i32, i32, i32, i32, f32, f32, i32) -> (i32, i32, i32, i32, i32, f32, f32, i32) {
      %eq3A_1601 = arith.constant 0 : i32
      %eq3A_1602 = arith.cmpi eq, %while3A_1597, %eq3A_1601 : i32
      %gt3A_1603 = arith.constant 64 : i32
      %gt3A_1604 = arith.cmpi sgt, %while3A_1593, %gt3A_1603 : i32
      %and3A_1605 = arith.andi %eq3A_1602, %gt3A_1604 : i1
      scf.condition(%and3A_1605) %while3A_1593, %while3A_1594, %while3A_1595, %while3A_1596, %while3A_1597, %while3A_1598, %while3A_1599, %while3A_1600 : i32, i32, i32, i32, i32, f32, f32, i32
    } do {
    ^bb0(%while3A_1593: i32, %while3A_1594: i32, %while3A_1595: i32, %while3A_1596: i32, %while3A_1597: i32, %while3A_1598: f32, %while3A_1599: f32, %while3A_1600: i32):
      %iota3A_1601 = tpu.iota {dimensions = array<i32: 0>} : vector<16xi32>
      %jit3A_1602 = arith.constant 16 : i32
      %div3A_1603 = arith.divsi %while3A_1593, %jit3A_1602 : i32
      %sign3A_1604 = arith.constant 0 : i32
      %sign3A_1605 = arith.cmpi sgt, %while3A_1593, %sign3A_1604 : i32
      %sign3A_1606 = arith.extui %sign3A_1605 : i1 to i32
      %sign3A_1607 = arith.constant 0 : i32
      %sign3A_1608 = arith.cmpi slt, %while3A_1593, %sign3A_1607 : i32
      %sign3A_1609 = arith.extui %sign3A_1608 : i1 to i32
      %sign3A_1610 = arith.subi %sign3A_1606, %sign3A_1609 : i32
      %sign3A_1611 = arith.constant 0 : i32
      %sign3A_1612 = arith.cmpi sgt, %jit3A_1602, %sign3A_1611 : i32
      %sign3A_1613 = arith.extui %sign3A_1612 : i1 to i32
      %sign3A_1614 = arith.constant 0 : i32
      %sign3A_1615 = arith.cmpi slt, %jit3A_1602, %sign3A_1614 : i32
      %sign3A_1616 = arith.extui %sign3A_1615 : i1 to i32
      %sign3A_1617 = arith.subi %sign3A_1613, %sign3A_1616 : i32
      %ne3A_1618 = arith.cmpi ne, %sign3A_1610, %sign3A_1617 : i32
      %rem3A_1619 = arith.remsi %while3A_1593, %jit3A_1602 : i32
      %ne3A_1620 = arith.constant 0 : i32
      %ne3A_1621 = arith.cmpi ne, %rem3A_1619, %ne3A_1620 : i32
      %and3A_1622 = arith.andi %ne3A_1618, %ne3A_1621 : i1
      %sub3A_1623 = arith.constant 1 : i32
      %sub3A_1624 = arith.subi %div3A_1603, %sub3A_1623 : i32
      %select_n3A_1625 = arith.select %and3A_1622, %sub3A_1624, %div3A_1603 : i32
      %mul3A_1626 = vector.broadcast %select_n3A_1625 : i32 to vector<16xi32>
      %mul3A_1627 = arith.muli %iota3A_1601, %mul3A_1626 : vector<16xi32>
      %add3A_1628 = vector.broadcast %while3A_1595 : i32 to vector<16xi32>
      %add3A_1629 = arith.addi %add3A_1628, %mul3A_1627 : vector<16xi32>
      %gather3A_1630 = tpu.vector_load_idx %arg4[%add3A_1629] : memref<65536xf32, #tpu.memory_space<vmem>>[vector<16xi32>], vector<16xf32>,
      %sort3A_1631 = arith.constant dense<true> : vector<16xi1>
      %sort3A_1632, %sort3A_1633, %sort3A_1634 = tpu.sort %gather3A_1630, %gather3A_1630 masked %sort3A_1631 : (vector<16xf32>, vector<16xf32>, vector<16xi1>) -> (vector<16xi1>, vector<16xf32>, vector<16xf32>)
      %add3A_1635 = arith.constant 1 : i32
      %add3A_1636 = arith.addi %while3A_1593, %add3A_1635 : i32
      %sub3A_1637 = arith.subi %add3A_1636, %while3A_1594 : i32
      %jit3A_1638 = arith.constant 8 : i32
      %div3A_1639 = arith.divsi %while3A_1593, %jit3A_1638 : i32
      %sign3A_1640 = arith.constant 0 : i32
      %sign3A_1641 = arith.cmpi sgt, %while3A_1593, %sign3A_1640 : i32
      %sign3A_1642 = arith.extui %sign3A_1641 : i1 to i32
      %sign3A_1643 = arith.constant 0 : i32
      %sign3A_1644 = arith.cmpi slt, %while3A_1593, %sign3A_1643 : i32
      %sign3A_1645 = arith.extui %sign3A_1644 : i1 to i32
      %sign3A_1646 = arith.subi %sign3A_1642, %sign3A_1645 : i32
      %sign3A_1647 = arith.constant 0 : i32
      %sign3A_1648 = arith.cmpi sgt, %jit3A_1638, %sign3A_1647 : i32
      %sign3A_1649 = arith.extui %sign3A_1648 : i1 to i32
      %sign3A_1650 = arith.constant 0 : i32
      %sign3A_1651 = arith.cmpi slt, %jit3A_1638, %sign3A_1650 : i32
      %sign3A_1652 = arith.extui %sign3A_1651 : i1 to i32
      %sign3A_1653 = arith.subi %sign3A_1649, %sign3A_1652 : i32
      %ne3A_1654 = arith.cmpi ne, %sign3A_1646, %sign3A_1653 : i32
      %rem3A_1655 = arith.remsi %while3A_1593, %jit3A_1638 : i32
      %ne3A_1656 = arith.constant 0 : i32
      %ne3A_1657 = arith.cmpi ne, %rem3A_1655, %ne3A_1656 : i32
      %and3A_1658 = arith.andi %ne3A_1654, %ne3A_1657 : i1
      %sub3A_1659 = arith.constant 1 : i32
      %sub3A_1660 = arith.subi %div3A_1639, %sub3A_1659 : i32
      %select_n3A_1661 = arith.select %and3A_1658, %sub3A_1660, %div3A_1639 : i32
      %add3A_1662 = arith.constant 8 : i32
      %add3A_1663 = arith.addi %select_n3A_1661, %add3A_1662 : i32
      %add3A_1664 = arith.constant 1 : i32
      %add3A_1665 = arith.addi %while3A_1593, %add3A_1664 : i32
      %add3A_1666 = arith.addi %while3A_1594, %add3A_1663 : i32
      %sub3A_1667 = arith.constant 1 : i32
      %sub3A_1668 = arith.subi %while3A_1593, %sub3A_1667 : i32
      %min3A_1669 = arith.minsi %add3A_1666, %sub3A_1668 : i32
      %mul3A_1670 = arith.constant 17 : i32
      %mul3A_1671 = arith.muli %mul3A_1670, %min3A_1669 : i32
      %jit3A_1672 = arith.constant 2 : i32
      %div3A_1673 = arith.divsi %add3A_1665, %jit3A_1672 : i32
      %sign3A_1674 = arith.constant 0 : i32
      %sign3A_1675 = arith.cmpi sgt, %add3A_1665, %sign3A_1674 : i32
      %sign3A_1676 = arith.extui %sign3A_1675 : i1 to i32
      %sign3A_1677 = arith.constant 0 : i32
      %sign3A_1678 = arith.cmpi slt, %add3A_1665, %sign3A_1677 : i32
      %sign3A_1679 = arith.extui %sign3A_1678 : i1 to i32
      %sign3A_1680 = arith.subi %sign3A_1676, %sign3A_1679 : i32
      %sign3A_1681 = arith.constant 0 : i32
      %sign3A_1682 = arith.cmpi sgt, %jit3A_1672, %sign3A_1681 : i32
      %sign3A_1683 = arith.extui %sign3A_1682 : i1 to i32
      %sign3A_1684 = arith.constant 0 : i32
      %sign3A_1685 = arith.cmpi slt, %jit3A_1672, %sign3A_1684 : i32
      %sign3A_1686 = arith.extui %sign3A_1685 : i1 to i32
      %sign3A_1687 = arith.subi %sign3A_1683, %sign3A_1686 : i32
      %ne3A_1688 = arith.cmpi ne, %sign3A_1680, %sign3A_1687 : i32
      %rem3A_1689 = arith.remsi %add3A_1665, %jit3A_1672 : i32
      %ne3A_1690 = arith.constant 0 : i32
      %ne3A_1691 = arith.cmpi ne, %rem3A_1689, %ne3A_1690 : i32
      %and3A_1692 = arith.andi %ne3A_1688, %ne3A_1691 : i1
      %sub3A_1693 = arith.constant 1 : i32
      %sub3A_1694 = arith.subi %div3A_1673, %sub3A_1693 : i32
      %select_n3A_1695 = arith.select %and3A_1692, %sub3A_1694, %div3A_1673 : i32
      %add3A_1696 = arith.addi %mul3A_1671, %select_n3A_1695 : i32
      %div3A_1697 = arith.divsi %add3A_1696, %add3A_1665 : i32
      %sign3A_1698 = arith.constant 0 : i32
      %sign3A_1699 = arith.cmpi sgt, %add3A_1696, %sign3A_1698 : i32
      %sign3A_1700 = arith.extui %sign3A_1699 : i1 to i32
      %sign3A_1701 = arith.constant 0 : i32
      %sign3A_1702 = arith.cmpi slt, %add3A_1696, %sign3A_1701 : i32
      %sign3A_1703 = arith.extui %sign3A_1702 : i1 to i32
      %sign3A_1704 = arith.subi %sign3A_1700, %sign3A_1703 : i32
      %sign3A_1705 = arith.constant 0 : i32
      %sign3A_1706 = arith.cmpi sgt, %add3A_1665, %sign3A_1705 : i32
      %sign3A_1707 = arith.extui %sign3A_1706 : i1 to i32
      %sign3A_1708 = arith.constant 0 : i32
      %sign3A_1709 = arith.cmpi slt, %add3A_1665, %sign3A_1708 : i32
      %sign3A_1710 = arith.extui %sign3A_1709 : i1 to i32
      %sign3A_1711 = arith.subi %sign3A_1707, %sign3A_1710 : i32
      %ne3A_1712 = arith.cmpi ne, %sign3A_1704, %sign3A_1711 : i32
      %rem3A_1713 = arith.remsi %add3A_1696, %add3A_1665 : i32
      %ne3A_1714 = arith.constant 0 : i32
      %ne3A_1715 = arith.cmpi ne, %rem3A_1713, %ne3A_1714 : i32
      %and3A_1716 = arith.andi %ne3A_1712, %ne3A_1715 : i1
      %sub3A_1717 = arith.constant 1 : i32
      %sub3A_1718 = arith.subi %div3A_1697, %sub3A_1717 : i32
      %select_n3A_1719 = arith.select %and3A_1716, %sub3A_1718, %div3A_1697 : i32
      %jit3A_1720 = arith.constant 1 : i32
      %jit3A_1721 = arith.constant 16 : i32
      %max3A_1722 = arith.maxsi %jit3A_1720, %select_n3A_1719 : i32
      %min3A_1723 = arith.minsi %jit3A_1721, %max3A_1722 : i32
      %sub3A_1724 = arith.constant 16 : i32
      %sub3A_1725 = arith.subi %sub3A_1724, %min3A_1723 : i32
      %add3A_1726 = arith.addi %sub3A_1637, %add3A_1663 : i32
      %sub3A_1727 = arith.constant 1 : i32
      %sub3A_1728 = arith.subi %while3A_1593, %sub3A_1727 : i32
      %min3A_1729 = arith.minsi %add3A_1726, %sub3A_1728 : i32
      %mul3A_1730 = arith.constant 17 : i32
      %mul3A_1731 = arith.muli %mul3A_1730, %min3A_1729 : i32
      %jit3A_1732 = arith.constant 2 : i32
      %div3A_1733 = arith.divsi %add3A_1665, %jit3A_1732 : i32
      %sign3A_1734 = arith.constant 0 : i32
      %sign3A_1735 = arith.cmpi sgt, %add3A_1665, %sign3A_1734 : i32
      %sign3A_1736 = arith.extui %sign3A_1735 : i1 to i32
      %sign3A_1737 = arith.constant 0 : i32
      %sign3A_1738 = arith.cmpi slt, %add3A_1665, %sign3A_1737 : i32
      %sign3A_1739 = arith.extui %sign3A_1738 : i1 to i32
      %sign3A_1740 = arith.subi %sign3A_1736, %sign3A_1739 : i32
      %sign3A_1741 = arith.constant 0 : i32
      %sign3A_1742 = arith.cmpi sgt, %jit3A_1732, %sign3A_1741 : i32
      %sign3A_1743 = arith.extui %sign3A_1742 : i1 to i32
      %sign3A_1744 = arith.constant 0 : i32
      %sign3A_1745 = arith.cmpi slt, %jit3A_1732, %sign3A_1744 : i32
      %sign3A_1746 = arith.extui %sign3A_1745 : i1 to i32
      %sign3A_1747 = arith.subi %sign3A_1743, %sign3A_1746 : i32
      %ne3A_1748 = arith.cmpi ne, %sign3A_1740, %sign3A_1747 : i32
      %rem3A_1749 = arith.remsi %add3A_1665, %jit3A_1732 : i32
      %ne3A_1750 = arith.constant 0 : i32
      %ne3A_1751 = arith.cmpi ne, %rem3A_1749, %ne3A_1750 : i32
      %and3A_1752 = arith.andi %ne3A_1748, %ne3A_1751 : i1
      %sub3A_1753 = arith.constant 1 : i32
      %sub3A_1754 = arith.subi %div3A_1733, %sub3A_1753 : i32
      %select_n3A_1755 = arith.select %and3A_1752, %sub3A_1754, %div3A_1733 : i32
      %add3A_1756 = arith.addi %mul3A_1731, %select_n3A_1755 : i32
      %div3A_1757 = arith.divsi %add3A_1756, %add3A_1665 : i32
      %sign3A_1758 = arith.constant 0 : i32
      %sign3A_1759 = arith.cmpi sgt, %add3A_1756, %sign3A_1758 : i32
      %sign3A_1760 = arith.extui %sign3A_1759 : i1 to i32
      %sign3A_1761 = arith.constant 0 : i32
      %sign3A_1762 = arith.cmpi slt, %add3A_1756, %sign3A_1761 : i32
      %sign3A_1763 = arith.extui %sign3A_1762 : i1 to i32
      %sign3A_1764 = arith.subi %sign3A_1760, %sign3A_1763 : i32
      %sign3A_1765 = arith.constant 0 : i32
      %sign3A_1766 = arith.cmpi sgt, %add3A_1665, %sign3A_1765 : i32
      %sign3A_1767 = arith.extui %sign3A_1766 : i1 to i32
      %sign3A_1768 = arith.constant 0 : i32
      %sign3A_1769 = arith.cmpi slt, %add3A_1665, %sign3A_1768 : i32
      %sign3A_1770 = arith.extui %sign3A_1769 : i1 to i32
      %sign3A_1771 = arith.subi %sign3A_1767, %sign3A_1770 : i32
      %ne3A_1772 = arith.cmpi ne, %sign3A_1764, %sign3A_1771 : i32
      %rem3A_1773 = arith.remsi %add3A_1756, %add3A_1665 : i32
      %ne3A_1774 = arith.constant 0 : i32
      %ne3A_1775 = arith.cmpi ne, %rem3A_1773, %ne3A_1774 : i32
      %and3A_1776 = arith.andi %ne3A_1772, %ne3A_1775 : i1
      %sub3A_1777 = arith.constant 1 : i32
      %sub3A_1778 = arith.subi %div3A_1757, %sub3A_1777 : i32
      %select_n3A_1779 = arith.select %and3A_1776, %sub3A_1778, %div3A_1757 : i32
      %jit3A_1780 = arith.constant 1 : i32
      %jit3A_1781 = arith.constant 16 : i32
      %max3A_1782 = arith.maxsi %jit3A_1780, %select_n3A_1779 : i32
      %min3A_1783 = arith.minsi %jit3A_1781, %max3A_1782 : i32
      %sub3A_1784 = arith.constant 1 : i32
      %sub3A_1785 = arith.subi %min3A_1783, %sub3A_1784 : i32
      %le3A = arith.cmpi sle, %while3A_1594, %sub3A_1637 : i32
      %select_n3A_1786 = arith.select %le3A, %sub3A_1725, %sub3A_1785 : i32
      %iota3A_1787 = tpu.iota {dimensions = array<i32: 0>} : vector<16xi32>
      %eq3A_1788 = vector.broadcast %select_n3A_1786 : i32 to vector<16xi32>
      %eq3A_1789 = arith.cmpi eq, %iota3A_1787, %eq3A_1788 : vector<16xi32>
      %jit3A_1790 = arith.constant 0xFF800000 : f32
      %broadcast_in_dim3A_1791 = vector.broadcast %jit3A_1790 : f32 to vector<16xf32>
      %select_n3A_1792 = arith.select %eq3A_1789, %sort3A_1633, %broadcast_in_dim3A_1791 : vector<16xi1>, vector<16xf32>
      %reduce_max3A_1793 = arith.constant true
      %reduce_max3A_1794 = vector.broadcast %reduce_max3A_1793 : i1 to vector<16xi1>
      %reduce_max3A_1795 = tpu.scan <max>, %select_n3A_1792 masked %reduce_max3A_1794 : vector<16xf32>, vector<16xi1> -> vector<16xf32>
      %reduce_max3A_1796 = vector.extract %reduce_max3A_1795[15] : f32 from vector<16xf32>
      %broadcast_in_dim3A_1797 = vector.broadcast %reduce_max3A_1796 : f32 to vector<16xf32>
      %mul3A_1798 = arith.constant 16384 : i32
      %mul3A_1799 = arith.muli %while3A_1596, %mul3A_1798 : i32
      %add3A_1800 = arith.constant 40960 : i32
      %add3A_1801 = arith.addi %add3A_1800, %mul3A_1799 : i32
      %eq3A_1802 = arith.constant 0 : i32
      %eq3A_1803 = arith.cmpi eq, %while3A_1596, %eq3A_1802 : i32
      %add3A_1804 = arith.constant 8192 : i32
      %add3A_1805 = arith.addi %add3A_1801, %add3A_1804 : i32
      %jit3A_1806 = arith.constant 32768 : i32
      %select_n3A_1807 = arith.select %eq3A_1803, %add3A_1805, %jit3A_1806 : i32
      %broadcast_in_dim3A_1808 = arith.constant 0 : i32
      %broadcast_in_dim3A_1809 = vector.broadcast %broadcast_in_dim3A_1808 : i32 to vector<16xi32>
      %broadcast_in_dim3A_1810 = arith.constant 0.000000e+00 : f32
      %broadcast_in_dim3A_1811 = vector.broadcast %broadcast_in_dim3A_1810 : f32 to vector<16xf32>
      %add3A_1812 = arith.constant 15 : i32
      %add3A_1813 = arith.addi %while3A_1593, %add3A_1812 : i32
      %jit3A_1814 = arith.constant 16 : i32
      %div3A_1815 = arith.divsi %add3A_1813, %jit3A_1814 : i32
      %sign3A_1816 = arith.constant 0 : i32
      %sign3A_1817 = arith.cmpi sgt, %add3A_1813, %sign3A_1816 : i32
      %sign3A_1818 = arith.extui %sign3A_1817 : i1 to i32
      %sign3A_1819 = arith.constant 0 : i32
      %sign3A_1820 = arith.cmpi slt, %add3A_1813, %sign3A_1819 : i32
      %sign3A_1821 = arith.extui %sign3A_1820 : i1 to i32
      %sign3A_1822 = arith.subi %sign3A_1818, %sign3A_1821 : i32
      %sign3A_1823 = arith.constant 0 : i32
      %sign3A_1824 = arith.cmpi sgt, %jit3A_1814, %sign3A_1823 : i32
      %sign3A_1825 = arith.extui %sign3A_1824 : i1 to i32
      %sign3A_1826 = arith.constant 0 : i32
      %sign3A_1827 = arith.cmpi slt, %jit3A_1814, %sign3A_1826 : i32
      %sign3A_1828 = arith.extui %sign3A_1827 : i1 to i32
      %sign3A_1829 = arith.subi %sign3A_1825, %sign3A_1828 : i32
      %ne3A_1830 = arith.cmpi ne, %sign3A_1822, %sign3A_1829 : i32
      %rem3A_1831 = arith.remsi %add3A_1813, %jit3A_1814 : i32
      %ne3A_1832 = arith.constant 0 : i32
      %ne3A_1833 = arith.cmpi ne, %rem3A_1831, %ne3A_1832 : i32
      %and3A_1834 = arith.andi %ne3A_1830, %ne3A_1833 : i1
      %sub3A_1835 = arith.constant 1 : i32
      %sub3A_1836 = arith.subi %div3A_1815, %sub3A_1835 : i32
      %select_n3A_1837 = arith.select %and3A_1834, %sub3A_1836, %div3A_1815 : i32
      %while3A_1838 = arith.constant 0 : i32
      %while3A_1839 = arith.subi %select_n3A_1837, %while3A_1838 : i32
      %while3A_1840 = arith.addi %while3A_1838, %while3A_1839 : i32
      %while3A_1841 = arith.constant 1 : i32
      %while3A_1842 = arith.divsi %while3A_1839, %while3A_1841 : i32
      %while3A_1843 = arith.muli %while3A_1842, %while3A_1841 : i32
      %while3A_1844 = arith.addi %while3A_1838, %while3A_1843 : i32
      %while3A_1845 = arith.constant 1 : i32
      %while3A_1846:3 = scf.for %while3A_1898 = %while3A_1838 to %while3A_1844 step %while3A_1845 iter_args(%while3A_1899 = %broadcast_in_dim3A_1809, %while3A_1900 = %broadcast_in_dim3A_1809, %while3A_1901 = %broadcast_in_dim3A_1811) -> (vector<16xi32>, vector<16xi32>, vector<16xf32>)  : i32 {
        %mul3A_1902 = arith.constant 16 : i32
        %mul3A_1903 = arith.muli %while3A_1898, %mul3A_1902 : i32
        %add3A_1904 = arith.addi %while3A_1595, %mul3A_1903 : i32
        %get3A_1905 = arith.index_cast %add3A_1904 : i32 to index
        %get3A_1906 = tpu.vector_load %arg4[%get3A_1905] {strides = array<i32>} : memref<65536xf32, #tpu.memory_space<vmem>>, vector<16xf32>,
        %mul3A_1907 = arith.constant 16 : i32
        %mul3A_1908 = arith.muli %while3A_1898, %mul3A_1907 : i32
        %add3A_1909 = vector.broadcast %mul3A_1908 : i32 to vector<16xi32>
        %add3A_1910 = arith.addi %add3A_1909, %iota3A_785 : vector<16xi32>
        %lt3A_1911 = vector.broadcast %while3A_1593 : i32 to vector<16xi32>
        %lt3A_1912 = arith.cmpi slt, %add3A_1910, %lt3A_1911 : vector<16xi32>
        %gt3A_1913 = arith.cmpf ogt, %get3A_1906, %broadcast_in_dim3A_1797 : vector<16xf32>
        %and3A_1914 = arith.andi %gt3A_1913, %lt3A_1912 : vector<16xi1>
        %lt3A_1915 = arith.cmpf olt, %get3A_1906, %broadcast_in_dim3A_1797 : vector<16xf32>
        %and3A_1916 = arith.andi %lt3A_1915, %lt3A_1912 : vector<16xi1>
        %convert_element_type3A_1917 = arith.extui %and3A_1914 : vector<16xi1> to vector<16xi32>
        %convert_element_type3A_1918 = arith.extui %and3A_1916 : vector<16xi1> to vector<16xi32>
        %broadcast_in_dim3A_1919 = arith.constant true
        %broadcast_in_dim3A_1920 = vector.broadcast %broadcast_in_dim3A_1919 : i1 to vector<16xi1>
        %masked_cumsum3A = tpu.scan <sum>, %convert_element_type3A_1917 masked %broadcast_in_dim3A_1920 : vector<16xi32>, vector<16xi1> -> vector<16xi32>
        %broadcast_in_dim3A_1921 = arith.constant true
        %broadcast_in_dim3A_1922 = vector.broadcast %broadcast_in_dim3A_1921 : i1 to vector<16xi1>
        %masked_cumsum3A_1923 = tpu.scan <sum>, %convert_element_type3A_1918 masked %broadcast_in_dim3A_1922 : vector<16xi32>, vector<16xi1> -> vector<16xi32>
        %add3A_1924 = vector.broadcast %add3A_1801 : i32 to vector<16xi32>
        %add3A_1925 = arith.addi %add3A_1924, %while3A_1899 : vector<16xi32>
        %add3A_1926 = arith.addi %add3A_1925, %masked_cumsum3A : vector<16xi32>
        %sub3A_1927 = arith.subi %add3A_1926, %convert_element_type3A_1917 : vector<16xi32>
        tpu.vector_store_idx %arg4[%sub3A_1927], %get3A_1906 masked %and3A_1914 : memref<65536xf32, #tpu.memory_space<vmem>>[vector<16xi32>], vector<16xf32>, vector<16xi1>
        %add3A_1928 = vector.broadcast %select_n3A_1807 : i32 to vector<16xi32>
        %add3A_1929 = arith.addi %add3A_1928, %while3A_1900 : vector<16xi32>
        %add3A_1930 = arith.addi %add3A_1929, %masked_cumsum3A_1923 : vector<16xi32>
        %sub3A_1931 = arith.subi %add3A_1930, %convert_element_type3A_1918 : vector<16xi32>
        tpu.vector_store_idx %arg4[%sub3A_1931], %get3A_1906 masked %and3A_1916 : memref<65536xf32, #tpu.memory_space<vmem>>[vector<16xi32>], vector<16xf32>, vector<16xi1>
        %all_reduce_population_count3A_1932 = tpu.all_reduce %and3A_1914 {dim = 0 : i64, kind = #tpu.reduction_kind<sum>} : vector<16xi1> -> vector<16xi32>
        %add3A_1933 = arith.addi %while3A_1899, %all_reduce_population_count3A_1932 : vector<16xi32>
        %all_reduce_population_count3A_1934 = tpu.all_reduce %and3A_1916 {dim = 0 : i64, kind = #tpu.reduction_kind<sum>} : vector<16xi1> -> vector<16xi32>
        %add3A_1935 = arith.addi %while3A_1900, %all_reduce_population_count3A_1934 : vector<16xi32>
        %jit3A_1936 = arith.constant 0.000000e+00 : f32
        %broadcast_in_dim3A_1937 = vector.broadcast %jit3A_1936 : f32 to vector<16xf32>
        %select_n3A_1938 = arith.select %and3A_1914, %get3A_1906, %broadcast_in_dim3A_1937 : vector<16xi1>, vector<16xf32>
        %add3A_1939 = arith.addf %while3A_1901, %select_n3A_1938 : vector<16xf32>
        scf.yield %add3A_1933, %add3A_1935, %add3A_1939 : vector<16xi32>, vector<16xi32>, vector<16xf32>
      }
      %while3A_1847 = arith.constant 1 : i32
      %while3A_1848:3 = scf.for %while3A_1898 = %while3A_1844 to %while3A_1840 step %while3A_1847 iter_args(%while3A_1899 = %while3A_1846#0, %while3A_1900 = %while3A_1846#1, %while3A_1901 = %while3A_1846#2) -> (vector<16xi32>, vector<16xi32>, vector<16xf32>)  : i32 {
        %mul3A_1902 = arith.constant 16 : i32
        %mul3A_1903 = arith.muli %while3A_1898, %mul3A_1902 : i32
        %add3A_1904 = arith.addi %while3A_1595, %mul3A_1903 : i32
        %get3A_1905 = arith.index_cast %add3A_1904 : i32 to index
        %get3A_1906 = tpu.vector_load %arg4[%get3A_1905] {strides = array<i32>} : memref<65536xf32, #tpu.memory_space<vmem>>, vector<16xf32>,
        %mul3A_1907 = arith.constant 16 : i32
        %mul3A_1908 = arith.muli %while3A_1898, %mul3A_1907 : i32
        %add3A_1909 = vector.broadcast %mul3A_1908 : i32 to vector<16xi32>
        %add3A_1910 = arith.addi %add3A_1909, %iota3A_785 : vector<16xi32>
        %lt3A_1911 = vector.broadcast %while3A_1593 : i32 to vector<16xi32>
        %lt3A_1912 = arith.cmpi slt, %add3A_1910, %lt3A_1911 : vector<16xi32>
        %gt3A_1913 = arith.cmpf ogt, %get3A_1906, %broadcast_in_dim3A_1797 : vector<16xf32>
        %and3A_1914 = arith.andi %gt3A_1913, %lt3A_1912 : vector<16xi1>
        %lt3A_1915 = arith.cmpf olt, %get3A_1906, %broadcast_in_dim3A_1797 : vector<16xf32>
        %and3A_1916 = arith.andi %lt3A_1915, %lt3A_1912 : vector<16xi1>
        %convert_element_type3A_1917 = arith.extui %and3A_1914 : vector<16xi1> to vector<16xi32>
        %convert_element_type3A_1918 = arith.extui %and3A_1916 : vector<16xi1> to vector<16xi32>
        %broadcast_in_dim3A_1919 = arith.constant true
        %broadcast_in_dim3A_1920 = vector.broadcast %broadcast_in_dim3A_1919 : i1 to vector<16xi1>
        %masked_cumsum3A = tpu.scan <sum>, %convert_element_type3A_1917 masked %broadcast_in_dim3A_1920 : vector<16xi32>, vector<16xi1> -> vector<16xi32>
        %broadcast_in_dim3A_1921 = arith.constant true
        %broadcast_in_dim3A_1922 = vector.broadcast %broadcast_in_dim3A_1921 : i1 to vector<16xi1>
        %masked_cumsum3A_1923 = tpu.scan <sum>, %convert_element_type3A_1918 masked %broadcast_in_dim3A_1922 : vector<16xi32>, vector<16xi1> -> vector<16xi32>
        %add3A_1924 = vector.broadcast %add3A_1801 : i32 to vector<16xi32>
        %add3A_1925 = arith.addi %add3A_1924, %while3A_1899 : vector<16xi32>
        %add3A_1926 = arith.addi %add3A_1925, %masked_cumsum3A : vector<16xi32>
        %sub3A_1927 = arith.subi %add3A_1926, %convert_element_type3A_1917 : vector<16xi32>
        tpu.vector_store_idx %arg4[%sub3A_1927], %get3A_1906 masked %and3A_1914 : memref<65536xf32, #tpu.memory_space<vmem>>[vector<16xi32>], vector<16xf32>, vector<16xi1>
        %add3A_1928 = vector.broadcast %select_n3A_1807 : i32 to vector<16xi32>
        %add3A_1929 = arith.addi %add3A_1928, %while3A_1900 : vector<16xi32>
        %add3A_1930 = arith.addi %add3A_1929, %masked_cumsum3A_1923 : vector<16xi32>
        %sub3A_1931 = arith.subi %add3A_1930, %convert_element_type3A_1918 : vector<16xi32>
        tpu.vector_store_idx %arg4[%sub3A_1931], %get3A_1906 masked %and3A_1916 : memref<65536xf32, #tpu.memory_space<vmem>>[vector<16xi32>], vector<16xf32>, vector<16xi1>
        %all_reduce_population_count3A_1932 = tpu.all_reduce %and3A_1914 {dim = 0 : i64, kind = #tpu.reduction_kind<sum>} : vector<16xi1> -> vector<16xi32>
        %add3A_1933 = arith.addi %while3A_1899, %all_reduce_population_count3A_1932 : vector<16xi32>
        %all_reduce_population_count3A_1934 = tpu.all_reduce %and3A_1916 {dim = 0 : i64, kind = #tpu.reduction_kind<sum>} : vector<16xi1> -> vector<16xi32>
        %add3A_1935 = arith.addi %while3A_1900, %all_reduce_population_count3A_1934 : vector<16xi32>
        %jit3A_1936 = arith.constant 0.000000e+00 : f32
        %broadcast_in_dim3A_1937 = vector.broadcast %jit3A_1936 : f32 to vector<16xf32>
        %select_n3A_1938 = arith.select %and3A_1914, %get3A_1906, %broadcast_in_dim3A_1937 : vector<16xi1>, vector<16xf32>
        %add3A_1939 = arith.addf %while3A_1901, %select_n3A_1938 : vector<16xf32>
        scf.yield %add3A_1933, %add3A_1935, %add3A_1939 : vector<16xi32>, vector<16xi32>, vector<16xf32>
      }
      %reduce_max3A_1849 = arith.constant true
      %reduce_max3A_1850 = vector.broadcast %reduce_max3A_1849 : i1 to vector<16xi1>
      %reduce_max3A_1851 = arith.constant -2147483648 : i32
      %reduce_max3A_1852 = vector.broadcast %reduce_max3A_1851 : i32 to vector<16xi32>
      %reduce_max3A_1853 = arith.xori %while3A_1848#0, %reduce_max3A_1852 : vector<16xi32>
      %reduce_max3A_1854 = tpu.scan <max>, %reduce_max3A_1853 masked %reduce_max3A_1850 : vector<16xi32>, vector<16xi1> -> vector<16xi32>
      %reduce_max3A_1855 = arith.xori %reduce_max3A_1854, %reduce_max3A_1852 : vector<16xi32>
      %reduce_max3A_1856 = vector.extract %reduce_max3A_1855[15] : i32 from vector<16xi32>
      %reduce_max3A_1857 = arith.constant true
      %reduce_max3A_1858 = vector.broadcast %reduce_max3A_1857 : i1 to vector<16xi1>
      %reduce_max3A_1859 = arith.constant -2147483648 : i32
      %reduce_max3A_1860 = vector.broadcast %reduce_max3A_1859 : i32 to vector<16xi32>
      %reduce_max3A_1861 = arith.xori %while3A_1848#1, %reduce_max3A_1860 : vector<16xi32>
      %reduce_max3A_1862 = tpu.scan <max>, %reduce_max3A_1861 masked %reduce_max3A_1858 : vector<16xi32>, vector<16xi1> -> vector<16xi32>
      %reduce_max3A_1863 = arith.xori %reduce_max3A_1862, %reduce_max3A_1860 : vector<16xi32>
      %reduce_max3A_1864 = vector.extract %reduce_max3A_1863[15] : i32 from vector<16xi32>
      %reduce_sum3A_1865 = arith.constant true
      %reduce_sum3A_1866 = vector.broadcast %reduce_sum3A_1865 : i1 to vector<16xi1>
      %reduce_sum3A_1867 = tpu.scan <sum>, %while3A_1848#2 masked %reduce_sum3A_1866 : vector<16xf32>, vector<16xi1> -> vector<16xf32>
      %reduce_sum3A_1868 = vector.extract %reduce_sum3A_1867[15] : f32 from vector<16xf32>
      %sub3A_1869 = arith.subi %while3A_1593, %reduce_max3A_1856 : i32
      %sub3A_1870 = arith.subi %sub3A_1869, %reduce_max3A_1864 : i32
      %le3A_1871 = arith.cmpi sle, %while3A_1594, %reduce_max3A_1856 : i32
      %not3A = arith.constant true
      %not3A_1872 = arith.xori %le3A_1871, %not3A : i1
      %add3A_1873 = arith.addi %reduce_max3A_1856, %sub3A_1870 : i32
      %le3A_1874 = arith.cmpi sle, %while3A_1594, %add3A_1873 : i32
      %and3A_1875 = arith.andi %not3A_1872, %le3A_1874 : i1
      %select_n3A_1876 = arith.select %and3A_1875, %reduce_max3A_1796, %while3A_1598 : f32
      %convert_element_type3A_1877 = arith.sitofp %sub3A_1870 : i32 to f32
      %mul3A_1878 = arith.mulf %reduce_max3A_1796, %convert_element_type3A_1877 : f32
      %add3A_1879 = arith.addf %reduce_sum3A_1868, %mul3A_1878 : f32
      %select_n3A_1880 = arith.select %and3A_1875, %reduce_sum3A_1868, %add3A_1879 : f32
      %jit3A_1881 = arith.constant 0.000000e+00 : f32
      %select_n3A_1882 = arith.select %le3A_1871, %jit3A_1881, %select_n3A_1880 : f32
      %add3A_1883 = arith.addi %reduce_max3A_1856, %sub3A_1870 : i32
      %select_n3A_1884 = arith.select %and3A_1875, %reduce_max3A_1856, %add3A_1883 : i32
      %jit3A_1885 = arith.constant 0 : i32
      %select_n3A_1886 = arith.select %le3A_1871, %jit3A_1885, %select_n3A_1884 : i32
      %select_n3A_1887 = arith.select %le3A_1871, %reduce_max3A_1856, %reduce_max3A_1864 : i32
      %add3A_1888 = arith.addi %reduce_max3A_1856, %sub3A_1870 : i32
      %sub3A_1889 = arith.subi %while3A_1594, %add3A_1888 : i32
      %select_n3A_1890 = arith.select %le3A_1871, %while3A_1594, %sub3A_1889 : i32
      %select_n3A_1891 = arith.select %le3A_1871, %add3A_1801, %select_n3A_1807 : i32
      %jit3A_1892 = arith.constant 1 : i32
      %select_n3A_1893 = arith.select %and3A_1875, %jit3A_1892, %while3A_1597 : i32
      %sub3A_1894 = arith.constant 1 : i32
      %sub3A_1895 = arith.subi %sub3A_1894, %while3A_1596 : i32
      %add3A_1896 = arith.addf %while3A_1599, %select_n3A_1882 : f32
      %add3A_1897 = arith.addi %while3A_1600, %select_n3A_1886 : i32
      scf.yield %select_n3A_1887, %select_n3A_1890, %select_n3A_1891, %sub3A_1895, %select_n3A_1893, %select_n3A_1876, %add3A_1896, %add3A_1897 : i32, i32, i32, i32, i32, f32, f32, i32
    }
    %add3A_893 = arith.constant 0 : i32
    %add3A_894 = arith.addi %while3A_892#2, %add3A_893 : i32
    %get3A_895 = arith.index_cast %add3A_894 : i32 to index
    %get3A_896 = tpu.vector_load %arg4[%get3A_895] {strides = array<i32>} : memref<65536xf32, #tpu.memory_space<vmem>>, vector<16xf32>,
    %add3A_897 = arith.constant 0 : i32
    %add3A_898 = vector.broadcast %add3A_897 : i32 to vector<16xi32>
    %add3A_899 = arith.addi %iota3A_785, %add3A_898 : vector<16xi32>
    %lt3A_900 = vector.broadcast %while3A_892#0 : i32 to vector<16xi32>
    %lt3A_901 = arith.cmpi slt, %add3A_899, %lt3A_900 : vector<16xi32>
    %jit3A_902 = arith.constant 0xFF800000 : f32
    %broadcast_in_dim3A_903 = vector.broadcast %jit3A_902 : f32 to vector<16xf32>
    %select_n3A_904 = arith.select %lt3A_901, %get3A_896, %broadcast_in_dim3A_903 : vector<16xi1>, vector<16xf32>
    %add3A_905 = arith.constant 16 : i32
    %add3A_906 = arith.addi %while3A_892#2, %add3A_905 : i32
    %get3A_907 = arith.index_cast %add3A_906 : i32 to index
    %get3A_908 = tpu.vector_load %arg4[%get3A_907] {strides = array<i32>} : memref<65536xf32, #tpu.memory_space<vmem>>, vector<16xf32>,
    %add3A_909 = arith.constant 16 : i32
    %add3A_910 = vector.broadcast %add3A_909 : i32 to vector<16xi32>
    %add3A_911 = arith.addi %iota3A_785, %add3A_910 : vector<16xi32>
    %lt3A_912 = vector.broadcast %while3A_892#0 : i32 to vector<16xi32>
    %lt3A_913 = arith.cmpi slt, %add3A_911, %lt3A_912 : vector<16xi32>
    %jit3A_914 = arith.constant 0xFF800000 : f32
    %broadcast_in_dim3A_915 = vector.broadcast %jit3A_914 : f32 to vector<16xf32>
    %select_n3A_916 = arith.select %lt3A_913, %get3A_908, %broadcast_in_dim3A_915 : vector<16xi1>, vector<16xf32>
    %add3A_917 = arith.constant 32 : i32
    %add3A_918 = arith.addi %while3A_892#2, %add3A_917 : i32
    %get3A_919 = arith.index_cast %add3A_918 : i32 to index
    %get3A_920 = tpu.vector_load %arg4[%get3A_919] {strides = array<i32>} : memref<65536xf32, #tpu.memory_space<vmem>>, vector<16xf32>,
    %add3A_921 = arith.constant 32 : i32
    %add3A_922 = vector.broadcast %add3A_921 : i32 to vector<16xi32>
    %add3A_923 = arith.addi %iota3A_785, %add3A_922 : vector<16xi32>
    %lt3A_924 = vector.broadcast %while3A_892#0 : i32 to vector<16xi32>
    %lt3A_925 = arith.cmpi slt, %add3A_923, %lt3A_924 : vector<16xi32>
    %jit3A_926 = arith.constant 0xFF800000 : f32
    %broadcast_in_dim3A_927 = vector.broadcast %jit3A_926 : f32 to vector<16xf32>
    %select_n3A_928 = arith.select %lt3A_925, %get3A_920, %broadcast_in_dim3A_927 : vector<16xi1>, vector<16xf32>
    %add3A_929 = arith.constant 48 : i32
    %add3A_930 = arith.addi %while3A_892#2, %add3A_929 : i32
    %get3A_931 = arith.index_cast %add3A_930 : i32 to index
    %get3A_932 = tpu.vector_load %arg4[%get3A_931] {strides = array<i32>} : memref<65536xf32, #tpu.memory_space<vmem>>, vector<16xf32>,
    %add3A_933 = arith.constant 48 : i32
    %add3A_934 = vector.broadcast %add3A_933 : i32 to vector<16xi32>
    %add3A_935 = arith.addi %iota3A_785, %add3A_934 : vector<16xi32>
    %lt3A_936 = vector.broadcast %while3A_892#0 : i32 to vector<16xi32>
    %lt3A_937 = arith.cmpi slt, %add3A_935, %lt3A_936 : vector<16xi32>
    %jit3A_938 = arith.constant 0xFF800000 : f32
    %broadcast_in_dim3A_939 = vector.broadcast %jit3A_938 : f32 to vector<16xf32>
    %select_n3A_940 = arith.select %lt3A_937, %get3A_932, %broadcast_in_dim3A_939 : vector<16xi1>, vector<16xf32>
    %sort3A_941 = arith.constant dense<true> : vector<16xi1>
    %sort3A_942, %sort3A_943, %sort3A_944 = tpu.sort %select_n3A_904, %select_n3A_904 masked %sort3A_941 : (vector<16xf32>, vector<16xf32>, vector<16xi1>) -> (vector<16xi1>, vector<16xf32>, vector<16xf32>)
    %sort3A_945 = arith.constant dense<true> : vector<16xi1>
    %sort3A_946, %sort3A_947, %sort3A_948 = tpu.sort %select_n3A_916, %select_n3A_916 masked %sort3A_945 : (vector<16xf32>, vector<16xf32>, vector<16xi1>) -> (vector<16xi1>, vector<16xf32>, vector<16xf32>)
    %rev3A_949 = arith.constant 15 : i32
    %rev3A_950 = vector.broadcast %rev3A_949 : i32 to vector<16xi32>
    %rev3A_951 = tpu.iota {dimensions = array<i32: 0>} : vector<16xi32>
    %rev3A_952 = arith.subi %rev3A_950, %rev3A_951 : vector<16xi32>
    %rev3A_953 = tpu.dynamic_gather %sort3A_947[%rev3A_952] in [0] : vector<16xf32>, vector<16xi32> -> vector<16xf32>
    %min3A_954 = arith.minimumf %sort3A_943, %rev3A_953 : vector<16xf32>
    %sort3A_955 = arith.constant dense<true> : vector<16xi1>
    %sort3A_956, %sort3A_957, %sort3A_958 = tpu.sort %min3A_954, %min3A_954 masked %sort3A_955 : (vector<16xf32>, vector<16xf32>, vector<16xi1>) -> (vector<16xi1>, vector<16xf32>, vector<16xf32>)
    %max3A_959 = arith.maximumf %sort3A_943, %rev3A_953 : vector<16xf32>
    %sort3A_960 = arith.constant dense<true> : vector<16xi1>
    %sort3A_961, %sort3A_962, %sort3A_963 = tpu.sort %max3A_959, %max3A_959 masked %sort3A_960 : (vector<16xf32>, vector<16xf32>, vector<16xi1>) -> (vector<16xi1>, vector<16xf32>, vector<16xf32>)
    %sort3A_964 = arith.constant dense<true> : vector<16xi1>
    %sort3A_965, %sort3A_966, %sort3A_967 = tpu.sort %select_n3A_928, %select_n3A_928 masked %sort3A_964 : (vector<16xf32>, vector<16xf32>, vector<16xi1>) -> (vector<16xi1>, vector<16xf32>, vector<16xf32>)
    %sort3A_968 = arith.constant dense<true> : vector<16xi1>
    %sort3A_969, %sort3A_970, %sort3A_971 = tpu.sort %select_n3A_940, %select_n3A_940 masked %sort3A_968 : (vector<16xf32>, vector<16xf32>, vector<16xi1>) -> (vector<16xi1>, vector<16xf32>, vector<16xf32>)
    %rev3A_972 = arith.constant 15 : i32
    %rev3A_973 = vector.broadcast %rev3A_972 : i32 to vector<16xi32>
    %rev3A_974 = tpu.iota {dimensions = array<i32: 0>} : vector<16xi32>
    %rev3A_975 = arith.subi %rev3A_973, %rev3A_974 : vector<16xi32>
    %rev3A_976 = tpu.dynamic_gather %sort3A_970[%rev3A_975] in [0] : vector<16xf32>, vector<16xi32> -> vector<16xf32>
    %min3A_977 = arith.minimumf %sort3A_966, %rev3A_976 : vector<16xf32>
    %sort3A_978 = arith.constant dense<true> : vector<16xi1>
    %sort3A_979, %sort3A_980, %sort3A_981 = tpu.sort %min3A_977, %min3A_977 masked %sort3A_978 : (vector<16xf32>, vector<16xf32>, vector<16xi1>) -> (vector<16xi1>, vector<16xf32>, vector<16xf32>)
    %max3A_982 = arith.maximumf %sort3A_966, %rev3A_976 : vector<16xf32>
    %sort3A_983 = arith.constant dense<true> : vector<16xi1>
    %sort3A_984, %sort3A_985, %sort3A_986 = tpu.sort %max3A_982, %max3A_982 masked %sort3A_983 : (vector<16xf32>, vector<16xf32>, vector<16xi1>) -> (vector<16xi1>, vector<16xf32>, vector<16xf32>)
    %rev3A_987 = arith.constant 15 : i32
    %rev3A_988 = vector.broadcast %rev3A_987 : i32 to vector<16xi32>
    %rev3A_989 = tpu.iota {dimensions = array<i32: 0>} : vector<16xi32>
    %rev3A_990 = arith.subi %rev3A_988, %rev3A_989 : vector<16xi32>
    %rev3A_991 = tpu.dynamic_gather %sort3A_985[%rev3A_990] in [0] : vector<16xf32>, vector<16xi32> -> vector<16xf32>
    %rev3A_992 = arith.constant 15 : i32
    %rev3A_993 = vector.broadcast %rev3A_992 : i32 to vector<16xi32>
    %rev3A_994 = tpu.iota {dimensions = array<i32: 0>} : vector<16xi32>
    %rev3A_995 = arith.subi %rev3A_993, %rev3A_994 : vector<16xi32>
    %rev3A_996 = tpu.dynamic_gather %sort3A_980[%rev3A_995] in [0] : vector<16xf32>, vector<16xi32> -> vector<16xf32>
    %min3A_997 = arith.minimumf %sort3A_957, %rev3A_991 : vector<16xf32>
    %min3A_998 = arith.minimumf %sort3A_962, %rev3A_996 : vector<16xf32>
    %max3A_999 = arith.maximumf %sort3A_957, %rev3A_991 : vector<16xf32>
    %max3A_1000 = arith.maximumf %sort3A_962, %rev3A_996 : vector<16xf32>
    %min3A_1001 = arith.minimumf %min3A_997, %min3A_998 : vector<16xf32>
    %sort3A_1002 = arith.constant dense<true> : vector<16xi1>
    %sort3A_1003, %sort3A_1004, %sort3A_1005 = tpu.sort %min3A_1001, %min3A_1001 masked %sort3A_1002 : (vector<16xf32>, vector<16xf32>, vector<16xi1>) -> (vector<16xi1>, vector<16xf32>, vector<16xf32>)
    %max3A_1006 = arith.maximumf %min3A_997, %min3A_998 : vector<16xf32>
    %sort3A_1007 = arith.constant dense<true> : vector<16xi1>
    %sort3A_1008, %sort3A_1009, %sort3A_1010 = tpu.sort %max3A_1006, %max3A_1006 masked %sort3A_1007 : (vector<16xf32>, vector<16xf32>, vector<16xi1>) -> (vector<16xi1>, vector<16xf32>, vector<16xf32>)
    %min3A_1011 = arith.minimumf %max3A_999, %max3A_1000 : vector<16xf32>
    %sort3A_1012 = arith.constant dense<true> : vector<16xi1>
    %sort3A_1013, %sort3A_1014, %sort3A_1015 = tpu.sort %min3A_1011, %min3A_1011 masked %sort3A_1012 : (vector<16xf32>, vector<16xf32>, vector<16xi1>) -> (vector<16xi1>, vector<16xf32>, vector<16xf32>)
    %max3A_1016 = arith.maximumf %max3A_999, %max3A_1000 : vector<16xf32>
    %sort3A_1017 = arith.constant dense<true> : vector<16xi1>
    %sort3A_1018, %sort3A_1019, %sort3A_1020 = tpu.sort %max3A_1016, %max3A_1016 masked %sort3A_1017 : (vector<16xf32>, vector<16xf32>, vector<16xi1>) -> (vector<16xi1>, vector<16xf32>, vector<16xf32>)
    %sub3A_1021 = arith.constant 64 : i32
    %sub3A_1022 = arith.subi %sub3A_1021, %while3A_892#1 : i32
    %jit3A_1023 = arith.constant 16 : i32
    %div3A_1024 = arith.divsi %sub3A_1022, %jit3A_1023 : i32
    %sign3A_1025 = arith.constant 0 : i32
    %sign3A_1026 = arith.cmpi sgt, %sub3A_1022, %sign3A_1025 : i32
    %sign3A_1027 = arith.extui %sign3A_1026 : i1 to i32
    %sign3A_1028 = arith.constant 0 : i32
    %sign3A_1029 = arith.cmpi slt, %sub3A_1022, %sign3A_1028 : i32
    %sign3A_1030 = arith.extui %sign3A_1029 : i1 to i32
    %sign3A_1031 = arith.subi %sign3A_1027, %sign3A_1030 : i32
    %sign3A_1032 = arith.constant 0 : i32
    %sign3A_1033 = arith.cmpi sgt, %jit3A_1023, %sign3A_1032 : i32
    %sign3A_1034 = arith.extui %sign3A_1033 : i1 to i32
    %sign3A_1035 = arith.constant 0 : i32
    %sign3A_1036 = arith.cmpi slt, %jit3A_1023, %sign3A_1035 : i32
    %sign3A_1037 = arith.extui %sign3A_1036 : i1 to i32
    %sign3A_1038 = arith.subi %sign3A_1034, %sign3A_1037 : i32
    %ne3A_1039 = arith.cmpi ne, %sign3A_1031, %sign3A_1038 : i32
    %rem3A_1040 = arith.remsi %sub3A_1022, %jit3A_1023 : i32
    %ne3A_1041 = arith.constant 0 : i32
    %ne3A_1042 = arith.cmpi ne, %rem3A_1040, %ne3A_1041 : i32
    %and3A_1043 = arith.andi %ne3A_1039, %ne3A_1042 : i1
    %sub3A_1044 = arith.constant 1 : i32
    %sub3A_1045 = arith.subi %div3A_1024, %sub3A_1044 : i32
    %select_n3A_1046 = arith.select %and3A_1043, %sub3A_1045, %div3A_1024 : i32
    %jit3A_1047 = arith.constant 16 : i32
    %eq3A_1048 = arith.constant 0 : i32
    %eq3A_1049 = arith.cmpi eq, %jit3A_1047, %eq3A_1048 : i32
    %jit3A_1050 = arith.constant 1 : i32
    %select_n3A_1051 = arith.select %eq3A_1049, %jit3A_1050, %jit3A_1047 : i32
    %rem3A_1052 = arith.remsi %sub3A_1022, %select_n3A_1051 : i32
    %ne3A_1053 = arith.constant 0 : i32
    %ne3A_1054 = arith.cmpi ne, %rem3A_1052, %ne3A_1053 : i32
    %lt3A_1055 = arith.constant 0 : i32
    %lt3A_1056 = arith.cmpi slt, %rem3A_1052, %lt3A_1055 : i32
    %lt3A_1057 = arith.constant 0 : i32
    %lt3A_1058 = arith.cmpi slt, %select_n3A_1051, %lt3A_1057 : i32
    %ne3A_1059 = arith.xori %lt3A_1056, %lt3A_1058 : i1
    %and3A_1060 = arith.andi %ne3A_1059, %ne3A_1054 : i1
    %add3A_1061 = arith.addi %rem3A_1052, %select_n3A_1051 : i32
    %select_n3A_1062 = arith.select %and3A_1060, %add3A_1061, %rem3A_1052 : i32
    %eq3A_1063 = arith.constant 0 : i32
    %eq3A_1064 = arith.cmpi eq, %select_n3A_1046, %eq3A_1063 : i32
    %iota3A_1065 = tpu.iota {dimensions = array<i32: 0>} : vector<16xi32>
    %eq3A_1066 = vector.broadcast %select_n3A_1062 : i32 to vector<16xi32>
    %eq3A_1067 = arith.cmpi eq, %iota3A_1065, %eq3A_1066 : vector<16xi32>
    %jit3A_1068 = arith.constant 0xFF800000 : f32
    %broadcast_in_dim3A_1069 = vector.broadcast %jit3A_1068 : f32 to vector<16xf32>
    %select_n3A_1070 = arith.select %eq3A_1067, %sort3A_1004, %broadcast_in_dim3A_1069 : vector<16xi1>, vector<16xf32>
    %reduce_max3A_1071 = arith.constant true
    %reduce_max3A_1072 = vector.broadcast %reduce_max3A_1071 : i1 to vector<16xi1>
    %reduce_max3A_1073 = tpu.scan <max>, %select_n3A_1070 masked %reduce_max3A_1072 : vector<16xf32>, vector<16xi1> -> vector<16xf32>
    %reduce_max3A_1074 = vector.extract %reduce_max3A_1073[15] : f32 from vector<16xf32>
    %jit3A_1075 = arith.constant 0xFF800000 : f32
    %select_n3A_1076 = arith.select %eq3A_1064, %reduce_max3A_1074, %jit3A_1075 : f32
    %eq3A_1077 = arith.constant 1 : i32
    %eq3A_1078 = arith.cmpi eq, %select_n3A_1046, %eq3A_1077 : i32
    %iota3A_1079 = tpu.iota {dimensions = array<i32: 0>} : vector<16xi32>
    %eq3A_1080 = vector.broadcast %select_n3A_1062 : i32 to vector<16xi32>
    %eq3A_1081 = arith.cmpi eq, %iota3A_1079, %eq3A_1080 : vector<16xi32>
    %jit3A_1082 = arith.constant 0xFF800000 : f32
    %broadcast_in_dim3A_1083 = vector.broadcast %jit3A_1082 : f32 to vector<16xf32>
    %select_n3A_1084 = arith.select %eq3A_1081, %sort3A_1009, %broadcast_in_dim3A_1083 : vector<16xi1>, vector<16xf32>
    %reduce_max3A_1085 = arith.constant true
    %reduce_max3A_1086 = vector.broadcast %reduce_max3A_1085 : i1 to vector<16xi1>
    %reduce_max3A_1087 = tpu.scan <max>, %select_n3A_1084 masked %reduce_max3A_1086 : vector<16xf32>, vector<16xi1> -> vector<16xf32>
    %reduce_max3A_1088 = vector.extract %reduce_max3A_1087[15] : f32 from vector<16xf32>
    %select_n3A_1089 = arith.select %eq3A_1078, %reduce_max3A_1088, %select_n3A_1076 : f32
    %eq3A_1090 = arith.constant 2 : i32
    %eq3A_1091 = arith.cmpi eq, %select_n3A_1046, %eq3A_1090 : i32
    %iota3A_1092 = tpu.iota {dimensions = array<i32: 0>} : vector<16xi32>
    %eq3A_1093 = vector.broadcast %select_n3A_1062 : i32 to vector<16xi32>
    %eq3A_1094 = arith.cmpi eq, %iota3A_1092, %eq3A_1093 : vector<16xi32>
    %jit3A_1095 = arith.constant 0xFF800000 : f32
    %broadcast_in_dim3A_1096 = vector.broadcast %jit3A_1095 : f32 to vector<16xf32>
    %select_n3A_1097 = arith.select %eq3A_1094, %sort3A_1014, %broadcast_in_dim3A_1096 : vector<16xi1>, vector<16xf32>
    %reduce_max3A_1098 = arith.constant true
    %reduce_max3A_1099 = vector.broadcast %reduce_max3A_1098 : i1 to vector<16xi1>
    %reduce_max3A_1100 = tpu.scan <max>, %select_n3A_1097 masked %reduce_max3A_1099 : vector<16xf32>, vector<16xi1> -> vector<16xf32>
    %reduce_max3A_1101 = vector.extract %reduce_max3A_1100[15] : f32 from vector<16xf32>
    %select_n3A_1102 = arith.select %eq3A_1091, %reduce_max3A_1101, %select_n3A_1089 : f32
    %eq3A_1103 = arith.constant 3 : i32
    %eq3A_1104 = arith.cmpi eq, %select_n3A_1046, %eq3A_1103 : i32
    %iota3A_1105 = tpu.iota {dimensions = array<i32: 0>} : vector<16xi32>
    %eq3A_1106 = vector.broadcast %select_n3A_1062 : i32 to vector<16xi32>
    %eq3A_1107 = arith.cmpi eq, %iota3A_1105, %eq3A_1106 : vector<16xi32>
    %jit3A_1108 = arith.constant 0xFF800000 : f32
    %broadcast_in_dim3A_1109 = vector.broadcast %jit3A_1108 : f32 to vector<16xf32>
    %select_n3A_1110 = arith.select %eq3A_1107, %sort3A_1019, %broadcast_in_dim3A_1109 : vector<16xi1>, vector<16xf32>
    %reduce_max3A_1111 = arith.constant true
    %reduce_max3A_1112 = vector.broadcast %reduce_max3A_1111 : i1 to vector<16xi1>
    %reduce_max3A_1113 = tpu.scan <max>, %select_n3A_1110 masked %reduce_max3A_1112 : vector<16xf32>, vector<16xi1> -> vector<16xf32>
    %reduce_max3A_1114 = vector.extract %reduce_max3A_1113[15] : f32 from vector<16xf32>
    %select_n3A_1115 = arith.select %eq3A_1104, %reduce_max3A_1114, %select_n3A_1102 : f32
    %eq3A_1116 = arith.constant 0 : i32
    %eq3A_1117 = arith.cmpi eq, %while3A_892#4, %eq3A_1116 : i32
    %select_n3A_1118 = arith.select %eq3A_1117, %select_n3A_1115, %while3A_892#5 : f32
    %broadcast_in_dim3A_1119 = vector.broadcast %select_n3A_1118 : f32 to vector<16xf32>
    %broadcast_in_dim3A_1120 = arith.constant 0.000000e+00 : f32
    %broadcast_in_dim3A_1121 = vector.broadcast %broadcast_in_dim3A_1120 : f32 to vector<16xf32>
    %broadcast_in_dim3A_1122 = arith.constant 0 : i32
    %broadcast_in_dim3A_1123 = vector.broadcast %broadcast_in_dim3A_1122 : i32 to vector<16xi32>
    %eq3A_1124 = arith.constant 0 : i32
    %eq3A_1125 = arith.cmpi eq, %while3A_892#4, %eq3A_1124 : i32
    %gt3A_1126 = arith.cmpf ogt, %select_n3A_904, %broadcast_in_dim3A_1119 : vector<16xf32>
    %and3A_1127 = vector.broadcast %eq3A_1125 : i1 to vector<16xi1>
    %and3A_1128 = arith.andi %and3A_1127, %gt3A_1126 : vector<16xi1>
    %jit3A_1129 = arith.constant 0.000000e+00 : f32
    %broadcast_in_dim3A_1130 = vector.broadcast %jit3A_1129 : f32 to vector<16xf32>
    %select_n3A_1131 = arith.select %and3A_1128, %select_n3A_904, %broadcast_in_dim3A_1130 : vector<16xi1>, vector<16xf32>
    %add3A_1132 = arith.addf %broadcast_in_dim3A_1121, %select_n3A_1131 : vector<16xf32>
    %all_reduce_population_count3A_1133 = tpu.all_reduce %and3A_1128 {dim = 0 : i64, kind = #tpu.reduction_kind<sum>} : vector<16xi1> -> vector<16xi32>
    %add3A_1134 = arith.addi %broadcast_in_dim3A_1123, %all_reduce_population_count3A_1133 : vector<16xi32>
    %gt3A_1135 = arith.cmpf ogt, %select_n3A_916, %broadcast_in_dim3A_1119 : vector<16xf32>
    %and3A_1136 = vector.broadcast %eq3A_1125 : i1 to vector<16xi1>
    %and3A_1137 = arith.andi %and3A_1136, %gt3A_1135 : vector<16xi1>
    %jit3A_1138 = arith.constant 0.000000e+00 : f32
    %broadcast_in_dim3A_1139 = vector.broadcast %jit3A_1138 : f32 to vector<16xf32>
    %select_n3A_1140 = arith.select %and3A_1137, %select_n3A_916, %broadcast_in_dim3A_1139 : vector<16xi1>, vector<16xf32>
    %add3A_1141 = arith.addf %add3A_1132, %select_n3A_1140 : vector<16xf32>
    %all_reduce_population_count3A_1142 = tpu.all_reduce %and3A_1137 {dim = 0 : i64, kind = #tpu.reduction_kind<sum>} : vector<16xi1> -> vector<16xi32>
    %add3A_1143 = arith.addi %add3A_1134, %all_reduce_population_count3A_1142 : vector<16xi32>
    %gt3A_1144 = arith.cmpf ogt, %select_n3A_928, %broadcast_in_dim3A_1119 : vector<16xf32>
    %and3A_1145 = vector.broadcast %eq3A_1125 : i1 to vector<16xi1>
    %and3A_1146 = arith.andi %and3A_1145, %gt3A_1144 : vector<16xi1>
    %jit3A_1147 = arith.constant 0.000000e+00 : f32
    %broadcast_in_dim3A_1148 = vector.broadcast %jit3A_1147 : f32 to vector<16xf32>
    %select_n3A_1149 = arith.select %and3A_1146, %select_n3A_928, %broadcast_in_dim3A_1148 : vector<16xi1>, vector<16xf32>
    %add3A_1150 = arith.addf %add3A_1141, %select_n3A_1149 : vector<16xf32>
    %all_reduce_population_count3A_1151 = tpu.all_reduce %and3A_1146 {dim = 0 : i64, kind = #tpu.reduction_kind<sum>} : vector<16xi1> -> vector<16xi32>
    %add3A_1152 = arith.addi %add3A_1143, %all_reduce_population_count3A_1151 : vector<16xi32>
    %gt3A_1153 = arith.cmpf ogt, %select_n3A_940, %broadcast_in_dim3A_1119 : vector<16xf32>
    %and3A_1154 = vector.broadcast %eq3A_1125 : i1 to vector<16xi1>
    %and3A_1155 = arith.andi %and3A_1154, %gt3A_1153 : vector<16xi1>
    %jit3A_1156 = arith.constant 0.000000e+00 : f32
    %broadcast_in_dim3A_1157 = vector.broadcast %jit3A_1156 : f32 to vector<16xf32>
    %select_n3A_1158 = arith.select %and3A_1155, %select_n3A_940, %broadcast_in_dim3A_1157 : vector<16xi1>, vector<16xf32>
    %add3A_1159 = arith.addf %add3A_1150, %select_n3A_1158 : vector<16xf32>
    %all_reduce_population_count3A_1160 = tpu.all_reduce %and3A_1155 {dim = 0 : i64, kind = #tpu.reduction_kind<sum>} : vector<16xi1> -> vector<16xi32>
    %add3A_1161 = arith.addi %add3A_1152, %all_reduce_population_count3A_1160 : vector<16xi32>
    %reduce_sum3A_1162 = arith.constant true
    %reduce_sum3A_1163 = vector.broadcast %reduce_sum3A_1162 : i1 to vector<16xi1>
    %reduce_sum3A_1164 = tpu.scan <sum>, %add3A_1159 masked %reduce_sum3A_1163 : vector<16xf32>, vector<16xi1> -> vector<16xf32>
    %reduce_sum3A_1165 = vector.extract %reduce_sum3A_1164[15] : f32 from vector<16xf32>
    %add3A_1166 = arith.addf %while3A_892#6, %reduce_sum3A_1165 : f32
    %reduce_max3A_1167 = arith.constant true
    %reduce_max3A_1168 = vector.broadcast %reduce_max3A_1167 : i1 to vector<16xi1>
    %reduce_max3A_1169 = arith.constant -2147483648 : i32
    %reduce_max3A_1170 = vector.broadcast %reduce_max3A_1169 : i32 to vector<16xi32>
    %reduce_max3A_1171 = arith.xori %add3A_1161, %reduce_max3A_1170 : vector<16xi32>
    %reduce_max3A_1172 = tpu.scan <max>, %reduce_max3A_1171 masked %reduce_max3A_1168 : vector<16xi32>, vector<16xi1> -> vector<16xi32>
    %reduce_max3A_1173 = arith.xori %reduce_max3A_1172, %reduce_max3A_1170 : vector<16xi32>
    %reduce_max3A_1174 = vector.extract %reduce_max3A_1173[15] : i32 from vector<16xi32>
    %add3A_1175 = arith.addi %while3A_892#7, %reduce_max3A_1174 : i32
    %convert_element_type3A_1176 = arith.sitofp %add3A_1175 : i32 to f32
    %mul3A_1177 = arith.mulf %select_n3A_1118, %convert_element_type3A_1176 : f32
    %sub3A_1178 = arith.subf %add3A_1166, %mul3A_1177 : f32
    %add3A_1179 = arith.constant 1.000000e-07 : f32
    %add3A_1180 = arith.addf %sub3A_1178, %add3A_1179 : f32
    %broadcast_in_dim3A_1181 = vector.broadcast %add3A_1180 : f32 to vector<16xf32>
    %broadcast_in_dim3A_1182 = arith.constant 1.000000e+00 : f32
    %broadcast_in_dim3A_1183 = vector.broadcast %broadcast_in_dim3A_1182 : f32 to vector<16xf32>
    %div3A_1184 = arith.divf %broadcast_in_dim3A_1183, %broadcast_in_dim3A_1181 : vector<16xf32>
    %broadcast_in_dim3A_1185 = vector.broadcast %select_n3A_1118 : f32 to vector<16xf32>
    %parallel_loop3A_1186 = arith.constant 0 : i32
    %parallel_loop3A_1187 = arith.constant 8192 : i32
    %parallel_loop3A_1188 = arith.constant 16 : i32
    scf.for %parallel_loop3A_1593 = %parallel_loop3A_1186 to %parallel_loop3A_1187 step %parallel_loop3A_1188  : i32 {
      %parallel_loop3A_1594 = arith.constant 16384 : i32
      %parallel_loop3A_1595 = arith.addi %parallel_loop3A_1594, %parallel_loop3A_1593 : i32
      %parallel_loop3A_1596 = arith.index_cast %parallel_loop3A_1595 : i32 to index
      %parallel_loop3A_1597 = tpu.vector_load %arg4[%parallel_loop3A_1596] {strides = array<i32>} : memref<65536xf32, #tpu.memory_space<vmem>>, vector<16xf32>,
      %parallel_loop3A_1598 = arith.subf %parallel_loop3A_1597, %broadcast_in_dim3A_1185 : vector<16xf32>
      %parallel_loop3A_1599 = arith.constant 0.000000e+00 : f32
      %parallel_loop3A_1600 = vector.broadcast %parallel_loop3A_1599 : f32 to vector<16xf32>
      %parallel_loop3A_1601 = arith.maximumf %parallel_loop3A_1598, %parallel_loop3A_1600 : vector<16xf32>
      %parallel_loop3A_1602 = arith.mulf %parallel_loop3A_1601, %div3A_1184 : vector<16xf32>
      %parallel_loop3A_1603 = arith.index_cast %parallel_loop3A_1595 : i32 to index
      %parallel_loop3A_1604 = tpu.vector_load %arg4[%parallel_loop3A_1603] {strides = array<i32>} : memref<65536xf32, #tpu.memory_space<vmem>>, vector<16xf32>,
      tpu.vector_store %arg4[%parallel_loop3A_1603], %parallel_loop3A_1602 {strides = array<i32>} : memref<65536xf32, #tpu.memory_space<vmem>>, vector<16xf32>,
    } {sc.loop_unroll_factor = 8 : i64, sc.parallel_access}
    %iota3A_1189 = tpu.iota {dimensions = array<i32: 0>} : vector<16xi32>
    %mul3A_1190 = arith.constant 64 : i32
    %mul3A_1191 = vector.broadcast %mul3A_1190 : i32 to vector<16xi32>
    %mul3A_1192 = arith.muli %iota3A_1189, %mul3A_1191 : vector<16xi32>
    %add3A_1193 = arith.constant 24576 : i32
    %add3A_1194 = vector.broadcast %add3A_1193 : i32 to vector<16xi32>
    %add3A_1195 = arith.addi %add3A_1194, %mul3A_1192 : vector<16xi32>
    %gather3A_1196 = tpu.vector_load_idx %arg4[%add3A_1195] : memref<65536xf32, #tpu.memory_space<vmem>>[vector<16xi32>], vector<16xf32>,
    %mul3A_1197 = arith.constant 64 : i32
    %mul3A_1198 = vector.broadcast %mul3A_1197 : i32 to vector<16xi32>
    %mul3A_1199 = arith.muli %iota3A_1189, %mul3A_1198 : vector<16xi32>
    %add3A_1200 = arith.constant 25600 : i32
    %add3A_1201 = vector.broadcast %add3A_1200 : i32 to vector<16xi32>
    %add3A_1202 = arith.addi %add3A_1201, %mul3A_1199 : vector<16xi32>
    %gather3A_1203 = tpu.vector_load_idx %arg4[%add3A_1202] : memref<65536xf32, #tpu.memory_space<vmem>>[vector<16xi32>], vector<16xf32>,
    %max3A_1204 = arith.maximumf %gather3A_1196, %gather3A_1203 : vector<16xf32>
    %mul3A_1205 = arith.constant 64 : i32
    %mul3A_1206 = vector.broadcast %mul3A_1205 : i32 to vector<16xi32>
    %mul3A_1207 = arith.muli %iota3A_1189, %mul3A_1206 : vector<16xi32>
    %add3A_1208 = arith.constant 26624 : i32
    %add3A_1209 = vector.broadcast %add3A_1208 : i32 to vector<16xi32>
    %add3A_1210 = arith.addi %add3A_1209, %mul3A_1207 : vector<16xi32>
    %gather3A_1211 = tpu.vector_load_idx %arg4[%add3A_1210] : memref<65536xf32, #tpu.memory_space<vmem>>[vector<16xi32>], vector<16xf32>,
    %max3A_1212 = arith.maximumf %max3A_1204, %gather3A_1211 : vector<16xf32>
    %mul3A_1213 = arith.constant 64 : i32
    %mul3A_1214 = vector.broadcast %mul3A_1213 : i32 to vector<16xi32>
    %mul3A_1215 = arith.muli %iota3A_1189, %mul3A_1214 : vector<16xi32>
    %add3A_1216 = arith.constant 27648 : i32
    %add3A_1217 = vector.broadcast %add3A_1216 : i32 to vector<16xi32>
    %add3A_1218 = arith.addi %add3A_1217, %mul3A_1215 : vector<16xi32>
    %gather3A_1219 = tpu.vector_load_idx %arg4[%add3A_1218] : memref<65536xf32, #tpu.memory_space<vmem>>[vector<16xi32>], vector<16xf32>,
    %max3A_1220 = arith.maximumf %max3A_1212, %gather3A_1219 : vector<16xf32>
    %mul3A_1221 = arith.constant 64 : i32
    %mul3A_1222 = vector.broadcast %mul3A_1221 : i32 to vector<16xi32>
    %mul3A_1223 = arith.muli %iota3A_1189, %mul3A_1222 : vector<16xi32>
    %add3A_1224 = arith.constant 28672 : i32
    %add3A_1225 = vector.broadcast %add3A_1224 : i32 to vector<16xi32>
    %add3A_1226 = arith.addi %add3A_1225, %mul3A_1223 : vector<16xi32>
    %gather3A_1227 = tpu.vector_load_idx %arg4[%add3A_1226] : memref<65536xf32, #tpu.memory_space<vmem>>[vector<16xi32>], vector<16xf32>,
    %max3A_1228 = arith.maximumf %max3A_1220, %gather3A_1227 : vector<16xf32>
    %mul3A_1229 = arith.constant 64 : i32
    %mul3A_1230 = vector.broadcast %mul3A_1229 : i32 to vector<16xi32>
    %mul3A_1231 = arith.muli %iota3A_1189, %mul3A_1230 : vector<16xi32>
    %add3A_1232 = arith.constant 29696 : i32
    %add3A_1233 = vector.broadcast %add3A_1232 : i32 to vector<16xi32>
    %add3A_1234 = arith.addi %add3A_1233, %mul3A_1231 : vector<16xi32>
    %gather3A_1235 = tpu.vector_load_idx %arg4[%add3A_1234] : memref<65536xf32, #tpu.memory_space<vmem>>[vector<16xi32>], vector<16xf32>,
    %max3A_1236 = arith.maximumf %max3A_1228, %gather3A_1235 : vector<16xf32>
    %mul3A_1237 = arith.constant 64 : i32
    %mul3A_1238 = vector.broadcast %mul3A_1237 : i32 to vector<16xi32>
    %mul3A_1239 = arith.muli %iota3A_1189, %mul3A_1238 : vector<16xi32>
    %add3A_1240 = arith.constant 30720 : i32
    %add3A_1241 = vector.broadcast %add3A_1240 : i32 to vector<16xi32>
    %add3A_1242 = arith.addi %add3A_1241, %mul3A_1239 : vector<16xi32>
    %gather3A_1243 = tpu.vector_load_idx %arg4[%add3A_1242] : memref<65536xf32, #tpu.memory_space<vmem>>[vector<16xi32>], vector<16xf32>,
    %max3A_1244 = arith.maximumf %max3A_1236, %gather3A_1243 : vector<16xf32>
    %mul3A_1245 = arith.constant 64 : i32
    %mul3A_1246 = vector.broadcast %mul3A_1245 : i32 to vector<16xi32>
    %mul3A_1247 = arith.muli %iota3A_1189, %mul3A_1246 : vector<16xi32>
    %add3A_1248 = arith.constant 31744 : i32
    %add3A_1249 = vector.broadcast %add3A_1248 : i32 to vector<16xi32>
    %add3A_1250 = arith.addi %add3A_1249, %mul3A_1247 : vector<16xi32>
    %gather3A_1251 = tpu.vector_load_idx %arg4[%add3A_1250] : memref<65536xf32, #tpu.memory_space<vmem>>[vector<16xi32>], vector<16xf32>,
    %max3A_1252 = arith.maximumf %max3A_1244, %gather3A_1251 : vector<16xf32>
    %sort3A_1253 = arith.constant dense<true> : vector<16xi1>
    %sort3A_1254, %sort3A_1255, %sort3A_1256 = tpu.sort %max3A_1252, %max3A_1252 masked %sort3A_1253 : (vector<16xf32>, vector<16xf32>, vector<16xi1>) -> (vector<16xi1>, vector<16xf32>, vector<16xf32>)
    %iota3A_1257 = tpu.iota {dimensions = array<i32: 0>} : vector<16xi32>
    %eq3A_1258 = arith.constant 11 : i32
    %eq3A_1259 = vector.broadcast %eq3A_1258 : i32 to vector<16xi32>
    %eq3A_1260 = arith.cmpi eq, %iota3A_1257, %eq3A_1259 : vector<16xi32>
    %jit3A_1261 = arith.constant 0xFF800000 : f32
    %broadcast_in_dim3A_1262 = vector.broadcast %jit3A_1261 : f32 to vector<16xf32>
    %select_n3A_1263 = arith.select %eq3A_1260, %sort3A_1255, %broadcast_in_dim3A_1262 : vector<16xi1>, vector<16xf32>
    %reduce_max3A_1264 = arith.constant true
    %reduce_max3A_1265 = vector.broadcast %reduce_max3A_1264 : i1 to vector<16xi1>
    %reduce_max3A_1266 = tpu.scan <max>, %select_n3A_1263 masked %reduce_max3A_1265 : vector<16xf32>, vector<16xi1> -> vector<16xf32>
    %reduce_max3A_1267 = vector.extract %reduce_max3A_1266[15] : f32 from vector<16xf32>
    %broadcast_in_dim3A_1268 = vector.broadcast %reduce_max3A_1267 : f32 to vector<16xf32>
    %broadcast_in_dim3A_1269 = arith.constant 0 : i32
    %broadcast_in_dim3A_1270 = vector.broadcast %broadcast_in_dim3A_1269 : i32 to vector<16xi32>
    %parallel_loop3A_1271 = arith.constant 0 : i32
    %parallel_loop3A_1272 = arith.constant 8192 : i32
    %parallel_loop3A_1273 = arith.constant 16 : i32
    %parallel_loop3A_1274 = scf.for %parallel_loop3A_1593 = %parallel_loop3A_1271 to %parallel_loop3A_1272 step %parallel_loop3A_1273 iter_args(%parallel_loop3A_1594 = %broadcast_in_dim3A_1270) -> (vector<16xi32>)  : i32 {
      %parallel_loop3A_1595 = arith.constant 24576 : i32
      %parallel_loop3A_1596 = arith.addi %parallel_loop3A_1595, %parallel_loop3A_1593 : i32
      %parallel_loop3A_1597 = arith.index_cast %parallel_loop3A_1596 : i32 to index
      %parallel_loop3A_1598 = tpu.vector_load %arg4[%parallel_loop3A_1597] {strides = array<i32>} : memref<65536xf32, #tpu.memory_space<vmem>>, vector<16xf32>,
      %parallel_loop3A_1599 = arith.cmpf ogt, %parallel_loop3A_1598, %broadcast_in_dim3A_1268 : vector<16xf32>
      %parallel_loop3A_1600 = arith.extui %parallel_loop3A_1599 : vector<16xi1> to vector<16xi32>
      %parallel_loop3A_1601 = arith.constant true
      %parallel_loop3A_1602 = vector.broadcast %parallel_loop3A_1601 : i1 to vector<16xi1>
      %parallel_loop3A_1603 = tpu.scan <sum>, %parallel_loop3A_1600 masked %parallel_loop3A_1602 : vector<16xi32>, vector<16xi1> -> vector<16xi32>
      %parallel_loop3A_1604 = arith.constant 32768 : i32
      %parallel_loop3A_1605 = vector.broadcast %parallel_loop3A_1604 : i32 to vector<16xi32>
      %parallel_loop3A_1606 = arith.addi %parallel_loop3A_1605, %parallel_loop3A_1594 : vector<16xi32>
      %parallel_loop3A_1607 = arith.addi %parallel_loop3A_1606, %parallel_loop3A_1603 : vector<16xi32>
      %parallel_loop3A_1608 = arith.subi %parallel_loop3A_1607, %parallel_loop3A_1600 : vector<16xi32>
      tpu.vector_store_idx %arg4[%parallel_loop3A_1608], %parallel_loop3A_1598 masked %parallel_loop3A_1599 : memref<65536xf32, #tpu.memory_space<vmem>>[vector<16xi32>], vector<16xf32>, vector<16xi1>
      %parallel_loop3A_1609 = tpu.all_reduce %parallel_loop3A_1599 {dim = 0 : i64, kind = #tpu.reduction_kind<sum>} : vector<16xi1> -> vector<16xi32>
      %parallel_loop3A_1610 = arith.addi %parallel_loop3A_1594, %parallel_loop3A_1609 : vector<16xi32>
      scf.yield %parallel_loop3A_1610 : vector<16xi32>
    } {sc.loop_unroll_factor = 8 : i64, sc.parallel_access}
    %reduce_max3A_1275 = arith.constant true
    %reduce_max3A_1276 = vector.broadcast %reduce_max3A_1275 : i1 to vector<16xi1>
    %reduce_max3A_1277 = arith.constant -2147483648 : i32
    %reduce_max3A_1278 = vector.broadcast %reduce_max3A_1277 : i32 to vector<16xi32>
    %reduce_max3A_1279 = arith.xori %parallel_loop3A_1274, %reduce_max3A_1278 : vector<16xi32>
    %reduce_max3A_1280 = tpu.scan <max>, %reduce_max3A_1279 masked %reduce_max3A_1276 : vector<16xi32>, vector<16xi1> -> vector<16xi32>
    %reduce_max3A_1281 = arith.xori %reduce_max3A_1280, %reduce_max3A_1278 : vector<16xi32>
    %reduce_max3A_1282 = vector.extract %reduce_max3A_1281[15] : i32 from vector<16xi32>
    %ge3A_1283 = arith.constant 65 : i32
    %ge3A_1284 = arith.cmpi sge, %reduce_max3A_1282, %ge3A_1283 : i32
    %jit3A_1285 = arith.constant 8192 : i32
    %select_n3A_1286 = arith.select %ge3A_1284, %reduce_max3A_1282, %jit3A_1285 : i32
    %jit3A_1287 = arith.constant 32768 : i32
    %jit3A_1288 = arith.constant 24576 : i32
    %select_n3A_1289 = arith.select %ge3A_1284, %jit3A_1287, %jit3A_1288 : i32
    %while3A_1290 = arith.constant 65 : i32
    %while3A_1291 = arith.constant 0 : i32
    %while3A_1292 = arith.constant 0 : i32
    %while3A_1293 = arith.constant 0.000000e+00 : f32
    %while3A_1294 = arith.constant 0.000000e+00 : f32
    %while3A_1295 = arith.constant 0 : i32
    %while3A_1296:8 = scf.while (%while3A_1593 = %select_n3A_1286, %while3A_1594 = %while3A_1290, %while3A_1595 = %select_n3A_1289, %while3A_1596 = %while3A_1291, %while3A_1597 = %while3A_1292, %while3A_1598 = %while3A_1293, %while3A_1599 = %while3A_1294, %while3A_1600 = %while3A_1295) : (i32, i32, i32, i32, i32, f32, f32, i32) -> (i32, i32, i32, i32, i32, f32, f32, i32) {
      %eq3A_1601 = arith.constant 0 : i32
      %eq3A_1602 = arith.cmpi eq, %while3A_1597, %eq3A_1601 : i32
      %gt3A_1603 = arith.constant 64 : i32
      %gt3A_1604 = arith.cmpi sgt, %while3A_1593, %gt3A_1603 : i32
      %and3A_1605 = arith.andi %eq3A_1602, %gt3A_1604 : i1
      scf.condition(%and3A_1605) %while3A_1593, %while3A_1594, %while3A_1595, %while3A_1596, %while3A_1597, %while3A_1598, %while3A_1599, %while3A_1600 : i32, i32, i32, i32, i32, f32, f32, i32
    } do {
    ^bb0(%while3A_1593: i32, %while3A_1594: i32, %while3A_1595: i32, %while3A_1596: i32, %while3A_1597: i32, %while3A_1598: f32, %while3A_1599: f32, %while3A_1600: i32):
      %iota3A_1601 = tpu.iota {dimensions = array<i32: 0>} : vector<16xi32>
      %jit3A_1602 = arith.constant 16 : i32
      %div3A_1603 = arith.divsi %while3A_1593, %jit3A_1602 : i32
      %sign3A_1604 = arith.constant 0 : i32
      %sign3A_1605 = arith.cmpi sgt, %while3A_1593, %sign3A_1604 : i32
      %sign3A_1606 = arith.extui %sign3A_1605 : i1 to i32
      %sign3A_1607 = arith.constant 0 : i32
      %sign3A_1608 = arith.cmpi slt, %while3A_1593, %sign3A_1607 : i32
      %sign3A_1609 = arith.extui %sign3A_1608 : i1 to i32
      %sign3A_1610 = arith.subi %sign3A_1606, %sign3A_1609 : i32
      %sign3A_1611 = arith.constant 0 : i32
      %sign3A_1612 = arith.cmpi sgt, %jit3A_1602, %sign3A_1611 : i32
      %sign3A_1613 = arith.extui %sign3A_1612 : i1 to i32
      %sign3A_1614 = arith.constant 0 : i32
      %sign3A_1615 = arith.cmpi slt, %jit3A_1602, %sign3A_1614 : i32
      %sign3A_1616 = arith.extui %sign3A_1615 : i1 to i32
      %sign3A_1617 = arith.subi %sign3A_1613, %sign3A_1616 : i32
      %ne3A_1618 = arith.cmpi ne, %sign3A_1610, %sign3A_1617 : i32
      %rem3A_1619 = arith.remsi %while3A_1593, %jit3A_1602 : i32
      %ne3A_1620 = arith.constant 0 : i32
      %ne3A_1621 = arith.cmpi ne, %rem3A_1619, %ne3A_1620 : i32
      %and3A_1622 = arith.andi %ne3A_1618, %ne3A_1621 : i1
      %sub3A_1623 = arith.constant 1 : i32
      %sub3A_1624 = arith.subi %div3A_1603, %sub3A_1623 : i32
      %select_n3A_1625 = arith.select %and3A_1622, %sub3A_1624, %div3A_1603 : i32
      %mul3A_1626 = vector.broadcast %select_n3A_1625 : i32 to vector<16xi32>
      %mul3A_1627 = arith.muli %iota3A_1601, %mul3A_1626 : vector<16xi32>
      %add3A_1628 = vector.broadcast %while3A_1595 : i32 to vector<16xi32>
      %add3A_1629 = arith.addi %add3A_1628, %mul3A_1627 : vector<16xi32>
      %gather3A_1630 = tpu.vector_load_idx %arg4[%add3A_1629] : memref<65536xf32, #tpu.memory_space<vmem>>[vector<16xi32>], vector<16xf32>,
      %sort3A_1631 = arith.constant dense<true> : vector<16xi1>
      %sort3A_1632, %sort3A_1633, %sort3A_1634 = tpu.sort %gather3A_1630, %gather3A_1630 masked %sort3A_1631 : (vector<16xf32>, vector<16xf32>, vector<16xi1>) -> (vector<16xi1>, vector<16xf32>, vector<16xf32>)
      %add3A_1635 = arith.constant 1 : i32
      %add3A_1636 = arith.addi %while3A_1593, %add3A_1635 : i32
      %sub3A_1637 = arith.subi %add3A_1636, %while3A_1594 : i32
      %jit3A_1638 = arith.constant 8 : i32
      %div3A_1639 = arith.divsi %while3A_1593, %jit3A_1638 : i32
      %sign3A_1640 = arith.constant 0 : i32
      %sign3A_1641 = arith.cmpi sgt, %while3A_1593, %sign3A_1640 : i32
      %sign3A_1642 = arith.extui %sign3A_1641 : i1 to i32
      %sign3A_1643 = arith.constant 0 : i32
      %sign3A_1644 = arith.cmpi slt, %while3A_1593, %sign3A_1643 : i32
      %sign3A_1645 = arith.extui %sign3A_1644 : i1 to i32
      %sign3A_1646 = arith.subi %sign3A_1642, %sign3A_1645 : i32
      %sign3A_1647 = arith.constant 0 : i32
      %sign3A_1648 = arith.cmpi sgt, %jit3A_1638, %sign3A_1647 : i32
      %sign3A_1649 = arith.extui %sign3A_1648 : i1 to i32
      %sign3A_1650 = arith.constant 0 : i32
      %sign3A_1651 = arith.cmpi slt, %jit3A_1638, %sign3A_1650 : i32
      %sign3A_1652 = arith.extui %sign3A_1651 : i1 to i32
      %sign3A_1653 = arith.subi %sign3A_1649, %sign3A_1652 : i32
      %ne3A_1654 = arith.cmpi ne, %sign3A_1646, %sign3A_1653 : i32
      %rem3A_1655 = arith.remsi %while3A_1593, %jit3A_1638 : i32
      %ne3A_1656 = arith.constant 0 : i32
      %ne3A_1657 = arith.cmpi ne, %rem3A_1655, %ne3A_1656 : i32
      %and3A_1658 = arith.andi %ne3A_1654, %ne3A_1657 : i1
      %sub3A_1659 = arith.constant 1 : i32
      %sub3A_1660 = arith.subi %div3A_1639, %sub3A_1659 : i32
      %select_n3A_1661 = arith.select %and3A_1658, %sub3A_1660, %div3A_1639 : i32
      %add3A_1662 = arith.constant 8 : i32
      %add3A_1663 = arith.addi %select_n3A_1661, %add3A_1662 : i32
      %add3A_1664 = arith.constant 1 : i32
      %add3A_1665 = arith.addi %while3A_1593, %add3A_1664 : i32
      %add3A_1666 = arith.addi %while3A_1594, %add3A_1663 : i32
      %sub3A_1667 = arith.constant 1 : i32
      %sub3A_1668 = arith.subi %while3A_1593, %sub3A_1667 : i32
      %min3A_1669 = arith.minsi %add3A_1666, %sub3A_1668 : i32
      %mul3A_1670 = arith.constant 17 : i32
      %mul3A_1671 = arith.muli %mul3A_1670, %min3A_1669 : i32
      %jit3A_1672 = arith.constant 2 : i32
      %div3A_1673 = arith.divsi %add3A_1665, %jit3A_1672 : i32
      %sign3A_1674 = arith.constant 0 : i32
      %sign3A_1675 = arith.cmpi sgt, %add3A_1665, %sign3A_1674 : i32
      %sign3A_1676 = arith.extui %sign3A_1675 : i1 to i32
      %sign3A_1677 = arith.constant 0 : i32
      %sign3A_1678 = arith.cmpi slt, %add3A_1665, %sign3A_1677 : i32
      %sign3A_1679 = arith.extui %sign3A_1678 : i1 to i32
      %sign3A_1680 = arith.subi %sign3A_1676, %sign3A_1679 : i32
      %sign3A_1681 = arith.constant 0 : i32
      %sign3A_1682 = arith.cmpi sgt, %jit3A_1672, %sign3A_1681 : i32
      %sign3A_1683 = arith.extui %sign3A_1682 : i1 to i32
      %sign3A_1684 = arith.constant 0 : i32
      %sign3A_1685 = arith.cmpi slt, %jit3A_1672, %sign3A_1684 : i32
      %sign3A_1686 = arith.extui %sign3A_1685 : i1 to i32
      %sign3A_1687 = arith.subi %sign3A_1683, %sign3A_1686 : i32
      %ne3A_1688 = arith.cmpi ne, %sign3A_1680, %sign3A_1687 : i32
      %rem3A_1689 = arith.remsi %add3A_1665, %jit3A_1672 : i32
      %ne3A_1690 = arith.constant 0 : i32
      %ne3A_1691 = arith.cmpi ne, %rem3A_1689, %ne3A_1690 : i32
      %and3A_1692 = arith.andi %ne3A_1688, %ne3A_1691 : i1
      %sub3A_1693 = arith.constant 1 : i32
      %sub3A_1694 = arith.subi %div3A_1673, %sub3A_1693 : i32
      %select_n3A_1695 = arith.select %and3A_1692, %sub3A_1694, %div3A_1673 : i32
      %add3A_1696 = arith.addi %mul3A_1671, %select_n3A_1695 : i32
      %div3A_1697 = arith.divsi %add3A_1696, %add3A_1665 : i32
      %sign3A_1698 = arith.constant 0 : i32
      %sign3A_1699 = arith.cmpi sgt, %add3A_1696, %sign3A_1698 : i32
      %sign3A_1700 = arith.extui %sign3A_1699 : i1 to i32
      %sign3A_1701 = arith.constant 0 : i32
      %sign3A_1702 = arith.cmpi slt, %add3A_1696, %sign3A_1701 : i32
      %sign3A_1703 = arith.extui %sign3A_1702 : i1 to i32
      %sign3A_1704 = arith.subi %sign3A_1700, %sign3A_1703 : i32
      %sign3A_1705 = arith.constant 0 : i32
      %sign3A_1706 = arith.cmpi sgt, %add3A_1665, %sign3A_1705 : i32
      %sign3A_1707 = arith.extui %sign3A_1706 : i1 to i32
      %sign3A_1708 = arith.constant 0 : i32
      %sign3A_1709 = arith.cmpi slt, %add3A_1665, %sign3A_1708 : i32
      %sign3A_1710 = arith.extui %sign3A_1709 : i1 to i32
      %sign3A_1711 = arith.subi %sign3A_1707, %sign3A_1710 : i32
      %ne3A_1712 = arith.cmpi ne, %sign3A_1704, %sign3A_1711 : i32
      %rem3A_1713 = arith.remsi %add3A_1696, %add3A_1665 : i32
      %ne3A_1714 = arith.constant 0 : i32
      %ne3A_1715 = arith.cmpi ne, %rem3A_1713, %ne3A_1714 : i32
      %and3A_1716 = arith.andi %ne3A_1712, %ne3A_1715 : i1
      %sub3A_1717 = arith.constant 1 : i32
      %sub3A_1718 = arith.subi %div3A_1697, %sub3A_1717 : i32
      %select_n3A_1719 = arith.select %and3A_1716, %sub3A_1718, %div3A_1697 : i32
      %jit3A_1720 = arith.constant 1 : i32
      %jit3A_1721 = arith.constant 16 : i32
      %max3A_1722 = arith.maxsi %jit3A_1720, %select_n3A_1719 : i32
      %min3A_1723 = arith.minsi %jit3A_1721, %max3A_1722 : i32
      %sub3A_1724 = arith.constant 16 : i32
      %sub3A_1725 = arith.subi %sub3A_1724, %min3A_1723 : i32
      %add3A_1726 = arith.addi %sub3A_1637, %add3A_1663 : i32
      %sub3A_1727 = arith.constant 1 : i32
      %sub3A_1728 = arith.subi %while3A_1593, %sub3A_1727 : i32
      %min3A_1729 = arith.minsi %add3A_1726, %sub3A_1728 : i32
      %mul3A_1730 = arith.constant 17 : i32
      %mul3A_1731 = arith.muli %mul3A_1730, %min3A_1729 : i32
      %jit3A_1732 = arith.constant 2 : i32
      %div3A_1733 = arith.divsi %add3A_1665, %jit3A_1732 : i32
      %sign3A_1734 = arith.constant 0 : i32
      %sign3A_1735 = arith.cmpi sgt, %add3A_1665, %sign3A_1734 : i32
      %sign3A_1736 = arith.extui %sign3A_1735 : i1 to i32
      %sign3A_1737 = arith.constant 0 : i32
      %sign3A_1738 = arith.cmpi slt, %add3A_1665, %sign3A_1737 : i32
      %sign3A_1739 = arith.extui %sign3A_1738 : i1 to i32
      %sign3A_1740 = arith.subi %sign3A_1736, %sign3A_1739 : i32
      %sign3A_1741 = arith.constant 0 : i32
      %sign3A_1742 = arith.cmpi sgt, %jit3A_1732, %sign3A_1741 : i32
      %sign3A_1743 = arith.extui %sign3A_1742 : i1 to i32
      %sign3A_1744 = arith.constant 0 : i32
      %sign3A_1745 = arith.cmpi slt, %jit3A_1732, %sign3A_1744 : i32
      %sign3A_1746 = arith.extui %sign3A_1745 : i1 to i32
      %sign3A_1747 = arith.subi %sign3A_1743, %sign3A_1746 : i32
      %ne3A_1748 = arith.cmpi ne, %sign3A_1740, %sign3A_1747 : i32
      %rem3A_1749 = arith.remsi %add3A_1665, %jit3A_1732 : i32
      %ne3A_1750 = arith.constant 0 : i32
      %ne3A_1751 = arith.cmpi ne, %rem3A_1749, %ne3A_1750 : i32
      %and3A_1752 = arith.andi %ne3A_1748, %ne3A_1751 : i1
      %sub3A_1753 = arith.constant 1 : i32
      %sub3A_1754 = arith.subi %div3A_1733, %sub3A_1753 : i32
      %select_n3A_1755 = arith.select %and3A_1752, %sub3A_1754, %div3A_1733 : i32
      %add3A_1756 = arith.addi %mul3A_1731, %select_n3A_1755 : i32
      %div3A_1757 = arith.divsi %add3A_1756, %add3A_1665 : i32
      %sign3A_1758 = arith.constant 0 : i32
      %sign3A_1759 = arith.cmpi sgt, %add3A_1756, %sign3A_1758 : i32
      %sign3A_1760 = arith.extui %sign3A_1759 : i1 to i32
      %sign3A_1761 = arith.constant 0 : i32
      %sign3A_1762 = arith.cmpi slt, %add3A_1756, %sign3A_1761 : i32
      %sign3A_1763 = arith.extui %sign3A_1762 : i1 to i32
      %sign3A_1764 = arith.subi %sign3A_1760, %sign3A_1763 : i32
      %sign3A_1765 = arith.constant 0 : i32
      %sign3A_1766 = arith.cmpi sgt, %add3A_1665, %sign3A_1765 : i32
      %sign3A_1767 = arith.extui %sign3A_1766 : i1 to i32
      %sign3A_1768 = arith.constant 0 : i32
      %sign3A_1769 = arith.cmpi slt, %add3A_1665, %sign3A_1768 : i32
      %sign3A_1770 = arith.extui %sign3A_1769 : i1 to i32
      %sign3A_1771 = arith.subi %sign3A_1767, %sign3A_1770 : i32
      %ne3A_1772 = arith.cmpi ne, %sign3A_1764, %sign3A_1771 : i32
      %rem3A_1773 = arith.remsi %add3A_1756, %add3A_1665 : i32
      %ne3A_1774 = arith.constant 0 : i32
      %ne3A_1775 = arith.cmpi ne, %rem3A_1773, %ne3A_1774 : i32
      %and3A_1776 = arith.andi %ne3A_1772, %ne3A_1775 : i1
      %sub3A_1777 = arith.constant 1 : i32
      %sub3A_1778 = arith.subi %div3A_1757, %sub3A_1777 : i32
      %select_n3A_1779 = arith.select %and3A_1776, %sub3A_1778, %div3A_1757 : i32
      %jit3A_1780 = arith.constant 1 : i32
      %jit3A_1781 = arith.constant 16 : i32
      %max3A_1782 = arith.maxsi %jit3A_1780, %select_n3A_1779 : i32
      %min3A_1783 = arith.minsi %jit3A_1781, %max3A_1782 : i32
      %sub3A_1784 = arith.constant 1 : i32
      %sub3A_1785 = arith.subi %min3A_1783, %sub3A_1784 : i32
      %le3A = arith.cmpi sle, %while3A_1594, %sub3A_1637 : i32
      %select_n3A_1786 = arith.select %le3A, %sub3A_1725, %sub3A_1785 : i32
      %iota3A_1787 = tpu.iota {dimensions = array<i32: 0>} : vector<16xi32>
      %eq3A_1788 = vector.broadcast %select_n3A_1786 : i32 to vector<16xi32>
      %eq3A_1789 = arith.cmpi eq, %iota3A_1787, %eq3A_1788 : vector<16xi32>
      %jit3A_1790 = arith.constant 0xFF800000 : f32
      %broadcast_in_dim3A_1791 = vector.broadcast %jit3A_1790 : f32 to vector<16xf32>
      %select_n3A_1792 = arith.select %eq3A_1789, %sort3A_1633, %broadcast_in_dim3A_1791 : vector<16xi1>, vector<16xf32>
      %reduce_max3A_1793 = arith.constant true
      %reduce_max3A_1794 = vector.broadcast %reduce_max3A_1793 : i1 to vector<16xi1>
      %reduce_max3A_1795 = tpu.scan <max>, %select_n3A_1792 masked %reduce_max3A_1794 : vector<16xf32>, vector<16xi1> -> vector<16xf32>
      %reduce_max3A_1796 = vector.extract %reduce_max3A_1795[15] : f32 from vector<16xf32>
      %broadcast_in_dim3A_1797 = vector.broadcast %reduce_max3A_1796 : f32 to vector<16xf32>
      %mul3A_1798 = arith.constant 16384 : i32
      %mul3A_1799 = arith.muli %while3A_1596, %mul3A_1798 : i32
      %add3A_1800 = arith.constant 40960 : i32
      %add3A_1801 = arith.addi %add3A_1800, %mul3A_1799 : i32
      %eq3A_1802 = arith.constant 0 : i32
      %eq3A_1803 = arith.cmpi eq, %while3A_1596, %eq3A_1802 : i32
      %add3A_1804 = arith.constant 8192 : i32
      %add3A_1805 = arith.addi %add3A_1801, %add3A_1804 : i32
      %jit3A_1806 = arith.constant 32768 : i32
      %select_n3A_1807 = arith.select %eq3A_1803, %add3A_1805, %jit3A_1806 : i32
      %broadcast_in_dim3A_1808 = arith.constant 0 : i32
      %broadcast_in_dim3A_1809 = vector.broadcast %broadcast_in_dim3A_1808 : i32 to vector<16xi32>
      %broadcast_in_dim3A_1810 = arith.constant 0.000000e+00 : f32
      %broadcast_in_dim3A_1811 = vector.broadcast %broadcast_in_dim3A_1810 : f32 to vector<16xf32>
      %add3A_1812 = arith.constant 15 : i32
      %add3A_1813 = arith.addi %while3A_1593, %add3A_1812 : i32
      %jit3A_1814 = arith.constant 16 : i32
      %div3A_1815 = arith.divsi %add3A_1813, %jit3A_1814 : i32
      %sign3A_1816 = arith.constant 0 : i32
      %sign3A_1817 = arith.cmpi sgt, %add3A_1813, %sign3A_1816 : i32
      %sign3A_1818 = arith.extui %sign3A_1817 : i1 to i32
      %sign3A_1819 = arith.constant 0 : i32
      %sign3A_1820 = arith.cmpi slt, %add3A_1813, %sign3A_1819 : i32
      %sign3A_1821 = arith.extui %sign3A_1820 : i1 to i32
      %sign3A_1822 = arith.subi %sign3A_1818, %sign3A_1821 : i32
      %sign3A_1823 = arith.constant 0 : i32
      %sign3A_1824 = arith.cmpi sgt, %jit3A_1814, %sign3A_1823 : i32
      %sign3A_1825 = arith.extui %sign3A_1824 : i1 to i32
      %sign3A_1826 = arith.constant 0 : i32
      %sign3A_1827 = arith.cmpi slt, %jit3A_1814, %sign3A_1826 : i32
      %sign3A_1828 = arith.extui %sign3A_1827 : i1 to i32
      %sign3A_1829 = arith.subi %sign3A_1825, %sign3A_1828 : i32
      %ne3A_1830 = arith.cmpi ne, %sign3A_1822, %sign3A_1829 : i32
      %rem3A_1831 = arith.remsi %add3A_1813, %jit3A_1814 : i32
      %ne3A_1832 = arith.constant 0 : i32
      %ne3A_1833 = arith.cmpi ne, %rem3A_1831, %ne3A_1832 : i32
      %and3A_1834 = arith.andi %ne3A_1830, %ne3A_1833 : i1
      %sub3A_1835 = arith.constant 1 : i32
      %sub3A_1836 = arith.subi %div3A_1815, %sub3A_1835 : i32
      %select_n3A_1837 = arith.select %and3A_1834, %sub3A_1836, %div3A_1815 : i32
      %while3A_1838 = arith.constant 0 : i32
      %while3A_1839 = arith.subi %select_n3A_1837, %while3A_1838 : i32
      %while3A_1840 = arith.addi %while3A_1838, %while3A_1839 : i32
      %while3A_1841 = arith.constant 1 : i32
      %while3A_1842 = arith.divsi %while3A_1839, %while3A_1841 : i32
      %while3A_1843 = arith.muli %while3A_1842, %while3A_1841 : i32
      %while3A_1844 = arith.addi %while3A_1838, %while3A_1843 : i32
      %while3A_1845 = arith.constant 1 : i32
      %while3A_1846:3 = scf.for %while3A_1898 = %while3A_1838 to %while3A_1844 step %while3A_1845 iter_args(%while3A_1899 = %broadcast_in_dim3A_1809, %while3A_1900 = %broadcast_in_dim3A_1809, %while3A_1901 = %broadcast_in_dim3A_1811) -> (vector<16xi32>, vector<16xi32>, vector<16xf32>)  : i32 {
        %mul3A_1902 = arith.constant 16 : i32
        %mul3A_1903 = arith.muli %while3A_1898, %mul3A_1902 : i32
        %add3A_1904 = arith.addi %while3A_1595, %mul3A_1903 : i32
        %get3A_1905 = arith.index_cast %add3A_1904 : i32 to index
        %get3A_1906 = tpu.vector_load %arg4[%get3A_1905] {strides = array<i32>} : memref<65536xf32, #tpu.memory_space<vmem>>, vector<16xf32>,
        %mul3A_1907 = arith.constant 16 : i32
        %mul3A_1908 = arith.muli %while3A_1898, %mul3A_1907 : i32
        %add3A_1909 = vector.broadcast %mul3A_1908 : i32 to vector<16xi32>
        %add3A_1910 = arith.addi %add3A_1909, %iota3A_1189 : vector<16xi32>
        %lt3A_1911 = vector.broadcast %while3A_1593 : i32 to vector<16xi32>
        %lt3A_1912 = arith.cmpi slt, %add3A_1910, %lt3A_1911 : vector<16xi32>
        %gt3A_1913 = arith.cmpf ogt, %get3A_1906, %broadcast_in_dim3A_1797 : vector<16xf32>
        %and3A_1914 = arith.andi %gt3A_1913, %lt3A_1912 : vector<16xi1>
        %lt3A_1915 = arith.cmpf olt, %get3A_1906, %broadcast_in_dim3A_1797 : vector<16xf32>
        %and3A_1916 = arith.andi %lt3A_1915, %lt3A_1912 : vector<16xi1>
        %convert_element_type3A_1917 = arith.extui %and3A_1914 : vector<16xi1> to vector<16xi32>
        %convert_element_type3A_1918 = arith.extui %and3A_1916 : vector<16xi1> to vector<16xi32>
        %broadcast_in_dim3A_1919 = arith.constant true
        %broadcast_in_dim3A_1920 = vector.broadcast %broadcast_in_dim3A_1919 : i1 to vector<16xi1>
        %masked_cumsum3A = tpu.scan <sum>, %convert_element_type3A_1917 masked %broadcast_in_dim3A_1920 : vector<16xi32>, vector<16xi1> -> vector<16xi32>
        %broadcast_in_dim3A_1921 = arith.constant true
        %broadcast_in_dim3A_1922 = vector.broadcast %broadcast_in_dim3A_1921 : i1 to vector<16xi1>
        %masked_cumsum3A_1923 = tpu.scan <sum>, %convert_element_type3A_1918 masked %broadcast_in_dim3A_1922 : vector<16xi32>, vector<16xi1> -> vector<16xi32>
        %add3A_1924 = vector.broadcast %add3A_1801 : i32 to vector<16xi32>
        %add3A_1925 = arith.addi %add3A_1924, %while3A_1899 : vector<16xi32>
        %add3A_1926 = arith.addi %add3A_1925, %masked_cumsum3A : vector<16xi32>
        %sub3A_1927 = arith.subi %add3A_1926, %convert_element_type3A_1917 : vector<16xi32>
        tpu.vector_store_idx %arg4[%sub3A_1927], %get3A_1906 masked %and3A_1914 : memref<65536xf32, #tpu.memory_space<vmem>>[vector<16xi32>], vector<16xf32>, vector<16xi1>
        %add3A_1928 = vector.broadcast %select_n3A_1807 : i32 to vector<16xi32>
        %add3A_1929 = arith.addi %add3A_1928, %while3A_1900 : vector<16xi32>
        %add3A_1930 = arith.addi %add3A_1929, %masked_cumsum3A_1923 : vector<16xi32>
        %sub3A_1931 = arith.subi %add3A_1930, %convert_element_type3A_1918 : vector<16xi32>
        tpu.vector_store_idx %arg4[%sub3A_1931], %get3A_1906 masked %and3A_1916 : memref<65536xf32, #tpu.memory_space<vmem>>[vector<16xi32>], vector<16xf32>, vector<16xi1>
        %all_reduce_population_count3A_1932 = tpu.all_reduce %and3A_1914 {dim = 0 : i64, kind = #tpu.reduction_kind<sum>} : vector<16xi1> -> vector<16xi32>
        %add3A_1933 = arith.addi %while3A_1899, %all_reduce_population_count3A_1932 : vector<16xi32>
        %all_reduce_population_count3A_1934 = tpu.all_reduce %and3A_1916 {dim = 0 : i64, kind = #tpu.reduction_kind<sum>} : vector<16xi1> -> vector<16xi32>
        %add3A_1935 = arith.addi %while3A_1900, %all_reduce_population_count3A_1934 : vector<16xi32>
        %jit3A_1936 = arith.constant 0.000000e+00 : f32
        %broadcast_in_dim3A_1937 = vector.broadcast %jit3A_1936 : f32 to vector<16xf32>
        %select_n3A_1938 = arith.select %and3A_1914, %get3A_1906, %broadcast_in_dim3A_1937 : vector<16xi1>, vector<16xf32>
        %add3A_1939 = arith.addf %while3A_1901, %select_n3A_1938 : vector<16xf32>
        scf.yield %add3A_1933, %add3A_1935, %add3A_1939 : vector<16xi32>, vector<16xi32>, vector<16xf32>
      }
      %while3A_1847 = arith.constant 1 : i32
      %while3A_1848:3 = scf.for %while3A_1898 = %while3A_1844 to %while3A_1840 step %while3A_1847 iter_args(%while3A_1899 = %while3A_1846#0, %while3A_1900 = %while3A_1846#1, %while3A_1901 = %while3A_1846#2) -> (vector<16xi32>, vector<16xi32>, vector<16xf32>)  : i32 {
        %mul3A_1902 = arith.constant 16 : i32
        %mul3A_1903 = arith.muli %while3A_1898, %mul3A_1902 : i32
        %add3A_1904 = arith.addi %while3A_1595, %mul3A_1903 : i32
        %get3A_1905 = arith.index_cast %add3A_1904 : i32 to index
        %get3A_1906 = tpu.vector_load %arg4[%get3A_1905] {strides = array<i32>} : memref<65536xf32, #tpu.memory_space<vmem>>, vector<16xf32>,
        %mul3A_1907 = arith.constant 16 : i32
        %mul3A_1908 = arith.muli %while3A_1898, %mul3A_1907 : i32
        %add3A_1909 = vector.broadcast %mul3A_1908 : i32 to vector<16xi32>
        %add3A_1910 = arith.addi %add3A_1909, %iota3A_1189 : vector<16xi32>
        %lt3A_1911 = vector.broadcast %while3A_1593 : i32 to vector<16xi32>
        %lt3A_1912 = arith.cmpi slt, %add3A_1910, %lt3A_1911 : vector<16xi32>
        %gt3A_1913 = arith.cmpf ogt, %get3A_1906, %broadcast_in_dim3A_1797 : vector<16xf32>
        %and3A_1914 = arith.andi %gt3A_1913, %lt3A_1912 : vector<16xi1>
        %lt3A_1915 = arith.cmpf olt, %get3A_1906, %broadcast_in_dim3A_1797 : vector<16xf32>
        %and3A_1916 = arith.andi %lt3A_1915, %lt3A_1912 : vector<16xi1>
        %convert_element_type3A_1917 = arith.extui %and3A_1914 : vector<16xi1> to vector<16xi32>
        %convert_element_type3A_1918 = arith.extui %and3A_1916 : vector<16xi1> to vector<16xi32>
        %broadcast_in_dim3A_1919 = arith.constant true
        %broadcast_in_dim3A_1920 = vector.broadcast %broadcast_in_dim3A_1919 : i1 to vector<16xi1>
        %masked_cumsum3A = tpu.scan <sum>, %convert_element_type3A_1917 masked %broadcast_in_dim3A_1920 : vector<16xi32>, vector<16xi1> -> vector<16xi32>
        %broadcast_in_dim3A_1921 = arith.constant true
        %broadcast_in_dim3A_1922 = vector.broadcast %broadcast_in_dim3A_1921 : i1 to vector<16xi1>
        %masked_cumsum3A_1923 = tpu.scan <sum>, %convert_element_type3A_1918 masked %broadcast_in_dim3A_1922 : vector<16xi32>, vector<16xi1> -> vector<16xi32>
        %add3A_1924 = vector.broadcast %add3A_1801 : i32 to vector<16xi32>
        %add3A_1925 = arith.addi %add3A_1924, %while3A_1899 : vector<16xi32>
        %add3A_1926 = arith.addi %add3A_1925, %masked_cumsum3A : vector<16xi32>
        %sub3A_1927 = arith.subi %add3A_1926, %convert_element_type3A_1917 : vector<16xi32>
        tpu.vector_store_idx %arg4[%sub3A_1927], %get3A_1906 masked %and3A_1914 : memref<65536xf32, #tpu.memory_space<vmem>>[vector<16xi32>], vector<16xf32>, vector<16xi1>
        %add3A_1928 = vector.broadcast %select_n3A_1807 : i32 to vector<16xi32>
        %add3A_1929 = arith.addi %add3A_1928, %while3A_1900 : vector<16xi32>
        %add3A_1930 = arith.addi %add3A_1929, %masked_cumsum3A_1923 : vector<16xi32>
        %sub3A_1931 = arith.subi %add3A_1930, %convert_element_type3A_1918 : vector<16xi32>
        tpu.vector_store_idx %arg4[%sub3A_1931], %get3A_1906 masked %and3A_1916 : memref<65536xf32, #tpu.memory_space<vmem>>[vector<16xi32>], vector<16xf32>, vector<16xi1>
        %all_reduce_population_count3A_1932 = tpu.all_reduce %and3A_1914 {dim = 0 : i64, kind = #tpu.reduction_kind<sum>} : vector<16xi1> -> vector<16xi32>
        %add3A_1933 = arith.addi %while3A_1899, %all_reduce_population_count3A_1932 : vector<16xi32>
        %all_reduce_population_count3A_1934 = tpu.all_reduce %and3A_1916 {dim = 0 : i64, kind = #tpu.reduction_kind<sum>} : vector<16xi1> -> vector<16xi32>
        %add3A_1935 = arith.addi %while3A_1900, %all_reduce_population_count3A_1934 : vector<16xi32>
        %jit3A_1936 = arith.constant 0.000000e+00 : f32
        %broadcast_in_dim3A_1937 = vector.broadcast %jit3A_1936 : f32 to vector<16xf32>
        %select_n3A_1938 = arith.select %and3A_1914, %get3A_1906, %broadcast_in_dim3A_1937 : vector<16xi1>, vector<16xf32>
        %add3A_1939 = arith.addf %while3A_1901, %select_n3A_1938 : vector<16xf32>
        scf.yield %add3A_1933, %add3A_1935, %add3A_1939 : vector<16xi32>, vector<16xi32>, vector<16xf32>
      }
      %reduce_max3A_1849 = arith.constant true
      %reduce_max3A_1850 = vector.broadcast %reduce_max3A_1849 : i1 to vector<16xi1>
      %reduce_max3A_1851 = arith.constant -2147483648 : i32
      %reduce_max3A_1852 = vector.broadcast %reduce_max3A_1851 : i32 to vector<16xi32>
      %reduce_max3A_1853 = arith.xori %while3A_1848#0, %reduce_max3A_1852 : vector<16xi32>
      %reduce_max3A_1854 = tpu.scan <max>, %reduce_max3A_1853 masked %reduce_max3A_1850 : vector<16xi32>, vector<16xi1> -> vector<16xi32>
      %reduce_max3A_1855 = arith.xori %reduce_max3A_1854, %reduce_max3A_1852 : vector<16xi32>
      %reduce_max3A_1856 = vector.extract %reduce_max3A_1855[15] : i32 from vector<16xi32>
      %reduce_max3A_1857 = arith.constant true
      %reduce_max3A_1858 = vector.broadcast %reduce_max3A_1857 : i1 to vector<16xi1>
      %reduce_max3A_1859 = arith.constant -2147483648 : i32
      %reduce_max3A_1860 = vector.broadcast %reduce_max3A_1859 : i32 to vector<16xi32>
      %reduce_max3A_1861 = arith.xori %while3A_1848#1, %reduce_max3A_1860 : vector<16xi32>
      %reduce_max3A_1862 = tpu.scan <max>, %reduce_max3A_1861 masked %reduce_max3A_1858 : vector<16xi32>, vector<16xi1> -> vector<16xi32>
      %reduce_max3A_1863 = arith.xori %reduce_max3A_1862, %reduce_max3A_1860 : vector<16xi32>
      %reduce_max3A_1864 = vector.extract %reduce_max3A_1863[15] : i32 from vector<16xi32>
      %reduce_sum3A_1865 = arith.constant true
      %reduce_sum3A_1866 = vector.broadcast %reduce_sum3A_1865 : i1 to vector<16xi1>
      %reduce_sum3A_1867 = tpu.scan <sum>, %while3A_1848#2 masked %reduce_sum3A_1866 : vector<16xf32>, vector<16xi1> -> vector<16xf32>
      %reduce_sum3A_1868 = vector.extract %reduce_sum3A_1867[15] : f32 from vector<16xf32>
      %sub3A_1869 = arith.subi %while3A_1593, %reduce_max3A_1856 : i32
      %sub3A_1870 = arith.subi %sub3A_1869, %reduce_max3A_1864 : i32
      %le3A_1871 = arith.cmpi sle, %while3A_1594, %reduce_max3A_1856 : i32
      %not3A = arith.constant true
      %not3A_1872 = arith.xori %le3A_1871, %not3A : i1
      %add3A_1873 = arith.addi %reduce_max3A_1856, %sub3A_1870 : i32
      %le3A_1874 = arith.cmpi sle, %while3A_1594, %add3A_1873 : i32
      %and3A_1875 = arith.andi %not3A_1872, %le3A_1874 : i1
      %select_n3A_1876 = arith.select %and3A_1875, %reduce_max3A_1796, %while3A_1598 : f32
      %convert_element_type3A_1877 = arith.sitofp %sub3A_1870 : i32 to f32
      %mul3A_1878 = arith.mulf %reduce_max3A_1796, %convert_element_type3A_1877 : f32
      %add3A_1879 = arith.addf %reduce_sum3A_1868, %mul3A_1878 : f32
      %select_n3A_1880 = arith.select %and3A_1875, %reduce_sum3A_1868, %add3A_1879 : f32
      %jit3A_1881 = arith.constant 0.000000e+00 : f32
      %select_n3A_1882 = arith.select %le3A_1871, %jit3A_1881, %select_n3A_1880 : f32
      %add3A_1883 = arith.addi %reduce_max3A_1856, %sub3A_1870 : i32
      %select_n3A_1884 = arith.select %and3A_1875, %reduce_max3A_1856, %add3A_1883 : i32
      %jit3A_1885 = arith.constant 0 : i32
      %select_n3A_1886 = arith.select %le3A_1871, %jit3A_1885, %select_n3A_1884 : i32
      %select_n3A_1887 = arith.select %le3A_1871, %reduce_max3A_1856, %reduce_max3A_1864 : i32
      %add3A_1888 = arith.addi %reduce_max3A_1856, %sub3A_1870 : i32
      %sub3A_1889 = arith.subi %while3A_1594, %add3A_1888 : i32
      %select_n3A_1890 = arith.select %le3A_1871, %while3A_1594, %sub3A_1889 : i32
      %select_n3A_1891 = arith.select %le3A_1871, %add3A_1801, %select_n3A_1807 : i32
      %jit3A_1892 = arith.constant 1 : i32
      %select_n3A_1893 = arith.select %and3A_1875, %jit3A_1892, %while3A_1597 : i32
      %sub3A_1894 = arith.constant 1 : i32
      %sub3A_1895 = arith.subi %sub3A_1894, %while3A_1596 : i32
      %add3A_1896 = arith.addf %while3A_1599, %select_n3A_1882 : f32
      %add3A_1897 = arith.addi %while3A_1600, %select_n3A_1886 : i32
      scf.yield %select_n3A_1887, %select_n3A_1890, %select_n3A_1891, %sub3A_1895, %select_n3A_1893, %select_n3A_1876, %add3A_1896, %add3A_1897 : i32, i32, i32, i32, i32, f32, f32, i32
    }
    %add3A_1297 = arith.constant 0 : i32
    %add3A_1298 = arith.addi %while3A_1296#2, %add3A_1297 : i32
    %get3A_1299 = arith.index_cast %add3A_1298 : i32 to index
    %get3A_1300 = tpu.vector_load %arg4[%get3A_1299] {strides = array<i32>} : memref<65536xf32, #tpu.memory_space<vmem>>, vector<16xf32>,
    %add3A_1301 = arith.constant 0 : i32
    %add3A_1302 = vector.broadcast %add3A_1301 : i32 to vector<16xi32>
    %add3A_1303 = arith.addi %iota3A_1189, %add3A_1302 : vector<16xi32>
    %lt3A_1304 = vector.broadcast %while3A_1296#0 : i32 to vector<16xi32>
    %lt3A_1305 = arith.cmpi slt, %add3A_1303, %lt3A_1304 : vector<16xi32>
    %jit3A_1306 = arith.constant 0xFF800000 : f32
    %broadcast_in_dim3A_1307 = vector.broadcast %jit3A_1306 : f32 to vector<16xf32>
    %select_n3A_1308 = arith.select %lt3A_1305, %get3A_1300, %broadcast_in_dim3A_1307 : vector<16xi1>, vector<16xf32>
    %add3A_1309 = arith.constant 16 : i32
    %add3A_1310 = arith.addi %while3A_1296#2, %add3A_1309 : i32
    %get3A_1311 = arith.index_cast %add3A_1310 : i32 to index
    %get3A_1312 = tpu.vector_load %arg4[%get3A_1311] {strides = array<i32>} : memref<65536xf32, #tpu.memory_space<vmem>>, vector<16xf32>,
    %add3A_1313 = arith.constant 16 : i32
    %add3A_1314 = vector.broadcast %add3A_1313 : i32 to vector<16xi32>
    %add3A_1315 = arith.addi %iota3A_1189, %add3A_1314 : vector<16xi32>
    %lt3A_1316 = vector.broadcast %while3A_1296#0 : i32 to vector<16xi32>
    %lt3A_1317 = arith.cmpi slt, %add3A_1315, %lt3A_1316 : vector<16xi32>
    %jit3A_1318 = arith.constant 0xFF800000 : f32
    %broadcast_in_dim3A_1319 = vector.broadcast %jit3A_1318 : f32 to vector<16xf32>
    %select_n3A_1320 = arith.select %lt3A_1317, %get3A_1312, %broadcast_in_dim3A_1319 : vector<16xi1>, vector<16xf32>
    %add3A_1321 = arith.constant 32 : i32
    %add3A_1322 = arith.addi %while3A_1296#2, %add3A_1321 : i32
    %get3A_1323 = arith.index_cast %add3A_1322 : i32 to index
    %get3A_1324 = tpu.vector_load %arg4[%get3A_1323] {strides = array<i32>} : memref<65536xf32, #tpu.memory_space<vmem>>, vector<16xf32>,
    %add3A_1325 = arith.constant 32 : i32
    %add3A_1326 = vector.broadcast %add3A_1325 : i32 to vector<16xi32>
    %add3A_1327 = arith.addi %iota3A_1189, %add3A_1326 : vector<16xi32>
    %lt3A_1328 = vector.broadcast %while3A_1296#0 : i32 to vector<16xi32>
    %lt3A_1329 = arith.cmpi slt, %add3A_1327, %lt3A_1328 : vector<16xi32>
    %jit3A_1330 = arith.constant 0xFF800000 : f32
    %broadcast_in_dim3A_1331 = vector.broadcast %jit3A_1330 : f32 to vector<16xf32>
    %select_n3A_1332 = arith.select %lt3A_1329, %get3A_1324, %broadcast_in_dim3A_1331 : vector<16xi1>, vector<16xf32>
    %add3A_1333 = arith.constant 48 : i32
    %add3A_1334 = arith.addi %while3A_1296#2, %add3A_1333 : i32
    %get3A_1335 = arith.index_cast %add3A_1334 : i32 to index
    %get3A_1336 = tpu.vector_load %arg4[%get3A_1335] {strides = array<i32>} : memref<65536xf32, #tpu.memory_space<vmem>>, vector<16xf32>,
    %add3A_1337 = arith.constant 48 : i32
    %add3A_1338 = vector.broadcast %add3A_1337 : i32 to vector<16xi32>
    %add3A_1339 = arith.addi %iota3A_1189, %add3A_1338 : vector<16xi32>
    %lt3A_1340 = vector.broadcast %while3A_1296#0 : i32 to vector<16xi32>
    %lt3A_1341 = arith.cmpi slt, %add3A_1339, %lt3A_1340 : vector<16xi32>
    %jit3A_1342 = arith.constant 0xFF800000 : f32
    %broadcast_in_dim3A_1343 = vector.broadcast %jit3A_1342 : f32 to vector<16xf32>
    %select_n3A_1344 = arith.select %lt3A_1341, %get3A_1336, %broadcast_in_dim3A_1343 : vector<16xi1>, vector<16xf32>
    %sort3A_1345 = arith.constant dense<true> : vector<16xi1>
    %sort3A_1346, %sort3A_1347, %sort3A_1348 = tpu.sort %select_n3A_1308, %select_n3A_1308 masked %sort3A_1345 : (vector<16xf32>, vector<16xf32>, vector<16xi1>) -> (vector<16xi1>, vector<16xf32>, vector<16xf32>)
    %sort3A_1349 = arith.constant dense<true> : vector<16xi1>
    %sort3A_1350, %sort3A_1351, %sort3A_1352 = tpu.sort %select_n3A_1320, %select_n3A_1320 masked %sort3A_1349 : (vector<16xf32>, vector<16xf32>, vector<16xi1>) -> (vector<16xi1>, vector<16xf32>, vector<16xf32>)
    %rev3A_1353 = arith.constant 15 : i32
    %rev3A_1354 = vector.broadcast %rev3A_1353 : i32 to vector<16xi32>
    %rev3A_1355 = tpu.iota {dimensions = array<i32: 0>} : vector<16xi32>
    %rev3A_1356 = arith.subi %rev3A_1354, %rev3A_1355 : vector<16xi32>
    %rev3A_1357 = tpu.dynamic_gather %sort3A_1351[%rev3A_1356] in [0] : vector<16xf32>, vector<16xi32> -> vector<16xf32>
    %min3A_1358 = arith.minimumf %sort3A_1347, %rev3A_1357 : vector<16xf32>
    %sort3A_1359 = arith.constant dense<true> : vector<16xi1>
    %sort3A_1360, %sort3A_1361, %sort3A_1362 = tpu.sort %min3A_1358, %min3A_1358 masked %sort3A_1359 : (vector<16xf32>, vector<16xf32>, vector<16xi1>) -> (vector<16xi1>, vector<16xf32>, vector<16xf32>)
    %max3A_1363 = arith.maximumf %sort3A_1347, %rev3A_1357 : vector<16xf32>
    %sort3A_1364 = arith.constant dense<true> : vector<16xi1>
    %sort3A_1365, %sort3A_1366, %sort3A_1367 = tpu.sort %max3A_1363, %max3A_1363 masked %sort3A_1364 : (vector<16xf32>, vector<16xf32>, vector<16xi1>) -> (vector<16xi1>, vector<16xf32>, vector<16xf32>)
    %sort3A_1368 = arith.constant dense<true> : vector<16xi1>
    %sort3A_1369, %sort3A_1370, %sort3A_1371 = tpu.sort %select_n3A_1332, %select_n3A_1332 masked %sort3A_1368 : (vector<16xf32>, vector<16xf32>, vector<16xi1>) -> (vector<16xi1>, vector<16xf32>, vector<16xf32>)
    %sort3A_1372 = arith.constant dense<true> : vector<16xi1>
    %sort3A_1373, %sort3A_1374, %sort3A_1375 = tpu.sort %select_n3A_1344, %select_n3A_1344 masked %sort3A_1372 : (vector<16xf32>, vector<16xf32>, vector<16xi1>) -> (vector<16xi1>, vector<16xf32>, vector<16xf32>)
    %rev3A_1376 = arith.constant 15 : i32
    %rev3A_1377 = vector.broadcast %rev3A_1376 : i32 to vector<16xi32>
    %rev3A_1378 = tpu.iota {dimensions = array<i32: 0>} : vector<16xi32>
    %rev3A_1379 = arith.subi %rev3A_1377, %rev3A_1378 : vector<16xi32>
    %rev3A_1380 = tpu.dynamic_gather %sort3A_1374[%rev3A_1379] in [0] : vector<16xf32>, vector<16xi32> -> vector<16xf32>
    %min3A_1381 = arith.minimumf %sort3A_1370, %rev3A_1380 : vector<16xf32>
    %sort3A_1382 = arith.constant dense<true> : vector<16xi1>
    %sort3A_1383, %sort3A_1384, %sort3A_1385 = tpu.sort %min3A_1381, %min3A_1381 masked %sort3A_1382 : (vector<16xf32>, vector<16xf32>, vector<16xi1>) -> (vector<16xi1>, vector<16xf32>, vector<16xf32>)
    %max3A_1386 = arith.maximumf %sort3A_1370, %rev3A_1380 : vector<16xf32>
    %sort3A_1387 = arith.constant dense<true> : vector<16xi1>
    %sort3A_1388, %sort3A_1389, %sort3A_1390 = tpu.sort %max3A_1386, %max3A_1386 masked %sort3A_1387 : (vector<16xf32>, vector<16xf32>, vector<16xi1>) -> (vector<16xi1>, vector<16xf32>, vector<16xf32>)
    %rev3A_1391 = arith.constant 15 : i32
    %rev3A_1392 = vector.broadcast %rev3A_1391 : i32 to vector<16xi32>
    %rev3A_1393 = tpu.iota {dimensions = array<i32: 0>} : vector<16xi32>
    %rev3A_1394 = arith.subi %rev3A_1392, %rev3A_1393 : vector<16xi32>
    %rev3A_1395 = tpu.dynamic_gather %sort3A_1389[%rev3A_1394] in [0] : vector<16xf32>, vector<16xi32> -> vector<16xf32>
    %rev3A_1396 = arith.constant 15 : i32
    %rev3A_1397 = vector.broadcast %rev3A_1396 : i32 to vector<16xi32>
    %rev3A_1398 = tpu.iota {dimensions = array<i32: 0>} : vector<16xi32>
    %rev3A_1399 = arith.subi %rev3A_1397, %rev3A_1398 : vector<16xi32>
    %rev3A_1400 = tpu.dynamic_gather %sort3A_1384[%rev3A_1399] in [0] : vector<16xf32>, vector<16xi32> -> vector<16xf32>
    %min3A_1401 = arith.minimumf %sort3A_1361, %rev3A_1395 : vector<16xf32>
    %min3A_1402 = arith.minimumf %sort3A_1366, %rev3A_1400 : vector<16xf32>
    %max3A_1403 = arith.maximumf %sort3A_1361, %rev3A_1395 : vector<16xf32>
    %max3A_1404 = arith.maximumf %sort3A_1366, %rev3A_1400 : vector<16xf32>
    %min3A_1405 = arith.minimumf %min3A_1401, %min3A_1402 : vector<16xf32>
    %sort3A_1406 = arith.constant dense<true> : vector<16xi1>
    %sort3A_1407, %sort3A_1408, %sort3A_1409 = tpu.sort %min3A_1405, %min3A_1405 masked %sort3A_1406 : (vector<16xf32>, vector<16xf32>, vector<16xi1>) -> (vector<16xi1>, vector<16xf32>, vector<16xf32>)
    %max3A_1410 = arith.maximumf %min3A_1401, %min3A_1402 : vector<16xf32>
    %sort3A_1411 = arith.constant dense<true> : vector<16xi1>
    %sort3A_1412, %sort3A_1413, %sort3A_1414 = tpu.sort %max3A_1410, %max3A_1410 masked %sort3A_1411 : (vector<16xf32>, vector<16xf32>, vector<16xi1>) -> (vector<16xi1>, vector<16xf32>, vector<16xf32>)
    %min3A_1415 = arith.minimumf %max3A_1403, %max3A_1404 : vector<16xf32>
    %sort3A_1416 = arith.constant dense<true> : vector<16xi1>
    %sort3A_1417, %sort3A_1418, %sort3A_1419 = tpu.sort %min3A_1415, %min3A_1415 masked %sort3A_1416 : (vector<16xf32>, vector<16xf32>, vector<16xi1>) -> (vector<16xi1>, vector<16xf32>, vector<16xf32>)
    %max3A_1420 = arith.maximumf %max3A_1403, %max3A_1404 : vector<16xf32>
    %sort3A_1421 = arith.constant dense<true> : vector<16xi1>
    %sort3A_1422, %sort3A_1423, %sort3A_1424 = tpu.sort %max3A_1420, %max3A_1420 masked %sort3A_1421 : (vector<16xf32>, vector<16xf32>, vector<16xi1>) -> (vector<16xi1>, vector<16xf32>, vector<16xf32>)
    %sub3A_1425 = arith.constant 64 : i32
    %sub3A_1426 = arith.subi %sub3A_1425, %while3A_1296#1 : i32
    %jit3A_1427 = arith.constant 16 : i32
    %div3A_1428 = arith.divsi %sub3A_1426, %jit3A_1427 : i32
    %sign3A_1429 = arith.constant 0 : i32
    %sign3A_1430 = arith.cmpi sgt, %sub3A_1426, %sign3A_1429 : i32
    %sign3A_1431 = arith.extui %sign3A_1430 : i1 to i32
    %sign3A_1432 = arith.constant 0 : i32
    %sign3A_1433 = arith.cmpi slt, %sub3A_1426, %sign3A_1432 : i32
    %sign3A_1434 = arith.extui %sign3A_1433 : i1 to i32
    %sign3A_1435 = arith.subi %sign3A_1431, %sign3A_1434 : i32
    %sign3A_1436 = arith.constant 0 : i32
    %sign3A_1437 = arith.cmpi sgt, %jit3A_1427, %sign3A_1436 : i32
    %sign3A_1438 = arith.extui %sign3A_1437 : i1 to i32
    %sign3A_1439 = arith.constant 0 : i32
    %sign3A_1440 = arith.cmpi slt, %jit3A_1427, %sign3A_1439 : i32
    %sign3A_1441 = arith.extui %sign3A_1440 : i1 to i32
    %sign3A_1442 = arith.subi %sign3A_1438, %sign3A_1441 : i32
    %ne3A_1443 = arith.cmpi ne, %sign3A_1435, %sign3A_1442 : i32
    %rem3A_1444 = arith.remsi %sub3A_1426, %jit3A_1427 : i32
    %ne3A_1445 = arith.constant 0 : i32
    %ne3A_1446 = arith.cmpi ne, %rem3A_1444, %ne3A_1445 : i32
    %and3A_1447 = arith.andi %ne3A_1443, %ne3A_1446 : i1
    %sub3A_1448 = arith.constant 1 : i32
    %sub3A_1449 = arith.subi %div3A_1428, %sub3A_1448 : i32
    %select_n3A_1450 = arith.select %and3A_1447, %sub3A_1449, %div3A_1428 : i32
    %jit3A_1451 = arith.constant 16 : i32
    %eq3A_1452 = arith.constant 0 : i32
    %eq3A_1453 = arith.cmpi eq, %jit3A_1451, %eq3A_1452 : i32
    %jit3A_1454 = arith.constant 1 : i32
    %select_n3A_1455 = arith.select %eq3A_1453, %jit3A_1454, %jit3A_1451 : i32
    %rem3A_1456 = arith.remsi %sub3A_1426, %select_n3A_1455 : i32
    %ne3A_1457 = arith.constant 0 : i32
    %ne3A_1458 = arith.cmpi ne, %rem3A_1456, %ne3A_1457 : i32
    %lt3A_1459 = arith.constant 0 : i32
    %lt3A_1460 = arith.cmpi slt, %rem3A_1456, %lt3A_1459 : i32
    %lt3A_1461 = arith.constant 0 : i32
    %lt3A_1462 = arith.cmpi slt, %select_n3A_1455, %lt3A_1461 : i32
    %ne3A_1463 = arith.xori %lt3A_1460, %lt3A_1462 : i1
    %and3A_1464 = arith.andi %ne3A_1463, %ne3A_1458 : i1
    %add3A_1465 = arith.addi %rem3A_1456, %select_n3A_1455 : i32
    %select_n3A_1466 = arith.select %and3A_1464, %add3A_1465, %rem3A_1456 : i32
    %eq3A_1467 = arith.constant 0 : i32
    %eq3A_1468 = arith.cmpi eq, %select_n3A_1450, %eq3A_1467 : i32
    %iota3A_1469 = tpu.iota {dimensions = array<i32: 0>} : vector<16xi32>
    %eq3A_1470 = vector.broadcast %select_n3A_1466 : i32 to vector<16xi32>
    %eq3A_1471 = arith.cmpi eq, %iota3A_1469, %eq3A_1470 : vector<16xi32>
    %jit3A_1472 = arith.constant 0xFF800000 : f32
    %broadcast_in_dim3A_1473 = vector.broadcast %jit3A_1472 : f32 to vector<16xf32>
    %select_n3A_1474 = arith.select %eq3A_1471, %sort3A_1408, %broadcast_in_dim3A_1473 : vector<16xi1>, vector<16xf32>
    %reduce_max3A_1475 = arith.constant true
    %reduce_max3A_1476 = vector.broadcast %reduce_max3A_1475 : i1 to vector<16xi1>
    %reduce_max3A_1477 = tpu.scan <max>, %select_n3A_1474 masked %reduce_max3A_1476 : vector<16xf32>, vector<16xi1> -> vector<16xf32>
    %reduce_max3A_1478 = vector.extract %reduce_max3A_1477[15] : f32 from vector<16xf32>
    %jit3A_1479 = arith.constant 0xFF800000 : f32
    %select_n3A_1480 = arith.select %eq3A_1468, %reduce_max3A_1478, %jit3A_1479 : f32
    %eq3A_1481 = arith.constant 1 : i32
    %eq3A_1482 = arith.cmpi eq, %select_n3A_1450, %eq3A_1481 : i32
    %iota3A_1483 = tpu.iota {dimensions = array<i32: 0>} : vector<16xi32>
    %eq3A_1484 = vector.broadcast %select_n3A_1466 : i32 to vector<16xi32>
    %eq3A_1485 = arith.cmpi eq, %iota3A_1483, %eq3A_1484 : vector<16xi32>
    %jit3A_1486 = arith.constant 0xFF800000 : f32
    %broadcast_in_dim3A_1487 = vector.broadcast %jit3A_1486 : f32 to vector<16xf32>
    %select_n3A_1488 = arith.select %eq3A_1485, %sort3A_1413, %broadcast_in_dim3A_1487 : vector<16xi1>, vector<16xf32>
    %reduce_max3A_1489 = arith.constant true
    %reduce_max3A_1490 = vector.broadcast %reduce_max3A_1489 : i1 to vector<16xi1>
    %reduce_max3A_1491 = tpu.scan <max>, %select_n3A_1488 masked %reduce_max3A_1490 : vector<16xf32>, vector<16xi1> -> vector<16xf32>
    %reduce_max3A_1492 = vector.extract %reduce_max3A_1491[15] : f32 from vector<16xf32>
    %select_n3A_1493 = arith.select %eq3A_1482, %reduce_max3A_1492, %select_n3A_1480 : f32
    %eq3A_1494 = arith.constant 2 : i32
    %eq3A_1495 = arith.cmpi eq, %select_n3A_1450, %eq3A_1494 : i32
    %iota3A_1496 = tpu.iota {dimensions = array<i32: 0>} : vector<16xi32>
    %eq3A_1497 = vector.broadcast %select_n3A_1466 : i32 to vector<16xi32>
    %eq3A_1498 = arith.cmpi eq, %iota3A_1496, %eq3A_1497 : vector<16xi32>
    %jit3A_1499 = arith.constant 0xFF800000 : f32
    %broadcast_in_dim3A_1500 = vector.broadcast %jit3A_1499 : f32 to vector<16xf32>
    %select_n3A_1501 = arith.select %eq3A_1498, %sort3A_1418, %broadcast_in_dim3A_1500 : vector<16xi1>, vector<16xf32>
    %reduce_max3A_1502 = arith.constant true
    %reduce_max3A_1503 = vector.broadcast %reduce_max3A_1502 : i1 to vector<16xi1>
    %reduce_max3A_1504 = tpu.scan <max>, %select_n3A_1501 masked %reduce_max3A_1503 : vector<16xf32>, vector<16xi1> -> vector<16xf32>
    %reduce_max3A_1505 = vector.extract %reduce_max3A_1504[15] : f32 from vector<16xf32>
    %select_n3A_1506 = arith.select %eq3A_1495, %reduce_max3A_1505, %select_n3A_1493 : f32
    %eq3A_1507 = arith.constant 3 : i32
    %eq3A_1508 = arith.cmpi eq, %select_n3A_1450, %eq3A_1507 : i32
    %iota3A_1509 = tpu.iota {dimensions = array<i32: 0>} : vector<16xi32>
    %eq3A_1510 = vector.broadcast %select_n3A_1466 : i32 to vector<16xi32>
    %eq3A_1511 = arith.cmpi eq, %iota3A_1509, %eq3A_1510 : vector<16xi32>
    %jit3A_1512 = arith.constant 0xFF800000 : f32
    %broadcast_in_dim3A_1513 = vector.broadcast %jit3A_1512 : f32 to vector<16xf32>
    %select_n3A_1514 = arith.select %eq3A_1511, %sort3A_1423, %broadcast_in_dim3A_1513 : vector<16xi1>, vector<16xf32>
    %reduce_max3A_1515 = arith.constant true
    %reduce_max3A_1516 = vector.broadcast %reduce_max3A_1515 : i1 to vector<16xi1>
    %reduce_max3A_1517 = tpu.scan <max>, %select_n3A_1514 masked %reduce_max3A_1516 : vector<16xf32>, vector<16xi1> -> vector<16xf32>
    %reduce_max3A_1518 = vector.extract %reduce_max3A_1517[15] : f32 from vector<16xf32>
    %select_n3A_1519 = arith.select %eq3A_1508, %reduce_max3A_1518, %select_n3A_1506 : f32
    %eq3A_1520 = arith.constant 0 : i32
    %eq3A_1521 = arith.cmpi eq, %while3A_1296#4, %eq3A_1520 : i32
    %select_n3A_1522 = arith.select %eq3A_1521, %select_n3A_1519, %while3A_1296#5 : f32
    %broadcast_in_dim3A_1523 = vector.broadcast %select_n3A_1522 : f32 to vector<16xf32>
    %broadcast_in_dim3A_1524 = arith.constant 0.000000e+00 : f32
    %broadcast_in_dim3A_1525 = vector.broadcast %broadcast_in_dim3A_1524 : f32 to vector<16xf32>
    %broadcast_in_dim3A_1526 = arith.constant 0 : i32
    %broadcast_in_dim3A_1527 = vector.broadcast %broadcast_in_dim3A_1526 : i32 to vector<16xi32>
    %eq3A_1528 = arith.constant 0 : i32
    %eq3A_1529 = arith.cmpi eq, %while3A_1296#4, %eq3A_1528 : i32
    %gt3A_1530 = arith.cmpf ogt, %select_n3A_1308, %broadcast_in_dim3A_1523 : vector<16xf32>
    %and3A_1531 = vector.broadcast %eq3A_1529 : i1 to vector<16xi1>
    %and3A_1532 = arith.andi %and3A_1531, %gt3A_1530 : vector<16xi1>
    %jit3A_1533 = arith.constant 0.000000e+00 : f32
    %broadcast_in_dim3A_1534 = vector.broadcast %jit3A_1533 : f32 to vector<16xf32>
    %select_n3A_1535 = arith.select %and3A_1532, %select_n3A_1308, %broadcast_in_dim3A_1534 : vector<16xi1>, vector<16xf32>
    %add3A_1536 = arith.addf %broadcast_in_dim3A_1525, %select_n3A_1535 : vector<16xf32>
    %all_reduce_population_count3A_1537 = tpu.all_reduce %and3A_1532 {dim = 0 : i64, kind = #tpu.reduction_kind<sum>} : vector<16xi1> -> vector<16xi32>
    %add3A_1538 = arith.addi %broadcast_in_dim3A_1527, %all_reduce_population_count3A_1537 : vector<16xi32>
    %gt3A_1539 = arith.cmpf ogt, %select_n3A_1320, %broadcast_in_dim3A_1523 : vector<16xf32>
    %and3A_1540 = vector.broadcast %eq3A_1529 : i1 to vector<16xi1>
    %and3A_1541 = arith.andi %and3A_1540, %gt3A_1539 : vector<16xi1>
    %jit3A_1542 = arith.constant 0.000000e+00 : f32
    %broadcast_in_dim3A_1543 = vector.broadcast %jit3A_1542 : f32 to vector<16xf32>
    %select_n3A_1544 = arith.select %and3A_1541, %select_n3A_1320, %broadcast_in_dim3A_1543 : vector<16xi1>, vector<16xf32>
    %add3A_1545 = arith.addf %add3A_1536, %select_n3A_1544 : vector<16xf32>
    %all_reduce_population_count3A_1546 = tpu.all_reduce %and3A_1541 {dim = 0 : i64, kind = #tpu.reduction_kind<sum>} : vector<16xi1> -> vector<16xi32>
    %add3A_1547 = arith.addi %add3A_1538, %all_reduce_population_count3A_1546 : vector<16xi32>
    %gt3A_1548 = arith.cmpf ogt, %select_n3A_1332, %broadcast_in_dim3A_1523 : vector<16xf32>
    %and3A_1549 = vector.broadcast %eq3A_1529 : i1 to vector<16xi1>
    %and3A_1550 = arith.andi %and3A_1549, %gt3A_1548 : vector<16xi1>
    %jit3A_1551 = arith.constant 0.000000e+00 : f32
    %broadcast_in_dim3A_1552 = vector.broadcast %jit3A_1551 : f32 to vector<16xf32>
    %select_n3A_1553 = arith.select %and3A_1550, %select_n3A_1332, %broadcast_in_dim3A_1552 : vector<16xi1>, vector<16xf32>
    %add3A_1554 = arith.addf %add3A_1545, %select_n3A_1553 : vector<16xf32>
    %all_reduce_population_count3A_1555 = tpu.all_reduce %and3A_1550 {dim = 0 : i64, kind = #tpu.reduction_kind<sum>} : vector<16xi1> -> vector<16xi32>
    %add3A_1556 = arith.addi %add3A_1547, %all_reduce_population_count3A_1555 : vector<16xi32>
    %gt3A_1557 = arith.cmpf ogt, %select_n3A_1344, %broadcast_in_dim3A_1523 : vector<16xf32>
    %and3A_1558 = vector.broadcast %eq3A_1529 : i1 to vector<16xi1>
    %and3A_1559 = arith.andi %and3A_1558, %gt3A_1557 : vector<16xi1>
    %jit3A_1560 = arith.constant 0.000000e+00 : f32
    %broadcast_in_dim3A_1561 = vector.broadcast %jit3A_1560 : f32 to vector<16xf32>
    %select_n3A_1562 = arith.select %and3A_1559, %select_n3A_1344, %broadcast_in_dim3A_1561 : vector<16xi1>, vector<16xf32>
    %add3A_1563 = arith.addf %add3A_1554, %select_n3A_1562 : vector<16xf32>
    %all_reduce_population_count3A_1564 = tpu.all_reduce %and3A_1559 {dim = 0 : i64, kind = #tpu.reduction_kind<sum>} : vector<16xi1> -> vector<16xi32>
    %add3A_1565 = arith.addi %add3A_1556, %all_reduce_population_count3A_1564 : vector<16xi32>
    %reduce_sum3A_1566 = arith.constant true
    %reduce_sum3A_1567 = vector.broadcast %reduce_sum3A_1566 : i1 to vector<16xi1>
    %reduce_sum3A_1568 = tpu.scan <sum>, %add3A_1563 masked %reduce_sum3A_1567 : vector<16xf32>, vector<16xi1> -> vector<16xf32>
    %reduce_sum3A_1569 = vector.extract %reduce_sum3A_1568[15] : f32 from vector<16xf32>
    %add3A_1570 = arith.addf %while3A_1296#6, %reduce_sum3A_1569 : f32
    %reduce_max3A_1571 = arith.constant true
    %reduce_max3A_1572 = vector.broadcast %reduce_max3A_1571 : i1 to vector<16xi1>
    %reduce_max3A_1573 = arith.constant -2147483648 : i32
    %reduce_max3A_1574 = vector.broadcast %reduce_max3A_1573 : i32 to vector<16xi32>
    %reduce_max3A_1575 = arith.xori %add3A_1565, %reduce_max3A_1574 : vector<16xi32>
    %reduce_max3A_1576 = tpu.scan <max>, %reduce_max3A_1575 masked %reduce_max3A_1572 : vector<16xi32>, vector<16xi1> -> vector<16xi32>
    %reduce_max3A_1577 = arith.xori %reduce_max3A_1576, %reduce_max3A_1574 : vector<16xi32>
    %reduce_max3A_1578 = vector.extract %reduce_max3A_1577[15] : i32 from vector<16xi32>
    %add3A_1579 = arith.addi %while3A_1296#7, %reduce_max3A_1578 : i32
    %convert_element_type3A_1580 = arith.sitofp %add3A_1579 : i32 to f32
    %mul3A_1581 = arith.mulf %select_n3A_1522, %convert_element_type3A_1580 : f32
    %sub3A_1582 = arith.subf %add3A_1570, %mul3A_1581 : f32
    %add3A_1583 = arith.constant 1.000000e-07 : f32
    %add3A_1584 = arith.addf %sub3A_1582, %add3A_1583 : f32
    %broadcast_in_dim3A_1585 = vector.broadcast %add3A_1584 : f32 to vector<16xf32>
    %broadcast_in_dim3A_1586 = arith.constant 1.000000e+00 : f32
    %broadcast_in_dim3A_1587 = vector.broadcast %broadcast_in_dim3A_1586 : f32 to vector<16xf32>
    %div3A_1588 = arith.divf %broadcast_in_dim3A_1587, %broadcast_in_dim3A_1585 : vector<16xf32>
    %broadcast_in_dim3A_1589 = vector.broadcast %select_n3A_1522 : f32 to vector<16xf32>
    %parallel_loop3A_1590 = arith.constant 0 : i32
    %parallel_loop3A_1591 = arith.constant 8192 : i32
    %parallel_loop3A_1592 = arith.constant 16 : i32
    scf.for %parallel_loop3A_1593 = %parallel_loop3A_1590 to %parallel_loop3A_1591 step %parallel_loop3A_1592  : i32 {
      %parallel_loop3A_1594 = arith.constant 24576 : i32
      %parallel_loop3A_1595 = arith.addi %parallel_loop3A_1594, %parallel_loop3A_1593 : i32
      %parallel_loop3A_1596 = arith.index_cast %parallel_loop3A_1595 : i32 to index
      %parallel_loop3A_1597 = tpu.vector_load %arg4[%parallel_loop3A_1596] {strides = array<i32>} : memref<65536xf32, #tpu.memory_space<vmem>>, vector<16xf32>,
      %parallel_loop3A_1598 = arith.subf %parallel_loop3A_1597, %broadcast_in_dim3A_1589 : vector<16xf32>
      %parallel_loop3A_1599 = arith.constant 0.000000e+00 : f32
      %parallel_loop3A_1600 = vector.broadcast %parallel_loop3A_1599 : f32 to vector<16xf32>
      %parallel_loop3A_1601 = arith.maximumf %parallel_loop3A_1598, %parallel_loop3A_1600 : vector<16xf32>
      %parallel_loop3A_1602 = arith.mulf %parallel_loop3A_1601, %div3A_1588 : vector<16xf32>
      %parallel_loop3A_1603 = arith.index_cast %parallel_loop3A_1595 : i32 to index
      %parallel_loop3A_1604 = tpu.vector_load %arg4[%parallel_loop3A_1603] {strides = array<i32>} : memref<65536xf32, #tpu.memory_space<vmem>>, vector<16xf32>,
      tpu.vector_store %arg4[%parallel_loop3A_1603], %parallel_loop3A_1602 {strides = array<i32>} : memref<65536xf32, #tpu.memory_space<vmem>>, vector<16xf32>,
    } {sc.loop_unroll_factor = 8 : i64, sc.parallel_access}
    "tpu.region"() ({
      %run_scoped3A = tpu.sem_alloc : memref<!tpu.dma_semaphore, #tpu.memory_space<semaphore_mem>>
      %dma_start3A = arith.constant 0 : i32
      %dma_start3A_1593 = tpu.memref_slice %arg4[%dma_start3A] : memref<65536xf32, #tpu.memory_space<vmem>> -> memref<32768xf32, #tpu.memory_space<vmem>>
      %dma_start3A_1594 = tpu.memref_slice %arg3[%mul3A_2] : memref<1048576xf32, #tpu.memory_space<hbm>> -> memref<32768xf32, #tpu.memory_space<hbm>>
      %dma_start3A_1595 = tpu.memref_slice %arg3[%mul3A_2] : memref<1048576xf32, #tpu.memory_space<hbm>> -> memref<32768xf32, #tpu.memory_space<hbm>>
      %dma_start3A_1596 = arith.constant 0 : i32
      %dma_start3A_1597 = tpu.memref_slice %arg4[%dma_start3A_1596] : memref<65536xf32, #tpu.memory_space<vmem>> -> memref<32768xf32, #tpu.memory_space<vmem>>
      tpu.enqueue_dma source(%dma_start3A_1597 : memref<32768xf32, #tpu.memory_space<vmem>>) target(%dma_start3A_1595 : memref<32768xf32, #tpu.memory_space<hbm>>) target_semaphore(%run_scoped3A : memref<!tpu.dma_semaphore, #tpu.memory_space<semaphore_mem>>)
      %dma_wait3A = arith.constant 0 : i32
      %dma_wait3A_1598 = tpu.memref_slice %arg4[%dma_wait3A] : memref<65536xf32, #tpu.memory_space<vmem>> -> memref<32768xf32, #tpu.memory_space<vmem>>
      %dma_wait3A_1599 = tpu.memref_slice %arg3[%mul3A_2] : memref<1048576xf32, #tpu.memory_space<hbm>> -> memref<32768xf32, #tpu.memory_space<hbm>>
      %dma_wait3A_1600 = tpu.memref_slice %arg3[%mul3A_2] : memref<1048576xf32, #tpu.memory_space<hbm>> -> memref<32768xf32, #tpu.memory_space<hbm>>
      %dma_wait3A_1601 = arith.constant 0 : i32
      %dma_wait3A_1602 = tpu.memref_slice %arg4[%dma_wait3A_1601] : memref<65536xf32, #tpu.memory_space<vmem>> -> memref<32768xf32, #tpu.memory_space<vmem>>
      tpu.wait_dma2 semaphore(%run_scoped3A : memref<!tpu.dma_semaphore, #tpu.memory_space<semaphore_mem>>) src(%dma_wait3A_1602 : memref<32768xf32, #tpu.memory_space<vmem>>) dst(%dma_wait3A_1600 : memref<32768xf32, #tpu.memory_space<hbm>>)
      tpu.yield
    }) : () -> ()
    return
  }
}

</mosaic_0001>

<sc_bundles>
// kernel: kernel.3.cloned.1.call-start
scs
__scs_entry_jumppad:
0x0: {  	(pc) =	sbr.rel $0x88, $3  }
0x1: {  	(tag) =	ssettag $0x0;
	lr =	simm.s32 $0x1  }
0x2: {  	[smem:$0x3FA0] =	sst lr;
	_ =	strace $0xD0000000  }
0x3: {  	_ = 	snop  }
0x4: {  	_ = 	snop  }
0x5: {  	_ = 	snop  }
0x6: {  	_ = 	snop  }
0x7: {  	_ = 	snop  }
__scs_overlays_trampoline_lowered:
0x8: {  	[smem:$0x3FAF] =	sst s0  }
0x9: {  	[smem:$0x3FB0] =	sst s1  }
0xa: {  	[smem:$0x3FB1] =	sst s2  }
0xb: {  	[smem:$0x3FB2] =	sst s3  }
0xc: {  	[smem:$0x3FB3] =	sst s4  }
0xd: {  	[smem:$0x3FB4] =	sst s5  }
0xe: {  	[smem:$0x3FB5] =	sst s6  }
0xf: {  	[smem:$0x3FB6] =	sst s7  }
0x10: {  	[smem:$0x3FB7] =	sst s8  }
0x11: {  	[smem:$0x3FB8] =	sst s9;
	s0 =	simm.s32 @!p0 $0x0  }
0x12: {  	s1 =	sld [smem:$0x3F9E];
	s0 =	simm.s32 @p0 $0x1  }
0x13: {  	[smem:$0x3FB9] =	sst s0;
	s0 =	simm.s32 @!p1 $0x0  }
0x14: {  	s2 =	sld [smem:$0x3F9D];
	s0 =	simm.s32 @p1 $0x1  }
0x15: {  	[smem:$0x3FBA] =	sst s0;
	s0 =	simm.s32 @!p2 $0x0  }
0x16: {  	s3 =	sld [smem:$0x3FDB];
	s0 =	simm.s32 @p2 $0x1  }
0x17: {  	s4 =	simm.s32 $0x1BF5;
	[smem:$0x3FBC] =	sst s0  }
0x18: {  	s0 =	sld [smem:$0x3F9F];
	_ =	swait.ge [sflag:s4], $0x0  }
0x19: {  	s7 =	sld [smem:$0x3FA0]  }
0x1a: {  	s8 =	sadd.s32 $0xFFFFE003, lr  }
0x1b: {  	s9 =	sadd.s32 $0xFFFFFEF7, lr;
	s5 =	simm.s32 $0xFFFFFFFF;
	p2 =	slt.u32 s8, $0xFFFFF086  }
0x1c: {  	p1 =	slt.u32 s9, $0xF7A;
	s5 =	simm.s32 @!p2 $0x0  }
0x1d: {  	s5 =	simm.s32 @p1 $0x1;
	p0 =	seq.s32 s7, s2  }
0x1e: {  	s7 =	smul.u32 @!p0 $0xF7A, s2;
	p2 =	seq.s32 @!p0 s5, $0x0  }
0x1f: {  	s9 =	smul.u32 $0xF7A, s1;
	s8 =	simm.s32 @!p0 $0x1BF5;
	p2 =	por !p2, p0  }
0x20: {  	[sflag:s8] =	ssyncset.s32 @!p0 $0xFFFFF086;
	s6 =	sadd.s32 @!p0 s3, s7;
	s7 =	simm.s32 @!p0 $0x108  }
0x21: {  	s3 =	sadd.s32 s3, s9;
	s6 =	sadd.s32 @!p0 $0x88, s6;
	s7 =	simm.s32 @p2 $0x1082  }
0x22: {  	[simem:s7], [sflag:s8] =	dma.local @!p0 [hbm:s6], $0xF7A  }
0x23: {  	s9 =	sor.u32 $0xD0000000, s2;
	s6 =	simm.s32 $0x108;
	_ =	swait.ge @!p0 [sflag:s8], $0x0  }
0x24: {  	s3 =	sadd.s32 $0x88, s3;
	s6 =	simm.s32 @!p1 $0x1082;
	[sflag:s4] =	ssyncset.s32 $0xFFFFF086  }
0x25: {  	[simem:s6], [sflag:s4] =	dma.local [hbm:s3], $0xF7A  }
0x26: {  	[smem:$0x3FA0] =	sst s1;
	(tag) =	ssettag s2;
	_ =	strace s9  }
0x27: {  	s1 =	sld [smem:$0x3FB0]  }
0x28: {  	s2 =	sld [smem:$0x3FB1]  }
0x29: {  	s4 =	sld [smem:$0x3FB3]  }
0x2a: {  	p0 =	seq.s32 s5, $0x0;
	s5 =	sld [smem:$0x3FB4]  }
0x2b: {  	s6 =	sld [smem:$0x3FB5]  }
0x2c: {  	s7 =	sld [smem:$0x3FB6]  }
0x2d: {  	s3 =	simm.s32 $0x108;
	s8 =	sld [smem:$0x3FB7]  }
0x2e: {  	s3 =	simm.s32 @!p0 $0x1082;
	s9 =	sld [smem:$0x3FB8]  }
0x2f: {  	lr =	sadd.s32 s0, s3;
	s0 =	sld [smem:$0x3FAF]  }
0x30: {  	s3 =	sld [smem:$0x3FB2]  }
0x31: {  	[smem:$0x3FBB] =	sst s10  }
0x32: {  	s10 =	sld [smem:$0x3FB9];
	_ =	sdelay $0x3  }
0x33: {  	p0 =	seq.s32 s10, $0x1;
	s10 =	sld [smem:$0x3FBB];
	_ =	sdelay $0x3  }
0x34: {  	[smem:$0x3FBB] =	sst s10  }
0x35: {  	s10 =	sld [smem:$0x3FBA];
	_ =	sdelay $0x3  }
0x36: {  	p1 =	seq.s32 s10, $0x1;
	s10 =	sld [smem:$0x3FBB];
	_ =	sdelay $0x3  }
0x37: {  	[smem:$0x3FBB] =	sst s10  }
0x38: {  	s10 =	sld [smem:$0x3FBC]  }
0x39: {  	_ = 	snop;
	(pc) =	sbr.ind lr, $3  }
0x3a: {  	_ = 	snop  }
0x3b: {  	_ = 	snop  }
0x3c: {  	p2 =	seq.s32 s10, $0x1;
	s10 =	sld [smem:$0x3FBB]  }
0x3d: {  	_ =	shalt  }
0x3e: {  	_ =	shalt  }
0x3f: {  	_ =	shalt  }
0x40: {  	_ =	shalt  }
0x41: {  	_ =	shalt  }
0x42: {  	_ =	shalt  }
0x43: {  	_ =	shalt  }
0x44: {  	_ =	shalt  }
0x45: {  	_ =	shalt  }
0x46: {  	_ =	shalt  }
0x47: {  	_ =	shalt  }
0x48: {  	_ =	shalt  }
0x49: {  	_ =	shalt  }
0x4a: {  	_ =	shalt  }
0x4b: {  	_ =	shalt  }
0x4c: {  	_ =	shalt  }
0x4d: {  	_ =	shalt  }
0x4e: {  	_ =	shalt  }
0x4f: {  	_ =	shalt  }
0x50: {  	_ =	shalt  }
0x51: {  	_ =	shalt  }
0x52: {  	_ =	shalt  }
0x53: {  	_ =	shalt  }
0x54: {  	_ =	shalt  }
0x55: {  	_ =	shalt  }
0x56: {  	_ =	shalt  }
0x57: {  	_ =	shalt  }
0x58: {  	_ =	shalt  }
0x59: {  	_ =	shalt  }
0x5a: {  	_ =	shalt  }
0x5b: {  	_ =	shalt  }
0x5c: {  	_ =	shalt  }
0x5d: {  	_ =	shalt  }
0x5e: {  	_ =	shalt  }
0x5f: {  	_ =	shalt  }
0x60: {  	_ =	shalt  }
0x61: {  	_ =	shalt  }
0x62: {  	_ =	shalt  }
0x63: {  	_ =	shalt  }
0x64: {  	_ =	shalt  }
0x65: {  	_ =	shalt  }
0x66: {  	_ =	shalt  }
0x67: {  	_ =	shalt  }
0x68: {  	_ =	shalt  }
0x69: {  	_ =	shalt  }
0x6a: {  	_ =	shalt  }
0x6b: {  	_ =	shalt  }
0x6c: {  	_ =	shalt  }
0x6d: {  	_ =	shalt  }
0x6e: {  	_ =	shalt  }
0x6f: {  	_ =	shalt  }
0x70: {  	_ =	shalt  }
0x71: {  	_ =	shalt  }
0x72: {  	_ =	shalt  }
0x73: {  	_ =	shalt  }
0x74: {  	_ =	shalt  }
0x75: {  	_ =	shalt  }
0x76: {  	_ =	shalt  }
0x77: {  	_ =	shalt  }
0x78: {  	_ =	shalt  }
0x79: {  	_ =	shalt  }
0x7a: {  	_ =	shalt  }
0x7b: {  	_ =	shalt  }
0x7c: {  	_ =	shalt  }
0x7d: {  	_ =	shalt  }
0x7e: {  	_ =	shalt  }
0x7f: {  	_ =	shalt  }
0x80: {  	_ =	shalt  }
0x81: {  	_ =	shalt  }
0x82: {  	_ =	shalt  }
0x83: {  	_ =	shalt  }
0x84: {  	_ =	shalt  }
0x85: {  	_ =	shalt  }
0x86: {  	_ =	shalt  }
0x87: {  	_ =	shalt  }
.Lfunc_end0:
.L_simem_size_0:
called_computation_lowered:
.L_overlay_start_0:
0x88: {  	s2 =	sld [smem:$0x3FD9]  }
0x89: {  	s3 =	sld [smem:$0x3FFE];
	_ =	sdelay $0x1  }
0x8a: {  	s1 =	srdreg.scid  }
0x8b: {  	s0 =	sand.u32 $0x1, s1  }
0x8c: {  	s18 =	sshll.u32 s0, $0xA;
	s2 =	sadd.s32 s3, s2  }
0x8d: {  	s2 =	sadd.s32 s2, s18  }
0x8e: {  	[smem:$0x3FC7] =	sst s2  }
0x8f: {  	_ = 	snop  }
0x90: {  	s2 =	sld [smem:$0x3FC9]  }
0x91: {  	s19 =	sld [smem:$0x3FD0];
	(tm) =	ssettm $0x1  }
0x92: {  	s4 =	sld [smem:$0x3FFB];
	_ =	sdelay $0x3  }
0x93: {  	_ =	strace s4  }
0x94: {  	s4 =	sld [smem:$0x3FFC];
	_ =	sdelay $0x3  }
0x95: {  	_ =	strace s4  }
0x96: {  	s4 =	sld [smem:$0x3FFD];
	_ =	sdelay $0x3  }
0x97: {  	_ =	strace s4  }
0x98: {  	_ =	strace $0x8FFFFFFF  }
0x99: {  	s20 =	sld [smem:$0x3FDB];
	_ =	sdelay $0x1  }
0x9a: {  	s5 =	simm.s32 $_scs_section_size  }
0x9b: {  	s6 =	simm.s32 $_size__tile_overlayer_lowered;
	s7 =	simm.s32 $_tile_overlayer_lowered  }
0x9c: {  	s23 =	simm.s32 $0x1BFF;
	s22 =	sshll.u32 s7, $0x1;
	s4 =	sadd.s32 s5, s20  }
0x9d: {  	s8 =	simm.s32 $0x0;
	s21 =	sshll.u32 s6, $0x1;
	s6 =	sadd.s32 s22, s4  }
0x9e: {  	[timem:s8], [sflag:s23] =	dma.local [hbm:s6], s21  }
0x9f: {  	_ =	swait.ge [sflag:s23], s21  }
0xa0: {  	s5 =	ssub.s32 $0x0, s21;
	[sflag:s23] =	ssyncset.done $0x0  }
0xa1: {  	[sflag:s23] =	ssyncadd.s32 s5;
	_ =	sdelay $0x1  }
0xa2: {  	s24 =	simm.s32 $0x1B8B  }
0xa3: {  	_ =	swait.ge [sflag:s24], $0x1  }
0xa4: {  	[sflag:s24] =	ssyncset.done $0x0  }
0xa5: {  	s25 =	simm.s32 $0x1B8E;
	[sflag:s24] =	ssyncadd.s32 $0xFFFFFFFF  }
0xa6: {  	s26 =	simm.s32 $execute0_lowered;
	[smem:$0x3FD2] =	sst s25  }
0xa7: {  	s5 =	sshll.u32 s26, $0x1;
	_ =	strace $0x80000046;
	[dreg:$0x1] =	wrdreg $0xFFFFFFFF  }
0xa8: {  	s28 =	simm.s32 $_size_execute0_lowered;
	s4 =	sadd.s32 s4, s5;
	[dreg:$0x0] =	wrdreg $0x0  }
0xa9: {  	s5 =	sshll.u32 s28, $0x1;
	[dreg:$0x2] =	wrdreg s4  }
0xaa: {  	[dreg:$0x3] =	wrdreg s5  }
0xab: {  	[dreg:$0x4] =	wrdreg $0xC0  }
0xac: {  	_ =	task [dreg:s8], $0x5FFFF  }
0xad: {  	[dreg:$0x1] =	wrdreg $0xFFFFFFFF  }
0xae: {  	[dreg:$0x0] =	wrdreg $0x60  }
0xaf: {  	[dreg:$0x2] =	wrdreg s2  }
0xb0: {  	[dreg:$0x3] =	wrdreg s19  }
0xb1: {  	[dreg:$0x4] =	wrdreg $0x9  }
0xb2: {  	_ =	task.clear_ibuf [dreg:s8], $0x5FFFF;
	_ =	strace $0x90000046  }
0xb3: {  	s29 =	simm.s32 $0x9;
	_ =	strace $0x80000048  }
0xb4: {  	_ =	swait.ge [sflag:s29], $0x1  }
0xb5: {  	[sflag:s29] =	ssyncadd.s32 $0xFFFFFFFF  }
0xb6: {  	_ =	strace $0x90000048  }
0xb7: {  	_ =	sfence  }
0xb8: {  	s30 =	sld [smem:$0x0];
	_ =	sdelay $0x2  }
0xb9: {  	s31 =	sshll.u32 s1, $0xD;
	s1 =	sshrl.u32 s1, $0x2  }
0xba: {  	s3 =	sand.u32 $0x4000, s31;
	s1 =	sadd.s32 s1, s30  }
0xbb: {  	s0 =	sor.u32 s3, s0;
	s1 =	sshll.u32 s1, $0x11  }
0xbc: {  	s0 =	sor.u32 s1, s0  }
0xbd: {  	s0 =	sadd.s32 $0x8F2B, s0  }
0xbe: {  	[sflag:s0] =	ssyncadd.remote.s32 $0x1  }
0xbf: {  	_ =	sfence.sel $0xFFFF  }
0xc0: {  	[dreg:$0x0] =	wrdreg $0xFFFFFFFF;
	(pc) =	sbr.abs _section_cstart, $3  }
0xc1: {  	[dreg:$0x1] =	wrdreg $0xFFFFFFFF  }
0xc2: {  	_ =	task.clear_ibuf [dreg:s8], $0x2FFFF;
	_ =	strace $0x9FFFFFFF  }
0xc3: {  	(tm) =	ssettm $0x7FFFFFFF  }
tec
execute0_lowered:
.L_overlay_start_1:
0x0: {  	(tag) =	ssettag $0x1  }
0x1: {  	s3 =	rddreg [dreg:$0x0]  }
0x2: {  	s4 =	rddreg [dreg:$0x1]  }
0x3: {  	v0 =	vlaneseq.u32;
	s0 =	rddreg [dreg:$0x2];
	s2 =	simm.s32 $0x0;
	s5 =	srdreg.scid;
	vm0 =	vcmask $0x2B30  }
0x4: {  	s1 =	stileid.u32;
	v9 =	vimm.s32 $0x0;
	vm1 =	vmxor vm1, vm1;
	v1 =	vmul.u32 $0x40, v0;
	[smem:$0x7FF] =	sst s2;
	s5 =	sand.u32 $0x1, s5  }
0x5: {  	s7 =	sshll.u32 s1, $0xD;
	v13 =	vmul.u32 $0xFFFFFFFF, v0;
	v10 =	vor.u32 $0x10, v0;
	v11 =	vor.u32 $0x20, v0;
	s6 =	ssub.s32 $0x2, s5;
	s5 =	sshll.u32 s5, $0xC  }
0x6: {  	v12 =	vor.u32 $0x30, v0;
	_ =	strace $0x80000047;
	v2 =	vor.u32 $0x400, v1;
	v3 =	vor.u32 $0x800, v1;
	s5 =	sor.u32 s5, s7;
	s31 =	sshrl.u32 s6, $0x1  }
0x7: {  	v4 =	vor.u32 $0xC00, v1;
	v5 =	vor.u32 $0x1000, v1;
	v6 =	vor.u32 $0x1400, v1;
	s7 =	simm.s32 $0x0;
	s6 =	ssub.s32 s6, s31;
	s3 =	sadd.s32 s3, s5  }
0x8: {  	v7 =	vor.u32 $0x1800, v1;
	v8 =	vor.u32 $0x1C00, v1;
	v13 =	vadd.s32 $0xF, v13;
	s4 =	sadd.s32 s4, s5;
	s5 =	smax.u32 s6, $0x1;
	s6 =	simm.s32 $0x1  }
.LBB2_1:
0x9: {  	[tilespmem:s2], [sflag:$0x1] =	stream.linear.gather [hbm4b:s3+s2], $0x8000, $0x38;
	[tilespmem:$0x10000] =	vst v63  }
0xa: {  	_ =	swait.ge [sflag:s6], $0x8000  }
0xb: {  	[sflag:s6] =	ssyncset.done $0x0  }
0xc: {  	[sflag:s6] =	ssyncadd.s32 $0xFFFF8000  }
0xd: {  	v14 =	vld.idx.msk [tilespmem:v1+s2+$0x0], $0xffff  }
0xe: {  	v15 =	vld.idx.msk [tilespmem:v2+s2+$0x0], $0xffff  }
0xf: {  	v16 =	vld.idx.msk [tilespmem:v3+s2+$0x0], $0xffff  }
0x10: {  	v17 =	vld.idx.msk [tilespmem:v4+s2+$0x0], $0xffff  }
0x11: {  	v18 =	vld.idx.msk [tilespmem:v5+s2+$0x0], $0xffff  }
0x12: {  	v19 =	vld.idx.msk [tilespmem:v6+s2+$0x0], $0xffff  }
0x13: {  	v14 =	vmax.f32 v14, v15;
	v15 =	vld.idx.msk [tilespmem:v7+s2+$0x0], $0xffff  }
0x14: {  	v14 =	vmax.f32 v14, v16;
	v16 =	vld.idx.msk [tilespmem:v8+s2+$0x0], $0xffff  }
0x15: {  	v14 =	vmax.f32 v14, v17  }
0x16: {  	v14 =	vmax.f32 v14, v18  }
0x17: {  	v14 =	vmax.f32 v14, v19  }
0x18: {  	v14 =	vmax.f32 v14, v15  }
0x19: {  	v14 =	vmax.f32 v14, v16  }
0x1a: {  	(xrf1) =	vsort.ascd.msk.f32 $0xffff, v14, v14;
	_ =	sdelay $0xd  }
0x1b: {  	v14, _, _ =	vpop (xrf1)  }
0x1c: {  	v14 =	vsel vm0, $0xFF800000, v14  }
0x1d: {  	s8 =	simm.s32 $0x40;
	(xrf0) =	vmax.scan.msk.f32 $0xffff, v14  }
0x1e: {  	v22 =	vld [tilespmem:s8+$0xFFFFFFC0]  }
0x1f: {  	v26 =	vld [tilespmem:s8+$0xFFFFFFD0]  }
0x20: {  	v31 =	vld [tilespmem:s8+$0xFFFFFFE0]  }
0x21: {  	v33 =	vld [tilespmem:s8+$0xFFFFFFF0]  }
0x22: {  	v27 =	vld [tilespmem:s8+$0x0]  }
0x23: {  	v30 =	vld [tilespmem:s8+$0x20];
	v14, _, _ =	vpop (xrf0)  }
0x24: {  	v29 =	vld [tilespmem:s8+$0x30];
	v15 =	vbroadcast v14, $0xF;
	_ =	sdelay $0x1  }
0x25: {  	vm3 =	vgt.f32 v22, v15  }
0x26: {  	vm4 =	vgt.f32 v26, v15;
	vm2 =	vgt.f32 v31, v15;
	vm6 =	vgt.f32 v33, v15  }
0x27: {  	vm5 =	vgt.f32 v27, v15;
	vm7 =	vgt.f32 v30, v15;
	v16 =	vmpcnt.ones.xlane vm3  }
0x28: {  	vm10 =	vgt.f32 v29, v15;
	v18 =	vmpcnt.ones.xlane vm4;
	v19 =	vmpcnt.ones.xlane vm2  }
0x29: {  	v14 =	vld [tilespmem:s8+$0x10];
	v17 =	vsel vm3, $0x1, v9;
	v20 =	vmpcnt.ones.xlane vm6;
	v21 =	vmpcnt.ones.xlane vm5  }
0x2a: {  	v24 =	vsel vm4, $0x1, v9;
	v28 =	vsel vm6, $0x1, v9;
	v32 =	vsel vm5, $0x1, v9  }
0x2b: {  	v34 =	vsel vm7, $0x1, v9;
	v35 =	vsel vm4, $0xFFFFFFFF, v9;
	v46 =	vsel vm10, $0x1, v9  }
0x2c: {  	v36 =	vsel vm2, $0xFFFFFFFF, v9;
	v37 =	vsel vm6, $0xFFFFFFFF, v9;
	(xrf0) =	vadd.scan.msk.s32 $0xffff, v17;
	v16 =	vadd.s32 v9, v16  }
0x2d: {  	v38 =	vsel vm5, $0xFFFFFFFF, v9;
	(xrf0) =	vadd.scan.msk.s32 $0xffff, v24;
	v24 =	vsel vm2, $0x1, v9;
	v18 =	vadd.s32 v16, v18  }
0x2e: {  	v41 =	vsel vm10, $0xFFFFFFFF, v9;
	vm8 =	vgt.f32 v14, v15;
	(xrf0) =	vadd.scan.msk.s32 $0xffff, v24;
	v19 =	vadd.s32 v18, v19  }
0x2f: {  	v24 =	vsel vm8, $0x1, v9;
	(xrf0) =	vadd.scan.msk.s32 $0xffff, v28;
	v23 =	vadd.s32 v19, v20;
	v20 =	vmpcnt.ones.xlane vm8  }
0x30: {  	v39 =	vsel vm8, $0xFFFFFFFF, v9;
	v17 =	vadd.s32 v23, v21;
	v21 =	vmpcnt.ones.xlane vm7  }
0x31: {  	v16 =	vadd.s32 v35, v16;
	(xrf0) =	vadd.scan.msk.s32 $0xffff, v32;
	v25 =	vadd.s32 v17, v20;
	v20 =	vmpcnt.ones.xlane vm10  }
0x32: {  	v28 =	vsel vm3, $0xFFFFFFFF, v9;
	(xrf0) =	vadd.scan.msk.s32 $0xffff, v24;
	v24, _, _ =	vpop (xrf0);
	v39 =	vadd.s32 v39, v17;
	v21 =	vadd.s32 v25, v21  }
0x33: {  	(xrf0) =	vadd.scan.msk.s32 $0xffff, v34;
	v17 =	vadd.s32 v36, v18;
	v18 =	vadd.s32 v37, v19;
	v47, _, _ =	vpop (xrf0);
	v20 =	vadd.s32 v21, v20  }
0x34: {  	(xrf0) =	vadd.scan.msk.s32 $0xffff, v46;
	v48 =	vadd.s32 v41, v21;
	v19, _, _ =	vpop (xrf0);
	v21 =	vadd.s32 v38, v23;
	v23 =	vadd.s32 v28, v9  }
0x35: {  	v28, _, _ =	vpop (xrf0);
	v19 =	vadd.s32 v19, v17;
	v17 =	vadd.s32 v24, v23;
	v23 =	vadd.s32 v47, v16  }
0x36: {  	s8 =	simm.s32 $0xC0;
	v40 =	vsel vm7, $0xFFFFFFFF, v9;
	v18 =	vadd.s32 v28, v18  }
0x37: {  	vm13 =	vmmov vm2;
	vm11 =	vmmov vm6;
	v16 =	vld [tilespmem:s8+$0xFFFFFFC0];
	v24, _, _ =	vpop (xrf0);
	v28 =	vadd.s32 $0x8000, v17  }
0x38: {  	v25 =	vadd.s32 v40, v25;
	v34 =	vadd.s32 $0x8000, v23;
	v17 =	vld [tilespmem:s8+$0xFFFFFFD0];
	v49 =	vadd.s32 $0x8000, v19;
	v23, _, _ =	vpop (xrf0)  }
0x39: {  	v19 =	vld [tilespmem:s8+$0xFFFFFFE0];
	v21 =	vadd.s32 v24, v21;
	v50 =	vadd.s32 $0x8000, v18;
	v18, _, _ =	vpop (xrf0);
	v23 =	vadd.s32 v23, v39  }
0x3a: {  	v51 =	vadd.s32 $0x8000, v21;
	v18 =	vadd.s32 v18, v25;
	v24, _, _ =	vpop (xrf0);
	v21 =	vadd.s32 $0x8000, v23;
	v23 =	vld [tilespmem:s8+$0xFFFFFFF0]  }
0x3b: {  	vm12 =	vmmov vm5;
	v52 =	vadd.s32 $0x8000, v18;
	v18 =	vadd.s32 v24, v48;
	v24 =	vld [tilespmem:s8+$0x0]  }
0x3c: {  	vm6 =	vmmov vm8;
	vm2 =	vgt.f32 v16, v15;
	[tilespmem:v28+s2+$0x0] =	vst.idx.msk vm3, v22;
	v32 =	vadd.s32 $0x8000, v18;
	v18 =	vld [tilespmem:s8+$0x10]  }
0x3d: {  	v25 =	vld [tilespmem:s8+$0x20];
	v28 =	vsel vm2, $0x1, v9;
	v53 =	vmpcnt.ones.xlane vm2;
	vm3 =	vgt.f32 v17, v15;
	[tilespmem:v34+s2+$0x0] =	vst.idx.msk vm4, v26  }
0x3e: {  	vm5 =	vgt.f32 v19, v15;
	v22 =	vld [tilespmem:s8+$0x30];
	[tilespmem:v49+s2+$0x0] =	vst.idx.msk vm13, v31;
	v54 =	vsel vm3, $0x1, v9;
	v55 =	vmpcnt.ones.xlane vm3  }
0x3f: {  	(xrf0) =	vadd.scan.msk.s32 $0xffff, v28;
	v56 =	vmpcnt.ones.xlane vm5;
	v26 =	vadd.s32 v20, v53;
	vm9 =	vgt.f32 v23, v15  }
0x40: {  	(xrf0) =	vadd.scan.msk.s32 $0xffff, v54;
	v28 =	vadd.s32 v26, v55;
	v57 =	vmpcnt.ones.xlane vm9;
	vm8 =	vgt.f32 v24, v15  }
0x41: {  	[tilespmem:v32+s2+$0x0] =	vst.idx.msk vm10, v29;
	v29 =	vadd.s32 v28, v56;
	v58 =	vmpcnt.ones.xlane vm8;
	vm10 =	vgt.f32 v18, v15  }
0x42: {  	vm4 =	vgt.f32 v25, v15;
	[tilespmem:v52+s2+$0x0] =	vst.idx.msk vm7, v30;
	v30 =	vadd.s32 v29, v57;
	v59 =	vmpcnt.ones.xlane vm10  }
0x43: {  	[tilespmem:v50+s2+$0x0] =	vst.idx.msk vm11, v33;
	v60 =	vmpcnt.ones.xlane vm4;
	vm7 =	vgt.f32 v22, v15;
	v32 =	vadd.s32 v30, v58  }
0x44: {  	v61 =	vsel vm5, $0x1, v9;
	[tilespmem:v51+s2+$0x0] =	vst.idx.msk vm12, v27;
	v62 =	vmpcnt.ones.xlane vm7;
	v34 =	vadd.s32 v32, v59  }
0x45: {  	v63 =	vsel vm9, $0x1, v9;
	v36 =	vsel vm4, $0x1, v9;
	v31, _, _ =	vpop (xrf0);
	(xrf0) =	vadd.scan.msk.s32 $0xffff, v61;
	v35 =	vadd.s32 v34, v60  }
0x46: {  	s9 =	simm.s32 $0x80;
	v37 =	vsel vm8, $0x1, v9;
	v38 =	vsel vm10, $0x1, v9;
	v33, _, _ =	vpop (xrf0);
	(xrf0) =	vadd.scan.msk.s32 $0xffff, v63;
	v27 =	vadd.s32 v35, v62  }
.LBB2_2:
0x47: {  	s9 =	sadd.s32 $0x80, s9;
	v39 =	vsel vm2, $0xFFFFFFFF, v9;
	v40 =	vsel vm3, $0xFFFFFFFF, v9;
	v41 =	vsel vm7, $0x1, v9;
	(xrf0) =	vadd.scan.msk.s32 $0xffff, v37;
	v37 =	vmovc v23  }
0x48: {  	v23 =	vsel vm5, $0xFFFFFFFF, v9;
	v42 =	vsel vm9, $0xFFFFFFFF, v9;
	v43 =	vsel vm8, $0xFFFFFFFF, v9;
	p0 =	slt.u32 s9, $0x1F80;
	(xrf0) =	vadd.scan.msk.s32 $0xffff, v38;
	v38 =	vmovc v24  }
0x49: {  	v44 =	vsel vm4, $0xFFFFFFFF, v9;
	v45 =	vsel vm7, $0xFFFFFFFF, v9;
	v24 =	vsel vm10, $0xFFFFFFFF, v9;
	(xrf0) =	vadd.scan.msk.s32 $0xffff, v36;
	v36 =	vmovc v25  }
0x4a: {  	v24 =	vadd.s32 v24, v32;
	v25 =	vadd.s32 v44, v34;
	v32 =	vadd.s32 v45, v35;
	(xrf0) =	vadd.scan.msk.s32 $0xffff, v41  }
0x4b: {  	v23 =	vadd.s32 v23, v28;
	v28 =	vadd.s32 v42, v29;
	v29 =	vadd.s32 v43, v30;
	v30, _, _ =	vpop (xrf0)  }
0x4c: {  	v20 =	vadd.s32 v39, v20;
	v26 =	vadd.s32 v40, v26;
	v23 =	vadd.s32 v30, v23;
	v30, _, _ =	vpop (xrf0)  }
0x4d: {  	s8 =	sadd.s32 $0x80, s8;
	v20 =	vadd.s32 v31, v20;
	v26 =	vadd.s32 v33, v26;
	v28 =	vadd.s32 v30, v28;
	v30, _, _ =	vpop (xrf0)  }
0x4e: {  	v33 =	vadd.s32 $0x8000, v20;
	v26 =	vadd.s32 $0x8000, v26;
	v31 =	vld [tilespmem:s8+$0xFFFFFFC0];
	v41 =	vadd.s32 v30, v29;
	v29, _, _ =	vpop (xrf0);
	[tilespmem:v21+s2+$0x0] =	vst.idx.msk vm6, v14  }
0x4f: {  	v34 =	vadd.s32 $0x8000, v23;
	v35 =	vadd.s32 $0x8000, v28;
	v30 =	vld [tilespmem:s8+$0xFFFFFFD0];
	v28 =	vadd.s32 v29, v24;
	v23, _, _ =	vpop (xrf0)  }
0x50: {  	v40 =	vadd.s32 $0x8000, v41;
	v39 =	vld [tilespmem:s8+$0xFFFFFFE0];
	v21 =	vadd.s32 $0x8000, v28;
	v24 =	vadd.s32 v23, v25;
	v20, _, _ =	vpop (xrf0)  }
0x51: {  	v14 =	vmovc v18;
	v29 =	vmovc v22;
	v23 =	vld [tilespmem:s8+$0xFFFFFFF0];
	v41 =	vadd.s32 $0x8000, v24;
	v25 =	vadd.s32 v20, v32;
	v20 =	vmov v27  }
0x52: {  	vm13 =	vmmov vm5;
	vm11 =	vmmov vm9;
	v24 =	vld [tilespmem:s8+$0x0];
	v32 =	vadd.s32 $0x8000, v25  }
0x53: {  	vm12 =	vmmov vm8;
	vm6 =	vmmov vm10;
	v18 =	vld [tilespmem:s8+$0x10];
	[tilespmem:v33+s2+$0x0] =	vst.idx.msk vm2, v16;
	vm2 =	vgt.f32 v31, v15;
	v16 =	vmovc v31  }
0x54: {  	v28 =	vsel vm2, $0x1, v9;
	v31 =	vmpcnt.ones.xlane vm2;
	v25 =	vld [tilespmem:s8+$0x20];
	[tilespmem:v26+s2+$0x0] =	vst.idx.msk vm3, v17;
	vm3 =	vgt.f32 v30, v15;
	v17 =	vmovc v30  }
0x55: {  	v30 =	vsel vm3, $0x1, v9;
	v33 =	vmpcnt.ones.xlane vm3;
	vm5 =	vgt.f32 v39, v15;
	v22 =	vld [tilespmem:s8+$0x30];
	(xrf0) =	vadd.scan.msk.s32 $0xffff, v28  }
0x56: {  	v26 =	vadd.s32 v27, v31;
	v27 =	vmpcnt.ones.xlane vm5;
	vm9 =	vgt.f32 v23, v15;
	(xrf0) =	vadd.scan.msk.s32 $0xffff, v30  }
0x57: {  	v28 =	vadd.s32 v26, v33;
	v30 =	vmpcnt.ones.xlane vm9;
	vm8 =	vgt.f32 v24, v15;
	[tilespmem:v32+s2+$0x0] =	vst.idx.msk vm7, v29  }
0x58: {  	v29 =	vadd.s32 v28, v27;
	v27 =	vmpcnt.ones.xlane vm8;
	vm10 =	vgt.f32 v18, v15;
	[tilespmem:v41+s2+$0x0] =	vst.idx.msk vm4, v36  }
.Ltmp0:
0x59: {  	v30 =	vadd.s32 v29, v30;
	v36 =	vmpcnt.ones.xlane vm10;
	vm4 =	vgt.f32 v25, v15;
	[tilespmem:v34+s2+$0x0] =	vst.idx.msk vm13, v19;
	(pc) =	sbr.rel @p0 .LBB2_2-.Ltmp0, $4  }
0x5a: {  	v32 =	vadd.s32 v30, v27;
	v42 =	vmpcnt.ones.xlane vm4;
	vm7 =	vgt.f32 v22, v15;
	[tilespmem:v35+s2+$0x0] =	vst.idx.msk vm11, v37  }
0x5b: {  	v27 =	vsel vm5, $0x1, v9;
	v34 =	vadd.s32 v32, v36;
	v41 =	vmpcnt.ones.xlane vm7;
	v31, _, _ =	vpop (xrf0);
	[tilespmem:v40+s2+$0x0] =	vst.idx.msk vm12, v38  }
0x5c: {  	v37 =	vsel vm8, $0x1, v9;
	v40 =	vsel vm9, $0x1, v9;
	v35 =	vadd.s32 v34, v42;
	v33, _, _ =	vpop (xrf0);
	(xrf0) =	vadd.scan.msk.s32 $0xffff, v27  }
0x5d: {  	v19 =	vmovc v39;
	v38 =	vsel vm10, $0x1, v9;
	v36 =	vsel vm4, $0x1, v9;
	v27 =	vadd.s32 v35, v41;
	(xrf0) =	vadd.scan.msk.s32 $0xffff, v40  }
0x5e: {  	(xrf0) =	vadd.scan.msk.s32 $0xffff, v37  }
0x5f: {  	(xrf0) =	vadd.scan.msk.s32 $0xffff, v38  }
0x60: {  	v15 =	vsel vm7, $0x1, v9;
	(xrf0) =	vadd.scan.msk.s32 $0xffff, v36  }
0x61: {  	(xrf0) =	vadd.scan.msk.s32 $0xffff, v15;
	v15 =	vxor.u32 $0x80000000, v27;
	_ =	sdelay $0x1  }
0x62: {  	v50, _, _ =	vpop (xrf0);
	(xrf0) =	vmax.scan.msk.u32 $0xffff, v15  }
0x63: {  	v15, _, _ =	vpop (xrf0)  }
0x64: {  	v51, _, _ =	vpop (xrf0)  }
0x65: {  	v52, _, _ =	vpop (xrf0)  }
0x66: {  	v53, _, _ =	vpop (xrf0)  }
0x67: {  	v39, _, _ =	vpop (xrf0)  }
0x68: {  	v40, _, _ =	vpop (xrf0)  }
0x69: {  	(v2sf) =	vpush v40, $0xF  }
0x6a: {  	v54 =	vsel vm2, $0xFFFFFFFF, v9  }
0x6b: {  	v41 =	vsel vm3, $0xFFFFFFFF, v9;
	v42 =	vsel vm5, $0xFFFFFFFF, v9;
	v20 =	vadd.s32 v54, v20  }
0x6c: {  	v43 =	vsel vm10, $0xFFFFFFFF, v9;
	v44 =	vsel vm4, $0xFFFFFFFF, v9;
	v20 =	vadd.s32 v31, v20  }
0x6d: {  	v55 =	vsel vm9, $0xFFFFFFFF, v9;
	v56 =	vsel vm8, $0xFFFFFFFF, v9;
	v20 =	vadd.s32 $0x8000, v20  }
0x6e: {  	v57 =	vsel vm7, $0xFFFFFFFF, v9;
	vm13 =	vmmov vm5;
	v26 =	vadd.s32 v41, v26  }
0x6f: {  	v32 =	vadd.s32 v43, v32;
	v28 =	vadd.s32 v42, v28;
	v26 =	vadd.s32 v33, v26  }
0x70: {  	v29 =	vadd.s32 v55, v29;
	v26 =	vadd.s32 $0x8000, v26;
	v27 =	vadd.s32 v50, v28  }
0x71: {  	[tilespmem:v21+s2+$0x0] =	vst.idx.msk vm6, v14;
	v30 =	vadd.s32 v56, v30;
	v14 =	vadd.s32 $0x8000, v27;
	v15 =	vadd.s32 v15, v29  }
0x72: {  	v61 =	vadd.s32 v51, v30;
	v15 =	vadd.s32 $0x8000, v15;
	[tilespmem:v20+s2+$0x0] =	vst.idx.msk vm2, v16;
	vm2 =	vmmov vm8  }
0x73: {  	v34 =	vadd.s32 v44, v34;
	v62 =	vadd.s32 v52, v32;
	v63 =	vadd.s32 $0x8000, v61  }
0x74: {  	v35 =	vadd.s32 v57, v35;
	v59 =	vadd.s32 v53, v34;
	v16 =	vadd.s32 $0x8000, v62  }
0x75: {  	[tilespmem:v26+s2+$0x0] =	vst.idx.msk vm3, v17;
	v58 =	vadd.s32 v39, v35;
	v60 =	vadd.s32 $0x8000, v59  }
0x76: {  	[tilespmem:v14+s2+$0x0] =	vst.idx.msk vm13, v19;
	v31 =	vadd.s32 $0x8000, v58  }
.Ltmp1:
0x77: {  	[tilespmem:v15+s2+$0x0] =	vst.idx.msk vm9, v23;
	(pc) =	sbr.rel .LBB2_4-.Ltmp1, $4  }
0x78: {  	[tilespmem:v63+s2+$0x0] =	vst.idx.msk vm2, v24;
	s8 =	spop (v2sf)  }
0x79: {  	s16 =	simm.s32 $0x8000;
	s10 =	simm.s32 $0x41;
	[tilespmem:v16+s2+$0x0] =	vst.idx.msk vm10, v18;
	s12 =	sxor.u32 $0x80000000, s8  }
0x7a: {  	s9 =	simm.s32 $0x0;
	s13 =	simm.s32 $0x0;
	[tilespmem:v60+s2+$0x0] =	vst.idx.msk vm4, v25;
	p0 =	sgt.s32 s12, $0x40  }
0x7b: {  	vm14 =	vmmov vm9;
	vm15 =	vmmov vm10;
	[tilespmem:v31+s2+$0x0] =	vst.idx.msk vm7, v22;
	s8 =	simm.f32 $0.0e+00;
	s12 =	simm.s32 @!p0 $0x2000;
	s16 =	simm.s32 @!p0 $0x0  }
.LBB2_5:
0x7c: {  	v14 =	vimm.f32 $0.0e+00;
	v15 =	vimm.s32 $0x80000000;
	v16 =	vimm.s32 $0x80000000  }
.LBB2_13:
0x7d: {  	(xrf0) =	vmax.scan.msk.u32 $0xffff, v15  }
0x7e: {  	(xrf0) =	vmax.scan.msk.u32 $0xffff, v16;
	_ =	sdelay $0x2  }
0x7f: {  	(xrf2) =	vadd.scan.msk.f32 $0xffff, v14;
	_ =	sdelay $0x1  }
0x80: {  	v14, _, _ =	vpop (xrf0)  }
0x81: {  	(v2sf) =	vpush v14, $0xF;
	v14, _, _ =	vpop (xrf0)  }
0x82: {  	(v2sf) =	vpush v14, $0xF;
	_ =	sdelay $0x5  }
0x83: {  	v14, _, _ =	vpop (xrf2)  }
0x84: {  	(v2sf) =	vpush v14, $0xF;
	_ =	sdelay $0x6  }
0x85: {  	s16 =	spop (v2sf)  }
0x86: {  	s17 =	spop (v2sf)  }
0x87: {  	s16 =	sxor.u32 $0x80000000, s16;
	s17 =	sxor.u32 $0x80000000, s17  }
0x88: {  	s18 =	sadd.s32 s17, s16  }
0x89: {  	s12 =	ssub.s32 s12, s18  }
0x8a: {  	s18 =	scvt.s32.f32 s12;
	_ =	sdelay $0x1  }
0x8b: {  	p1 =	sle.s32 s10, s16;
	s18 =	smul.f32 s18, s11  }
0x8c: {  	s19 =	spop (v2sf);
	s20 =	sadd.s32 s16, s12;
	s12 =	smov.u32 s17  }
0x8d: {  	p0 =	sgt.s32 s10, s20;
	s12 =	smov.u32 @p1 s16;
	s18 =	sadd.f32 s18, s19  }
0x8e: {  	s14 =	smov.u32 @p1 s15;
	p0 =	por p1, p0;
	p2 =	slt.s32 s12, $0x41  }
0x8f: {  	s16 =	smov.u32 @p0 s20;
	s20 =	simm.s32 @p1 $0x0;
	s19 =	smov.u32 @p0 s18  }
0x90: {  	s16 =	simm.s32 @p1 $0x0;
	s19 =	simm.s32 @p1 $0x0;
	p1 =	por p2, !p0  }
.Ltmp2:
0x91: {  	_ = 	snop;
	(pc) =	sbr.rel @p1 .LBB2_14-.Ltmp2, $3  }
0x92: {  	_ =	sdelay $0x1  }
0x93: {  	s13 =	sxor.u32 $0x1, s13;
	s10 =	ssub.s32 s10, s20  }
0x94: {  	s9 =	sadd.s32 s9, s16;
	s16 =	smov.u32 s14;
	s8 =	sadd.f32 s19, s8  }
.LBB2_4:
0x95: {  	s14 =	sadd.s32 $0x1, s12;
	s15 =	sshrl.u32 s12, $0x3  }
0x96: {  	p0 =	slt.u32 s12, $0x7FFFFFFF;
	s18 =	simm.s32 $0x1;
	s19 =	sadd.s32 $0xFFFFFFFF, s12  }
0x97: {  	s11 =	ssub.s32 s14, s10;
	s15 =	sadd.s32 $0x8, s15;
	s18 =	simm.s32 @!p0 $0x0  }
0x98: {  	s20 =	sshra.s32 s14, $0x1F;
	s21 =	smov.u32 s19;
	s22 =	sand.u32 $0x1, s14  }
0x99: {  	s24 =	sshrl.u32 s14, $0x1F;
	s17 =	sadd.s32 s10, s15;
	s18 =	sadd.s32 s18, s20  }
0x9a: {  	p1 =	seq.s32 s22, $0x1;
	p0 =	slt.s32 s17, s19;
	p4 =	sne.s32 s18, $0x1  }
0x9b: {  	s22 =	simm.s32 $0x1;
	s21 =	smov.u32 @p0 s17;
	p0 =	por !p4, !p1  }
0x9c: {  	s15 =	sadd.s32 s15, s11;
	s17 =	smul.u32 $0x11, s21;
	p0 =	por !p0, !p0  }
0x9d: {  	s21 =	sadd.s32 s24, s14;
	s22 =	simm.s32 @!p0 $0x0;
	p0 =	slt.s32 s15, s19  }
0x9e: {  	s21 =	sshra.s32 s21, $0x1;
	s19 =	smov.u32 @p0 s15  }
0x9f: {  	s21 =	ssub.s32 s21, s22;
	s19 =	smul.u32 $0x11, s19  }
0xa0: {  	s17 =	sadd.s32 s17, s21  }
0xa1: {  	s28 =	sshrl.u32 s12, $0x4;
	s25 =	sshra.s32 s17, $0x1F;
	s19 =	sadd.s32 s19, s21  }
0xa2: {  	s23 =	sxor.u32 s20, s14;
	s26 =	sxor.u32 s25, s17;
	s21 =	sshra.s32 s19, $0x1F  }
0xa3: {  	s23 =	ssub.s32 s23, s20;
	s22 =	ssub.s32 s26, s25;
	s24 =	sxor.u32 s21, s19  }
0xa4: {  	v14 =	vmul.u32 s28, v0;
	(drf) =	sdiv.u32 s22, s23;
	s29 =	ssub.s32 s24, s21  }
0xa5: {  	(drf) =	sdiv.u32 s29, s23  }
0xa6: {  	v14 =	vadd.s32 s16, v14;
	_ =	sdelay $0x4  }
0xa7: {  	v14 =	vld.idx.msk [tilespmem:v14+s2+$0x0], $0xffff;
	p0 =	sgt.s32 s17, $0x0  }
0xa8: {  	s15 =	sxor.u32 s20, s25;
	s20 =	sxor.u32 s20, s21;
	s23 =	simm.s32 $0x1  }
0xa9: {  	s23 =	simm.s32 @!p0 $0x0;
	p0 =	slt.s32 s17, $0x0;
	s30 =	spop (drf)  }
0xaa: {  	s23 =	simm.s32 @p0 $0xFFFFFFFF;
	s22 =	sxor.u32 s15, s30;
	s31 =	spop (drf)  }
0xab: {  	p0 =	sgt.s32 s19, $0x0;
	s15 =	ssub.s32 s22, s15;
	s22 =	sxor.u32 s20, s31  }
0xac: {  	(xrf1) =	vsort.ascd.msk.f32 $0xffff, v14, v14;
	s24 =	smul.u32 s14, s15;
	s20 =	ssub.s32 s22, s20;
	s22 =	simm.s32 $0x1  }
0xad: {  	s22 =	simm.s32 @!p0 $0x0;
	p0 =	slt.s32 s19, $0x0;
	s14 =	smul.u32 s14, s20  }
0xae: {  	p5 =	sne.s32 s23, s18;
	s22 =	simm.s32 @p0 $0xFFFFFFFF  }
0xaf: {  	p2 =	sne.s32 s17, s24;
	p3 =	sne.s32 s22, s18;
	p4 =	sne.s32 s19, s14  }
0xb0: {  	s17 =	simm.s32 $0x1;
	p6 =	por !p5, !p2;
	p1 =	por !p3, !p4  }
0xb1: {  	p0 =	por !p6, !p6;
	s14 =	simm.s32 $0x1;
	p1 =	por !p1, !p1  }
0xb2: {  	s14 =	simm.s32 @!p0 $0x0;
	s17 =	simm.s32 @!p1 $0x0  }
0xb3: {  	s14 =	ssub.s32 s15, s14;
	s15 =	ssub.s32 s20, s17  }
0xb4: {  	p0 =	sgt.s32 s14, $0x1;
	p1 =	sgt.s32 s15, $0x1  }
0xb5: {  	s14 =	simm.s32 @!p0 $0x1;
	s15 =	simm.s32 @!p1 $0x1  }
0xb6: {  	s25 =	smax.u32 s14, $0x10;
	s15 =	smin.u32 s15, $0x10  }
0xb7: {  	p0 =	sgt.s32 s10, s11;
	s14 =	ssub.s32 s25, s14;
	s15 =	sadd.s32 $0xFFFFFFFF, s15  }
0xb8: {  	s14 =	smov.u32 @p0 s15  }
0xb9: {  	v14 =	vmov s14  }
0xba: {  	v15, _, _ =	vpop (xrf1);
	vm2 =	veq.s32 v14, v0  }
0xbb: {  	v14 =	vnsel vm2, $0xFF800000, v15  }
0xbc: {  	(xrf0) =	vmax.scan.msk.f32 $0xffff, v14;
	_ =	sdelay $0x5  }
0xbd: {  	v14, _, _ =	vpop (xrf0)  }
0xbe: {  	(v2sf) =	vpush v14, $0xF;
	_ =	sdelay $0x2  }
0xbf: {  	s26 =	sadd.s32 $0xF, s12  }
0xc0: {  	s28 =	sand.u32 $0xF, s26  }
0xc1: {  	s29 =	sshra.s32 s26, $0x1F;
	p5 =	slt.s32 s26, $0x0;
	p6 =	sne.s32 s28, $0x0  }
0xc2: {  	s30 =	sshrl.u32 s29, $0x1C;
	p0 =	por !p5, !p6  }
0xc3: {  	s11 =	sadd.s32 s30, s26;
	p0 =	por !p0, !p0;
	s14 =	simm.s32 $0x1  }
0xc4: {  	s11 =	sshra.s32 s11, $0x4;
	s14 =	simm.s32 @!p0 $0x0  }
0xc5: {  	s18 =	ssub.s32 s11, s14  }
0xc6: {  	p1 =	slt.s32 s18, $0x1  }
.Ltmp3:
0xc7: {  	_ = 	snop;
	(pc) =	sbr.rel @p1 .LBB2_5-.Ltmp3, $3  }
0xc8: {  	_ =	sdelay $0x1  }
0xc9: {  	s31 =	sshll.u32 s13, $0xE;
	p0 =	seq.s32 s13, $0x0;
	s14 =	simm.s32 $0xC000  }
0xca: {  	s15 =	sadd.s32 $0xA000, s31;
	s14 =	simm.s32 @!p0 $0x8000;
	s11 =	spop (v2sf)  }
0xcb: {  	p1 =	sne.s32 s18, $0x1  }
.Ltmp4:
0xcc: {  	_ = 	snop;
	(pc) =	sbr.rel @!p1 .LBB2_7-.Ltmp4, $3  }
0xcd: {  	_ =	sdelay $0x1  }
0xce: {  	v18 =	vbroadcast v14, $0xF;
	v19 =	vmov s12;
	v17 =	vmov s15  }
0xcf: {  	v16 =	vmov s14;
	v24 =	vimm.s32 $0x0;
	v14 =	vimm.f32 $0.0e+00;
	s17 =	simm.s32 $0x0;
	v15 =	vld [tilespmem:s16+$0x0];
	s19 =	sadd.s32 $0xFFFFFFFF, s18;
	p0 =	por $0x0, $0x0  }
0xd0: {  	_ =	sdelay $0x2  }
0xd1: {  	v20 =	vor.u32 s17, v0  }
0xd2: {  	vm2 =	vlt.s32 v20, v19;
	vm3 =	vgt.f32 v15, v18  }
0xd3: {  	vm4 =	vlt.f32 v15, v18;
	vm3 =	vmand vm2, vm3  }
0xd4: {  	vm2 =	vmand vm2, vm4;
	v20 =	vsel vm3, $0x1, v9  }
0xd5: {  	v21 =	vsel vm2, $0x1, v9;
	(xrf0) =	vadd.scan.msk.s32 $0xffff, v20  }
0xd6: {  	(xrf0) =	vadd.scan.msk.s32 $0xffff, v21;
	_ =	sdelay $0x2  }
0xd7: {  	v22 =	vsel vm2, $0xFFFFFFFF, v9  }
0xd8: {  	v20 =	vsel vm3, $0xFFFFFFFF, v9;
	v21 =	vadd.s32 v17, v24  }
0xd9: {  	v20 =	vadd.s32 v20, v21;
	v21 =	vadd.s32 v16, v24;
	v23, _, _ =	vpop (xrf0)  }
0xda: {  	v21 =	vadd.s32 v22, v21;
	v20 =	vadd.s32 v23, v20;
	v22, _, _ =	vpop (xrf0)  }
0xdb: {  	v21 =	vadd.s32 v22, v21;
	_ =	sdelay $0x1  }
0xdc: {  	p1 =	sne.s32 s19, $0x1  }
.Ltmp5:
0xdd: {  	v22 =	vmpcnt.ones.xlane vm3;
	(pc) =	sbr.rel @!p1 .LBB2_9-.Ltmp5, $4  }
0xde: {  	v25 =	vmpcnt.ones.xlane vm2;
	[tilespmem:v20+s2+$0x0] =	vst.idx.msk vm3, v15  }
0xdf: {  	s18 =	sadd.s32 $0x10, s16;
	[tilespmem:v21+s2+$0x0] =	vst.idx.msk vm2, v15  }
0xe0: {  	v26 =	vnsel vm3, $0x0, v15;
	v23 =	vadd.s32 v24, v22;
	v20 =	vadd.s32 v24, v25;
	v15 =	vld [tilespmem:s18+$0x0]  }
0xe1: {  	s19 =	sadd.s32 $0xFFFFFFFF, s19;
	p0 =	por $0x1, $0x1;
	s16 =	simm.s32 $0x0;
	v14 =	vadd.f32 v26, v14;
	v21 =	vmov v23;
	v22 =	vmov v20  }
.LBB2_10:
0xe2: {  	p1 =	sne.s32 s19, $0x1  }
0xe3: {  	s16 =	sadd.s32 $0x10, s16  }
0xe4: {  	v24 =	vor.u32 s16, v0  }
0xe5: {  	vm3 =	vlt.s32 v24, v19;
	vm2 =	vgt.f32 v15, v18  }
0xe6: {  	vm4 =	vlt.f32 v15, v18;
	vm2 =	vmand vm3, vm2  }
0xe7: {  	vm3 =	vmand vm3, vm4;
	v24 =	vsel vm2, $0x1, v9;
	v25 =	vmpcnt.ones.xlane vm2  }
0xe8: {  	v26 =	vsel vm3, $0x1, v9;
	v27 =	vmpcnt.ones.xlane vm3;
	v28 =	vnsel vm2, $0x0, v15;
	(xrf0) =	vadd.scan.msk.s32 $0xffff, v24  }
0xe9: {  	v14 =	vadd.f32 v28, v14;
	v23 =	vadd.s32 v23, v25;
	(xrf0) =	vadd.scan.msk.s32 $0xffff, v26  }
0xea: {  	v20 =	vadd.s32 v20, v27;
	_ =	sdelay $0x2  }
0xeb: {  	v24 =	vsel vm2, $0xFFFFFFFF, v9;
	v27 =	vadd.s32 v17, v21;
	v21 =	vmov v23  }
0xec: {  	v28 =	vsel vm3, $0xFFFFFFFF, v9;
	v24 =	vadd.s32 v24, v27;
	v27 =	vadd.s32 v16, v22;
	v25, _, _ =	vpop (xrf0)  }
0xed: {  	v22 =	vmov v20;
	v24 =	vadd.s32 v25, v24;
	v25 =	vadd.s32 v28, v27;
	v26, _, _ =	vpop (xrf0)  }
0xee: {  	v25 =	vadd.s32 v26, v25;
	_ =	sdelay $0x2  }
.Ltmp6:
0xef: {  	(pc) =	sbr.rel @p1 .LBB2_10-.Ltmp6, $4  }
0xf0: {  	[tilespmem:v24+s2+$0x0] =	vst.idx.msk vm2, v15  }
0xf1: {  	s18 =	sadd.s32 $0x10, s18;
	[tilespmem:v25+s2+$0x0] =	vst.idx.msk vm3, v15  }
0xf2: {  	v15 =	vld [tilespmem:s18+$0x0]  }
0xf3: {  	s19 =	sadd.s32 $0xFFFFFFFF, s19  }
0xf4: {  	v24 =	vmov v23  }
.LBB2_12:
0xf5: {  	s16 =	sadd.s32 @p0 $0x10, s16  }
0xf6: {  	s17 =	smov.u32 @p0 s16  }
0xf7: {  	v23 =	vor.u32 s17, v0  }
0xf8: {  	vm3 =	vgt.f32 v15, v18;
	vm2 =	vlt.s32 v23, v19  }
0xf9: {  	vm4 =	vlt.f32 v15, v18;
	vm3 =	vmand vm2, vm3  }
0xfa: {  	vm2 =	vmand vm2, vm4;
	v18 =	vsel vm3, $0x1, v9  }
0xfb: {  	v19 =	vsel vm2, $0x1, v9;
	(xrf0) =	vadd.scan.msk.s32 $0xffff, v18  }
0xfc: {  	(xrf0) =	vadd.scan.msk.s32 $0xffff, v19;
	_ =	sdelay $0x1  }
0xfd: {  	v18 =	vsel vm3, $0xFFFFFFFF, v9;
	_ =	sdelay $0x1  }
0xfe: {  	v17 =	vadd.s32 v17, v21  }
0xff: {  	v16 =	vadd.s32 v16, v22;
	v19 =	vsel vm2, $0xFFFFFFFF, v9;
	v17 =	vadd.s32 v18, v17;
	v18, _, _ =	vpop (xrf0)  }
0x100: {  	v16 =	vadd.s32 v19, v16;
	v17 =	vadd.s32 v18, v17;
	v18, _, _ =	vpop (xrf0)  }
0x101: {  	v16 =	vadd.s32 v18, v16  }
.Ltmp7:
0x102: {  	_ = 	snop;
	(pc) =	sbr.rel .LBB2_13-.Ltmp7, $3  }
0x103: {  	v19 =	vmpcnt.ones.xlane vm2;
	v18 =	vmpcnt.ones.xlane vm3;
	_ =	sdelay $0x1  }
0x104: {  	v63 =	vnsel vm3, $0x0, v15;
	v19 =	vadd.s32 v20, v19;
	v18 =	vadd.s32 v24, v18;
	[tilespmem:v17+s2+$0x0] =	vst.idx.msk vm3, v15  }
0x105: {  	v14 =	vadd.f32 v63, v14;
	[tilespmem:v16+s2+$0x0] =	vst.idx.msk vm2, v15;
	v15 =	vxor.u32 $0x80000000, v18;
	v16 =	vxor.u32 $0x80000000, v19  }
.LBB2_7:
.Ltmp8:
0x106: {  	(pc) =	sbr.rel .LBB2_12-.Ltmp8, $2  }
0x107: {  	_ =	sdelay $0x2  }
0x108: {  	s16 =	simm.s32 $0x0;
	v20 =	vimm.s32 $0x0;
	v21 =	vimm.s32 $0x0;
	v22 =	vimm.s32 $0x0  }
.LBB2_9:
.Ltmp9:
0x109: {  	(pc) =	sbr.rel .LBB2_12-.Ltmp9, $2  }
0x10a: {  	_ =	sdelay $0x2  }
0x10b: {  	s16 =	simm.s32 $0x0;
	v24 =	vmov v23;
	v21 =	vmov v23;
	v22 =	vmov v20  }
.LBB2_14:
0x10c: {  	v14 =	vld [tilespmem:s14+$0x0]  }
0x10d: {  	v15 =	vld [tilespmem:s14+$0x10];
	_ =	sdelay $0x1  }
0x10e: {  	v16 =	vmov s12  }
0x10f: {  	vm2 =	vgt.s32 v16, v0  }
0x110: {  	v14 =	vnsel vm2, $0xFF800000, v14;
	vm2 =	vgt.s32 v16, v10  }
0x111: {  	v15 =	vnsel vm2, $0xFF800000, v15;
	(xrf1) =	vsort.ascd.msk.f32 $0xffff, v14, v14  }
0x112: {  	(xrf1) =	vsort.ascd.msk.f32 $0xffff, v15, v15;
	_ =	sdelay $0xc  }
0x113: {  	v17, _, _ =	vpop (xrf1)  }
0x114: {  	v18 =	vld [tilespmem:s14+$0x20];
	v19, _, _ =	vpop (xrf1)  }
0x115: {  	v20 =	vld [tilespmem:s14+$0x30];
	v19 =	vperm.xlane v19, v13;
	_ =	sdelay $0x1  }
0x116: {  	v21 =	vmin.f32 v17, v19  }
0x117: {  	vm2 =	vgt.s32 v16, v11;
	v17 =	vmax.f32 v17, v19;
	(xrf1) =	vsort.ascd.msk.f32 $0xffff, v21, v21  }
0x118: {  	v18 =	vnsel vm2, $0xFF800000, v18;
	vm2 =	vgt.s32 v16, v12;
	(xrf1) =	vsort.ascd.msk.f32 $0xffff, v17, v17  }
0x119: {  	v16 =	vnsel vm2, $0xFF800000, v20;
	(xrf1) =	vsort.ascd.msk.f32 $0xffff, v18, v18  }
0x11a: {  	(xrf1) =	vsort.ascd.msk.f32 $0xffff, v16, v16;
	_ =	sdelay $0xa  }
0x11b: {  	v17, _, _ =	vpop (xrf1)  }
0x11c: {  	v19, _, _ =	vpop (xrf1)  }
0x11d: {  	v20, _, _ =	vpop (xrf1)  }
0x11e: {  	v21, _, _ =	vpop (xrf1)  }
0x11f: {  	v21 =	vperm.xlane v21, v13;
	_ =	sdelay $0x1  }
0x120: {  	v22 =	vmin.f32 v20, v21  }
0x121: {  	v20 =	vmax.f32 v20, v21;
	(xrf1) =	vsort.ascd.msk.f32 $0xffff, v22, v22  }
0x122: {  	(xrf1) =	vsort.ascd.msk.f32 $0xffff, v20, v20;
	_ =	sdelay $0xc  }
0x123: {  	v20, _, _ =	vpop (xrf1)  }
0x124: {  	v21, _, _ =	vpop (xrf1)  }
0x125: {  	v20 =	vperm.xlane v20, v13;
	v21 =	vperm.xlane v21, v13;
	_ =	sdelay $0x1  }
0x126: {  	v23 =	vmin.f32 v19, v20;
	v22 =	vmin.f32 v17, v21  }
0x127: {  	v17 =	vmax.f32 v17, v21;
	v21 =	vmin.f32 v22, v23  }
0x128: {  	(xrf1) =	vsort.ascd.msk.f32 $0xffff, v21, v21  }
0x129: {  	v19 =	vmax.f32 v19, v20;
	v20 =	vmax.f32 v22, v23  }
0x12a: {  	(xrf1) =	vsort.ascd.msk.f32 $0xffff, v20, v20;
	v20 =	vmin.f32 v17, v19  }
0x12b: {  	v17 =	vmax.f32 v17, v19;
	(xrf1) =	vsort.ascd.msk.f32 $0xffff, v20, v20  }
0x12c: {  	(xrf1) =	vsort.ascd.msk.f32 $0xffff, v17, v17;
	_ =	sdelay $0x6  }
0x12d: {  	s24 =	ssub.s32 $0x40, s10  }
0x12e: {  	s13 =	sand.u32 $0xF, s24  }
0x12f: {  	v17 =	vmov s13  }
0x130: {  	vm2 =	veq.s32 v17, v0;
	v19, _, _ =	vpop (xrf1)  }
0x131: {  	v19 =	vnsel vm2, $0xFF800000, v19  }
0x132: {  	v17, _, _ =	vpop (xrf1)  }
0x133: {  	v20, _, _ =	vpop (xrf1);
	(xrf0) =	vmax.scan.msk.f32 $0xffff, v19;
	v17 =	vnsel vm2, $0xFF800000, v17  }
0x134: {  	(xrf0) =	vmax.scan.msk.f32 $0xffff, v17;
	v17 =	vnsel vm2, $0xFF800000, v20;
	v19, _, _ =	vpop (xrf1)  }
0x135: {  	(xrf0) =	vmax.scan.msk.f32 $0xffff, v17;
	v17 =	vnsel vm2, $0xFF800000, v19  }
0x136: {  	(xrf0) =	vmax.scan.msk.f32 $0xffff, v17;
	_ =	sdelay $0x2  }
0x137: {  	v17, _, _ =	vpop (xrf0)  }
0x138: {  	v19, _, _ =	vpop (xrf0);
	(v2sf) =	vpush v17, $0xF  }
0x139: {  	v17, _, _ =	vpop (xrf0);
	(v2sf) =	vpush v19, $0xF  }
0x13a: {  	(v2sf) =	vpush v17, $0xF;
	v17, _, _ =	vpop (xrf0)  }
0x13b: {  	(v2sf) =	vpush v17, $0xF;
	_ =	sdelay $0x2  }
0x13c: {  	s25 =	sshra.s32 s24, $0x1F  }
0x13d: {  	p1 =	sne.s32 s10, $0x40;
	s10 =	simm.s32 $0x1;
	s26 =	sshrl.u32 s25, $0x1C  }
0x13e: {  	s10 =	simm.s32 @!p1 $0x0;
	s14 =	sadd.s32 s26, s24  }
0x13f: {  	s10 =	sor.u32 s10, s25;
	s28 =	sand.u32 $0xFFFFFFF0, s14  }
0x140: {  	p6 =	sne.s32 s10, $0x1;
	p2 =	sne.s32 s24, s28  }
0x141: {  	p1 =	por !p2, !p6  }
0x142: {  	s10 =	simm.s32 $0x1;
	p1 =	por !p1, !p1  }
0x143: {  	s29 =	sshra.s32 s14, $0x4;
	s10 =	simm.s32 @!p1 $0x0  }
0x144: {  	s10 =	ssub.s32 s29, s10  }
0x145: {  	p1 =	seq.s32 s10, $0x0;
	s12 =	spop (v2sf)  }
0x146: {  	s13 =	spop (v2sf);
	s12 =	simm.s32 @!p1 $0xFF800000;
	p1 =	seq.s32 s10, $0x1  }
0x147: {  	s12 =	smov.u32 @p1 s13;
	p1 =	seq.s32 s10, $0x2;
	s13 =	spop (v2sf)  }
0x148: {  	s12 =	smov.u32 @p1 s13;
	p1 =	seq.s32 s10, $0x3;
	s10 =	spop (v2sf)  }
0x149: {  	vm3 =	vmmov vm1;
	s12 =	smov.u32 @p1 s10  }
0x14a: {  	vm3 =	vmneg @p0 vm3;
	s11 =	smov.u32 @p0 s12  }
0x14b: {  	vm2 =	vgt.f32 v14, s11;
	v14 =	vadd.f32 $0.0e+00, v14;
	vm4 =	vgt.f32 v15, s11  }
0x14c: {  	vm2 =	vmand vm3, vm2;
	vm4 =	vmand vm3, vm4  }
0x14d: {  	vm5 =	vgt.f32 v18, s11;
	v14 =	vnsel vm2, $0x0, v14;
	v15 =	vnsel vm4, $0x0, v15  }
0x14e: {  	vm5 =	vmand vm3, vm5;
	v14 =	vadd.f32 v15, v14  }
0x14f: {  	vm6 =	vgt.f32 v16, s11;
	v15 =	vnsel vm5, $0x0, v18  }
0x150: {  	vm3 =	vmand vm3, vm6;
	v14 =	vadd.f32 v14, v15  }
0x151: {  	v15 =	vnsel vm3, $0x0, v16  }
0x152: {  	v14 =	vadd.f32 v14, v15  }
0x153: {  	v16 =	vmpcnt.ones.xlane vm4;
	v15 =	vmpcnt.ones.xlane vm2  }
0x154: {  	v17 =	vmpcnt.ones.xlane vm5;
	(xrf2) =	vadd.scan.msk.f32 $0xffff, v14  }
0x155: {  	v14 =	vadd.s32 v15, v16;
	v15 =	vmpcnt.ones.xlane vm3  }
0x156: {  	v14 =	vadd.s32 v17, v14  }
0x157: {  	v14 =	vadd.s32 v15, v14  }
0x158: {  	v14 =	vxor.u32 $0x80000000, v14  }
0x159: {  	(xrf0) =	vmax.scan.msk.u32 $0xffff, v14;
	_ =	sdelay $0x4  }
0x15a: {  	v14, _, _ =	vpop (xrf2)  }
0x15b: {  	(v2sf) =	vpush v14, $0xF;
	v14, _, _ =	vpop (xrf0)  }
0x15c: {  	(v2sf) =	vpush v14, $0xF;
	_ =	sdelay $0xd  }
0x15d: {  	s30 =	spop (v2sf)  }
0x15e: {  	s31 =	spop (v2sf)  }
0x15f: {  	s9 =	sadd.s32 s31, s9  }
0x160: {  	s9 =	sadd.s32 $0x80000000, s9  }
0x161: {  	s9 =	scvt.s32.f32 s9;
	_ =	sdelay $0x1  }
0x162: {  	s8 =	sadd.f32 s30, s8;
	s9 =	smul.f32 s9, s11  }
0x163: {  	_ = 	snop  }
0x164: {  	s8 =	ssub.f32 s8, s9;
	_ =	sdelay $0x1  }
0x165: {  	s8 =	sadd.f32 $1.000000010e-07, s8;
	_ =	sdelay $0x1  }
0x166: {  	v14 =	vmov s8  }
0x167: {  	(erf) = vrcp.f32 v14  }
0x168: {  	s9 =	simm.s32 $0x40  }
0x169: {  	v14 =	vld [tilespmem:s9+$0x30]  }
0x16a: {  	v16 =	vld [tilespmem:s9+$0xFFFFFFD0]  }
0x16b: {  	v17 =	vld [tilespmem:s9+$0xFFFFFFE0]  }
0x16c: {  	v18 =	vld [tilespmem:s9+$0xFFFFFFF0]  }
0x16d: {  	v15 =	vmov s11;
	v19 =	vld [tilespmem:s9+$0x0]  }
0x16e: {  	v20 =	vld [tilespmem:s9+$0x10];
	v21 =	vsub.f32 v14, v15  }
0x16f: {  	v22 =	vld [tilespmem:s9+$0x20];
	v16 =	vsub.f32 v16, v15  }
0x170: {  	v23 =	vld [tilespmem:s9+$0xFFFFFFC0];
	s8 =	simm.s32 $0xC0;
	v17 =	vsub.f32 v17, v15;
	v21 =	vmax.f32 v21, $0.0e+00;
	v14 =	vpop (erf)  }
0x171: {  	v24 =	vld [tilespmem:s8+$0x30];
	v18 =	vsub.f32 v18, v15;
	v16 =	vmax.f32 v16, $0.0e+00;
	v21 =	vmul.f32 v21, v14  }
0x172: {  	v25 =	vld [tilespmem:s8+$0xFFFFFFD0];
	v26 =	vsub.f32 v19, v15;
	v17 =	vmax.f32 v17, $0.0e+00;
	v16 =	vmul.f32 v16, v14  }
0x173: {  	v27 =	vld [tilespmem:s8+$0xFFFFFFE0];
	v28 =	vmul.f32 v17, v14;
	v17 =	vmax.f32 v18, $0.0e+00;
	v18 =	vsub.f32 v20, v15;
	[tilespmem:s9+$0x30] =	vst v21  }
0x174: {  	v19 =	vld [tilespmem:s8+$0xFFFFFFF0];
	v20 =	vmul.f32 v17, v14;
	[tilespmem:s9+$0xFFFFFFD0] =	vst v16;
	v16 =	vmax.f32 v26, $0.0e+00;
	v21 =	vsub.f32 v22, v15  }
0x175: {  	v17 =	vld [tilespmem:s8+$0x0];
	v22 =	vsub.f32 v23, v15;
	[tilespmem:s9+$0xFFFFFFE0] =	vst v28;
	v18 =	vmax.f32 v18, $0.0e+00;
	v23 =	vmul.f32 v16, v14  }
0x176: {  	v24 =	vsub.f32 v24, v15;
	v16 =	vld [tilespmem:s8+$0x10];
	[tilespmem:s9+$0xFFFFFFF0] =	vst v20;
	v26 =	vmul.f32 v18, v14;
	v20 =	vmax.f32 v21, $0.0e+00  }
0x177: {  	v18 =	vld [tilespmem:s8+$0x20];
	v21 =	vsub.f32 v25, v15;
	v63 =	vmax.f32 v22, $0.0e+00;
	[tilespmem:s9+$0x0] =	vst v23;
	v23 =	vmul.f32 v20, v14  }
0x178: {  	s10 =	simm.s32 $0x80;
	s11 =	simm.s32 $0x140;
	v22 =	vsub.f32 v27, v15;
	v25 =	vmax.f32 v24, $0.0e+00;
	v20 =	vld [tilespmem:s8+$0xFFFFFFC0];
	v24 =	vmul.f32 v63, v14;
	[tilespmem:s9+$0x10] =	vst v26  }
.LBB2_15:
0x179: {  	v26 =	vld [tilespmem:s11+$0x30];
	s10 =	sadd.s32 $0x80, s10;
	v21 =	vmax.f32 v21, $0.0e+00;
	v19 =	vsub.f32 v19, v15;
	v25 =	vmul.f32 v25, v14;
	[tilespmem:s9+$0x20] =	vst v23  }
0x17a: {  	v23 =	vld [tilespmem:s11+$0xFFFFFFD0];
	p0 =	slt.u32 s10, $0x1F80;
	v21 =	vmul.f32 v21, v14;
	v22 =	vmax.f32 v22, $0.0e+00;
	v17 =	vsub.f32 v17, v15;
	[tilespmem:s9+$0xFFFFFFC0] =	vst v24;
	s9 =	smov.u32 s8;
	s8 =	smov.u32 s11  }
0x17b: {  	v24 =	vld [tilespmem:s11+$0xFFFFFFE0];
	v22 =	vmul.f32 v22, v14;
	v27 =	vmax.f32 v19, $0.0e+00;
	v16 =	vsub.f32 v16, v15;
	[tilespmem:s9+$0x30] =	vst v25  }
.Ltmp10:
0x17c: {  	v19 =	vld [tilespmem:s11+$0xFFFFFFF0];
	[tilespmem:s9+$0xFFFFFFD0] =	vst v21;
	v21 =	vmul.f32 v27, v14;
	v25 =	vmax.f32 v17, $0.0e+00;
	v18 =	vsub.f32 v18, v15;
	(pc) =	sbr.rel @p0 .LBB2_15-.Ltmp10, $4  }
0x17d: {  	v17 =	vld [tilespmem:s11+$0x0];
	v20 =	vsub.f32 v20, v15;
	[tilespmem:s9+$0xFFFFFFE0] =	vst v22;
	v22 =	vmul.f32 v25, v14;
	v25 =	vmax.f32 v16, $0.0e+00  }
0x17e: {  	v16 =	vld [tilespmem:s11+$0x10];
	v26 =	vsub.f32 v26, v15;
	[tilespmem:s9+$0xFFFFFFF0] =	vst v21;
	v27 =	vmul.f32 v25, v14;
	v25 =	vmax.f32 v18, $0.0e+00  }
0x17f: {  	v21 =	vsub.f32 v23, v15;
	v18 =	vld [tilespmem:s11+$0x20];
	v28 =	vmax.f32 v20, $0.0e+00;
	[tilespmem:s9+$0x0] =	vst v22;
	v23 =	vmul.f32 v25, v14  }
0x180: {  	s11 =	sadd.s32 $0x80, s11;
	v20 =	vld [tilespmem:s8+$0xFFFFFFC0];
	v22 =	vsub.f32 v24, v15;
	v25 =	vmax.f32 v26, $0.0e+00;
	v24 =	vmul.f32 v28, v14;
	[tilespmem:s9+$0x10] =	vst v27  }
0x181: {  	v21 =	vmax.f32 v21, $0.0e+00;
	v19 =	vsub.f32 v19, v15;
	v25 =	vmul.f32 v25, v14;
	[tilespmem:s9+$0x20] =	vst v23  }
0x182: {  	v21 =	vmul.f32 v21, v14;
	v22 =	vmax.f32 v22, $0.0e+00;
	v17 =	vsub.f32 v17, v15;
	[tilespmem:s9+$0xFFFFFFC0] =	vst v24  }
0x183: {  	v22 =	vmul.f32 v22, v14;
	v19 =	vmax.f32 v19, $0.0e+00;
	v16 =	vsub.f32 v16, v15;
	[tilespmem:s8+$0x30] =	vst v25  }
0x184: {  	[tilespmem:s8+$0xFFFFFFD0] =	vst v21;
	v19 =	vmul.f32 v19, v14;
	v17 =	vmax.f32 v17, $0.0e+00;
	v18 =	vsub.f32 v18, v15  }
0x185: {  	v15 =	vsub.f32 v20, v15;
	[tilespmem:s8+$0xFFFFFFE0] =	vst v22;
	v17 =	vmul.f32 v17, v14;
	v16 =	vmax.f32 v16, $0.0e+00  }
0x186: {  	[tilespmem:s8+$0xFFFFFFF0] =	vst v19;
	v16 =	vmul.f32 v16, v14;
	v18 =	vmax.f32 v18, $0.0e+00;
	v19 =	vor.u32 $0x2000, v1  }
0x187: {  	v15 =	vmax.f32 v15, $0.0e+00;
	[tilespmem:s8+$0x0] =	vst v17;
	v17 =	vmul.f32 v18, v14;
	v18 =	vor.u32 $0x2400, v1  }
0x188: {  	v14 =	vmul.f32 v15, v14;
	[tilespmem:s8+$0x10] =	vst v16;
	v15 =	vor.u32 $0x2800, v1  }
0x189: {  	v16 =	vor.u32 $0x2C00, v1;
	[tilespmem:s8+$0x20] =	vst v17  }
0x18a: {  	[tilespmem:s8+$0xFFFFFFC0] =	vst v14;
	v14 =	vor.u32 $0x3000, v1  }
0x18b: {  	v17 =	vld.idx.msk [tilespmem:v19+s2+$0x0], $0xffff;
	v19 =	vor.u32 $0x3400, v1  }
0x18c: {  	v20 =	vor.u32 $0x3800, v1;
	v18 =	vld.idx.msk [tilespmem:v18+s2+$0x0], $0xffff  }
0x18d: {  	v21 =	vor.u32 $0x3C00, v1;
	v15 =	vld.idx.msk [tilespmem:v15+s2+$0x0], $0xffff  }
0x18e: {  	v16 =	vld.idx.msk [tilespmem:v16+s2+$0x0], $0xffff  }
0x18f: {  	v14 =	vld.idx.msk [tilespmem:v14+s2+$0x0], $0xffff  }
0x190: {  	v19 =	vld.idx.msk [tilespmem:v19+s2+$0x0], $0xffff  }
0x191: {  	v17 =	vmax.f32 v17, v18;
	v18 =	vld.idx.msk [tilespmem:v20+s2+$0x0], $0xffff  }
0x192: {  	v15 =	vmax.f32 v17, v15;
	v17 =	vld.idx.msk [tilespmem:v21+s2+$0x0], $0xffff  }
0x193: {  	v15 =	vmax.f32 v15, v16  }
0x194: {  	v14 =	vmax.f32 v15, v14  }
0x195: {  	v14 =	vmax.f32 v14, v19  }
0x196: {  	v14 =	vmax.f32 v14, v18  }
0x197: {  	v14 =	vmax.f32 v14, v17  }
0x198: {  	(xrf1) =	vsort.ascd.msk.f32 $0xffff, v14, v14;
	_ =	sdelay $0xd  }
0x199: {  	v14, _, _ =	vpop (xrf1)  }
0x19a: {  	s31 =	simm.s32 $0x2070;
	v14 =	vsel vm0, $0xFF800000, v14  }
0x19b: {  	v22 =	vld [tilespmem:s31+$0xFFFFFF90];
	(xrf0) =	vmax.scan.msk.f32 $0xffff, v14  }
0x19c: {  	v26 =	vld [tilespmem:s31+$0xFFFFFFA0]  }
0x19d: {  	v31 =	vld [tilespmem:s31+$0xFFFFFFB0]  }
0x19e: {  	v33 =	vld [tilespmem:s31+$0xFFFFFFC0]  }
0x19f: {  	v27 =	vld [tilespmem:s31+$0xFFFFFFD0]  }
0x1a0: {  	v30 =	vld [tilespmem:s31+$0xFFFFFFF0]  }
0x1a1: {  	v29 =	vld [tilespmem:s31+$0x0];
	v14, _, _ =	vpop (xrf0)  }
0x1a2: {  	v15 =	vbroadcast v14, $0xF  }
0x1a3: {  	v16 =	vimm.s32 $0x0  }
0x1a4: {  	vm3 =	vgt.f32 v22, v15;
	vm4 =	vgt.f32 v26, v15;
	vm2 =	vgt.f32 v31, v15  }
0x1a5: {  	v14 =	vld [tilespmem:s31+$0xFFFFFFE0];
	vm6 =	vgt.f32 v33, v15;
	vm5 =	vgt.f32 v27, v15;
	vm7 =	vgt.f32 v30, v15  }
0x1a6: {  	vm10 =	vgt.f32 v29, v15;
	v17 =	vmpcnt.ones.xlane vm3;
	v19 =	vmpcnt.ones.xlane vm4  }
0x1a7: {  	v18 =	vsel vm3, $0x1, v9;
	v20 =	vmpcnt.ones.xlane vm2;
	v21 =	vmpcnt.ones.xlane vm6  }
0x1a8: {  	v25 =	vsel vm4, $0x1, v9;
	v28 =	vmpcnt.ones.xlane vm10;
	v32 =	vsel vm6, $0x1, v9  }
0x1a9: {  	v34 =	vsel vm5, $0x1, v9;
	v36 =	vsel vm7, $0x1, v9;
	v17 =	vadd.s32 v16, v17  }
0x1aa: {  	v60 =	vsel vm4, $0xFFFFFFFF, v9;
	(xrf0) =	vadd.scan.msk.s32 $0xffff, v18;
	vm8 =	vgt.f32 v14, v15;
	v19 =	vadd.s32 v17, v19  }
0x1ab: {  	(xrf0) =	vadd.scan.msk.s32 $0xffff, v25;
	v25 =	vsel vm2, $0x1, v9;
	v23 =	vadd.s32 v19, v20;
	v20 =	vmpcnt.ones.xlane vm5  }
0x1ac: {  	v61 =	vsel vm10, $0x1, v9;
	v24 =	vmpcnt.ones.xlane vm8;
	(xrf0) =	vadd.scan.msk.s32 $0xffff, v25;
	v21 =	vadd.s32 v23, v21  }
0x1ad: {  	v37 =	vsel vm2, $0xFFFFFFFF, v9;
	(xrf0) =	vadd.scan.msk.s32 $0xffff, v32;
	v18 =	vadd.s32 v21, v20;
	v20 =	vmpcnt.ones.xlane vm7  }
0x1ae: {  	v38 =	vsel vm6, $0xFFFFFFFF, v9;
	v39 =	vsel vm5, $0xFFFFFFFF, v9;
	v24 =	vadd.s32 v18, v24  }
0x1af: {  	v41 =	vsel vm7, $0xFFFFFFFF, v9;
	v35 =	vsel vm8, $0x1, v9;
	(xrf0) =	vadd.scan.msk.s32 $0xffff, v34;
	v25 =	vadd.s32 v24, v20  }
0x1b0: {  	v42 =	vsel vm10, $0xFFFFFFFF, v9;
	(xrf0) =	vadd.scan.msk.s32 $0xffff, v35;
	v62, _, _ =	vpop (xrf0);
	v20 =	vadd.s32 v25, v28;
	v28 =	vsel vm3, $0xFFFFFFFF, v9  }
0x1b1: {  	vm13 =	vmmov vm2;
	vm11 =	vmmov vm6;
	vm12 =	vmmov vm5;
	(xrf0) =	vadd.scan.msk.s32 $0xffff, v36;
	v63, _, _ =	vpop (xrf0)  }
0x1b2: {  	v40 =	vsel vm8, $0xFFFFFFFF, v9;
	v17 =	vadd.s32 v60, v17;
	v19 =	vadd.s32 v37, v19;
	(xrf0) =	vadd.scan.msk.s32 $0xffff, v61;
	v43, _, _ =	vpop (xrf0)  }
0x1b3: {  	s8 =	simm.s32 $0x20F0;
	v23 =	vadd.s32 v38, v23;
	v17 =	vadd.s32 v63, v17;
	v16 =	vadd.s32 v28, v16;
	v28, _, _ =	vpop (xrf0)  }
0x1b4: {  	v21 =	vadd.s32 v39, v21;
	v46 =	vadd.s32 $0x8000, v17;
	v17 =	vld [tilespmem:s8+$0xFFFFFFA0];
	v23 =	vadd.s32 v28, v23  }
0x1b5: {  	v18 =	vadd.s32 v40, v18;
	v19 =	vadd.s32 v43, v19;
	v44 =	vadd.s32 v62, v16;
	v16 =	vld [tilespmem:s8+$0xFFFFFF90];
	v45, _, _ =	vpop (xrf0)  }
0x1b6: {  	v24 =	vadd.s32 v41, v24;
	v48 =	vadd.s32 $0x8000, v19;
	v19 =	vld [tilespmem:s8+$0xFFFFFFB0];
	v28 =	vadd.s32 $0x8000, v44;
	v47, _, _ =	vpop (xrf0)  }
0x1b7: {  	v25 =	vadd.s32 v42, v25;
	v21 =	vadd.s32 v45, v21;
	v49 =	vadd.s32 $0x8000, v23;
	v23, _, _ =	vpop (xrf0)  }
0x1b8: {  	v18 =	vadd.s32 v47, v18;
	v50 =	vadd.s32 $0x8000, v21;
	v24 =	vadd.s32 v23, v24;
	v51, _, _ =	vpop (xrf0);
	v23 =	vld [tilespmem:s8+$0xFFFFFFC0]  }
0x1b9: {  	v21 =	vadd.s32 $0x8000, v18;
	v52 =	vadd.s32 $0x8000, v24;
	v18 =	vadd.s32 v51, v25;
	v24 =	vld [tilespmem:s8+$0xFFFFFFD0]  }
0x1ba: {  	vm6 =	vmmov vm8;
	[tilespmem:v46+s2+$0x0] =	vst.idx.msk vm4, v26;
	vm2 =	vgt.f32 v16, v15;
	v37 =	vadd.s32 $0x8000, v18;
	v18 =	vld [tilespmem:s8+$0xFFFFFFE0]  }
0x1bb: {  	vm5 =	vgt.f32 v19, v15;
	v53 =	vmpcnt.ones.xlane vm2;
	[tilespmem:v28+s2+$0x0] =	vst.idx.msk vm3, v22;
	vm3 =	vgt.f32 v17, v15;
	v25 =	vld [tilespmem:s8+$0xFFFFFFF0]  }
0x1bc: {  	[tilespmem:v48+s2+$0x0] =	vst.idx.msk vm13, v31;
	v56 =	vmpcnt.ones.xlane vm5;
	v28 =	vsel vm2, $0x1, v9;
	v22 =	vld [tilespmem:s8+$0x0];
	v55 =	vmpcnt.ones.xlane vm3  }
0x1bd: {  	v54 =	vsel vm3, $0x1, v9;
	(xrf0) =	vadd.scan.msk.s32 $0xffff, v28;
	v26 =	vadd.s32 v20, v53;
	vm9 =	vgt.f32 v23, v15  }
0x1be: {  	(xrf0) =	vadd.scan.msk.s32 $0xffff, v54;
	v28 =	vadd.s32 v26, v55;
	v57 =	vmpcnt.ones.xlane vm9;
	vm8 =	vgt.f32 v24, v15  }
0x1bf: {  	[tilespmem:v37+s2+$0x0] =	vst.idx.msk vm10, v29;
	v29 =	vadd.s32 v28, v56;
	v58 =	vmpcnt.ones.xlane vm8;
	vm10 =	vgt.f32 v18, v15  }
0x1c0: {  	[tilespmem:v52+s2+$0x0] =	vst.idx.msk vm7, v30;
	vm4 =	vgt.f32 v25, v15;
	v30 =	vadd.s32 v29, v57;
	v59 =	vmpcnt.ones.xlane vm10  }
0x1c1: {  	[tilespmem:v49+s2+$0x0] =	vst.idx.msk vm11, v33;
	vm7 =	vgt.f32 v22, v15;
	v60 =	vmpcnt.ones.xlane vm4;
	v32 =	vadd.s32 v30, v58  }
0x1c2: {  	v61 =	vsel vm5, $0x1, v9;
	[tilespmem:v50+s2+$0x0] =	vst.idx.msk vm12, v27;
	v62 =	vmpcnt.ones.xlane vm7;
	v34 =	vadd.s32 v32, v59  }
0x1c3: {  	v63 =	vsel vm9, $0x1, v9;
	v37 =	vsel vm8, $0x1, v9;
	v31, _, _ =	vpop (xrf0);
	(xrf0) =	vadd.scan.msk.s32 $0xffff, v61;
	v35 =	vadd.s32 v34, v60  }
0x1c4: {  	s9 =	simm.s32 $0x80;
	v36 =	vsel vm4, $0x1, v9;
	v38 =	vsel vm10, $0x1, v9;
	v33, _, _ =	vpop (xrf0);
	(xrf0) =	vadd.scan.msk.s32 $0xffff, v63;
	v27 =	vadd.s32 v35, v62  }
.LBB2_17:
0x1c5: {  	s9 =	sadd.s32 $0x80, s9;
	v39 =	vsel vm2, $0xFFFFFFFF, v9;
	v40 =	vsel vm3, $0xFFFFFFFF, v9;
	v41 =	vsel vm7, $0x1, v9;
	(xrf0) =	vadd.scan.msk.s32 $0xffff, v37;
	v37 =	vmovc v23  }
0x1c6: {  	v23 =	vsel vm5, $0xFFFFFFFF, v9;
	v42 =	vsel vm9, $0xFFFFFFFF, v9;
	v43 =	vsel vm8, $0xFFFFFFFF, v9;
	p0 =	slt.u32 s9, $0x1F80;
	(xrf0) =	vadd.scan.msk.s32 $0xffff, v38;
	v38 =	vmovc v24  }
0x1c7: {  	v44 =	vsel vm4, $0xFFFFFFFF, v9;
	v45 =	vsel vm7, $0xFFFFFFFF, v9;
	v24 =	vsel vm10, $0xFFFFFFFF, v9;
	(xrf0) =	vadd.scan.msk.s32 $0xffff, v36;
	v36 =	vmovc v25  }
0x1c8: {  	v24 =	vadd.s32 v24, v32;
	v25 =	vadd.s32 v44, v34;
	v32 =	vadd.s32 v45, v35;
	(xrf0) =	vadd.scan.msk.s32 $0xffff, v41  }
0x1c9: {  	v23 =	vadd.s32 v23, v28;
	v28 =	vadd.s32 v42, v29;
	v29 =	vadd.s32 v43, v30;
	v30, _, _ =	vpop (xrf0)  }
0x1ca: {  	v20 =	vadd.s32 v39, v20;
	v26 =	vadd.s32 v40, v26;
	v23 =	vadd.s32 v30, v23;
	v30, _, _ =	vpop (xrf0)  }
0x1cb: {  	s8 =	sadd.s32 $0x80, s8;
	v20 =	vadd.s32 v31, v20;
	v26 =	vadd.s32 v33, v26;
	v28 =	vadd.s32 v30, v28;
	v30, _, _ =	vpop (xrf0)  }
0x1cc: {  	v33 =	vadd.s32 $0x8000, v20;
	v26 =	vadd.s32 $0x8000, v26;
	v31 =	vld [tilespmem:s8+$0xFFFFFF90];
	v41 =	vadd.s32 v30, v29;
	v29, _, _ =	vpop (xrf0);
	[tilespmem:v21+s2+$0x0] =	vst.idx.msk vm6, v14  }
0x1cd: {  	v34 =	vadd.s32 $0x8000, v23;
	v35 =	vadd.s32 $0x8000, v28;
	v30 =	vld [tilespmem:s8+$0xFFFFFFA0];
	v28 =	vadd.s32 v29, v24;
	v23, _, _ =	vpop (xrf0)  }
0x1ce: {  	v40 =	vadd.s32 $0x8000, v41;
	v39 =	vld [tilespmem:s8+$0xFFFFFFB0];
	v21 =	vadd.s32 $0x8000, v28;
	v24 =	vadd.s32 v23, v25;
	v20, _, _ =	vpop (xrf0)  }
0x1cf: {  	v14 =	vmovc v18;
	v29 =	vmovc v22;
	v23 =	vld [tilespmem:s8+$0xFFFFFFC0];
	v41 =	vadd.s32 $0x8000, v24;
	v25 =	vadd.s32 v20, v32;
	v20 =	vmov v27  }
0x1d0: {  	vm13 =	vmmov vm5;
	vm11 =	vmmov vm9;
	v24 =	vld [tilespmem:s8+$0xFFFFFFD0];
	v32 =	vadd.s32 $0x8000, v25  }
0x1d1: {  	vm12 =	vmmov vm8;
	vm6 =	vmmov vm10;
	v18 =	vld [tilespmem:s8+$0xFFFFFFE0];
	[tilespmem:v33+s2+$0x0] =	vst.idx.msk vm2, v16;
	vm2 =	vgt.f32 v31, v15;
	v16 =	vmovc v31  }
0x1d2: {  	v28 =	vsel vm2, $0x1, v9;
	v31 =	vmpcnt.ones.xlane vm2;
	v25 =	vld [tilespmem:s8+$0xFFFFFFF0];
	[tilespmem:v26+s2+$0x0] =	vst.idx.msk vm3, v17;
	vm3 =	vgt.f32 v30, v15;
	v17 =	vmovc v30  }
0x1d3: {  	v30 =	vsel vm3, $0x1, v9;
	v33 =	vmpcnt.ones.xlane vm3;
	vm5 =	vgt.f32 v39, v15;
	v22 =	vld [tilespmem:s8+$0x0];
	(xrf0) =	vadd.scan.msk.s32 $0xffff, v28  }
0x1d4: {  	v26 =	vadd.s32 v27, v31;
	v27 =	vmpcnt.ones.xlane vm5;
	vm9 =	vgt.f32 v23, v15;
	(xrf0) =	vadd.scan.msk.s32 $0xffff, v30  }
0x1d5: {  	v28 =	vadd.s32 v26, v33;
	v30 =	vmpcnt.ones.xlane vm9;
	vm8 =	vgt.f32 v24, v15;
	[tilespmem:v32+s2+$0x0] =	vst.idx.msk vm7, v29  }
0x1d6: {  	v29 =	vadd.s32 v28, v27;
	v27 =	vmpcnt.ones.xlane vm8;
	vm10 =	vgt.f32 v18, v15;
	[tilespmem:v41+s2+$0x0] =	vst.idx.msk vm4, v36  }
.Ltmp11:
0x1d7: {  	v30 =	vadd.s32 v29, v30;
	v36 =	vmpcnt.ones.xlane vm10;
	vm4 =	vgt.f32 v25, v15;
	[tilespmem:v34+s2+$0x0] =	vst.idx.msk vm13, v19;
	(pc) =	sbr.rel @p0 .LBB2_17-.Ltmp11, $4  }
0x1d8: {  	v32 =	vadd.s32 v30, v27;
	v42 =	vmpcnt.ones.xlane vm4;
	vm7 =	vgt.f32 v22, v15;
	[tilespmem:v35+s2+$0x0] =	vst.idx.msk vm11, v37  }
0x1d9: {  	v27 =	vsel vm5, $0x1, v9;
	v34 =	vadd.s32 v32, v36;
	v41 =	vmpcnt.ones.xlane vm7;
	v31, _, _ =	vpop (xrf0);
	[tilespmem:v40+s2+$0x0] =	vst.idx.msk vm12, v38  }
0x1da: {  	v37 =	vsel vm8, $0x1, v9;
	v40 =	vsel vm9, $0x1, v9;
	v35 =	vadd.s32 v34, v42;
	v33, _, _ =	vpop (xrf0);
	(xrf0) =	vadd.scan.msk.s32 $0xffff, v27  }
0x1db: {  	v19 =	vmovc v39;
	v38 =	vsel vm10, $0x1, v9;
	v36 =	vsel vm4, $0x1, v9;
	v27 =	vadd.s32 v35, v41;
	(xrf0) =	vadd.scan.msk.s32 $0xffff, v40  }
0x1dc: {  	(xrf0) =	vadd.scan.msk.s32 $0xffff, v37  }
0x1dd: {  	(xrf0) =	vadd.scan.msk.s32 $0xffff, v38  }
0x1de: {  	v15 =	vsel vm7, $0x1, v9;
	(xrf0) =	vadd.scan.msk.s32 $0xffff, v36  }
0x1df: {  	(xrf0) =	vadd.scan.msk.s32 $0xffff, v15;
	v15 =	vxor.u32 $0x80000000, v27;
	_ =	sdelay $0x1  }
0x1e0: {  	v50, _, _ =	vpop (xrf0);
	(xrf0) =	vmax.scan.msk.u32 $0xffff, v15  }
0x1e1: {  	v15, _, _ =	vpop (xrf0)  }
0x1e2: {  	v51, _, _ =	vpop (xrf0)  }
0x1e3: {  	v52, _, _ =	vpop (xrf0)  }
0x1e4: {  	v53, _, _ =	vpop (xrf0)  }
0x1e5: {  	v39, _, _ =	vpop (xrf0)  }
0x1e6: {  	v40, _, _ =	vpop (xrf0)  }
0x1e7: {  	(v2sf) =	vpush v40, $0xF  }
0x1e8: {  	v54 =	vsel vm2, $0xFFFFFFFF, v9  }
0x1e9: {  	v41 =	vsel vm3, $0xFFFFFFFF, v9;
	v42 =	vsel vm5, $0xFFFFFFFF, v9;
	v20 =	vadd.s32 v54, v20  }
0x1ea: {  	v43 =	vsel vm10, $0xFFFFFFFF, v9;
	v44 =	vsel vm4, $0xFFFFFFFF, v9;
	v20 =	vadd.s32 v31, v20  }
0x1eb: {  	v55 =	vsel vm9, $0xFFFFFFFF, v9;
	v56 =	vsel vm8, $0xFFFFFFFF, v9;
	v20 =	vadd.s32 $0x8000, v20  }
0x1ec: {  	v57 =	vsel vm7, $0xFFFFFFFF, v9;
	vm13 =	vmmov vm5;
	v26 =	vadd.s32 v41, v26  }
0x1ed: {  	v32 =	vadd.s32 v43, v32;
	v28 =	vadd.s32 v42, v28;
	v26 =	vadd.s32 v33, v26  }
0x1ee: {  	v29 =	vadd.s32 v55, v29;
	v26 =	vadd.s32 $0x8000, v26;
	v27 =	vadd.s32 v50, v28  }
0x1ef: {  	[tilespmem:v21+s2+$0x0] =	vst.idx.msk vm6, v14;
	v30 =	vadd.s32 v56, v30;
	v14 =	vadd.s32 $0x8000, v27;
	v15 =	vadd.s32 v15, v29  }
0x1f0: {  	v61 =	vadd.s32 v51, v30;
	v15 =	vadd.s32 $0x8000, v15;
	[tilespmem:v20+s2+$0x0] =	vst.idx.msk vm2, v16;
	vm2 =	vmmov vm8  }
0x1f1: {  	v34 =	vadd.s32 v44, v34;
	v62 =	vadd.s32 v52, v32;
	v63 =	vadd.s32 $0x8000, v61  }
0x1f2: {  	v35 =	vadd.s32 v57, v35;
	v59 =	vadd.s32 v53, v34;
	v16 =	vadd.s32 $0x8000, v62  }
0x1f3: {  	[tilespmem:v26+s2+$0x0] =	vst.idx.msk vm3, v17;
	v58 =	vadd.s32 v39, v35;
	v60 =	vadd.s32 $0x8000, v59  }
0x1f4: {  	[tilespmem:v14+s2+$0x0] =	vst.idx.msk vm13, v19;
	v31 =	vadd.s32 $0x8000, v58  }
.Ltmp12:
0x1f5: {  	[tilespmem:v15+s2+$0x0] =	vst.idx.msk vm9, v23;
	(pc) =	sbr.rel .LBB2_19-.Ltmp12, $4  }
0x1f6: {  	[tilespmem:v63+s2+$0x0] =	vst.idx.msk vm2, v24;
	s8 =	spop (v2sf)  }
0x1f7: {  	s16 =	simm.s32 $0x8000;
	s10 =	simm.s32 $0x41;
	[tilespmem:v16+s2+$0x0] =	vst.idx.msk vm10, v18;
	s12 =	sxor.u32 $0x80000000, s8  }
0x1f8: {  	s9 =	simm.s32 $0x0;
	s13 =	simm.s32 $0x0;
	[tilespmem:v60+s2+$0x0] =	vst.idx.msk vm4, v25;
	p0 =	sgt.s32 s12, $0x40  }
0x1f9: {  	vm14 =	vmmov vm9;
	vm15 =	vmmov vm10;
	[tilespmem:v31+s2+$0x0] =	vst.idx.msk vm7, v22;
	s8 =	simm.f32 $0.0e+00;
	s12 =	simm.s32 @!p0 $0x2000;
	s16 =	simm.s32 @!p0 $0x2000  }
.LBB2_20:
0x1fa: {  	v14 =	vimm.f32 $0.0e+00;
	v15 =	vimm.s32 $0x80000000;
	v16 =	vimm.s32 $0x80000000  }
.LBB2_28:
0x1fb: {  	(xrf0) =	vmax.scan.msk.u32 $0xffff, v15  }
0x1fc: {  	(xrf0) =	vmax.scan.msk.u32 $0xffff, v16;
	_ =	sdelay $0x2  }
0x1fd: {  	(xrf2) =	vadd.scan.msk.f32 $0xffff, v14;
	_ =	sdelay $0x1  }
0x1fe: {  	v14, _, _ =	vpop (xrf0)  }
0x1ff: {  	(v2sf) =	vpush v14, $0xF;
	v14, _, _ =	vpop (xrf0)  }
0x200: {  	(v2sf) =	vpush v14, $0xF;
	_ =	sdelay $0x5  }
0x201: {  	v14, _, _ =	vpop (xrf2)  }
0x202: {  	(v2sf) =	vpush v14, $0xF;
	_ =	sdelay $0x6  }
0x203: {  	s16 =	spop (v2sf)  }
0x204: {  	s17 =	spop (v2sf)  }
0x205: {  	s16 =	sxor.u32 $0x80000000, s16;
	s17 =	sxor.u32 $0x80000000, s17  }
0x206: {  	s18 =	sadd.s32 s17, s16  }
0x207: {  	s12 =	ssub.s32 s12, s18  }
0x208: {  	s18 =	scvt.s32.f32 s12;
	_ =	sdelay $0x1  }
0x209: {  	p1 =	sle.s32 s10, s16;
	s18 =	smul.f32 s18, s11  }
0x20a: {  	s19 =	spop (v2sf);
	s20 =	sadd.s32 s16, s12;
	s12 =	smov.u32 s17  }
0x20b: {  	p0 =	sgt.s32 s10, s20;
	s12 =	smov.u32 @p1 s16;
	s18 =	sadd.f32 s18, s19  }
0x20c: {  	s14 =	smov.u32 @p1 s15;
	p0 =	por p1, p0;
	p2 =	slt.s32 s12, $0x41  }
0x20d: {  	s16 =	smov.u32 @p0 s20;
	s20 =	simm.s32 @p1 $0x0;
	s19 =	smov.u32 @p0 s18  }
0x20e: {  	s16 =	simm.s32 @p1 $0x0;
	s19 =	simm.s32 @p1 $0x0;
	p1 =	por p2, !p0  }
.Ltmp13:
0x20f: {  	_ = 	snop;
	(pc) =	sbr.rel @p1 .LBB2_29-.Ltmp13, $3  }
0x210: {  	_ =	sdelay $0x1  }
0x211: {  	s13 =	sxor.u32 $0x1, s13;
	s10 =	ssub.s32 s10, s20  }
0x212: {  	s9 =	sadd.s32 s9, s16;
	s16 =	smov.u32 s14;
	s8 =	sadd.f32 s19, s8  }
.LBB2_19:
0x213: {  	s14 =	sadd.s32 $0x1, s12;
	s15 =	sshrl.u32 s12, $0x3  }
0x214: {  	p0 =	slt.u32 s12, $0x7FFFFFFF;
	s18 =	simm.s32 $0x1;
	s19 =	sadd.s32 $0xFFFFFFFF, s12  }
0x215: {  	s11 =	ssub.s32 s14, s10;
	s15 =	sadd.s32 $0x8, s15;
	s18 =	simm.s32 @!p0 $0x0  }
0x216: {  	s20 =	sshra.s32 s14, $0x1F;
	s21 =	smov.u32 s19;
	s22 =	sand.u32 $0x1, s14  }
0x217: {  	s24 =	sshrl.u32 s14, $0x1F;
	s17 =	sadd.s32 s10, s15;
	s18 =	sadd.s32 s18, s20  }
0x218: {  	p1 =	seq.s32 s22, $0x1;
	p0 =	slt.s32 s17, s19;
	p4 =	sne.s32 s18, $0x1  }
0x219: {  	s22 =	simm.s32 $0x1;
	s21 =	smov.u32 @p0 s17;
	p0 =	por !p4, !p1  }
0x21a: {  	s15 =	sadd.s32 s15, s11;
	s17 =	smul.u32 $0x11, s21;
	p0 =	por !p0, !p0  }
0x21b: {  	s21 =	sadd.s32 s24, s14;
	s22 =	simm.s32 @!p0 $0x0;
	p0 =	slt.s32 s15, s19  }
0x21c: {  	s21 =	sshra.s32 s21, $0x1;
	s19 =	smov.u32 @p0 s15  }
0x21d: {  	s21 =	ssub.s32 s21, s22;
	s19 =	smul.u32 $0x11, s19  }
0x21e: {  	s17 =	sadd.s32 s17, s21  }
0x21f: {  	s28 =	sshrl.u32 s12, $0x4;
	s25 =	sshra.s32 s17, $0x1F;
	s19 =	sadd.s32 s19, s21  }
0x220: {  	s23 =	sxor.u32 s20, s14;
	s26 =	sxor.u32 s25, s17;
	s21 =	sshra.s32 s19, $0x1F  }
0x221: {  	s23 =	ssub.s32 s23, s20;
	s22 =	ssub.s32 s26, s25;
	s24 =	sxor.u32 s21, s19  }
0x222: {  	v14 =	vmul.u32 s28, v0;
	(drf) =	sdiv.u32 s22, s23;
	s29 =	ssub.s32 s24, s21  }
0x223: {  	(drf) =	sdiv.u32 s29, s23  }
0x224: {  	v14 =	vadd.s32 s16, v14;
	_ =	sdelay $0x4  }
0x225: {  	v14 =	vld.idx.msk [tilespmem:v14+s2+$0x0], $0xffff;
	p0 =	sgt.s32 s17, $0x0  }
0x226: {  	s15 =	sxor.u32 s20, s25;
	s20 =	sxor.u32 s20, s21;
	s23 =	simm.s32 $0x1  }
0x227: {  	s23 =	simm.s32 @!p0 $0x0;
	p0 =	slt.s32 s17, $0x0;
	s30 =	spop (drf)  }
0x228: {  	s23 =	simm.s32 @p0 $0xFFFFFFFF;
	s22 =	sxor.u32 s15, s30;
	s31 =	spop (drf)  }
0x229: {  	p0 =	sgt.s32 s19, $0x0;
	s15 =	ssub.s32 s22, s15;
	s22 =	sxor.u32 s20, s31  }
0x22a: {  	(xrf1) =	vsort.ascd.msk.f32 $0xffff, v14, v14;
	s24 =	smul.u32 s14, s15;
	s20 =	ssub.s32 s22, s20;
	s22 =	simm.s32 $0x1  }
0x22b: {  	s22 =	simm.s32 @!p0 $0x0;
	p0 =	slt.s32 s19, $0x0;
	s14 =	smul.u32 s14, s20  }
0x22c: {  	p5 =	sne.s32 s23, s18;
	s22 =	simm.s32 @p0 $0xFFFFFFFF  }
0x22d: {  	p2 =	sne.s32 s17, s24;
	p3 =	sne.s32 s22, s18;
	p4 =	sne.s32 s19, s14  }
0x22e: {  	s17 =	simm.s32 $0x1;
	p6 =	por !p5, !p2;
	p1 =	por !p3, !p4  }
0x22f: {  	p0 =	por !p6, !p6;
	s14 =	simm.s32 $0x1;
	p1 =	por !p1, !p1  }
0x230: {  	s14 =	simm.s32 @!p0 $0x0;
	s17 =	simm.s32 @!p1 $0x0  }
0x231: {  	s14 =	ssub.s32 s15, s14;
	s15 =	ssub.s32 s20, s17  }
0x232: {  	p0 =	sgt.s32 s14, $0x1;
	p1 =	sgt.s32 s15, $0x1  }
0x233: {  	s14 =	simm.s32 @!p0 $0x1;
	s15 =	simm.s32 @!p1 $0x1  }
0x234: {  	s25 =	smax.u32 s14, $0x10;
	s15 =	smin.u32 s15, $0x10  }
0x235: {  	p0 =	sgt.s32 s10, s11;
	s14 =	ssub.s32 s25, s14;
	s15 =	sadd.s32 $0xFFFFFFFF, s15  }
0x236: {  	s14 =	smov.u32 @p0 s15  }
0x237: {  	v14 =	vmov s14  }
0x238: {  	v15, _, _ =	vpop (xrf1);
	vm2 =	veq.s32 v14, v0  }
0x239: {  	v14 =	vnsel vm2, $0xFF800000, v15  }
0x23a: {  	(xrf0) =	vmax.scan.msk.f32 $0xffff, v14;
	_ =	sdelay $0x5  }
0x23b: {  	v14, _, _ =	vpop (xrf0)  }
0x23c: {  	(v2sf) =	vpush v14, $0xF;
	_ =	sdelay $0x2  }
0x23d: {  	s26 =	sadd.s32 $0xF, s12  }
0x23e: {  	s28 =	sand.u32 $0xF, s26  }
0x23f: {  	s29 =	sshra.s32 s26, $0x1F;
	p5 =	slt.s32 s26, $0x0;
	p6 =	sne.s32 s28, $0x0  }
0x240: {  	s30 =	sshrl.u32 s29, $0x1C;
	p0 =	por !p5, !p6  }
0x241: {  	s11 =	sadd.s32 s30, s26;
	p0 =	por !p0, !p0;
	s14 =	simm.s32 $0x1  }
0x242: {  	s11 =	sshra.s32 s11, $0x4;
	s14 =	simm.s32 @!p0 $0x0  }
0x243: {  	s18 =	ssub.s32 s11, s14  }
0x244: {  	p1 =	slt.s32 s18, $0x1  }
.Ltmp14:
0x245: {  	_ = 	snop;
	(pc) =	sbr.rel @p1 .LBB2_20-.Ltmp14, $3  }
0x246: {  	_ =	sdelay $0x1  }
0x247: {  	s31 =	sshll.u32 s13, $0xE;
	p0 =	seq.s32 s13, $0x0;
	s14 =	simm.s32 $0xC000  }
0x248: {  	s15 =	sadd.s32 $0xA000, s31;
	s14 =	simm.s32 @!p0 $0x8000;
	s11 =	spop (v2sf)  }
0x249: {  	p1 =	sne.s32 s18, $0x1  }
.Ltmp15:
0x24a: {  	_ = 	snop;
	(pc) =	sbr.rel @!p1 .LBB2_22-.Ltmp15, $3  }
0x24b: {  	_ =	sdelay $0x1  }
0x24c: {  	v18 =	vbroadcast v14, $0xF;
	v19 =	vmov s12;
	v17 =	vmov s15  }
0x24d: {  	v16 =	vmov s14;
	v24 =	vimm.s32 $0x0;
	v14 =	vimm.f32 $0.0e+00;
	s17 =	simm.s32 $0x0;
	v15 =	vld [tilespmem:s16+$0x0];
	s19 =	sadd.s32 $0xFFFFFFFF, s18;
	p0 =	por $0x0, $0x0  }
0x24e: {  	_ =	sdelay $0x2  }
0x24f: {  	v20 =	vor.u32 s17, v0  }
0x250: {  	vm2 =	vlt.s32 v20, v19;
	vm3 =	vgt.f32 v15, v18  }
0x251: {  	vm4 =	vlt.f32 v15, v18;
	vm3 =	vmand vm2, vm3  }
0x252: {  	vm2 =	vmand vm2, vm4;
	v20 =	vsel vm3, $0x1, v9  }
0x253: {  	v21 =	vsel vm2, $0x1, v9;
	(xrf0) =	vadd.scan.msk.s32 $0xffff, v20  }
0x254: {  	(xrf0) =	vadd.scan.msk.s32 $0xffff, v21;
	_ =	sdelay $0x2  }
0x255: {  	v22 =	vsel vm2, $0xFFFFFFFF, v9  }
0x256: {  	v20 =	vsel vm3, $0xFFFFFFFF, v9;
	v21 =	vadd.s32 v17, v24  }
0x257: {  	v20 =	vadd.s32 v20, v21;
	v21 =	vadd.s32 v16, v24;
	v23, _, _ =	vpop (xrf0)  }
0x258: {  	v21 =	vadd.s32 v22, v21;
	v20 =	vadd.s32 v23, v20;
	v22, _, _ =	vpop (xrf0)  }
0x259: {  	v21 =	vadd.s32 v22, v21;
	_ =	sdelay $0x1  }
0x25a: {  	p1 =	sne.s32 s19, $0x1  }
.Ltmp16:
0x25b: {  	v22 =	vmpcnt.ones.xlane vm3;
	(pc) =	sbr.rel @!p1 .LBB2_24-.Ltmp16, $4  }
0x25c: {  	v25 =	vmpcnt.ones.xlane vm2;
	[tilespmem:v20+s2+$0x0] =	vst.idx.msk vm3, v15  }
0x25d: {  	s18 =	sadd.s32 $0x10, s16;
	[tilespmem:v21+s2+$0x0] =	vst.idx.msk vm2, v15  }
0x25e: {  	v26 =	vnsel vm3, $0x0, v15;
	v23 =	vadd.s32 v24, v22;
	v20 =	vadd.s32 v24, v25;
	v15 =	vld [tilespmem:s18+$0x0]  }
0x25f: {  	s19 =	sadd.s32 $0xFFFFFFFF, s19;
	p0 =	por $0x1, $0x1;
	s16 =	simm.s32 $0x0;
	v14 =	vadd.f32 v26, v14;
	v21 =	vmov v23;
	v22 =	vmov v20  }
.LBB2_25:
0x260: {  	p1 =	sne.s32 s19, $0x1  }
0x261: {  	s16 =	sadd.s32 $0x10, s16  }
0x262: {  	v24 =	vor.u32 s16, v0  }
0x263: {  	vm3 =	vlt.s32 v24, v19;
	vm2 =	vgt.f32 v15, v18  }
0x264: {  	vm4 =	vlt.f32 v15, v18;
	vm2 =	vmand vm3, vm2  }
0x265: {  	vm3 =	vmand vm3, vm4;
	v24 =	vsel vm2, $0x1, v9;
	v25 =	vmpcnt.ones.xlane vm2  }
0x266: {  	v26 =	vsel vm3, $0x1, v9;
	v27 =	vmpcnt.ones.xlane vm3;
	v28 =	vnsel vm2, $0x0, v15;
	(xrf0) =	vadd.scan.msk.s32 $0xffff, v24  }
0x267: {  	v14 =	vadd.f32 v28, v14;
	v23 =	vadd.s32 v23, v25;
	(xrf0) =	vadd.scan.msk.s32 $0xffff, v26  }
0x268: {  	v20 =	vadd.s32 v20, v27;
	_ =	sdelay $0x2  }
0x269: {  	v24 =	vsel vm2, $0xFFFFFFFF, v9;
	v27 =	vadd.s32 v17, v21;
	v21 =	vmov v23  }
0x26a: {  	v28 =	vsel vm3, $0xFFFFFFFF, v9;
	v24 =	vadd.s32 v24, v27;
	v27 =	vadd.s32 v16, v22;
	v25, _, _ =	vpop (xrf0)  }
0x26b: {  	v22 =	vmov v20;
	v24 =	vadd.s32 v25, v24;
	v25 =	vadd.s32 v28, v27;
	v26, _, _ =	vpop (xrf0)  }
0x26c: {  	v25 =	vadd.s32 v26, v25;
	_ =	sdelay $0x2  }
.Ltmp17:
0x26d: {  	(pc) =	sbr.rel @p1 .LBB2_25-.Ltmp17, $4  }
0x26e: {  	[tilespmem:v24+s2+$0x0] =	vst.idx.msk vm2, v15  }
0x26f: {  	s18 =	sadd.s32 $0x10, s18;
	[tilespmem:v25+s2+$0x0] =	vst.idx.msk vm3, v15  }
0x270: {  	v15 =	vld [tilespmem:s18+$0x0]  }
0x271: {  	s19 =	sadd.s32 $0xFFFFFFFF, s19  }
0x272: {  	v24 =	vmov v23  }
.LBB2_27:
0x273: {  	s16 =	sadd.s32 @p0 $0x10, s16  }
0x274: {  	s17 =	smov.u32 @p0 s16  }
0x275: {  	v23 =	vor.u32 s17, v0  }
0x276: {  	vm3 =	vgt.f32 v15, v18;
	vm2 =	vlt.s32 v23, v19  }
0x277: {  	vm4 =	vlt.f32 v15, v18;
	vm3 =	vmand vm2, vm3  }
0x278: {  	vm2 =	vmand vm2, vm4;
	v18 =	vsel vm3, $0x1, v9  }
0x279: {  	v19 =	vsel vm2, $0x1, v9;
	(xrf0) =	vadd.scan.msk.s32 $0xffff, v18  }
0x27a: {  	(xrf0) =	vadd.scan.msk.s32 $0xffff, v19;
	_ =	sdelay $0x1  }
0x27b: {  	v18 =	vsel vm3, $0xFFFFFFFF, v9;
	_ =	sdelay $0x1  }
0x27c: {  	v17 =	vadd.s32 v17, v21  }
0x27d: {  	v16 =	vadd.s32 v16, v22;
	v19 =	vsel vm2, $0xFFFFFFFF, v9;
	v17 =	vadd.s32 v18, v17;
	v18, _, _ =	vpop (xrf0)  }
0x27e: {  	v16 =	vadd.s32 v19, v16;
	v17 =	vadd.s32 v18, v17;
	v18, _, _ =	vpop (xrf0)  }
0x27f: {  	v16 =	vadd.s32 v18, v16  }
.Ltmp18:
0x280: {  	_ = 	snop;
	(pc) =	sbr.rel .LBB2_28-.Ltmp18, $3  }
0x281: {  	v19 =	vmpcnt.ones.xlane vm2;
	v18 =	vmpcnt.ones.xlane vm3;
	_ =	sdelay $0x1  }
0x282: {  	v63 =	vnsel vm3, $0x0, v15;
	v19 =	vadd.s32 v20, v19;
	v18 =	vadd.s32 v24, v18;
	[tilespmem:v17+s2+$0x0] =	vst.idx.msk vm3, v15  }
0x283: {  	v14 =	vadd.f32 v63, v14;
	[tilespmem:v16+s2+$0x0] =	vst.idx.msk vm2, v15;
	v15 =	vxor.u32 $0x80000000, v18;
	v16 =	vxor.u32 $0x80000000, v19  }
.LBB2_22:
.Ltmp19:
0x284: {  	(pc) =	sbr.rel .LBB2_27-.Ltmp19, $2  }
0x285: {  	_ =	sdelay $0x2  }
0x286: {  	s16 =	simm.s32 $0x0;
	v20 =	vimm.s32 $0x0;
	v21 =	vimm.s32 $0x0;
	v22 =	vimm.s32 $0x0  }
.LBB2_24:
.Ltmp20:
0x287: {  	(pc) =	sbr.rel .LBB2_27-.Ltmp20, $2  }
0x288: {  	_ =	sdelay $0x2  }
0x289: {  	s16 =	simm.s32 $0x0;
	v24 =	vmov v23;
	v21 =	vmov v23;
	v22 =	vmov v20  }
.LBB2_29:
0x28a: {  	v14 =	vld [tilespmem:s14+$0x0]  }
0x28b: {  	v15 =	vld [tilespmem:s14+$0x10];
	_ =	sdelay $0x1  }
0x28c: {  	v16 =	vmov s12  }
0x28d: {  	vm2 =	vgt.s32 v16, v0  }
0x28e: {  	v14 =	vnsel vm2, $0xFF800000, v14;
	vm2 =	vgt.s32 v16, v10  }
0x28f: {  	v15 =	vnsel vm2, $0xFF800000, v15;
	(xrf1) =	vsort.ascd.msk.f32 $0xffff, v14, v14  }
0x290: {  	(xrf1) =	vsort.ascd.msk.f32 $0xffff, v15, v15;
	_ =	sdelay $0xc  }
0x291: {  	v17, _, _ =	vpop (xrf1)  }
0x292: {  	v18 =	vld [tilespmem:s14+$0x20];
	v19, _, _ =	vpop (xrf1)  }
0x293: {  	v20 =	vld [tilespmem:s14+$0x30];
	v19 =	vperm.xlane v19, v13;
	_ =	sdelay $0x1  }
0x294: {  	v21 =	vmin.f32 v17, v19  }
0x295: {  	vm2 =	vgt.s32 v16, v11;
	v17 =	vmax.f32 v17, v19;
	(xrf1) =	vsort.ascd.msk.f32 $0xffff, v21, v21  }
0x296: {  	v18 =	vnsel vm2, $0xFF800000, v18;
	vm2 =	vgt.s32 v16, v12;
	(xrf1) =	vsort.ascd.msk.f32 $0xffff, v17, v17  }
0x297: {  	v16 =	vnsel vm2, $0xFF800000, v20;
	(xrf1) =	vsort.ascd.msk.f32 $0xffff, v18, v18  }
0x298: {  	(xrf1) =	vsort.ascd.msk.f32 $0xffff, v16, v16;
	_ =	sdelay $0xa  }
0x299: {  	v17, _, _ =	vpop (xrf1)  }
0x29a: {  	v19, _, _ =	vpop (xrf1)  }
0x29b: {  	v20, _, _ =	vpop (xrf1)  }
0x29c: {  	v21, _, _ =	vpop (xrf1)  }
0x29d: {  	v21 =	vperm.xlane v21, v13;
	_ =	sdelay $0x1  }
0x29e: {  	v22 =	vmin.f32 v20, v21  }
0x29f: {  	v20 =	vmax.f32 v20, v21;
	(xrf1) =	vsort.ascd.msk.f32 $0xffff, v22, v22  }
0x2a0: {  	(xrf1) =	vsort.ascd.msk.f32 $0xffff, v20, v20;
	_ =	sdelay $0xc  }
0x2a1: {  	v20, _, _ =	vpop (xrf1)  }
0x2a2: {  	v21, _, _ =	vpop (xrf1)  }
0x2a3: {  	v20 =	vperm.xlane v20, v13;
	v21 =	vperm.xlane v21, v13;
	_ =	sdelay $0x1  }
0x2a4: {  	v23 =	vmin.f32 v19, v20;
	v22 =	vmin.f32 v17, v21  }
0x2a5: {  	v17 =	vmax.f32 v17, v21;
	v21 =	vmin.f32 v22, v23  }
0x2a6: {  	(xrf1) =	vsort.ascd.msk.f32 $0xffff, v21, v21  }
0x2a7: {  	v19 =	vmax.f32 v19, v20;
	v20 =	vmax.f32 v22, v23  }
0x2a8: {  	(xrf1) =	vsort.ascd.msk.f32 $0xffff, v20, v20;
	v20 =	vmin.f32 v17, v19  }
0x2a9: {  	v17 =	vmax.f32 v17, v19;
	(xrf1) =	vsort.ascd.msk.f32 $0xffff, v20, v20  }
0x2aa: {  	(xrf1) =	vsort.ascd.msk.f32 $0xffff, v17, v17;
	_ =	sdelay $0x6  }
0x2ab: {  	s24 =	ssub.s32 $0x40, s10  }
0x2ac: {  	s13 =	sand.u32 $0xF, s24  }
0x2ad: {  	v17 =	vmov s13  }
0x2ae: {  	vm2 =	veq.s32 v17, v0;
	v19, _, _ =	vpop (xrf1)  }
0x2af: {  	v19 =	vnsel vm2, $0xFF800000, v19  }
0x2b0: {  	v17, _, _ =	vpop (xrf1)  }
0x2b1: {  	v20, _, _ =	vpop (xrf1);
	(xrf0) =	vmax.scan.msk.f32 $0xffff, v19;
	v17 =	vnsel vm2, $0xFF800000, v17  }
0x2b2: {  	(xrf0) =	vmax.scan.msk.f32 $0xffff, v17;
	v17 =	vnsel vm2, $0xFF800000, v20;
	v19, _, _ =	vpop (xrf1)  }
0x2b3: {  	(xrf0) =	vmax.scan.msk.f32 $0xffff, v17;
	v17 =	vnsel vm2, $0xFF800000, v19  }
0x2b4: {  	(xrf0) =	vmax.scan.msk.f32 $0xffff, v17;
	_ =	sdelay $0x2  }
0x2b5: {  	v17, _, _ =	vpop (xrf0)  }
0x2b6: {  	v19, _, _ =	vpop (xrf0);
	(v2sf) =	vpush v17, $0xF  }
0x2b7: {  	v17, _, _ =	vpop (xrf0);
	(v2sf) =	vpush v19, $0xF  }
0x2b8: {  	(v2sf) =	vpush v17, $0xF;
	v17, _, _ =	vpop (xrf0)  }
0x2b9: {  	(v2sf) =	vpush v17, $0xF;
	_ =	sdelay $0x2  }
0x2ba: {  	s25 =	sshra.s32 s24, $0x1F  }
0x2bb: {  	p1 =	sne.s32 s10, $0x40;
	s10 =	simm.s32 $0x1;
	s26 =	sshrl.u32 s25, $0x1C  }
0x2bc: {  	s10 =	simm.s32 @!p1 $0x0;
	s14 =	sadd.s32 s26, s24  }
0x2bd: {  	s10 =	sor.u32 s10, s25;
	s28 =	sand.u32 $0xFFFFFFF0, s14  }
0x2be: {  	p6 =	sne.s32 s10, $0x1;
	p2 =	sne.s32 s24, s28  }
0x2bf: {  	p1 =	por !p2, !p6  }
0x2c0: {  	s10 =	simm.s32 $0x1;
	p1 =	por !p1, !p1  }
0x2c1: {  	s29 =	sshra.s32 s14, $0x4;
	s10 =	simm.s32 @!p1 $0x0  }
0x2c2: {  	s10 =	ssub.s32 s29, s10  }
0x2c3: {  	p1 =	seq.s32 s10, $0x0;
	s12 =	spop (v2sf)  }
0x2c4: {  	s13 =	spop (v2sf);
	s12 =	simm.s32 @!p1 $0xFF800000;
	p1 =	seq.s32 s10, $0x1  }
0x2c5: {  	s12 =	smov.u32 @p1 s13;
	p1 =	seq.s32 s10, $0x2;
	s13 =	spop (v2sf)  }
0x2c6: {  	s12 =	smov.u32 @p1 s13;
	p1 =	seq.s32 s10, $0x3;
	s10 =	spop (v2sf)  }
0x2c7: {  	vm3 =	vmmov vm1;
	s12 =	smov.u32 @p1 s10  }
0x2c8: {  	vm3 =	vmneg @p0 vm3;
	s11 =	smov.u32 @p0 s12  }
0x2c9: {  	vm2 =	vgt.f32 v14, s11;
	v14 =	vadd.f32 $0.0e+00, v14;
	vm4 =	vgt.f32 v15, s11  }
0x2ca: {  	vm2 =	vmand vm3, vm2;
	vm4 =	vmand vm3, vm4  }
0x2cb: {  	vm5 =	vgt.f32 v18, s11;
	v14 =	vnsel vm2, $0x0, v14;
	v15 =	vnsel vm4, $0x0, v15  }
0x2cc: {  	vm5 =	vmand vm3, vm5;
	v14 =	vadd.f32 v15, v14  }
0x2cd: {  	vm6 =	vgt.f32 v16, s11;
	v15 =	vnsel vm5, $0x0, v18  }
0x2ce: {  	vm3 =	vmand vm3, vm6;
	v14 =	vadd.f32 v14, v15  }
0x2cf: {  	v15 =	vnsel vm3, $0x0, v16  }
0x2d0: {  	v14 =	vadd.f32 v14, v15  }
0x2d1: {  	v16 =	vmpcnt.ones.xlane vm4;
	v15 =	vmpcnt.ones.xlane vm2  }
0x2d2: {  	v17 =	vmpcnt.ones.xlane vm5;
	(xrf2) =	vadd.scan.msk.f32 $0xffff, v14  }
0x2d3: {  	v14 =	vadd.s32 v15, v16;
	v15 =	vmpcnt.ones.xlane vm3  }
0x2d4: {  	v14 =	vadd.s32 v17, v14  }
0x2d5: {  	v14 =	vadd.s32 v15, v14  }
0x2d6: {  	v14 =	vxor.u32 $0x80000000, v14  }
0x2d7: {  	(xrf0) =	vmax.scan.msk.u32 $0xffff, v14;
	_ =	sdelay $0x4  }
0x2d8: {  	v14, _, _ =	vpop (xrf2)  }
0x2d9: {  	(v2sf) =	vpush v14, $0xF;
	v14, _, _ =	vpop (xrf0)  }
0x2da: {  	(v2sf) =	vpush v14, $0xF;
	_ =	sdelay $0xd  }
0x2db: {  	s30 =	spop (v2sf)  }
0x2dc: {  	s31 =	spop (v2sf)  }
0x2dd: {  	s9 =	sadd.s32 s31, s9  }
0x2de: {  	s9 =	sadd.s32 $0x80000000, s9  }
0x2df: {  	s9 =	scvt.s32.f32 s9;
	_ =	sdelay $0x1  }
0x2e0: {  	s8 =	sadd.f32 s30, s8;
	s9 =	smul.f32 s9, s11  }
0x2e1: {  	_ = 	snop  }
0x2e2: {  	s8 =	ssub.f32 s8, s9;
	_ =	sdelay $0x1  }
0x2e3: {  	s8 =	sadd.f32 $1.000000010e-07, s8;
	_ =	sdelay $0x1  }
0x2e4: {  	v14 =	vmov s8  }
0x2e5: {  	(erf) = vrcp.f32 v14  }
0x2e6: {  	s9 =	simm.s32 $0x2070  }
0x2e7: {  	v14 =	vld [tilespmem:s9+$0x0]  }
0x2e8: {  	v16 =	vld [tilespmem:s9+$0xFFFFFFA0]  }
0x2e9: {  	v17 =	vld [tilespmem:s9+$0xFFFFFFB0]  }
0x2ea: {  	v18 =	vld [tilespmem:s9+$0xFFFFFFC0]  }
0x2eb: {  	v15 =	vmov s11;
	v19 =	vld [tilespmem:s9+$0xFFFFFFD0]  }
0x2ec: {  	v20 =	vld [tilespmem:s9+$0xFFFFFFE0];
	v21 =	vsub.f32 v14, v15  }
0x2ed: {  	v22 =	vld [tilespmem:s9+$0xFFFFFFF0];
	v16 =	vsub.f32 v16, v15  }
0x2ee: {  	v23 =	vld [tilespmem:s9+$0xFFFFFF90];
	s8 =	simm.s32 $0x20F0;
	v17 =	vsub.f32 v17, v15;
	v21 =	vmax.f32 v21, $0.0e+00;
	v14 =	vpop (erf)  }
0x2ef: {  	v24 =	vld [tilespmem:s8+$0x0];
	v18 =	vsub.f32 v18, v15;
	v16 =	vmax.f32 v16, $0.0e+00;
	v21 =	vmul.f32 v21, v14  }
0x2f0: {  	v25 =	vld [tilespmem:s8+$0xFFFFFFA0];
	v26 =	vsub.f32 v19, v15;
	v17 =	vmax.f32 v17, $0.0e+00;
	v16 =	vmul.f32 v16, v14  }
0x2f1: {  	v27 =	vld [tilespmem:s8+$0xFFFFFFB0];
	v28 =	vmul.f32 v17, v14;
	v17 =	vmax.f32 v18, $0.0e+00;
	v18 =	vsub.f32 v20, v15;
	[tilespmem:s9+$0x0] =	vst v21  }
0x2f2: {  	v19 =	vld [tilespmem:s8+$0xFFFFFFC0];
	v20 =	vmul.f32 v17, v14;
	[tilespmem:s9+$0xFFFFFFA0] =	vst v16;
	v16 =	vmax.f32 v26, $0.0e+00;
	v21 =	vsub.f32 v22, v15  }
0x2f3: {  	v17 =	vld [tilespmem:s8+$0xFFFFFFD0];
	v22 =	vsub.f32 v23, v15;
	[tilespmem:s9+$0xFFFFFFB0] =	vst v28;
	v18 =	vmax.f32 v18, $0.0e+00;
	v23 =	vmul.f32 v16, v14  }
0x2f4: {  	v24 =	vsub.f32 v24, v15;
	v16 =	vld [tilespmem:s8+$0xFFFFFFE0];
	[tilespmem:s9+$0xFFFFFFC0] =	vst v20;
	v26 =	vmul.f32 v18, v14;
	v20 =	vmax.f32 v21, $0.0e+00  }
0x2f5: {  	v18 =	vld [tilespmem:s8+$0xFFFFFFF0];
	v21 =	vsub.f32 v25, v15;
	v63 =	vmax.f32 v22, $0.0e+00;
	[tilespmem:s9+$0xFFFFFFD0] =	vst v23;
	v23 =	vmul.f32 v20, v14  }
0x2f6: {  	s10 =	simm.s32 $0x80;
	s11 =	simm.s32 $0x2170;
	v22 =	vsub.f32 v27, v15;
	v25 =	vmax.f32 v24, $0.0e+00;
	v20 =	vld [tilespmem:s8+$0xFFFFFF90];
	v24 =	vmul.f32 v63, v14;
	[tilespmem:s9+$0xFFFFFFE0] =	vst v26  }
.LBB2_30:
0x2f7: {  	v26 =	vld [tilespmem:s11+$0x0];
	s10 =	sadd.s32 $0x80, s10;
	v21 =	vmax.f32 v21, $0.0e+00;
	v19 =	vsub.f32 v19, v15;
	v25 =	vmul.f32 v25, v14;
	[tilespmem:s9+$0xFFFFFFF0] =	vst v23  }
0x2f8: {  	v23 =	vld [tilespmem:s11+$0xFFFFFFA0];
	p0 =	slt.u32 s10, $0x1F80;
	v21 =	vmul.f32 v21, v14;
	v22 =	vmax.f32 v22, $0.0e+00;
	v17 =	vsub.f32 v17, v15;
	[tilespmem:s9+$0xFFFFFF90] =	vst v24;
	s9 =	smov.u32 s8;
	s8 =	smov.u32 s11  }
0x2f9: {  	v24 =	vld [tilespmem:s11+$0xFFFFFFB0];
	v22 =	vmul.f32 v22, v14;
	v27 =	vmax.f32 v19, $0.0e+00;
	v16 =	vsub.f32 v16, v15;
	[tilespmem:s9+$0x0] =	vst v25  }
.Ltmp21:
0x2fa: {  	v19 =	vld [tilespmem:s11+$0xFFFFFFC0];
	[tilespmem:s9+$0xFFFFFFA0] =	vst v21;
	v21 =	vmul.f32 v27, v14;
	v25 =	vmax.f32 v17, $0.0e+00;
	v18 =	vsub.f32 v18, v15;
	(pc) =	sbr.rel @p0 .LBB2_30-.Ltmp21, $4  }
0x2fb: {  	v17 =	vld [tilespmem:s11+$0xFFFFFFD0];
	v20 =	vsub.f32 v20, v15;
	[tilespmem:s9+$0xFFFFFFB0] =	vst v22;
	v22 =	vmul.f32 v25, v14;
	v25 =	vmax.f32 v16, $0.0e+00  }
0x2fc: {  	v16 =	vld [tilespmem:s11+$0xFFFFFFE0];
	v26 =	vsub.f32 v26, v15;
	[tilespmem:s9+$0xFFFFFFC0] =	vst v21;
	v27 =	vmul.f32 v25, v14;
	v25 =	vmax.f32 v18, $0.0e+00  }
0x2fd: {  	v21 =	vsub.f32 v23, v15;
	v18 =	vld [tilespmem:s11+$0xFFFFFFF0];
	v28 =	vmax.f32 v20, $0.0e+00;
	[tilespmem:s9+$0xFFFFFFD0] =	vst v22;
	v23 =	vmul.f32 v25, v14  }
0x2fe: {  	s11 =	sadd.s32 $0x80, s11;
	v20 =	vld [tilespmem:s8+$0xFFFFFF90];
	v22 =	vsub.f32 v24, v15;
	v25 =	vmax.f32 v26, $0.0e+00;
	v24 =	vmul.f32 v28, v14;
	[tilespmem:s9+$0xFFFFFFE0] =	vst v27  }
0x2ff: {  	v21 =	vmax.f32 v21, $0.0e+00;
	v19 =	vsub.f32 v19, v15;
	v25 =	vmul.f32 v25, v14;
	[tilespmem:s9+$0xFFFFFFF0] =	vst v23  }
0x300: {  	v21 =	vmul.f32 v21, v14;
	v22 =	vmax.f32 v22, $0.0e+00;
	v17 =	vsub.f32 v17, v15;
	[tilespmem:s9+$0xFFFFFF90] =	vst v24  }
0x301: {  	v22 =	vmul.f32 v22, v14;
	v19 =	vmax.f32 v19, $0.0e+00;
	v16 =	vsub.f32 v16, v15;
	[tilespmem:s8+$0x0] =	vst v25  }
0x302: {  	[tilespmem:s8+$0xFFFFFFA0] =	vst v21;
	v19 =	vmul.f32 v19, v14;
	v17 =	vmax.f32 v17, $0.0e+00;
	v18 =	vsub.f32 v18, v15  }
0x303: {  	v15 =	vsub.f32 v20, v15;
	[tilespmem:s8+$0xFFFFFFB0] =	vst v22;
	v17 =	vmul.f32 v17, v14;
	v16 =	vmax.f32 v16, $0.0e+00  }
0x304: {  	[tilespmem:s8+$0xFFFFFFC0] =	vst v19;
	v16 =	vmul.f32 v16, v14;
	v18 =	vmax.f32 v18, $0.0e+00;
	v19 =	vor.u32 $0x4000, v1  }
0x305: {  	v15 =	vmax.f32 v15, $0.0e+00;
	[tilespmem:s8+$0xFFFFFFD0] =	vst v17;
	v17 =	vmul.f32 v18, v14;
	v18 =	vor.u32 $0x4400, v1  }
0x306: {  	v14 =	vmul.f32 v15, v14;
	[tilespmem:s8+$0xFFFFFFE0] =	vst v16;
	v15 =	vor.u32 $0x4800, v1  }
0x307: {  	v16 =	vor.u32 $0x4C00, v1;
	[tilespmem:s8+$0xFFFFFFF0] =	vst v17  }
0x308: {  	[tilespmem:s8+$0xFFFFFF90] =	vst v14;
	v14 =	vor.u32 $0x5000, v1  }
0x309: {  	v17 =	vld.idx.msk [tilespmem:v19+s2+$0x0], $0xffff;
	v19 =	vor.u32 $0x5400, v1  }
0x30a: {  	v20 =	vor.u32 $0x5800, v1;
	v18 =	vld.idx.msk [tilespmem:v18+s2+$0x0], $0xffff  }
0x30b: {  	v21 =	vor.u32 $0x5C00, v1;
	v15 =	vld.idx.msk [tilespmem:v15+s2+$0x0], $0xffff  }
0x30c: {  	v16 =	vld.idx.msk [tilespmem:v16+s2+$0x0], $0xffff  }
0x30d: {  	v14 =	vld.idx.msk [tilespmem:v14+s2+$0x0], $0xffff  }
0x30e: {  	v19 =	vld.idx.msk [tilespmem:v19+s2+$0x0], $0xffff  }
0x30f: {  	v17 =	vmax.f32 v17, v18;
	v18 =	vld.idx.msk [tilespmem:v20+s2+$0x0], $0xffff  }
0x310: {  	v15 =	vmax.f32 v17, v15;
	v17 =	vld.idx.msk [tilespmem:v21+s2+$0x0], $0xffff  }
0x311: {  	v15 =	vmax.f32 v15, v16  }
0x312: {  	v14 =	vmax.f32 v15, v14  }
0x313: {  	v14 =	vmax.f32 v14, v19  }
0x314: {  	v14 =	vmax.f32 v14, v18  }
0x315: {  	v14 =	vmax.f32 v14, v17  }
0x316: {  	(xrf1) =	vsort.ascd.msk.f32 $0xffff, v14, v14;
	_ =	sdelay $0xd  }
0x317: {  	v14, _, _ =	vpop (xrf1)  }
0x318: {  	s31 =	simm.s32 $0x4070;
	v14 =	vsel vm0, $0xFF800000, v14  }
0x319: {  	v22 =	vld [tilespmem:s31+$0xFFFFFF90];
	(xrf0) =	vmax.scan.msk.f32 $0xffff, v14  }
0x31a: {  	v26 =	vld [tilespmem:s31+$0xFFFFFFA0]  }
0x31b: {  	v31 =	vld [tilespmem:s31+$0xFFFFFFB0]  }
0x31c: {  	v33 =	vld [tilespmem:s31+$0xFFFFFFC0]  }
0x31d: {  	v27 =	vld [tilespmem:s31+$0xFFFFFFD0]  }
0x31e: {  	v30 =	vld [tilespmem:s31+$0xFFFFFFF0]  }
0x31f: {  	v29 =	vld [tilespmem:s31+$0x0];
	v14, _, _ =	vpop (xrf0)  }
0x320: {  	v15 =	vbroadcast v14, $0xF  }
0x321: {  	v16 =	vimm.s32 $0x0  }
0x322: {  	vm3 =	vgt.f32 v22, v15;
	vm4 =	vgt.f32 v26, v15;
	vm2 =	vgt.f32 v31, v15  }
0x323: {  	v14 =	vld [tilespmem:s31+$0xFFFFFFE0];
	vm6 =	vgt.f32 v33, v15;
	vm5 =	vgt.f32 v27, v15;
	vm7 =	vgt.f32 v30, v15  }
0x324: {  	vm10 =	vgt.f32 v29, v15;
	v17 =	vmpcnt.ones.xlane vm3;
	v19 =	vmpcnt.ones.xlane vm4  }
0x325: {  	v18 =	vsel vm3, $0x1, v9;
	v20 =	vmpcnt.ones.xlane vm2;
	v21 =	vmpcnt.ones.xlane vm6  }
0x326: {  	v25 =	vsel vm4, $0x1, v9;
	v28 =	vmpcnt.ones.xlane vm10;
	v32 =	vsel vm6, $0x1, v9  }
0x327: {  	v34 =	vsel vm5, $0x1, v9;
	v36 =	vsel vm7, $0x1, v9;
	v17 =	vadd.s32 v16, v17  }
0x328: {  	v60 =	vsel vm4, $0xFFFFFFFF, v9;
	(xrf0) =	vadd.scan.msk.s32 $0xffff, v18;
	vm8 =	vgt.f32 v14, v15;
	v19 =	vadd.s32 v17, v19  }
0x329: {  	(xrf0) =	vadd.scan.msk.s32 $0xffff, v25;
	v25 =	vsel vm2, $0x1, v9;
	v23 =	vadd.s32 v19, v20;
	v20 =	vmpcnt.ones.xlane vm5  }
0x32a: {  	v61 =	vsel vm10, $0x1, v9;
	v24 =	vmpcnt.ones.xlane vm8;
	(xrf0) =	vadd.scan.msk.s32 $0xffff, v25;
	v21 =	vadd.s32 v23, v21  }
0x32b: {  	v37 =	vsel vm2, $0xFFFFFFFF, v9;
	(xrf0) =	vadd.scan.msk.s32 $0xffff, v32;
	v18 =	vadd.s32 v21, v20;
	v20 =	vmpcnt.ones.xlane vm7  }
0x32c: {  	v38 =	vsel vm6, $0xFFFFFFFF, v9;
	v39 =	vsel vm5, $0xFFFFFFFF, v9;
	v24 =	vadd.s32 v18, v24  }
0x32d: {  	v41 =	vsel vm7, $0xFFFFFFFF, v9;
	v35 =	vsel vm8, $0x1, v9;
	(xrf0) =	vadd.scan.msk.s32 $0xffff, v34;
	v25 =	vadd.s32 v24, v20  }
0x32e: {  	v42 =	vsel vm10, $0xFFFFFFFF, v9;
	(xrf0) =	vadd.scan.msk.s32 $0xffff, v35;
	v62, _, _ =	vpop (xrf0);
	v20 =	vadd.s32 v25, v28;
	v28 =	vsel vm3, $0xFFFFFFFF, v9  }
0x32f: {  	vm13 =	vmmov vm2;
	vm11 =	vmmov vm6;
	vm12 =	vmmov vm5;
	(xrf0) =	vadd.scan.msk.s32 $0xffff, v36;
	v63, _, _ =	vpop (xrf0)  }
0x330: {  	v40 =	vsel vm8, $0xFFFFFFFF, v9;
	v17 =	vadd.s32 v60, v17;
	v19 =	vadd.s32 v37, v19;
	(xrf0) =	vadd.scan.msk.s32 $0xffff, v61;
	v43, _, _ =	vpop (xrf0)  }
0x331: {  	s8 =	simm.s32 $0x40F0;
	v23 =	vadd.s32 v38, v23;
	v17 =	vadd.s32 v63, v17;
	v16 =	vadd.s32 v28, v16;
	v28, _, _ =	vpop (xrf0)  }
0x332: {  	v21 =	vadd.s32 v39, v21;
	v46 =	vadd.s32 $0x8000, v17;
	v17 =	vld [tilespmem:s8+$0xFFFFFFA0];
	v23 =	vadd.s32 v28, v23  }
0x333: {  	v18 =	vadd.s32 v40, v18;
	v19 =	vadd.s32 v43, v19;
	v44 =	vadd.s32 v62, v16;
	v16 =	vld [tilespmem:s8+$0xFFFFFF90];
	v45, _, _ =	vpop (xrf0)  }
0x334: {  	v24 =	vadd.s32 v41, v24;
	v48 =	vadd.s32 $0x8000, v19;
	v19 =	vld [tilespmem:s8+$0xFFFFFFB0];
	v28 =	vadd.s32 $0x8000, v44;
	v47, _, _ =	vpop (xrf0)  }
0x335: {  	v25 =	vadd.s32 v42, v25;
	v21 =	vadd.s32 v45, v21;
	v49 =	vadd.s32 $0x8000, v23;
	v23, _, _ =	vpop (xrf0)  }
0x336: {  	v18 =	vadd.s32 v47, v18;
	v50 =	vadd.s32 $0x8000, v21;
	v24 =	vadd.s32 v23, v24;
	v51, _, _ =	vpop (xrf0);
	v23 =	vld [tilespmem:s8+$0xFFFFFFC0]  }
0x337: {  	v21 =	vadd.s32 $0x8000, v18;
	v52 =	vadd.s32 $0x8000, v24;
	v18 =	vadd.s32 v51, v25;
	v24 =	vld [tilespmem:s8+$0xFFFFFFD0]  }
0x338: {  	vm6 =	vmmov vm8;
	[tilespmem:v46+s2+$0x0] =	vst.idx.msk vm4, v26;
	vm2 =	vgt.f32 v16, v15;
	v37 =	vadd.s32 $0x8000, v18;
	v18 =	vld [tilespmem:s8+$0xFFFFFFE0]  }
0x339: {  	vm5 =	vgt.f32 v19, v15;
	v53 =	vmpcnt.ones.xlane vm2;
	[tilespmem:v28+s2+$0x0] =	vst.idx.msk vm3, v22;
	vm3 =	vgt.f32 v17, v15;
	v25 =	vld [tilespmem:s8+$0xFFFFFFF0]  }
0x33a: {  	[tilespmem:v48+s2+$0x0] =	vst.idx.msk vm13, v31;
	v56 =	vmpcnt.ones.xlane vm5;
	v28 =	vsel vm2, $0x1, v9;
	v22 =	vld [tilespmem:s8+$0x0];
	v55 =	vmpcnt.ones.xlane vm3  }
0x33b: {  	v54 =	vsel vm3, $0x1, v9;
	(xrf0) =	vadd.scan.msk.s32 $0xffff, v28;
	v26 =	vadd.s32 v20, v53;
	vm9 =	vgt.f32 v23, v15  }
0x33c: {  	(xrf0) =	vadd.scan.msk.s32 $0xffff, v54;
	v28 =	vadd.s32 v26, v55;
	v57 =	vmpcnt.ones.xlane vm9;
	vm8 =	vgt.f32 v24, v15  }
0x33d: {  	[tilespmem:v37+s2+$0x0] =	vst.idx.msk vm10, v29;
	v29 =	vadd.s32 v28, v56;
	v58 =	vmpcnt.ones.xlane vm8;
	vm10 =	vgt.f32 v18, v15  }
0x33e: {  	[tilespmem:v52+s2+$0x0] =	vst.idx.msk vm7, v30;
	vm4 =	vgt.f32 v25, v15;
	v30 =	vadd.s32 v29, v57;
	v59 =	vmpcnt.ones.xlane vm10  }
0x33f: {  	[tilespmem:v49+s2+$0x0] =	vst.idx.msk vm11, v33;
	vm7 =	vgt.f32 v22, v15;
	v60 =	vmpcnt.ones.xlane vm4;
	v32 =	vadd.s32 v30, v58  }
0x340: {  	v61 =	vsel vm5, $0x1, v9;
	[tilespmem:v50+s2+$0x0] =	vst.idx.msk vm12, v27;
	v62 =	vmpcnt.ones.xlane vm7;
	v34 =	vadd.s32 v32, v59  }
0x341: {  	v63 =	vsel vm9, $0x1, v9;
	v37 =	vsel vm8, $0x1, v9;
	v31, _, _ =	vpop (xrf0);
	(xrf0) =	vadd.scan.msk.s32 $0xffff, v61;
	v35 =	vadd.s32 v34, v60  }
0x342: {  	s9 =	simm.s32 $0x80;
	v36 =	vsel vm4, $0x1, v9;
	v38 =	vsel vm10, $0x1, v9;
	v33, _, _ =	vpop (xrf0);
	(xrf0) =	vadd.scan.msk.s32 $0xffff, v63;
	v27 =	vadd.s32 v35, v62  }
.LBB2_32:
0x343: {  	s9 =	sadd.s32 $0x80, s9;
	v39 =	vsel vm2, $0xFFFFFFFF, v9;
	v40 =	vsel vm3, $0xFFFFFFFF, v9;
	v41 =	vsel vm7, $0x1, v9;
	(xrf0) =	vadd.scan.msk.s32 $0xffff, v37;
	v37 =	vmovc v23  }
0x344: {  	v23 =	vsel vm5, $0xFFFFFFFF, v9;
	v42 =	vsel vm9, $0xFFFFFFFF, v9;
	v43 =	vsel vm8, $0xFFFFFFFF, v9;
	p0 =	slt.u32 s9, $0x1F80;
	(xrf0) =	vadd.scan.msk.s32 $0xffff, v38;
	v38 =	vmovc v24  }
0x345: {  	v44 =	vsel vm4, $0xFFFFFFFF, v9;
	v45 =	vsel vm7, $0xFFFFFFFF, v9;
	v24 =	vsel vm10, $0xFFFFFFFF, v9;
	(xrf0) =	vadd.scan.msk.s32 $0xffff, v36;
	v36 =	vmovc v25  }
0x346: {  	v24 =	vadd.s32 v24, v32;
	v25 =	vadd.s32 v44, v34;
	v32 =	vadd.s32 v45, v35;
	(xrf0) =	vadd.scan.msk.s32 $0xffff, v41  }
0x347: {  	v23 =	vadd.s32 v23, v28;
	v28 =	vadd.s32 v42, v29;
	v29 =	vadd.s32 v43, v30;
	v30, _, _ =	vpop (xrf0)  }
0x348: {  	v20 =	vadd.s32 v39, v20;
	v26 =	vadd.s32 v40, v26;
	v23 =	vadd.s32 v30, v23;
	v30, _, _ =	vpop (xrf0)  }
0x349: {  	s8 =	sadd.s32 $0x80, s8;
	v20 =	vadd.s32 v31, v20;
	v26 =	vadd.s32 v33, v26;
	v28 =	vadd.s32 v30, v28;
	v30, _, _ =	vpop (xrf0)  }
0x34a: {  	v33 =	vadd.s32 $0x8000, v20;
	v26 =	vadd.s32 $0x8000, v26;
	v31 =	vld [tilespmem:s8+$0xFFFFFF90];
	v41 =	vadd.s32 v30, v29;
	v29, _, _ =	vpop (xrf0);
	[tilespmem:v21+s2+$0x0] =	vst.idx.msk vm6, v14  }
0x34b: {  	v34 =	vadd.s32 $0x8000, v23;
	v35 =	vadd.s32 $0x8000, v28;
	v30 =	vld [tilespmem:s8+$0xFFFFFFA0];
	v28 =	vadd.s32 v29, v24;
	v23, _, _ =	vpop (xrf0)  }
0x34c: {  	v40 =	vadd.s32 $0x8000, v41;
	v39 =	vld [tilespmem:s8+$0xFFFFFFB0];
	v21 =	vadd.s32 $0x8000, v28;
	v24 =	vadd.s32 v23, v25;
	v20, _, _ =	vpop (xrf0)  }
0x34d: {  	v14 =	vmovc v18;
	v29 =	vmovc v22;
	v23 =	vld [tilespmem:s8+$0xFFFFFFC0];
	v41 =	vadd.s32 $0x8000, v24;
	v25 =	vadd.s32 v20, v32;
	v20 =	vmov v27  }
0x34e: {  	vm13 =	vmmov vm5;
	vm11 =	vmmov vm9;
	v24 =	vld [tilespmem:s8+$0xFFFFFFD0];
	v32 =	vadd.s32 $0x8000, v25  }
0x34f: {  	vm12 =	vmmov vm8;
	vm6 =	vmmov vm10;
	v18 =	vld [tilespmem:s8+$0xFFFFFFE0];
	[tilespmem:v33+s2+$0x0] =	vst.idx.msk vm2, v16;
	vm2 =	vgt.f32 v31, v15;
	v16 =	vmovc v31  }
0x350: {  	v28 =	vsel vm2, $0x1, v9;
	v31 =	vmpcnt.ones.xlane vm2;
	v25 =	vld [tilespmem:s8+$0xFFFFFFF0];
	[tilespmem:v26+s2+$0x0] =	vst.idx.msk vm3, v17;
	vm3 =	vgt.f32 v30, v15;
	v17 =	vmovc v30  }
0x351: {  	v30 =	vsel vm3, $0x1, v9;
	v33 =	vmpcnt.ones.xlane vm3;
	vm5 =	vgt.f32 v39, v15;
	v22 =	vld [tilespmem:s8+$0x0];
	(xrf0) =	vadd.scan.msk.s32 $0xffff, v28  }
0x352: {  	v26 =	vadd.s32 v27, v31;
	v27 =	vmpcnt.ones.xlane vm5;
	vm9 =	vgt.f32 v23, v15;
	(xrf0) =	vadd.scan.msk.s32 $0xffff, v30  }
0x353: {  	v28 =	vadd.s32 v26, v33;
	v30 =	vmpcnt.ones.xlane vm9;
	vm8 =	vgt.f32 v24, v15;
	[tilespmem:v32+s2+$0x0] =	vst.idx.msk vm7, v29  }
0x354: {  	v29 =	vadd.s32 v28, v27;
	v27 =	vmpcnt.ones.xlane vm8;
	vm10 =	vgt.f32 v18, v15;
	[tilespmem:v41+s2+$0x0] =	vst.idx.msk vm4, v36  }
.Ltmp22:
0x355: {  	v30 =	vadd.s32 v29, v30;
	v36 =	vmpcnt.ones.xlane vm10;
	vm4 =	vgt.f32 v25, v15;
	[tilespmem:v34+s2+$0x0] =	vst.idx.msk vm13, v19;
	(pc) =	sbr.rel @p0 .LBB2_32-.Ltmp22, $4  }
0x356: {  	v32 =	vadd.s32 v30, v27;
	v42 =	vmpcnt.ones.xlane vm4;
	vm7 =	vgt.f32 v22, v15;
	[tilespmem:v35+s2+$0x0] =	vst.idx.msk vm11, v37  }
0x357: {  	v27 =	vsel vm5, $0x1, v9;
	v34 =	vadd.s32 v32, v36;
	v41 =	vmpcnt.ones.xlane vm7;
	v31, _, _ =	vpop (xrf0);
	[tilespmem:v40+s2+$0x0] =	vst.idx.msk vm12, v38  }
0x358: {  	v37 =	vsel vm8, $0x1, v9;
	v40 =	vsel vm9, $0x1, v9;
	v35 =	vadd.s32 v34, v42;
	v33, _, _ =	vpop (xrf0);
	(xrf0) =	vadd.scan.msk.s32 $0xffff, v27  }
0x359: {  	v19 =	vmovc v39;
	v38 =	vsel vm10, $0x1, v9;
	v36 =	vsel vm4, $0x1, v9;
	v27 =	vadd.s32 v35, v41;
	(xrf0) =	vadd.scan.msk.s32 $0xffff, v40  }
0x35a: {  	(xrf0) =	vadd.scan.msk.s32 $0xffff, v37  }
0x35b: {  	(xrf0) =	vadd.scan.msk.s32 $0xffff, v38  }
0x35c: {  	v15 =	vsel vm7, $0x1, v9;
	(xrf0) =	vadd.scan.msk.s32 $0xffff, v36  }
0x35d: {  	(xrf0) =	vadd.scan.msk.s32 $0xffff, v15;
	v15 =	vxor.u32 $0x80000000, v27;
	_ =	sdelay $0x1  }
0x35e: {  	v50, _, _ =	vpop (xrf0);
	(xrf0) =	vmax.scan.msk.u32 $0xffff, v15  }
0x35f: {  	v15, _, _ =	vpop (xrf0)  }
0x360: {  	v51, _, _ =	vpop (xrf0)  }
0x361: {  	v52, _, _ =	vpop (xrf0)  }
0x362: {  	v53, _, _ =	vpop (xrf0)  }
0x363: {  	v39, _, _ =	vpop (xrf0)  }
0x364: {  	v40, _, _ =	vpop (xrf0)  }
0x365: {  	(v2sf) =	vpush v40, $0xF  }
0x366: {  	v54 =	vsel vm2, $0xFFFFFFFF, v9  }
0x367: {  	v41 =	vsel vm3, $0xFFFFFFFF, v9;
	v42 =	vsel vm5, $0xFFFFFFFF, v9;
	v20 =	vadd.s32 v54, v20  }
0x368: {  	v43 =	vsel vm10, $0xFFFFFFFF, v9;
	v44 =	vsel vm4, $0xFFFFFFFF, v9;
	v20 =	vadd.s32 v31, v20  }
0x369: {  	v55 =	vsel vm9, $0xFFFFFFFF, v9;
	v56 =	vsel vm8, $0xFFFFFFFF, v9;
	v20 =	vadd.s32 $0x8000, v20  }
0x36a: {  	v57 =	vsel vm7, $0xFFFFFFFF, v9;
	vm13 =	vmmov vm5;
	v26 =	vadd.s32 v41, v26  }
0x36b: {  	v32 =	vadd.s32 v43, v32;
	v28 =	vadd.s32 v42, v28;
	v26 =	vadd.s32 v33, v26  }
0x36c: {  	v29 =	vadd.s32 v55, v29;
	v26 =	vadd.s32 $0x8000, v26;
	v27 =	vadd.s32 v50, v28  }
0x36d: {  	[tilespmem:v21+s2+$0x0] =	vst.idx.msk vm6, v14;
	v30 =	vadd.s32 v56, v30;
	v14 =	vadd.s32 $0x8000, v27;
	v15 =	vadd.s32 v15, v29  }
0x36e: {  	v61 =	vadd.s32 v51, v30;
	v15 =	vadd.s32 $0x8000, v15;
	[tilespmem:v20+s2+$0x0] =	vst.idx.msk vm2, v16;
	vm2 =	vmmov vm8  }
0x36f: {  	v34 =	vadd.s32 v44, v34;
	v62 =	vadd.s32 v52, v32;
	v63 =	vadd.s32 $0x8000, v61  }
0x370: {  	v35 =	vadd.s32 v57, v35;
	v59 =	vadd.s32 v53, v34;
	v16 =	vadd.s32 $0x8000, v62  }
0x371: {  	[tilespmem:v26+s2+$0x0] =	vst.idx.msk vm3, v17;
	v58 =	vadd.s32 v39, v35;
	v60 =	vadd.s32 $0x8000, v59  }
0x372: {  	[tilespmem:v14+s2+$0x0] =	vst.idx.msk vm13, v19;
	v31 =	vadd.s32 $0x8000, v58  }
.Ltmp23:
0x373: {  	[tilespmem:v15+s2+$0x0] =	vst.idx.msk vm9, v23;
	(pc) =	sbr.rel .LBB2_34-.Ltmp23, $4  }
0x374: {  	[tilespmem:v63+s2+$0x0] =	vst.idx.msk vm2, v24;
	s8 =	spop (v2sf)  }
0x375: {  	s16 =	simm.s32 $0x8000;
	s10 =	simm.s32 $0x41;
	[tilespmem:v16+s2+$0x0] =	vst.idx.msk vm10, v18;
	s12 =	sxor.u32 $0x80000000, s8  }
0x376: {  	s9 =	simm.s32 $0x0;
	s13 =	simm.s32 $0x0;
	[tilespmem:v60+s2+$0x0] =	vst.idx.msk vm4, v25;
	p0 =	sgt.s32 s12, $0x40  }
0x377: {  	vm14 =	vmmov vm9;
	vm15 =	vmmov vm10;
	[tilespmem:v31+s2+$0x0] =	vst.idx.msk vm7, v22;
	s8 =	simm.f32 $0.0e+00;
	s12 =	simm.s32 @!p0 $0x2000;
	s16 =	simm.s32 @!p0 $0x4000  }
.LBB2_35:
0x378: {  	v14 =	vimm.f32 $0.0e+00;
	v15 =	vimm.s32 $0x80000000;
	v16 =	vimm.s32 $0x80000000  }
.LBB2_43:
0x379: {  	(xrf0) =	vmax.scan.msk.u32 $0xffff, v15  }
0x37a: {  	(xrf0) =	vmax.scan.msk.u32 $0xffff, v16;
	_ =	sdelay $0x2  }
0x37b: {  	(xrf2) =	vadd.scan.msk.f32 $0xffff, v14;
	_ =	sdelay $0x1  }
0x37c: {  	v14, _, _ =	vpop (xrf0)  }
0x37d: {  	(v2sf) =	vpush v14, $0xF;
	v14, _, _ =	vpop (xrf0)  }
0x37e: {  	(v2sf) =	vpush v14, $0xF;
	_ =	sdelay $0x5  }
0x37f: {  	v14, _, _ =	vpop (xrf2)  }
0x380: {  	(v2sf) =	vpush v14, $0xF;
	_ =	sdelay $0x6  }
0x381: {  	s16 =	spop (v2sf)  }
0x382: {  	s17 =	spop (v2sf)  }
0x383: {  	s16 =	sxor.u32 $0x80000000, s16;
	s17 =	sxor.u32 $0x80000000, s17  }
0x384: {  	s18 =	sadd.s32 s17, s16  }
0x385: {  	s12 =	ssub.s32 s12, s18  }
0x386: {  	s18 =	scvt.s32.f32 s12;
	_ =	sdelay $0x1  }
0x387: {  	p1 =	sle.s32 s10, s16;
	s18 =	smul.f32 s18, s11  }
0x388: {  	s19 =	spop (v2sf);
	s20 =	sadd.s32 s16, s12;
	s12 =	smov.u32 s17  }
0x389: {  	p0 =	sgt.s32 s10, s20;
	s12 =	smov.u32 @p1 s16;
	s18 =	sadd.f32 s18, s19  }
0x38a: {  	s14 =	smov.u32 @p1 s15;
	p0 =	por p1, p0;
	p2 =	slt.s32 s12, $0x41  }
0x38b: {  	s16 =	smov.u32 @p0 s20;
	s20 =	simm.s32 @p1 $0x0;
	s19 =	smov.u32 @p0 s18  }
0x38c: {  	s16 =	simm.s32 @p1 $0x0;
	s19 =	simm.s32 @p1 $0x0;
	p1 =	por p2, !p0  }
.Ltmp24:
0x38d: {  	_ = 	snop;
	(pc) =	sbr.rel @p1 .LBB2_44-.Ltmp24, $3  }
0x38e: {  	_ =	sdelay $0x1  }
0x38f: {  	s13 =	sxor.u32 $0x1, s13;
	s10 =	ssub.s32 s10, s20  }
0x390: {  	s9 =	sadd.s32 s9, s16;
	s16 =	smov.u32 s14;
	s8 =	sadd.f32 s19, s8  }
.LBB2_34:
0x391: {  	s14 =	sadd.s32 $0x1, s12;
	s15 =	sshrl.u32 s12, $0x3  }
0x392: {  	p0 =	slt.u32 s12, $0x7FFFFFFF;
	s18 =	simm.s32 $0x1;
	s19 =	sadd.s32 $0xFFFFFFFF, s12  }
0x393: {  	s11 =	ssub.s32 s14, s10;
	s15 =	sadd.s32 $0x8, s15;
	s18 =	simm.s32 @!p0 $0x0  }
0x394: {  	s20 =	sshra.s32 s14, $0x1F;
	s21 =	smov.u32 s19;
	s22 =	sand.u32 $0x1, s14  }
0x395: {  	s24 =	sshrl.u32 s14, $0x1F;
	s17 =	sadd.s32 s10, s15;
	s18 =	sadd.s32 s18, s20  }
0x396: {  	p1 =	seq.s32 s22, $0x1;
	p0 =	slt.s32 s17, s19;
	p4 =	sne.s32 s18, $0x1  }
0x397: {  	s22 =	simm.s32 $0x1;
	s21 =	smov.u32 @p0 s17;
	p0 =	por !p4, !p1  }
0x398: {  	s15 =	sadd.s32 s15, s11;
	s17 =	smul.u32 $0x11, s21;
	p0 =	por !p0, !p0  }
0x399: {  	s21 =	sadd.s32 s24, s14;
	s22 =	simm.s32 @!p0 $0x0;
	p0 =	slt.s32 s15, s19  }
0x39a: {  	s21 =	sshra.s32 s21, $0x1;
	s19 =	smov.u32 @p0 s15  }
0x39b: {  	s21 =	ssub.s32 s21, s22;
	s19 =	smul.u32 $0x11, s19  }
0x39c: {  	s17 =	sadd.s32 s17, s21  }
0x39d: {  	s28 =	sshrl.u32 s12, $0x4;
	s25 =	sshra.s32 s17, $0x1F;
	s19 =	sadd.s32 s19, s21  }
0x39e: {  	s23 =	sxor.u32 s20, s14;
	s26 =	sxor.u32 s25, s17;
	s21 =	sshra.s32 s19, $0x1F  }
0x39f: {  	s23 =	ssub.s32 s23, s20;
	s22 =	ssub.s32 s26, s25;
	s24 =	sxor.u32 s21, s19  }
0x3a0: {  	v14 =	vmul.u32 s28, v0;
	(drf) =	sdiv.u32 s22, s23;
	s29 =	ssub.s32 s24, s21  }
0x3a1: {  	(drf) =	sdiv.u32 s29, s23  }
0x3a2: {  	v14 =	vadd.s32 s16, v14;
	_ =	sdelay $0x4  }
0x3a3: {  	v14 =	vld.idx.msk [tilespmem:v14+s2+$0x0], $0xffff;
	p0 =	sgt.s32 s17, $0x0  }
0x3a4: {  	s15 =	sxor.u32 s20, s25;
	s20 =	sxor.u32 s20, s21;
	s23 =	simm.s32 $0x1  }
0x3a5: {  	s23 =	simm.s32 @!p0 $0x0;
	p0 =	slt.s32 s17, $0x0;
	s30 =	spop (drf)  }
0x3a6: {  	s23 =	simm.s32 @p0 $0xFFFFFFFF;
	s22 =	sxor.u32 s15, s30;
	s31 =	spop (drf)  }
0x3a7: {  	p0 =	sgt.s32 s19, $0x0;
	s15 =	ssub.s32 s22, s15;
	s22 =	sxor.u32 s20, s31  }
0x3a8: {  	(xrf1) =	vsort.ascd.msk.f32 $0xffff, v14, v14;
	s24 =	smul.u32 s14, s15;
	s20 =	ssub.s32 s22, s20;
	s22 =	simm.s32 $0x1  }
0x3a9: {  	s22 =	simm.s32 @!p0 $0x0;
	p0 =	slt.s32 s19, $0x0;
	s14 =	smul.u32 s14, s20  }
0x3aa: {  	p5 =	sne.s32 s23, s18;
	s22 =	simm.s32 @p0 $0xFFFFFFFF  }
0x3ab: {  	p2 =	sne.s32 s17, s24;
	p3 =	sne.s32 s22, s18;
	p4 =	sne.s32 s19, s14  }
0x3ac: {  	s17 =	simm.s32 $0x1;
	p6 =	por !p5, !p2;
	p1 =	por !p3, !p4  }
0x3ad: {  	p0 =	por !p6, !p6;
	s14 =	simm.s32 $0x1;
	p1 =	por !p1, !p1  }
0x3ae: {  	s14 =	simm.s32 @!p0 $0x0;
	s17 =	simm.s32 @!p1 $0x0  }
0x3af: {  	s14 =	ssub.s32 s15, s14;
	s15 =	ssub.s32 s20, s17  }
0x3b0: {  	p0 =	sgt.s32 s14, $0x1;
	p1 =	sgt.s32 s15, $0x1  }
0x3b1: {  	s14 =	simm.s32 @!p0 $0x1;
	s15 =	simm.s32 @!p1 $0x1  }
0x3b2: {  	s25 =	smax.u32 s14, $0x10;
	s15 =	smin.u32 s15, $0x10  }
0x3b3: {  	p0 =	sgt.s32 s10, s11;
	s14 =	ssub.s32 s25, s14;
	s15 =	sadd.s32 $0xFFFFFFFF, s15  }
0x3b4: {  	s14 =	smov.u32 @p0 s15  }
0x3b5: {  	v14 =	vmov s14  }
0x3b6: {  	v15, _, _ =	vpop (xrf1);
	vm2 =	veq.s32 v14, v0  }
0x3b7: {  	v14 =	vnsel vm2, $0xFF800000, v15  }
0x3b8: {  	(xrf0) =	vmax.scan.msk.f32 $0xffff, v14;
	_ =	sdelay $0x5  }
0x3b9: {  	v14, _, _ =	vpop (xrf0)  }
0x3ba: {  	(v2sf) =	vpush v14, $0xF;
	_ =	sdelay $0x2  }
0x3bb: {  	s26 =	sadd.s32 $0xF, s12  }
0x3bc: {  	s28 =	sand.u32 $0xF, s26  }
0x3bd: {  	s29 =	sshra.s32 s26, $0x1F;
	p5 =	slt.s32 s26, $0x0;
	p6 =	sne.s32 s28, $0x0  }
0x3be: {  	s30 =	sshrl.u32 s29, $0x1C;
	p0 =	por !p5, !p6  }
0x3bf: {  	s11 =	sadd.s32 s30, s26;
	p0 =	por !p0, !p0;
	s14 =	simm.s32 $0x1  }
0x3c0: {  	s11 =	sshra.s32 s11, $0x4;
	s14 =	simm.s32 @!p0 $0x0  }
0x3c1: {  	s18 =	ssub.s32 s11, s14  }
0x3c2: {  	p1 =	slt.s32 s18, $0x1  }
.Ltmp25:
0x3c3: {  	_ = 	snop;
	(pc) =	sbr.rel @p1 .LBB2_35-.Ltmp25, $3  }
0x3c4: {  	_ =	sdelay $0x1  }
0x3c5: {  	s31 =	sshll.u32 s13, $0xE;
	p0 =	seq.s32 s13, $0x0;
	s14 =	simm.s32 $0xC000  }
0x3c6: {  	s15 =	sadd.s32 $0xA000, s31;
	s14 =	simm.s32 @!p0 $0x8000;
	s11 =	spop (v2sf)  }
0x3c7: {  	p1 =	sne.s32 s18, $0x1  }
.Ltmp26:
0x3c8: {  	_ = 	snop;
	(pc) =	sbr.rel @!p1 .LBB2_37-.Ltmp26, $3  }
0x3c9: {  	_ =	sdelay $0x1  }
0x3ca: {  	v18 =	vbroadcast v14, $0xF;
	v19 =	vmov s12;
	v17 =	vmov s15  }
0x3cb: {  	v16 =	vmov s14;
	v24 =	vimm.s32 $0x0;
	v14 =	vimm.f32 $0.0e+00;
	s17 =	simm.s32 $0x0;
	v15 =	vld [tilespmem:s16+$0x0];
	s19 =	sadd.s32 $0xFFFFFFFF, s18;
	p0 =	por $0x0, $0x0  }
0x3cc: {  	_ =	sdelay $0x2  }
0x3cd: {  	v20 =	vor.u32 s17, v0  }
0x3ce: {  	vm2 =	vlt.s32 v20, v19;
	vm3 =	vgt.f32 v15, v18  }
0x3cf: {  	vm4 =	vlt.f32 v15, v18;
	vm3 =	vmand vm2, vm3  }
0x3d0: {  	vm2 =	vmand vm2, vm4;
	v20 =	vsel vm3, $0x1, v9  }
0x3d1: {  	v21 =	vsel vm2, $0x1, v9;
	(xrf0) =	vadd.scan.msk.s32 $0xffff, v20  }
0x3d2: {  	(xrf0) =	vadd.scan.msk.s32 $0xffff, v21;
	_ =	sdelay $0x2  }
0x3d3: {  	v22 =	vsel vm2, $0xFFFFFFFF, v9  }
0x3d4: {  	v20 =	vsel vm3, $0xFFFFFFFF, v9;
	v21 =	vadd.s32 v17, v24  }
0x3d5: {  	v20 =	vadd.s32 v20, v21;
	v21 =	vadd.s32 v16, v24;
	v23, _, _ =	vpop (xrf0)  }
0x3d6: {  	v21 =	vadd.s32 v22, v21;
	v20 =	vadd.s32 v23, v20;
	v22, _, _ =	vpop (xrf0)  }
0x3d7: {  	v21 =	vadd.s32 v22, v21;
	_ =	sdelay $0x1  }
0x3d8: {  	p1 =	sne.s32 s19, $0x1  }
.Ltmp27:
0x3d9: {  	v22 =	vmpcnt.ones.xlane vm3;
	(pc) =	sbr.rel @!p1 .LBB2_39-.Ltmp27, $4  }
0x3da: {  	v25 =	vmpcnt.ones.xlane vm2;
	[tilespmem:v20+s2+$0x0] =	vst.idx.msk vm3, v15  }
0x3db: {  	s18 =	sadd.s32 $0x10, s16;
	[tilespmem:v21+s2+$0x0] =	vst.idx.msk vm2, v15  }
0x3dc: {  	v26 =	vnsel vm3, $0x0, v15;
	v23 =	vadd.s32 v24, v22;
	v20 =	vadd.s32 v24, v25;
	v15 =	vld [tilespmem:s18+$0x0]  }
0x3dd: {  	s19 =	sadd.s32 $0xFFFFFFFF, s19;
	p0 =	por $0x1, $0x1;
	s16 =	simm.s32 $0x0;
	v14 =	vadd.f32 v26, v14;
	v21 =	vmov v23;
	v22 =	vmov v20  }
.LBB2_40:
0x3de: {  	p1 =	sne.s32 s19, $0x1  }
0x3df: {  	s16 =	sadd.s32 $0x10, s16  }
0x3e0: {  	v24 =	vor.u32 s16, v0  }
0x3e1: {  	vm3 =	vlt.s32 v24, v19;
	vm2 =	vgt.f32 v15, v18  }
0x3e2: {  	vm4 =	vlt.f32 v15, v18;
	vm2 =	vmand vm3, vm2  }
0x3e3: {  	vm3 =	vmand vm3, vm4;
	v24 =	vsel vm2, $0x1, v9;
	v25 =	vmpcnt.ones.xlane vm2  }
0x3e4: {  	v26 =	vsel vm3, $0x1, v9;
	v27 =	vmpcnt.ones.xlane vm3;
	v28 =	vnsel vm2, $0x0, v15;
	(xrf0) =	vadd.scan.msk.s32 $0xffff, v24  }
0x3e5: {  	v14 =	vadd.f32 v28, v14;
	v23 =	vadd.s32 v23, v25;
	(xrf0) =	vadd.scan.msk.s32 $0xffff, v26  }
0x3e6: {  	v20 =	vadd.s32 v20, v27;
	_ =	sdelay $0x2  }
0x3e7: {  	v24 =	vsel vm2, $0xFFFFFFFF, v9;
	v27 =	vadd.s32 v17, v21;
	v21 =	vmov v23  }
0x3e8: {  	v28 =	vsel vm3, $0xFFFFFFFF, v9;
	v24 =	vadd.s32 v24, v27;
	v27 =	vadd.s32 v16, v22;
	v25, _, _ =	vpop (xrf0)  }
0x3e9: {  	v22 =	vmov v20;
	v24 =	vadd.s32 v25, v24;
	v25 =	vadd.s32 v28, v27;
	v26, _, _ =	vpop (xrf0)  }
0x3ea: {  	v25 =	vadd.s32 v26, v25;
	_ =	sdelay $0x2  }
.Ltmp28:
0x3eb: {  	(pc) =	sbr.rel @p1 .LBB2_40-.Ltmp28, $4  }
0x3ec: {  	[tilespmem:v24+s2+$0x0] =	vst.idx.msk vm2, v15  }
0x3ed: {  	s18 =	sadd.s32 $0x10, s18;
	[tilespmem:v25+s2+$0x0] =	vst.idx.msk vm3, v15  }
0x3ee: {  	v15 =	vld [tilespmem:s18+$0x0]  }
0x3ef: {  	s19 =	sadd.s32 $0xFFFFFFFF, s19  }
0x3f0: {  	v24 =	vmov v23  }
.LBB2_42:
0x3f1: {  	s16 =	sadd.s32 @p0 $0x10, s16  }
0x3f2: {  	s17 =	smov.u32 @p0 s16  }
0x3f3: {  	v23 =	vor.u32 s17, v0  }
0x3f4: {  	vm3 =	vgt.f32 v15, v18;
	vm2 =	vlt.s32 v23, v19  }
0x3f5: {  	vm4 =	vlt.f32 v15, v18;
	vm3 =	vmand vm2, vm3  }
0x3f6: {  	vm2 =	vmand vm2, vm4;
	v18 =	vsel vm3, $0x1, v9  }
0x3f7: {  	v19 =	vsel vm2, $0x1, v9;
	(xrf0) =	vadd.scan.msk.s32 $0xffff, v18  }
0x3f8: {  	(xrf0) =	vadd.scan.msk.s32 $0xffff, v19;
	_ =	sdelay $0x1  }
0x3f9: {  	v18 =	vsel vm3, $0xFFFFFFFF, v9;
	_ =	sdelay $0x1  }
0x3fa: {  	v17 =	vadd.s32 v17, v21  }
0x3fb: {  	v16 =	vadd.s32 v16, v22;
	v19 =	vsel vm2, $0xFFFFFFFF, v9;
	v17 =	vadd.s32 v18, v17;
	v18, _, _ =	vpop (xrf0)  }
0x3fc: {  	v16 =	vadd.s32 v19, v16;
	v17 =	vadd.s32 v18, v17;
	v18, _, _ =	vpop (xrf0)  }
0x3fd: {  	v16 =	vadd.s32 v18, v16  }
.Ltmp29:
0x3fe: {  	_ = 	snop;
	(pc) =	sbr.rel .LBB2_43-.Ltmp29, $3  }
0x3ff: {  	v19 =	vmpcnt.ones.xlane vm2;
	v18 =	vmpcnt.ones.xlane vm3;
	_ =	sdelay $0x1  }
0x400: {  	v63 =	vnsel vm3, $0x0, v15;
	v19 =	vadd.s32 v20, v19;
	v18 =	vadd.s32 v24, v18;
	[tilespmem:v17+s2+$0x0] =	vst.idx.msk vm3, v15  }
0x401: {  	v14 =	vadd.f32 v63, v14;
	[tilespmem:v16+s2+$0x0] =	vst.idx.msk vm2, v15;
	v15 =	vxor.u32 $0x80000000, v18;
	v16 =	vxor.u32 $0x80000000, v19  }
.LBB2_37:
.Ltmp30:
0x402: {  	(pc) =	sbr.rel .LBB2_42-.Ltmp30, $2  }
0x403: {  	_ =	sdelay $0x2  }
0x404: {  	s16 =	simm.s32 $0x0;
	v20 =	vimm.s32 $0x0;
	v21 =	vimm.s32 $0x0;
	v22 =	vimm.s32 $0x0  }
.LBB2_39:
.Ltmp31:
0x405: {  	(pc) =	sbr.rel .LBB2_42-.Ltmp31, $2  }
0x406: {  	_ =	sdelay $0x2  }
0x407: {  	s16 =	simm.s32 $0x0;
	v24 =	vmov v23;
	v21 =	vmov v23;
	v22 =	vmov v20  }
.LBB2_44:
0x408: {  	v14 =	vld [tilespmem:s14+$0x0]  }
0x409: {  	v15 =	vld [tilespmem:s14+$0x10];
	_ =	sdelay $0x1  }
0x40a: {  	v16 =	vmov s12  }
0x40b: {  	vm2 =	vgt.s32 v16, v0  }
0x40c: {  	v14 =	vnsel vm2, $0xFF800000, v14;
	vm2 =	vgt.s32 v16, v10  }
0x40d: {  	v15 =	vnsel vm2, $0xFF800000, v15;
	(xrf1) =	vsort.ascd.msk.f32 $0xffff, v14, v14  }
0x40e: {  	(xrf1) =	vsort.ascd.msk.f32 $0xffff, v15, v15;
	_ =	sdelay $0xc  }
0x40f: {  	v17, _, _ =	vpop (xrf1)  }
0x410: {  	v18 =	vld [tilespmem:s14+$0x20];
	v19, _, _ =	vpop (xrf1)  }
0x411: {  	v20 =	vld [tilespmem:s14+$0x30];
	v19 =	vperm.xlane v19, v13;
	_ =	sdelay $0x1  }
0x412: {  	v21 =	vmin.f32 v17, v19  }
0x413: {  	vm2 =	vgt.s32 v16, v11;
	v17 =	vmax.f32 v17, v19;
	(xrf1) =	vsort.ascd.msk.f32 $0xffff, v21, v21  }
0x414: {  	v18 =	vnsel vm2, $0xFF800000, v18;
	vm2 =	vgt.s32 v16, v12;
	(xrf1) =	vsort.ascd.msk.f32 $0xffff, v17, v17  }
0x415: {  	v16 =	vnsel vm2, $0xFF800000, v20;
	(xrf1) =	vsort.ascd.msk.f32 $0xffff, v18, v18  }
0x416: {  	(xrf1) =	vsort.ascd.msk.f32 $0xffff, v16, v16;
	_ =	sdelay $0xa  }
0x417: {  	v17, _, _ =	vpop (xrf1)  }
0x418: {  	v19, _, _ =	vpop (xrf1)  }
0x419: {  	v20, _, _ =	vpop (xrf1)  }
0x41a: {  	v21, _, _ =	vpop (xrf1)  }
0x41b: {  	v21 =	vperm.xlane v21, v13;
	_ =	sdelay $0x1  }
0x41c: {  	v22 =	vmin.f32 v20, v21  }
0x41d: {  	v20 =	vmax.f32 v20, v21;
	(xrf1) =	vsort.ascd.msk.f32 $0xffff, v22, v22  }
0x41e: {  	(xrf1) =	vsort.ascd.msk.f32 $0xffff, v20, v20;
	_ =	sdelay $0xc  }
0x41f: {  	v20, _, _ =	vpop (xrf1)  }
0x420: {  	v21, _, _ =	vpop (xrf1)  }
0x421: {  	v20 =	vperm.xlane v20, v13;
	v21 =	vperm.xlane v21, v13;
	_ =	sdelay $0x1  }
0x422: {  	v23 =	vmin.f32 v19, v20;
	v22 =	vmin.f32 v17, v21  }
0x423: {  	v17 =	vmax.f32 v17, v21;
	v21 =	vmin.f32 v22, v23  }
0x424: {  	(xrf1) =	vsort.ascd.msk.f32 $0xffff, v21, v21  }
0x425: {  	v19 =	vmax.f32 v19, v20;
	v20 =	vmax.f32 v22, v23  }
0x426: {  	(xrf1) =	vsort.ascd.msk.f32 $0xffff, v20, v20;
	v20 =	vmin.f32 v17, v19  }
0x427: {  	v17 =	vmax.f32 v17, v19;
	(xrf1) =	vsort.ascd.msk.f32 $0xffff, v20, v20  }
0x428: {  	(xrf1) =	vsort.ascd.msk.f32 $0xffff, v17, v17;
	_ =	sdelay $0x6  }
0x429: {  	s24 =	ssub.s32 $0x40, s10  }
0x42a: {  	s13 =	sand.u32 $0xF, s24  }
0x42b: {  	v17 =	vmov s13  }
0x42c: {  	vm2 =	veq.s32 v17, v0;
	v19, _, _ =	vpop (xrf1)  }
0x42d: {  	v19 =	vnsel vm2, $0xFF800000, v19  }
0x42e: {  	v17, _, _ =	vpop (xrf1)  }
0x42f: {  	v20, _, _ =	vpop (xrf1);
	(xrf0) =	vmax.scan.msk.f32 $0xffff, v19;
	v17 =	vnsel vm2, $0xFF800000, v17  }
0x430: {  	(xrf0) =	vmax.scan.msk.f32 $0xffff, v17;
	v17 =	vnsel vm2, $0xFF800000, v20;
	v19, _, _ =	vpop (xrf1)  }
0x431: {  	(xrf0) =	vmax.scan.msk.f32 $0xffff, v17;
	v17 =	vnsel vm2, $0xFF800000, v19  }
0x432: {  	(xrf0) =	vmax.scan.msk.f32 $0xffff, v17;
	_ =	sdelay $0x2  }
0x433: {  	v17, _, _ =	vpop (xrf0)  }
0x434: {  	v19, _, _ =	vpop (xrf0);
	(v2sf) =	vpush v17, $0xF  }
0x435: {  	v17, _, _ =	vpop (xrf0);
	(v2sf) =	vpush v19, $0xF  }
0x436: {  	(v2sf) =	vpush v17, $0xF;
	v17, _, _ =	vpop (xrf0)  }
0x437: {  	(v2sf) =	vpush v17, $0xF;
	_ =	sdelay $0x2  }
0x438: {  	s25 =	sshra.s32 s24, $0x1F  }
0x439: {  	p1 =	sne.s32 s10, $0x40;
	s10 =	simm.s32 $0x1;
	s26 =	sshrl.u32 s25, $0x1C  }
0x43a: {  	s10 =	simm.s32 @!p1 $0x0;
	s14 =	sadd.s32 s26, s24  }
0x43b: {  	s10 =	sor.u32 s10, s25;
	s28 =	sand.u32 $0xFFFFFFF0, s14  }
0x43c: {  	p6 =	sne.s32 s10, $0x1;
	p2 =	sne.s32 s24, s28  }
0x43d: {  	p1 =	por !p2, !p6  }
0x43e: {  	s10 =	simm.s32 $0x1;
	p1 =	por !p1, !p1  }
0x43f: {  	s29 =	sshra.s32 s14, $0x4;
	s10 =	simm.s32 @!p1 $0x0  }
0x440: {  	s10 =	ssub.s32 s29, s10  }
0x441: {  	p1 =	seq.s32 s10, $0x0;
	s12 =	spop (v2sf)  }
0x442: {  	s13 =	spop (v2sf);
	s12 =	simm.s32 @!p1 $0xFF800000;
	p1 =	seq.s32 s10, $0x1  }
0x443: {  	s12 =	smov.u32 @p1 s13;
	p1 =	seq.s32 s10, $0x2;
	s13 =	spop (v2sf)  }
0x444: {  	s12 =	smov.u32 @p1 s13;
	p1 =	seq.s32 s10, $0x3;
	s10 =	spop (v2sf)  }
0x445: {  	vm3 =	vmmov vm1;
	s12 =	smov.u32 @p1 s10  }
0x446: {  	vm3 =	vmneg @p0 vm3;
	s11 =	smov.u32 @p0 s12  }
0x447: {  	vm2 =	vgt.f32 v14, s11;
	v14 =	vadd.f32 $0.0e+00, v14;
	vm4 =	vgt.f32 v15, s11  }
0x448: {  	vm2 =	vmand vm3, vm2;
	vm4 =	vmand vm3, vm4  }
0x449: {  	vm5 =	vgt.f32 v18, s11;
	v14 =	vnsel vm2, $0x0, v14;
	v15 =	vnsel vm4, $0x0, v15  }
0x44a: {  	vm5 =	vmand vm3, vm5;
	v14 =	vadd.f32 v15, v14  }
0x44b: {  	vm6 =	vgt.f32 v16, s11;
	v15 =	vnsel vm5, $0x0, v18  }
0x44c: {  	vm3 =	vmand vm3, vm6;
	v14 =	vadd.f32 v14, v15  }
0x44d: {  	v15 =	vnsel vm3, $0x0, v16  }
0x44e: {  	v14 =	vadd.f32 v14, v15  }
0x44f: {  	v16 =	vmpcnt.ones.xlane vm4;
	v15 =	vmpcnt.ones.xlane vm2  }
0x450: {  	v17 =	vmpcnt.ones.xlane vm5;
	(xrf2) =	vadd.scan.msk.f32 $0xffff, v14  }
0x451: {  	v14 =	vadd.s32 v15, v16;
	v15 =	vmpcnt.ones.xlane vm3  }
0x452: {  	v14 =	vadd.s32 v17, v14  }
0x453: {  	v14 =	vadd.s32 v15, v14  }
0x454: {  	v14 =	vxor.u32 $0x80000000, v14  }
0x455: {  	(xrf0) =	vmax.scan.msk.u32 $0xffff, v14;
	_ =	sdelay $0x4  }
0x456: {  	v14, _, _ =	vpop (xrf2)  }
0x457: {  	(v2sf) =	vpush v14, $0xF;
	v14, _, _ =	vpop (xrf0)  }
0x458: {  	(v2sf) =	vpush v14, $0xF;
	_ =	sdelay $0xd  }
0x459: {  	s30 =	spop (v2sf)  }
0x45a: {  	s31 =	spop (v2sf)  }
0x45b: {  	s9 =	sadd.s32 s31, s9  }
0x45c: {  	s9 =	sadd.s32 $0x80000000, s9  }
0x45d: {  	s9 =	scvt.s32.f32 s9;
	_ =	sdelay $0x1  }
0x45e: {  	s8 =	sadd.f32 s30, s8;
	s9 =	smul.f32 s9, s11  }
0x45f: {  	_ = 	snop  }
0x460: {  	s8 =	ssub.f32 s8, s9;
	_ =	sdelay $0x1  }
0x461: {  	s8 =	sadd.f32 $1.000000010e-07, s8;
	_ =	sdelay $0x1  }
0x462: {  	v14 =	vmov s8  }
0x463: {  	(erf) = vrcp.f32 v14  }
0x464: {  	s9 =	simm.s32 $0x4070  }
0x465: {  	v14 =	vld [tilespmem:s9+$0x0]  }
0x466: {  	v16 =	vld [tilespmem:s9+$0xFFFFFFA0]  }
0x467: {  	v17 =	vld [tilespmem:s9+$0xFFFFFFB0]  }
0x468: {  	v18 =	vld [tilespmem:s9+$0xFFFFFFC0]  }
0x469: {  	v15 =	vmov s11;
	v19 =	vld [tilespmem:s9+$0xFFFFFFD0]  }
0x46a: {  	v20 =	vld [tilespmem:s9+$0xFFFFFFE0];
	v21 =	vsub.f32 v14, v15  }
0x46b: {  	v22 =	vld [tilespmem:s9+$0xFFFFFFF0];
	v16 =	vsub.f32 v16, v15  }
0x46c: {  	v23 =	vld [tilespmem:s9+$0xFFFFFF90];
	s8 =	simm.s32 $0x40F0;
	v17 =	vsub.f32 v17, v15;
	v21 =	vmax.f32 v21, $0.0e+00;
	v14 =	vpop (erf)  }
0x46d: {  	v24 =	vld [tilespmem:s8+$0x0];
	v18 =	vsub.f32 v18, v15;
	v16 =	vmax.f32 v16, $0.0e+00;
	v21 =	vmul.f32 v21, v14  }
0x46e: {  	v25 =	vld [tilespmem:s8+$0xFFFFFFA0];
	v26 =	vsub.f32 v19, v15;
	v17 =	vmax.f32 v17, $0.0e+00;
	v16 =	vmul.f32 v16, v14  }
0x46f: {  	v27 =	vld [tilespmem:s8+$0xFFFFFFB0];
	v28 =	vmul.f32 v17, v14;
	v17 =	vmax.f32 v18, $0.0e+00;
	v18 =	vsub.f32 v20, v15;
	[tilespmem:s9+$0x0] =	vst v21  }
0x470: {  	v19 =	vld [tilespmem:s8+$0xFFFFFFC0];
	v20 =	vmul.f32 v17, v14;
	[tilespmem:s9+$0xFFFFFFA0] =	vst v16;
	v16 =	vmax.f32 v26, $0.0e+00;
	v21 =	vsub.f32 v22, v15  }
0x471: {  	v17 =	vld [tilespmem:s8+$0xFFFFFFD0];
	v22 =	vsub.f32 v23, v15;
	[tilespmem:s9+$0xFFFFFFB0] =	vst v28;
	v18 =	vmax.f32 v18, $0.0e+00;
	v23 =	vmul.f32 v16, v14  }
0x472: {  	v24 =	vsub.f32 v24, v15;
	v16 =	vld [tilespmem:s8+$0xFFFFFFE0];
	[tilespmem:s9+$0xFFFFFFC0] =	vst v20;
	v26 =	vmul.f32 v18, v14;
	v20 =	vmax.f32 v21, $0.0e+00  }
0x473: {  	v18 =	vld [tilespmem:s8+$0xFFFFFFF0];
	v21 =	vsub.f32 v25, v15;
	v63 =	vmax.f32 v22, $0.0e+00;
	[tilespmem:s9+$0xFFFFFFD0] =	vst v23;
	v23 =	vmul.f32 v20, v14  }
0x474: {  	s10 =	simm.s32 $0x80;
	s11 =	simm.s32 $0x4170;
	v22 =	vsub.f32 v27, v15;
	v25 =	vmax.f32 v24, $0.0e+00;
	v20 =	vld [tilespmem:s8+$0xFFFFFF90];
	v24 =	vmul.f32 v63, v14;
	[tilespmem:s9+$0xFFFFFFE0] =	vst v26  }
.LBB2_45:
0x475: {  	v26 =	vld [tilespmem:s11+$0x0];
	s10 =	sadd.s32 $0x80, s10;
	v21 =	vmax.f32 v21, $0.0e+00;
	v19 =	vsub.f32 v19, v15;
	v25 =	vmul.f32 v25, v14;
	[tilespmem:s9+$0xFFFFFFF0] =	vst v23  }
0x476: {  	v23 =	vld [tilespmem:s11+$0xFFFFFFA0];
	p0 =	slt.u32 s10, $0x1F80;
	v21 =	vmul.f32 v21, v14;
	v22 =	vmax.f32 v22, $0.0e+00;
	v17 =	vsub.f32 v17, v15;
	[tilespmem:s9+$0xFFFFFF90] =	vst v24;
	s9 =	smov.u32 s8;
	s8 =	smov.u32 s11  }
0x477: {  	v24 =	vld [tilespmem:s11+$0xFFFFFFB0];
	v22 =	vmul.f32 v22, v14;
	v27 =	vmax.f32 v19, $0.0e+00;
	v16 =	vsub.f32 v16, v15;
	[tilespmem:s9+$0x0] =	vst v25  }
.Ltmp32:
0x478: {  	v19 =	vld [tilespmem:s11+$0xFFFFFFC0];
	[tilespmem:s9+$0xFFFFFFA0] =	vst v21;
	v21 =	vmul.f32 v27, v14;
	v25 =	vmax.f32 v17, $0.0e+00;
	v18 =	vsub.f32 v18, v15;
	(pc) =	sbr.rel @p0 .LBB2_45-.Ltmp32, $4  }
0x479: {  	v17 =	vld [tilespmem:s11+$0xFFFFFFD0];
	v20 =	vsub.f32 v20, v15;
	[tilespmem:s9+$0xFFFFFFB0] =	vst v22;
	v22 =	vmul.f32 v25, v14;
	v25 =	vmax.f32 v16, $0.0e+00  }
0x47a: {  	v16 =	vld [tilespmem:s11+$0xFFFFFFE0];
	v26 =	vsub.f32 v26, v15;
	[tilespmem:s9+$0xFFFFFFC0] =	vst v21;
	v27 =	vmul.f32 v25, v14;
	v25 =	vmax.f32 v18, $0.0e+00  }
0x47b: {  	v21 =	vsub.f32 v23, v15;
	v18 =	vld [tilespmem:s11+$0xFFFFFFF0];
	v28 =	vmax.f32 v20, $0.0e+00;
	[tilespmem:s9+$0xFFFFFFD0] =	vst v22;
	v23 =	vmul.f32 v25, v14  }
0x47c: {  	s11 =	sadd.s32 $0x80, s11;
	v20 =	vld [tilespmem:s8+$0xFFFFFF90];
	v22 =	vsub.f32 v24, v15;
	v25 =	vmax.f32 v26, $0.0e+00;
	v24 =	vmul.f32 v28, v14;
	[tilespmem:s9+$0xFFFFFFE0] =	vst v27  }
0x47d: {  	v21 =	vmax.f32 v21, $0.0e+00;
	v19 =	vsub.f32 v19, v15;
	v25 =	vmul.f32 v25, v14;
	[tilespmem:s9+$0xFFFFFFF0] =	vst v23  }
0x47e: {  	v21 =	vmul.f32 v21, v14;
	v22 =	vmax.f32 v22, $0.0e+00;
	v17 =	vsub.f32 v17, v15;
	[tilespmem:s9+$0xFFFFFF90] =	vst v24  }
0x47f: {  	v22 =	vmul.f32 v22, v14;
	v19 =	vmax.f32 v19, $0.0e+00;
	v16 =	vsub.f32 v16, v15;
	[tilespmem:s8+$0x0] =	vst v25  }
0x480: {  	[tilespmem:s8+$0xFFFFFFA0] =	vst v21;
	v19 =	vmul.f32 v19, v14;
	v17 =	vmax.f32 v17, $0.0e+00;
	v18 =	vsub.f32 v18, v15  }
0x481: {  	v15 =	vsub.f32 v20, v15;
	[tilespmem:s8+$0xFFFFFFB0] =	vst v22;
	v17 =	vmul.f32 v17, v14;
	v16 =	vmax.f32 v16, $0.0e+00  }
0x482: {  	[tilespmem:s8+$0xFFFFFFC0] =	vst v19;
	v16 =	vmul.f32 v16, v14;
	v18 =	vmax.f32 v18, $0.0e+00;
	v19 =	vor.u32 $0x6000, v1  }
0x483: {  	v15 =	vmax.f32 v15, $0.0e+00;
	[tilespmem:s8+$0xFFFFFFD0] =	vst v17;
	v17 =	vmul.f32 v18, v14;
	v18 =	vor.u32 $0x6400, v1  }
0x484: {  	v14 =	vmul.f32 v15, v14;
	[tilespmem:s8+$0xFFFFFFE0] =	vst v16;
	v15 =	vor.u32 $0x6800, v1  }
0x485: {  	v16 =	vor.u32 $0x6C00, v1;
	[tilespmem:s8+$0xFFFFFFF0] =	vst v17  }
0x486: {  	[tilespmem:s8+$0xFFFFFF90] =	vst v14;
	v14 =	vor.u32 $0x7000, v1  }
0x487: {  	v17 =	vld.idx.msk [tilespmem:v19+s2+$0x0], $0xffff;
	v19 =	vor.u32 $0x7400, v1  }
0x488: {  	v20 =	vor.u32 $0x7800, v1;
	v18 =	vld.idx.msk [tilespmem:v18+s2+$0x0], $0xffff  }
0x489: {  	v21 =	vor.u32 $0x7C00, v1;
	v15 =	vld.idx.msk [tilespmem:v15+s2+$0x0], $0xffff  }
0x48a: {  	v16 =	vld.idx.msk [tilespmem:v16+s2+$0x0], $0xffff  }
0x48b: {  	v14 =	vld.idx.msk [tilespmem:v14+s2+$0x0], $0xffff  }
0x48c: {  	v19 =	vld.idx.msk [tilespmem:v19+s2+$0x0], $0xffff  }
0x48d: {  	v17 =	vmax.f32 v17, v18;
	v18 =	vld.idx.msk [tilespmem:v20+s2+$0x0], $0xffff  }
0x48e: {  	v15 =	vmax.f32 v17, v15;
	v17 =	vld.idx.msk [tilespmem:v21+s2+$0x0], $0xffff  }
0x48f: {  	v15 =	vmax.f32 v15, v16  }
0x490: {  	v14 =	vmax.f32 v15, v14  }
0x491: {  	v14 =	vmax.f32 v14, v19  }
0x492: {  	v14 =	vmax.f32 v14, v18  }
0x493: {  	v14 =	vmax.f32 v14, v17  }
0x494: {  	(xrf1) =	vsort.ascd.msk.f32 $0xffff, v14, v14;
	_ =	sdelay $0xd  }
0x495: {  	v14, _, _ =	vpop (xrf1)  }
0x496: {  	s31 =	simm.s32 $0x6070;
	v14 =	vsel vm0, $0xFF800000, v14  }
0x497: {  	v22 =	vld [tilespmem:s31+$0xFFFFFF90];
	(xrf0) =	vmax.scan.msk.f32 $0xffff, v14  }
0x498: {  	v26 =	vld [tilespmem:s31+$0xFFFFFFA0]  }
0x499: {  	v31 =	vld [tilespmem:s31+$0xFFFFFFB0]  }
0x49a: {  	v33 =	vld [tilespmem:s31+$0xFFFFFFC0]  }
0x49b: {  	v27 =	vld [tilespmem:s31+$0xFFFFFFD0]  }
0x49c: {  	v30 =	vld [tilespmem:s31+$0xFFFFFFF0]  }
0x49d: {  	v29 =	vld [tilespmem:s31+$0x0];
	v14, _, _ =	vpop (xrf0)  }
0x49e: {  	v15 =	vbroadcast v14, $0xF  }
0x49f: {  	v16 =	vimm.s32 $0x0  }
0x4a0: {  	vm3 =	vgt.f32 v22, v15;
	vm4 =	vgt.f32 v26, v15;
	vm2 =	vgt.f32 v31, v15  }
0x4a1: {  	v14 =	vld [tilespmem:s31+$0xFFFFFFE0];
	vm6 =	vgt.f32 v33, v15;
	vm5 =	vgt.f32 v27, v15;
	vm7 =	vgt.f32 v30, v15  }
0x4a2: {  	vm10 =	vgt.f32 v29, v15;
	v17 =	vmpcnt.ones.xlane vm3;
	v19 =	vmpcnt.ones.xlane vm4  }
0x4a3: {  	v18 =	vsel vm3, $0x1, v9;
	v20 =	vmpcnt.ones.xlane vm2;
	v21 =	vmpcnt.ones.xlane vm6  }
0x4a4: {  	v25 =	vsel vm4, $0x1, v9;
	v28 =	vmpcnt.ones.xlane vm10;
	v32 =	vsel vm6, $0x1, v9  }
0x4a5: {  	v34 =	vsel vm5, $0x1, v9;
	v36 =	vsel vm7, $0x1, v9;
	v17 =	vadd.s32 v16, v17  }
0x4a6: {  	v60 =	vsel vm4, $0xFFFFFFFF, v9;
	(xrf0) =	vadd.scan.msk.s32 $0xffff, v18;
	vm8 =	vgt.f32 v14, v15;
	v19 =	vadd.s32 v17, v19  }
0x4a7: {  	(xrf0) =	vadd.scan.msk.s32 $0xffff, v25;
	v25 =	vsel vm2, $0x1, v9;
	v23 =	vadd.s32 v19, v20;
	v20 =	vmpcnt.ones.xlane vm5  }
0x4a8: {  	v61 =	vsel vm10, $0x1, v9;
	v24 =	vmpcnt.ones.xlane vm8;
	(xrf0) =	vadd.scan.msk.s32 $0xffff, v25;
	v21 =	vadd.s32 v23, v21  }
0x4a9: {  	v37 =	vsel vm2, $0xFFFFFFFF, v9;
	(xrf0) =	vadd.scan.msk.s32 $0xffff, v32;
	v18 =	vadd.s32 v21, v20;
	v20 =	vmpcnt.ones.xlane vm7  }
0x4aa: {  	v38 =	vsel vm6, $0xFFFFFFFF, v9;
	v39 =	vsel vm5, $0xFFFFFFFF, v9;
	v24 =	vadd.s32 v18, v24  }
0x4ab: {  	v41 =	vsel vm7, $0xFFFFFFFF, v9;
	v35 =	vsel vm8, $0x1, v9;
	(xrf0) =	vadd.scan.msk.s32 $0xffff, v34;
	v25 =	vadd.s32 v24, v20  }
0x4ac: {  	v42 =	vsel vm10, $0xFFFFFFFF, v9;
	(xrf0) =	vadd.scan.msk.s32 $0xffff, v35;
	v62, _, _ =	vpop (xrf0);
	v20 =	vadd.s32 v25, v28;
	v28 =	vsel vm3, $0xFFFFFFFF, v9  }
0x4ad: {  	vm13 =	vmmov vm2;
	vm11 =	vmmov vm6;
	vm12 =	vmmov vm5;
	(xrf0) =	vadd.scan.msk.s32 $0xffff, v36;
	v63, _, _ =	vpop (xrf0)  }
0x4ae: {  	v40 =	vsel vm8, $0xFFFFFFFF, v9;
	v17 =	vadd.s32 v60, v17;
	v19 =	vadd.s32 v37, v19;
	(xrf0) =	vadd.scan.msk.s32 $0xffff, v61;
	v43, _, _ =	vpop (xrf0)  }
0x4af: {  	s8 =	simm.s32 $0x60F0;
	v23 =	vadd.s32 v38, v23;
	v17 =	vadd.s32 v63, v17;
	v16 =	vadd.s32 v28, v16;
	v28, _, _ =	vpop (xrf0)  }
0x4b0: {  	v21 =	vadd.s32 v39, v21;
	v46 =	vadd.s32 $0x8000, v17;
	v17 =	vld [tilespmem:s8+$0xFFFFFFA0];
	v23 =	vadd.s32 v28, v23  }
0x4b1: {  	v18 =	vadd.s32 v40, v18;
	v19 =	vadd.s32 v43, v19;
	v44 =	vadd.s32 v62, v16;
	v16 =	vld [tilespmem:s8+$0xFFFFFF90];
	v45, _, _ =	vpop (xrf0)  }
0x4b2: {  	v24 =	vadd.s32 v41, v24;
	v48 =	vadd.s32 $0x8000, v19;
	v19 =	vld [tilespmem:s8+$0xFFFFFFB0];
	v28 =	vadd.s32 $0x8000, v44;
	v47, _, _ =	vpop (xrf0)  }
0x4b3: {  	v25 =	vadd.s32 v42, v25;
	v21 =	vadd.s32 v45, v21;
	v49 =	vadd.s32 $0x8000, v23;
	v23, _, _ =	vpop (xrf0)  }
0x4b4: {  	v18 =	vadd.s32 v47, v18;
	v50 =	vadd.s32 $0x8000, v21;
	v24 =	vadd.s32 v23, v24;
	v51, _, _ =	vpop (xrf0);
	v23 =	vld [tilespmem:s8+$0xFFFFFFC0]  }
0x4b5: {  	v21 =	vadd.s32 $0x8000, v18;
	v52 =	vadd.s32 $0x8000, v24;
	v18 =	vadd.s32 v51, v25;
	v24 =	vld [tilespmem:s8+$0xFFFFFFD0]  }
0x4b6: {  	vm6 =	vmmov vm8;
	[tilespmem:v46+s2+$0x0] =	vst.idx.msk vm4, v26;
	vm2 =	vgt.f32 v16, v15;
	v37 =	vadd.s32 $0x8000, v18;
	v18 =	vld [tilespmem:s8+$0xFFFFFFE0]  }
0x4b7: {  	vm5 =	vgt.f32 v19, v15;
	v53 =	vmpcnt.ones.xlane vm2;
	[tilespmem:v28+s2+$0x0] =	vst.idx.msk vm3, v22;
	vm3 =	vgt.f32 v17, v15;
	v25 =	vld [tilespmem:s8+$0xFFFFFFF0]  }
0x4b8: {  	[tilespmem:v48+s2+$0x0] =	vst.idx.msk vm13, v31;
	v56 =	vmpcnt.ones.xlane vm5;
	v28 =	vsel vm2, $0x1, v9;
	v22 =	vld [tilespmem:s8+$0x0];
	v55 =	vmpcnt.ones.xlane vm3  }
0x4b9: {  	v54 =	vsel vm3, $0x1, v9;
	(xrf0) =	vadd.scan.msk.s32 $0xffff, v28;
	v26 =	vadd.s32 v20, v53;
	vm9 =	vgt.f32 v23, v15  }
0x4ba: {  	(xrf0) =	vadd.scan.msk.s32 $0xffff, v54;
	v28 =	vadd.s32 v26, v55;
	v57 =	vmpcnt.ones.xlane vm9;
	vm8 =	vgt.f32 v24, v15  }
0x4bb: {  	[tilespmem:v37+s2+$0x0] =	vst.idx.msk vm10, v29;
	v29 =	vadd.s32 v28, v56;
	v58 =	vmpcnt.ones.xlane vm8;
	vm10 =	vgt.f32 v18, v15  }
0x4bc: {  	[tilespmem:v52+s2+$0x0] =	vst.idx.msk vm7, v30;
	vm4 =	vgt.f32 v25, v15;
	v30 =	vadd.s32 v29, v57;
	v59 =	vmpcnt.ones.xlane vm10  }
0x4bd: {  	[tilespmem:v49+s2+$0x0] =	vst.idx.msk vm11, v33;
	vm7 =	vgt.f32 v22, v15;
	v60 =	vmpcnt.ones.xlane vm4;
	v32 =	vadd.s32 v30, v58  }
0x4be: {  	v61 =	vsel vm5, $0x1, v9;
	[tilespmem:v50+s2+$0x0] =	vst.idx.msk vm12, v27;
	v62 =	vmpcnt.ones.xlane vm7;
	v34 =	vadd.s32 v32, v59  }
0x4bf: {  	v63 =	vsel vm9, $0x1, v9;
	v37 =	vsel vm8, $0x1, v9;
	v31, _, _ =	vpop (xrf0);
	(xrf0) =	vadd.scan.msk.s32 $0xffff, v61;
	v35 =	vadd.s32 v34, v60  }
0x4c0: {  	s9 =	simm.s32 $0x80;
	v36 =	vsel vm4, $0x1, v9;
	v38 =	vsel vm10, $0x1, v9;
	v33, _, _ =	vpop (xrf0);
	(xrf0) =	vadd.scan.msk.s32 $0xffff, v63;
	v27 =	vadd.s32 v35, v62  }
.LBB2_47:
0x4c1: {  	s9 =	sadd.s32 $0x80, s9;
	v39 =	vsel vm2, $0xFFFFFFFF, v9;
	v40 =	vsel vm3, $0xFFFFFFFF, v9;
	v41 =	vsel vm7, $0x1, v9;
	(xrf0) =	vadd.scan.msk.s32 $0xffff, v37;
	v37 =	vmovc v23  }
0x4c2: {  	v23 =	vsel vm5, $0xFFFFFFFF, v9;
	v42 =	vsel vm9, $0xFFFFFFFF, v9;
	v43 =	vsel vm8, $0xFFFFFFFF, v9;
	p0 =	slt.u32 s9, $0x1F80;
	(xrf0) =	vadd.scan.msk.s32 $0xffff, v38;
	v38 =	vmovc v24  }
0x4c3: {  	v44 =	vsel vm4, $0xFFFFFFFF, v9;
	v45 =	vsel vm7, $0xFFFFFFFF, v9;
	v24 =	vsel vm10, $0xFFFFFFFF, v9;
	(xrf0) =	vadd.scan.msk.s32 $0xffff, v36;
	v36 =	vmovc v25  }
0x4c4: {  	v24 =	vadd.s32 v24, v32;
	v25 =	vadd.s32 v44, v34;
	v32 =	vadd.s32 v45, v35;
	(xrf0) =	vadd.scan.msk.s32 $0xffff, v41  }
0x4c5: {  	v23 =	vadd.s32 v23, v28;
	v28 =	vadd.s32 v42, v29;
	v29 =	vadd.s32 v43, v30;
	v30, _, _ =	vpop (xrf0)  }
0x4c6: {  	v20 =	vadd.s32 v39, v20;
	v26 =	vadd.s32 v40, v26;
	v23 =	vadd.s32 v30, v23;
	v30, _, _ =	vpop (xrf0)  }
0x4c7: {  	s8 =	sadd.s32 $0x80, s8;
	v20 =	vadd.s32 v31, v20;
	v26 =	vadd.s32 v33, v26;
	v28 =	vadd.s32 v30, v28;
	v30, _, _ =	vpop (xrf0)  }
0x4c8: {  	v33 =	vadd.s32 $0x8000, v20;
	v26 =	vadd.s32 $0x8000, v26;
	v31 =	vld [tilespmem:s8+$0xFFFFFF90];
	v41 =	vadd.s32 v30, v29;
	v29, _, _ =	vpop (xrf0);
	[tilespmem:v21+s2+$0x0] =	vst.idx.msk vm6, v14  }
0x4c9: {  	v34 =	vadd.s32 $0x8000, v23;
	v35 =	vadd.s32 $0x8000, v28;
	v30 =	vld [tilespmem:s8+$0xFFFFFFA0];
	v28 =	vadd.s32 v29, v24;
	v23, _, _ =	vpop (xrf0)  }
0x4ca: {  	v40 =	vadd.s32 $0x8000, v41;
	v39 =	vld [tilespmem:s8+$0xFFFFFFB0];
	v21 =	vadd.s32 $0x8000, v28;
	v24 =	vadd.s32 v23, v25;
	v20, _, _ =	vpop (xrf0)  }
0x4cb: {  	v14 =	vmovc v18;
	v29 =	vmovc v22;
	v23 =	vld [tilespmem:s8+$0xFFFFFFC0];
	v41 =	vadd.s32 $0x8000, v24;
	v25 =	vadd.s32 v20, v32;
	v20 =	vmov v27  }
0x4cc: {  	vm13 =	vmmov vm5;
	vm11 =	vmmov vm9;
	v24 =	vld [tilespmem:s8+$0xFFFFFFD0];
	v32 =	vadd.s32 $0x8000, v25  }
0x4cd: {  	vm12 =	vmmov vm8;
	vm6 =	vmmov vm10;
	v18 =	vld [tilespmem:s8+$0xFFFFFFE0];
	[tilespmem:v33+s2+$0x0] =	vst.idx.msk vm2, v16;
	vm2 =	vgt.f32 v31, v15;
	v16 =	vmovc v31  }
0x4ce: {  	v28 =	vsel vm2, $0x1, v9;
	v31 =	vmpcnt.ones.xlane vm2;
	v25 =	vld [tilespmem:s8+$0xFFFFFFF0];
	[tilespmem:v26+s2+$0x0] =	vst.idx.msk vm3, v17;
	vm3 =	vgt.f32 v30, v15;
	v17 =	vmovc v30  }
0x4cf: {  	v30 =	vsel vm3, $0x1, v9;
	v33 =	vmpcnt.ones.xlane vm3;
	vm5 =	vgt.f32 v39, v15;
	v22 =	vld [tilespmem:s8+$0x0];
	(xrf0) =	vadd.scan.msk.s32 $0xffff, v28  }
0x4d0: {  	v26 =	vadd.s32 v27, v31;
	v27 =	vmpcnt.ones.xlane vm5;
	vm9 =	vgt.f32 v23, v15;
	(xrf0) =	vadd.scan.msk.s32 $0xffff, v30  }
0x4d1: {  	v28 =	vadd.s32 v26, v33;
	v30 =	vmpcnt.ones.xlane vm9;
	vm8 =	vgt.f32 v24, v15;
	[tilespmem:v32+s2+$0x0] =	vst.idx.msk vm7, v29  }
0x4d2: {  	v29 =	vadd.s32 v28, v27;
	v27 =	vmpcnt.ones.xlane vm8;
	vm10 =	vgt.f32 v18, v15;
	[tilespmem:v41+s2+$0x0] =	vst.idx.msk vm4, v36  }
.Ltmp33:
0x4d3: {  	v30 =	vadd.s32 v29, v30;
	v36 =	vmpcnt.ones.xlane vm10;
	vm4 =	vgt.f32 v25, v15;
	[tilespmem:v34+s2+$0x0] =	vst.idx.msk vm13, v19;
	(pc) =	sbr.rel @p0 .LBB2_47-.Ltmp33, $4  }
0x4d4: {  	v32 =	vadd.s32 v30, v27;
	v42 =	vmpcnt.ones.xlane vm4;
	vm7 =	vgt.f32 v22, v15;
	[tilespmem:v35+s2+$0x0] =	vst.idx.msk vm11, v37  }
0x4d5: {  	v27 =	vsel vm5, $0x1, v9;
	v34 =	vadd.s32 v32, v36;
	v41 =	vmpcnt.ones.xlane vm7;
	v31, _, _ =	vpop (xrf0);
	[tilespmem:v40+s2+$0x0] =	vst.idx.msk vm12, v38  }
0x4d6: {  	v37 =	vsel vm8, $0x1, v9;
	v40 =	vsel vm9, $0x1, v9;
	v35 =	vadd.s32 v34, v42;
	v33, _, _ =	vpop (xrf0);
	(xrf0) =	vadd.scan.msk.s32 $0xffff, v27  }
0x4d7: {  	v19 =	vmovc v39;
	v38 =	vsel vm10, $0x1, v9;
	v36 =	vsel vm4, $0x1, v9;
	v27 =	vadd.s32 v35, v41;
	(xrf0) =	vadd.scan.msk.s32 $0xffff, v40  }
0x4d8: {  	(xrf0) =	vadd.scan.msk.s32 $0xffff, v37  }
0x4d9: {  	(xrf0) =	vadd.scan.msk.s32 $0xffff, v38  }
0x4da: {  	v15 =	vsel vm7, $0x1, v9;
	(xrf0) =	vadd.scan.msk.s32 $0xffff, v36  }
0x4db: {  	(xrf0) =	vadd.scan.msk.s32 $0xffff, v15;
	v15 =	vxor.u32 $0x80000000, v27;
	_ =	sdelay $0x1  }
0x4dc: {  	v50, _, _ =	vpop (xrf0);
	(xrf0) =	vmax.scan.msk.u32 $0xffff, v15  }
0x4dd: {  	v15, _, _ =	vpop (xrf0)  }
0x4de: {  	v51, _, _ =	vpop (xrf0)  }
0x4df: {  	v52, _, _ =	vpop (xrf0)  }
0x4e0: {  	v53, _, _ =	vpop (xrf0)  }
0x4e1: {  	v39, _, _ =	vpop (xrf0)  }
0x4e2: {  	v40, _, _ =	vpop (xrf0)  }
0x4e3: {  	(v2sf) =	vpush v40, $0xF  }
0x4e4: {  	v54 =	vsel vm2, $0xFFFFFFFF, v9  }
0x4e5: {  	v41 =	vsel vm3, $0xFFFFFFFF, v9;
	v42 =	vsel vm5, $0xFFFFFFFF, v9;
	v20 =	vadd.s32 v54, v20  }
0x4e6: {  	v43 =	vsel vm10, $0xFFFFFFFF, v9;
	v44 =	vsel vm4, $0xFFFFFFFF, v9;
	v20 =	vadd.s32 v31, v20  }
0x4e7: {  	v55 =	vsel vm9, $0xFFFFFFFF, v9;
	v56 =	vsel vm8, $0xFFFFFFFF, v9;
	v20 =	vadd.s32 $0x8000, v20  }
0x4e8: {  	v57 =	vsel vm7, $0xFFFFFFFF, v9;
	vm13 =	vmmov vm5;
	v26 =	vadd.s32 v41, v26  }
0x4e9: {  	v32 =	vadd.s32 v43, v32;
	v28 =	vadd.s32 v42, v28;
	v26 =	vadd.s32 v33, v26  }
0x4ea: {  	v29 =	vadd.s32 v55, v29;
	v26 =	vadd.s32 $0x8000, v26;
	v27 =	vadd.s32 v50, v28  }
0x4eb: {  	[tilespmem:v21+s2+$0x0] =	vst.idx.msk vm6, v14;
	v30 =	vadd.s32 v56, v30;
	v14 =	vadd.s32 $0x8000, v27;
	v15 =	vadd.s32 v15, v29  }
0x4ec: {  	v61 =	vadd.s32 v51, v30;
	v15 =	vadd.s32 $0x8000, v15;
	[tilespmem:v20+s2+$0x0] =	vst.idx.msk vm2, v16;
	vm2 =	vmmov vm8  }
0x4ed: {  	v34 =	vadd.s32 v44, v34;
	v62 =	vadd.s32 v52, v32;
	v63 =	vadd.s32 $0x8000, v61  }
0x4ee: {  	v35 =	vadd.s32 v57, v35;
	v59 =	vadd.s32 v53, v34;
	v16 =	vadd.s32 $0x8000, v62  }
0x4ef: {  	[tilespmem:v26+s2+$0x0] =	vst.idx.msk vm3, v17;
	v58 =	vadd.s32 v39, v35;
	v60 =	vadd.s32 $0x8000, v59  }
0x4f0: {  	[tilespmem:v14+s2+$0x0] =	vst.idx.msk vm13, v19;
	v31 =	vadd.s32 $0x8000, v58  }
.Ltmp34:
0x4f1: {  	[tilespmem:v15+s2+$0x0] =	vst.idx.msk vm9, v23;
	(pc) =	sbr.rel .LBB2_49-.Ltmp34, $4  }
0x4f2: {  	[tilespmem:v63+s2+$0x0] =	vst.idx.msk vm2, v24;
	s8 =	spop (v2sf)  }
0x4f3: {  	s16 =	simm.s32 $0x8000;
	s10 =	simm.s32 $0x41;
	[tilespmem:v16+s2+$0x0] =	vst.idx.msk vm10, v18;
	s12 =	sxor.u32 $0x80000000, s8  }
0x4f4: {  	s9 =	simm.s32 $0x0;
	s13 =	simm.s32 $0x0;
	[tilespmem:v60+s2+$0x0] =	vst.idx.msk vm4, v25;
	p0 =	sgt.s32 s12, $0x40  }
0x4f5: {  	vm14 =	vmmov vm9;
	vm15 =	vmmov vm10;
	[tilespmem:v31+s2+$0x0] =	vst.idx.msk vm7, v22;
	s8 =	simm.f32 $0.0e+00;
	s12 =	simm.s32 @!p0 $0x2000;
	s16 =	simm.s32 @!p0 $0x6000  }
.LBB2_50:
0x4f6: {  	v14 =	vimm.f32 $0.0e+00;
	v15 =	vimm.s32 $0x80000000;
	v16 =	vimm.s32 $0x80000000  }
.LBB2_58:
0x4f7: {  	(xrf0) =	vmax.scan.msk.u32 $0xffff, v15  }
0x4f8: {  	(xrf0) =	vmax.scan.msk.u32 $0xffff, v16;
	_ =	sdelay $0x2  }
0x4f9: {  	(xrf2) =	vadd.scan.msk.f32 $0xffff, v14;
	_ =	sdelay $0x1  }
0x4fa: {  	v14, _, _ =	vpop (xrf0)  }
0x4fb: {  	(v2sf) =	vpush v14, $0xF;
	v14, _, _ =	vpop (xrf0)  }
0x4fc: {  	(v2sf) =	vpush v14, $0xF;
	_ =	sdelay $0x5  }
0x4fd: {  	v14, _, _ =	vpop (xrf2)  }
0x4fe: {  	(v2sf) =	vpush v14, $0xF;
	_ =	sdelay $0x6  }
0x4ff: {  	s16 =	spop (v2sf)  }
0x500: {  	s17 =	spop (v2sf)  }
0x501: {  	s16 =	sxor.u32 $0x80000000, s16;
	s17 =	sxor.u32 $0x80000000, s17  }
0x502: {  	s18 =	sadd.s32 s17, s16  }
0x503: {  	s12 =	ssub.s32 s12, s18  }
0x504: {  	s18 =	scvt.s32.f32 s12;
	_ =	sdelay $0x1  }
0x505: {  	p1 =	sle.s32 s10, s16;
	s18 =	smul.f32 s18, s11  }
0x506: {  	s19 =	spop (v2sf);
	s20 =	sadd.s32 s16, s12;
	s12 =	smov.u32 s17  }
0x507: {  	p0 =	sgt.s32 s10, s20;
	s12 =	smov.u32 @p1 s16;
	s18 =	sadd.f32 s18, s19  }
0x508: {  	s14 =	smov.u32 @p1 s15;
	p0 =	por p1, p0;
	p2 =	slt.s32 s12, $0x41  }
0x509: {  	s16 =	smov.u32 @p0 s20;
	s20 =	simm.s32 @p1 $0x0;
	s19 =	smov.u32 @p0 s18  }
0x50a: {  	s16 =	simm.s32 @p1 $0x0;
	s19 =	simm.s32 @p1 $0x0;
	p1 =	por p2, !p0  }
.Ltmp35:
0x50b: {  	_ = 	snop;
	(pc) =	sbr.rel @p1 .LBB2_59-.Ltmp35, $3  }
0x50c: {  	_ =	sdelay $0x1  }
0x50d: {  	s13 =	sxor.u32 $0x1, s13;
	s10 =	ssub.s32 s10, s20  }
0x50e: {  	s9 =	sadd.s32 s9, s16;
	s16 =	smov.u32 s14;
	s8 =	sadd.f32 s19, s8  }
.LBB2_49:
0x50f: {  	s14 =	sadd.s32 $0x1, s12;
	s15 =	sshrl.u32 s12, $0x3  }
0x510: {  	p0 =	slt.u32 s12, $0x7FFFFFFF;
	s18 =	simm.s32 $0x1;
	s19 =	sadd.s32 $0xFFFFFFFF, s12  }
0x511: {  	s11 =	ssub.s32 s14, s10;
	s15 =	sadd.s32 $0x8, s15;
	s18 =	simm.s32 @!p0 $0x0  }
0x512: {  	s20 =	sshra.s32 s14, $0x1F;
	s21 =	smov.u32 s19;
	s22 =	sand.u32 $0x1, s14  }
0x513: {  	s24 =	sshrl.u32 s14, $0x1F;
	s17 =	sadd.s32 s10, s15;
	s18 =	sadd.s32 s18, s20  }
0x514: {  	p1 =	seq.s32 s22, $0x1;
	p0 =	slt.s32 s17, s19;
	p4 =	sne.s32 s18, $0x1  }
0x515: {  	s22 =	simm.s32 $0x1;
	s21 =	smov.u32 @p0 s17;
	p0 =	por !p4, !p1  }
0x516: {  	s15 =	sadd.s32 s15, s11;
	s17 =	smul.u32 $0x11, s21;
	p0 =	por !p0, !p0  }
0x517: {  	s21 =	sadd.s32 s24, s14;
	s22 =	simm.s32 @!p0 $0x0;
	p0 =	slt.s32 s15, s19  }
0x518: {  	s21 =	sshra.s32 s21, $0x1;
	s19 =	smov.u32 @p0 s15  }
0x519: {  	s21 =	ssub.s32 s21, s22;
	s19 =	smul.u32 $0x11, s19  }
0x51a: {  	s17 =	sadd.s32 s17, s21  }
0x51b: {  	s28 =	sshrl.u32 s12, $0x4;
	s25 =	sshra.s32 s17, $0x1F;
	s19 =	sadd.s32 s19, s21  }
0x51c: {  	s23 =	sxor.u32 s20, s14;
	s26 =	sxor.u32 s25, s17;
	s21 =	sshra.s32 s19, $0x1F  }
0x51d: {  	s23 =	ssub.s32 s23, s20;
	s22 =	ssub.s32 s26, s25;
	s24 =	sxor.u32 s21, s19  }
0x51e: {  	v14 =	vmul.u32 s28, v0;
	(drf) =	sdiv.u32 s22, s23;
	s29 =	ssub.s32 s24, s21  }
0x51f: {  	(drf) =	sdiv.u32 s29, s23  }
0x520: {  	v14 =	vadd.s32 s16, v14;
	_ =	sdelay $0x4  }
0x521: {  	v14 =	vld.idx.msk [tilespmem:v14+s2+$0x0], $0xffff;
	p0 =	sgt.s32 s17, $0x0  }
0x522: {  	s15 =	sxor.u32 s20, s25;
	s20 =	sxor.u32 s20, s21;
	s23 =	simm.s32 $0x1  }
0x523: {  	s23 =	simm.s32 @!p0 $0x0;
	p0 =	slt.s32 s17, $0x0;
	s30 =	spop (drf)  }
0x524: {  	s23 =	simm.s32 @p0 $0xFFFFFFFF;
	s22 =	sxor.u32 s15, s30;
	s31 =	spop (drf)  }
0x525: {  	p0 =	sgt.s32 s19, $0x0;
	s15 =	ssub.s32 s22, s15;
	s22 =	sxor.u32 s20, s31  }
0x526: {  	(xrf1) =	vsort.ascd.msk.f32 $0xffff, v14, v14;
	s24 =	smul.u32 s14, s15;
	s20 =	ssub.s32 s22, s20;
	s22 =	simm.s32 $0x1  }
0x527: {  	s22 =	simm.s32 @!p0 $0x0;
	p0 =	slt.s32 s19, $0x0;
	s14 =	smul.u32 s14, s20  }
0x528: {  	p5 =	sne.s32 s23, s18;
	s22 =	simm.s32 @p0 $0xFFFFFFFF  }
0x529: {  	p2 =	sne.s32 s17, s24;
	p3 =	sne.s32 s22, s18;
	p4 =	sne.s32 s19, s14  }
0x52a: {  	s17 =	simm.s32 $0x1;
	p6 =	por !p5, !p2;
	p1 =	por !p3, !p4  }
0x52b: {  	p0 =	por !p6, !p6;
	s14 =	simm.s32 $0x1;
	p1 =	por !p1, !p1  }
0x52c: {  	s14 =	simm.s32 @!p0 $0x0;
	s17 =	simm.s32 @!p1 $0x0  }
0x52d: {  	s14 =	ssub.s32 s15, s14;
	s15 =	ssub.s32 s20, s17  }
0x52e: {  	p0 =	sgt.s32 s14, $0x1;
	p1 =	sgt.s32 s15, $0x1  }
0x52f: {  	s14 =	simm.s32 @!p0 $0x1;
	s15 =	simm.s32 @!p1 $0x1  }
0x530: {  	s25 =	smax.u32 s14, $0x10;
	s15 =	smin.u32 s15, $0x10  }
0x531: {  	p0 =	sgt.s32 s10, s11;
	s14 =	ssub.s32 s25, s14;
	s15 =	sadd.s32 $0xFFFFFFFF, s15  }
0x532: {  	s14 =	smov.u32 @p0 s15  }
0x533: {  	v14 =	vmov s14  }
0x534: {  	v15, _, _ =	vpop (xrf1);
	vm2 =	veq.s32 v14, v0  }
0x535: {  	v14 =	vnsel vm2, $0xFF800000, v15  }
0x536: {  	(xrf0) =	vmax.scan.msk.f32 $0xffff, v14;
	_ =	sdelay $0x5  }
0x537: {  	v14, _, _ =	vpop (xrf0)  }
0x538: {  	(v2sf) =	vpush v14, $0xF;
	_ =	sdelay $0x2  }
0x539: {  	s26 =	sadd.s32 $0xF, s12  }
0x53a: {  	s28 =	sand.u32 $0xF, s26  }
0x53b: {  	s29 =	sshra.s32 s26, $0x1F;
	p5 =	slt.s32 s26, $0x0;
	p6 =	sne.s32 s28, $0x0  }
0x53c: {  	s30 =	sshrl.u32 s29, $0x1C;
	p0 =	por !p5, !p6  }
0x53d: {  	s11 =	sadd.s32 s30, s26;
	p0 =	por !p0, !p0;
	s14 =	simm.s32 $0x1  }
0x53e: {  	s11 =	sshra.s32 s11, $0x4;
	s14 =	simm.s32 @!p0 $0x0  }
0x53f: {  	s18 =	ssub.s32 s11, s14  }
0x540: {  	p1 =	slt.s32 s18, $0x1  }
.Ltmp36:
0x541: {  	_ = 	snop;
	(pc) =	sbr.rel @p1 .LBB2_50-.Ltmp36, $3  }
0x542: {  	_ =	sdelay $0x1  }
0x543: {  	s31 =	sshll.u32 s13, $0xE;
	p0 =	seq.s32 s13, $0x0;
	s14 =	simm.s32 $0xC000  }
0x544: {  	s15 =	sadd.s32 $0xA000, s31;
	s14 =	simm.s32 @!p0 $0x8000;
	s11 =	spop (v2sf)  }
0x545: {  	p1 =	sne.s32 s18, $0x1  }
.Ltmp37:
0x546: {  	_ = 	snop;
	(pc) =	sbr.rel @!p1 .LBB2_52-.Ltmp37, $3  }
0x547: {  	_ =	sdelay $0x1  }
0x548: {  	v18 =	vbroadcast v14, $0xF;
	v19 =	vmov s12;
	v17 =	vmov s15  }
0x549: {  	v16 =	vmov s14;
	v24 =	vimm.s32 $0x0;
	v14 =	vimm.f32 $0.0e+00;
	s17 =	simm.s32 $0x0;
	v15 =	vld [tilespmem:s16+$0x0];
	s19 =	sadd.s32 $0xFFFFFFFF, s18;
	p0 =	por $0x0, $0x0  }
0x54a: {  	_ =	sdelay $0x2  }
0x54b: {  	v20 =	vor.u32 s17, v0  }
0x54c: {  	vm2 =	vlt.s32 v20, v19;
	vm3 =	vgt.f32 v15, v18  }
0x54d: {  	vm4 =	vlt.f32 v15, v18;
	vm3 =	vmand vm2, vm3  }
0x54e: {  	vm2 =	vmand vm2, vm4;
	v20 =	vsel vm3, $0x1, v9  }
0x54f: {  	v21 =	vsel vm2, $0x1, v9;
	(xrf0) =	vadd.scan.msk.s32 $0xffff, v20  }
0x550: {  	(xrf0) =	vadd.scan.msk.s32 $0xffff, v21;
	_ =	sdelay $0x2  }
0x551: {  	v22 =	vsel vm2, $0xFFFFFFFF, v9  }
0x552: {  	v20 =	vsel vm3, $0xFFFFFFFF, v9;
	v21 =	vadd.s32 v17, v24  }
0x553: {  	v20 =	vadd.s32 v20, v21;
	v21 =	vadd.s32 v16, v24;
	v23, _, _ =	vpop (xrf0)  }
0x554: {  	v21 =	vadd.s32 v22, v21;
	v20 =	vadd.s32 v23, v20;
	v22, _, _ =	vpop (xrf0)  }
0x555: {  	v21 =	vadd.s32 v22, v21;
	_ =	sdelay $0x1  }
0x556: {  	p1 =	sne.s32 s19, $0x1  }
.Ltmp38:
0x557: {  	v22 =	vmpcnt.ones.xlane vm3;
	(pc) =	sbr.rel @!p1 .LBB2_54-.Ltmp38, $4  }
0x558: {  	v25 =	vmpcnt.ones.xlane vm2;
	[tilespmem:v20+s2+$0x0] =	vst.idx.msk vm3, v15  }
0x559: {  	s18 =	sadd.s32 $0x10, s16;
	[tilespmem:v21+s2+$0x0] =	vst.idx.msk vm2, v15  }
0x55a: {  	v26 =	vnsel vm3, $0x0, v15;
	v23 =	vadd.s32 v24, v22;
	v20 =	vadd.s32 v24, v25;
	v15 =	vld [tilespmem:s18+$0x0]  }
0x55b: {  	s19 =	sadd.s32 $0xFFFFFFFF, s19;
	p0 =	por $0x1, $0x1;
	s16 =	simm.s32 $0x0;
	v14 =	vadd.f32 v26, v14;
	v21 =	vmov v23;
	v22 =	vmov v20  }
.LBB2_55:
0x55c: {  	p1 =	sne.s32 s19, $0x1  }
0x55d: {  	s16 =	sadd.s32 $0x10, s16  }
0x55e: {  	v24 =	vor.u32 s16, v0  }
0x55f: {  	vm3 =	vlt.s32 v24, v19;
	vm2 =	vgt.f32 v15, v18  }
0x560: {  	vm4 =	vlt.f32 v15, v18;
	vm2 =	vmand vm3, vm2  }
0x561: {  	vm3 =	vmand vm3, vm4;
	v24 =	vsel vm2, $0x1, v9;
	v25 =	vmpcnt.ones.xlane vm2  }
0x562: {  	v26 =	vsel vm3, $0x1, v9;
	v27 =	vmpcnt.ones.xlane vm3;
	v28 =	vnsel vm2, $0x0, v15;
	(xrf0) =	vadd.scan.msk.s32 $0xffff, v24  }
0x563: {  	v14 =	vadd.f32 v28, v14;
	v23 =	vadd.s32 v23, v25;
	(xrf0) =	vadd.scan.msk.s32 $0xffff, v26  }
0x564: {  	v20 =	vadd.s32 v20, v27;
	_ =	sdelay $0x2  }
0x565: {  	v24 =	vsel vm2, $0xFFFFFFFF, v9;
	v27 =	vadd.s32 v17, v21;
	v21 =	vmov v23  }
0x566: {  	v28 =	vsel vm3, $0xFFFFFFFF, v9;
	v24 =	vadd.s32 v24, v27;
	v27 =	vadd.s32 v16, v22;
	v25, _, _ =	vpop (xrf0)  }
0x567: {  	v22 =	vmov v20;
	v24 =	vadd.s32 v25, v24;
	v25 =	vadd.s32 v28, v27;
	v26, _, _ =	vpop (xrf0)  }
0x568: {  	v25 =	vadd.s32 v26, v25;
	_ =	sdelay $0x2  }
.Ltmp39:
0x569: {  	(pc) =	sbr.rel @p1 .LBB2_55-.Ltmp39, $4  }
0x56a: {  	[tilespmem:v24+s2+$0x0] =	vst.idx.msk vm2, v15  }
0x56b: {  	s18 =	sadd.s32 $0x10, s18;
	[tilespmem:v25+s2+$0x0] =	vst.idx.msk vm3, v15  }
0x56c: {  	v15 =	vld [tilespmem:s18+$0x0]  }
0x56d: {  	s19 =	sadd.s32 $0xFFFFFFFF, s19  }
0x56e: {  	v24 =	vmov v23  }
.LBB2_57:
0x56f: {  	s16 =	sadd.s32 @p0 $0x10, s16  }
0x570: {  	s17 =	smov.u32 @p0 s16  }
0x571: {  	v23 =	vor.u32 s17, v0  }
0x572: {  	vm3 =	vgt.f32 v15, v18;
	vm2 =	vlt.s32 v23, v19  }
0x573: {  	vm4 =	vlt.f32 v15, v18;
	vm3 =	vmand vm2, vm3  }
0x574: {  	vm2 =	vmand vm2, vm4;
	v18 =	vsel vm3, $0x1, v9  }
0x575: {  	v19 =	vsel vm2, $0x1, v9;
	(xrf0) =	vadd.scan.msk.s32 $0xffff, v18  }
0x576: {  	(xrf0) =	vadd.scan.msk.s32 $0xffff, v19;
	_ =	sdelay $0x1  }
0x577: {  	v18 =	vsel vm3, $0xFFFFFFFF, v9;
	_ =	sdelay $0x1  }
0x578: {  	v17 =	vadd.s32 v17, v21  }
0x579: {  	v16 =	vadd.s32 v16, v22;
	v19 =	vsel vm2, $0xFFFFFFFF, v9;
	v17 =	vadd.s32 v18, v17;
	v18, _, _ =	vpop (xrf0)  }
0x57a: {  	v16 =	vadd.s32 v19, v16;
	v17 =	vadd.s32 v18, v17;
	v18, _, _ =	vpop (xrf0)  }
0x57b: {  	v16 =	vadd.s32 v18, v16  }
.Ltmp40:
0x57c: {  	_ = 	snop;
	(pc) =	sbr.rel .LBB2_58-.Ltmp40, $3  }
0x57d: {  	v19 =	vmpcnt.ones.xlane vm2;
	v18 =	vmpcnt.ones.xlane vm3;
	_ =	sdelay $0x1  }
0x57e: {  	v63 =	vnsel vm3, $0x0, v15;
	v19 =	vadd.s32 v20, v19;
	v18 =	vadd.s32 v24, v18;
	[tilespmem:v17+s2+$0x0] =	vst.idx.msk vm3, v15  }
0x57f: {  	v14 =	vadd.f32 v63, v14;
	[tilespmem:v16+s2+$0x0] =	vst.idx.msk vm2, v15;
	v15 =	vxor.u32 $0x80000000, v18;
	v16 =	vxor.u32 $0x80000000, v19  }
.LBB2_52:
.Ltmp41:
0x580: {  	(pc) =	sbr.rel .LBB2_57-.Ltmp41, $2  }
0x581: {  	_ =	sdelay $0x2  }
0x582: {  	s16 =	simm.s32 $0x0;
	v20 =	vimm.s32 $0x0;
	v21 =	vimm.s32 $0x0;
	v22 =	vimm.s32 $0x0  }
.LBB2_54:
.Ltmp42:
0x583: {  	(pc) =	sbr.rel .LBB2_57-.Ltmp42, $2  }
0x584: {  	_ =	sdelay $0x2  }
0x585: {  	s16 =	simm.s32 $0x0;
	v24 =	vmov v23;
	v21 =	vmov v23;
	v22 =	vmov v20  }
.LBB2_59:
0x586: {  	v14 =	vld [tilespmem:s14+$0x0]  }
0x587: {  	v15 =	vld [tilespmem:s14+$0x10];
	_ =	sdelay $0x1  }
0x588: {  	v16 =	vmov s12  }
0x589: {  	vm2 =	vgt.s32 v16, v0  }
0x58a: {  	v14 =	vnsel vm2, $0xFF800000, v14;
	vm2 =	vgt.s32 v16, v10  }
0x58b: {  	v15 =	vnsel vm2, $0xFF800000, v15;
	(xrf1) =	vsort.ascd.msk.f32 $0xffff, v14, v14  }
0x58c: {  	(xrf1) =	vsort.ascd.msk.f32 $0xffff, v15, v15;
	_ =	sdelay $0xc  }
0x58d: {  	v17, _, _ =	vpop (xrf1)  }
0x58e: {  	v18 =	vld [tilespmem:s14+$0x20];
	v19, _, _ =	vpop (xrf1)  }
0x58f: {  	v20 =	vld [tilespmem:s14+$0x30];
	v19 =	vperm.xlane v19, v13;
	_ =	sdelay $0x1  }
0x590: {  	v21 =	vmin.f32 v17, v19  }
0x591: {  	vm2 =	vgt.s32 v16, v11;
	v17 =	vmax.f32 v17, v19;
	(xrf1) =	vsort.ascd.msk.f32 $0xffff, v21, v21  }
0x592: {  	v18 =	vnsel vm2, $0xFF800000, v18;
	vm2 =	vgt.s32 v16, v12;
	(xrf1) =	vsort.ascd.msk.f32 $0xffff, v17, v17  }
0x593: {  	v16 =	vnsel vm2, $0xFF800000, v20;
	(xrf1) =	vsort.ascd.msk.f32 $0xffff, v18, v18  }
0x594: {  	(xrf1) =	vsort.ascd.msk.f32 $0xffff, v16, v16;
	_ =	sdelay $0xa  }
0x595: {  	v17, _, _ =	vpop (xrf1)  }
0x596: {  	v19, _, _ =	vpop (xrf1)  }
0x597: {  	v20, _, _ =	vpop (xrf1)  }
0x598: {  	v21, _, _ =	vpop (xrf1)  }
0x599: {  	v21 =	vperm.xlane v21, v13;
	_ =	sdelay $0x1  }
0x59a: {  	v22 =	vmin.f32 v20, v21  }
0x59b: {  	v20 =	vmax.f32 v20, v21;
	(xrf1) =	vsort.ascd.msk.f32 $0xffff, v22, v22  }
0x59c: {  	(xrf1) =	vsort.ascd.msk.f32 $0xffff, v20, v20;
	_ =	sdelay $0xc  }
0x59d: {  	v20, _, _ =	vpop (xrf1)  }
0x59e: {  	v21, _, _ =	vpop (xrf1)  }
0x59f: {  	v20 =	vperm.xlane v20, v13;
	v21 =	vperm.xlane v21, v13;
	_ =	sdelay $0x1  }
0x5a0: {  	v23 =	vmin.f32 v19, v20;
	v22 =	vmin.f32 v17, v21  }
0x5a1: {  	v17 =	vmax.f32 v17, v21;
	v21 =	vmin.f32 v22, v23  }
0x5a2: {  	(xrf1) =	vsort.ascd.msk.f32 $0xffff, v21, v21  }
0x5a3: {  	v19 =	vmax.f32 v19, v20;
	v20 =	vmax.f32 v22, v23  }
0x5a4: {  	(xrf1) =	vsort.ascd.msk.f32 $0xffff, v20, v20;
	v20 =	vmin.f32 v17, v19  }
0x5a5: {  	v17 =	vmax.f32 v17, v19;
	(xrf1) =	vsort.ascd.msk.f32 $0xffff, v20, v20  }
0x5a6: {  	(xrf1) =	vsort.ascd.msk.f32 $0xffff, v17, v17;
	_ =	sdelay $0x6  }
0x5a7: {  	s24 =	ssub.s32 $0x40, s10  }
0x5a8: {  	s13 =	sand.u32 $0xF, s24  }
0x5a9: {  	v17 =	vmov s13  }
0x5aa: {  	vm2 =	veq.s32 v17, v0;
	v19, _, _ =	vpop (xrf1)  }
0x5ab: {  	v19 =	vnsel vm2, $0xFF800000, v19  }
0x5ac: {  	v17, _, _ =	vpop (xrf1)  }
0x5ad: {  	v20, _, _ =	vpop (xrf1);
	(xrf0) =	vmax.scan.msk.f32 $0xffff, v19;
	v17 =	vnsel vm2, $0xFF800000, v17  }
0x5ae: {  	(xrf0) =	vmax.scan.msk.f32 $0xffff, v17;
	v17 =	vnsel vm2, $0xFF800000, v20;
	v19, _, _ =	vpop (xrf1)  }
0x5af: {  	(xrf0) =	vmax.scan.msk.f32 $0xffff, v17;
	v17 =	vnsel vm2, $0xFF800000, v19  }
0x5b0: {  	(xrf0) =	vmax.scan.msk.f32 $0xffff, v17;
	_ =	sdelay $0x2  }
0x5b1: {  	v17, _, _ =	vpop (xrf0)  }
0x5b2: {  	v19, _, _ =	vpop (xrf0);
	(v2sf) =	vpush v17, $0xF  }
0x5b3: {  	v17, _, _ =	vpop (xrf0);
	(v2sf) =	vpush v19, $0xF  }
0x5b4: {  	(v2sf) =	vpush v17, $0xF;
	v17, _, _ =	vpop (xrf0)  }
0x5b5: {  	(v2sf) =	vpush v17, $0xF;
	_ =	sdelay $0x2  }
0x5b6: {  	s25 =	sshra.s32 s24, $0x1F  }
0x5b7: {  	p1 =	sne.s32 s10, $0x40;
	s10 =	simm.s32 $0x1;
	s26 =	sshrl.u32 s25, $0x1C  }
0x5b8: {  	s10 =	simm.s32 @!p1 $0x0;
	s14 =	sadd.s32 s26, s24  }
0x5b9: {  	s10 =	sor.u32 s10, s25;
	s28 =	sand.u32 $0xFFFFFFF0, s14  }
0x5ba: {  	p6 =	sne.s32 s10, $0x1;
	p2 =	sne.s32 s24, s28  }
0x5bb: {  	p1 =	por !p2, !p6  }
0x5bc: {  	s10 =	simm.s32 $0x1;
	p1 =	por !p1, !p1  }
0x5bd: {  	s29 =	sshra.s32 s14, $0x4;
	s10 =	simm.s32 @!p1 $0x0  }
0x5be: {  	s10 =	ssub.s32 s29, s10  }
0x5bf: {  	p1 =	seq.s32 s10, $0x0;
	s12 =	spop (v2sf)  }
0x5c0: {  	s13 =	spop (v2sf);
	s12 =	simm.s32 @!p1 $0xFF800000;
	p1 =	seq.s32 s10, $0x1  }
0x5c1: {  	s12 =	smov.u32 @p1 s13;
	p1 =	seq.s32 s10, $0x2;
	s13 =	spop (v2sf)  }
0x5c2: {  	s12 =	smov.u32 @p1 s13;
	p1 =	seq.s32 s10, $0x3;
	s10 =	spop (v2sf)  }
0x5c3: {  	vm3 =	vmmov vm1;
	s12 =	smov.u32 @p1 s10  }
0x5c4: {  	vm3 =	vmneg @p0 vm3;
	s11 =	smov.u32 @p0 s12  }
0x5c5: {  	vm2 =	vgt.f32 v14, s11;
	v14 =	vadd.f32 $0.0e+00, v14;
	vm4 =	vgt.f32 v15, s11  }
0x5c6: {  	vm2 =	vmand vm3, vm2;
	vm4 =	vmand vm3, vm4  }
0x5c7: {  	vm5 =	vgt.f32 v18, s11;
	v14 =	vnsel vm2, $0x0, v14;
	v15 =	vnsel vm4, $0x0, v15  }
0x5c8: {  	vm5 =	vmand vm3, vm5;
	v14 =	vadd.f32 v15, v14  }
0x5c9: {  	vm6 =	vgt.f32 v16, s11;
	v15 =	vnsel vm5, $0x0, v18  }
0x5ca: {  	vm3 =	vmand vm3, vm6;
	v14 =	vadd.f32 v14, v15  }
0x5cb: {  	v15 =	vnsel vm3, $0x0, v16  }
0x5cc: {  	v14 =	vadd.f32 v14, v15  }
0x5cd: {  	v16 =	vmpcnt.ones.xlane vm4;
	v15 =	vmpcnt.ones.xlane vm2  }
0x5ce: {  	v17 =	vmpcnt.ones.xlane vm5;
	(xrf2) =	vadd.scan.msk.f32 $0xffff, v14  }
0x5cf: {  	v14 =	vadd.s32 v15, v16;
	v15 =	vmpcnt.ones.xlane vm3  }
0x5d0: {  	v14 =	vadd.s32 v17, v14  }
0x5d1: {  	v14 =	vadd.s32 v15, v14  }
0x5d2: {  	v14 =	vxor.u32 $0x80000000, v14  }
0x5d3: {  	(xrf0) =	vmax.scan.msk.u32 $0xffff, v14;
	_ =	sdelay $0x4  }
0x5d4: {  	v14, _, _ =	vpop (xrf2)  }
0x5d5: {  	(v2sf) =	vpush v14, $0xF;
	v14, _, _ =	vpop (xrf0)  }
0x5d6: {  	(v2sf) =	vpush v14, $0xF;
	_ =	sdelay $0xd  }
0x5d7: {  	s30 =	spop (v2sf)  }
0x5d8: {  	s31 =	spop (v2sf)  }
0x5d9: {  	s9 =	sadd.s32 s31, s9  }
0x5da: {  	s9 =	sadd.s32 $0x80000000, s9  }
0x5db: {  	s9 =	scvt.s32.f32 s9;
	_ =	sdelay $0x1  }
0x5dc: {  	s8 =	sadd.f32 s30, s8;
	s9 =	smul.f32 s9, s11  }
0x5dd: {  	_ = 	snop  }
0x5de: {  	s8 =	ssub.f32 s8, s9;
	_ =	sdelay $0x1  }
0x5df: {  	s8 =	sadd.f32 $1.000000010e-07, s8;
	_ =	sdelay $0x1  }
0x5e0: {  	v14 =	vmov s8  }
0x5e1: {  	(erf) = vrcp.f32 v14  }
0x5e2: {  	s9 =	simm.s32 $0x6070  }
0x5e3: {  	v14 =	vld [tilespmem:s9+$0x0]  }
0x5e4: {  	v16 =	vld [tilespmem:s9+$0xFFFFFFA0]  }
0x5e5: {  	v17 =	vld [tilespmem:s9+$0xFFFFFFB0]  }
0x5e6: {  	v18 =	vld [tilespmem:s9+$0xFFFFFFC0]  }
0x5e7: {  	v15 =	vmov s11;
	v19 =	vld [tilespmem:s9+$0xFFFFFFD0]  }
0x5e8: {  	v20 =	vld [tilespmem:s9+$0xFFFFFFE0];
	v21 =	vsub.f32 v14, v15  }
0x5e9: {  	v22 =	vld [tilespmem:s9+$0xFFFFFFF0];
	v16 =	vsub.f32 v16, v15  }
0x5ea: {  	v23 =	vld [tilespmem:s9+$0xFFFFFF90];
	s8 =	simm.s32 $0x60F0;
	v17 =	vsub.f32 v17, v15;
	v21 =	vmax.f32 v21, $0.0e+00;
	v14 =	vpop (erf)  }
0x5eb: {  	v24 =	vld [tilespmem:s8+$0x0];
	v18 =	vsub.f32 v18, v15;
	v16 =	vmax.f32 v16, $0.0e+00;
	v21 =	vmul.f32 v21, v14  }
0x5ec: {  	v25 =	vld [tilespmem:s8+$0xFFFFFFA0];
	v26 =	vsub.f32 v19, v15;
	v17 =	vmax.f32 v17, $0.0e+00;
	v16 =	vmul.f32 v16, v14  }
0x5ed: {  	v27 =	vld [tilespmem:s8+$0xFFFFFFB0];
	v28 =	vmul.f32 v17, v14;
	v17 =	vmax.f32 v18, $0.0e+00;
	v18 =	vsub.f32 v20, v15;
	[tilespmem:s9+$0x0] =	vst v21  }
0x5ee: {  	v19 =	vld [tilespmem:s8+$0xFFFFFFC0];
	v20 =	vmul.f32 v17, v14;
	[tilespmem:s9+$0xFFFFFFA0] =	vst v16;
	v16 =	vmax.f32 v26, $0.0e+00;
	v21 =	vsub.f32 v22, v15  }
0x5ef: {  	v17 =	vld [tilespmem:s8+$0xFFFFFFD0];
	v22 =	vsub.f32 v23, v15;
	[tilespmem:s9+$0xFFFFFFB0] =	vst v28;
	v18 =	vmax.f32 v18, $0.0e+00;
	v23 =	vmul.f32 v16, v14  }
0x5f0: {  	v24 =	vsub.f32 v24, v15;
	v16 =	vld [tilespmem:s8+$0xFFFFFFE0];
	[tilespmem:s9+$0xFFFFFFC0] =	vst v20;
	v26 =	vmul.f32 v18, v14;
	v20 =	vmax.f32 v21, $0.0e+00  }
0x5f1: {  	v18 =	vld [tilespmem:s8+$0xFFFFFFF0];
	v21 =	vsub.f32 v25, v15;
	v63 =	vmax.f32 v22, $0.0e+00;
	[tilespmem:s9+$0xFFFFFFD0] =	vst v23;
	v23 =	vmul.f32 v20, v14  }
0x5f2: {  	s10 =	simm.s32 $0x80;
	s11 =	simm.s32 $0x6170;
	v22 =	vsub.f32 v27, v15;
	v25 =	vmax.f32 v24, $0.0e+00;
	v20 =	vld [tilespmem:s8+$0xFFFFFF90];
	v24 =	vmul.f32 v63, v14;
	[tilespmem:s9+$0xFFFFFFE0] =	vst v26  }
.LBB2_60:
0x5f3: {  	v26 =	vld [tilespmem:s11+$0x0];
	s10 =	sadd.s32 $0x80, s10;
	v21 =	vmax.f32 v21, $0.0e+00;
	v19 =	vsub.f32 v19, v15;
	v25 =	vmul.f32 v25, v14;
	[tilespmem:s9+$0xFFFFFFF0] =	vst v23  }
0x5f4: {  	v23 =	vld [tilespmem:s11+$0xFFFFFFA0];
	p0 =	slt.u32 s10, $0x1F80;
	v21 =	vmul.f32 v21, v14;
	v22 =	vmax.f32 v22, $0.0e+00;
	v17 =	vsub.f32 v17, v15;
	[tilespmem:s9+$0xFFFFFF90] =	vst v24;
	s9 =	smov.u32 s8;
	s8 =	smov.u32 s11  }
0x5f5: {  	v24 =	vld [tilespmem:s11+$0xFFFFFFB0];
	v22 =	vmul.f32 v22, v14;
	v27 =	vmax.f32 v19, $0.0e+00;
	v16 =	vsub.f32 v16, v15;
	[tilespmem:s9+$0x0] =	vst v25  }
.Ltmp43:
0x5f6: {  	v19 =	vld [tilespmem:s11+$0xFFFFFFC0];
	[tilespmem:s9+$0xFFFFFFA0] =	vst v21;
	v21 =	vmul.f32 v27, v14;
	v25 =	vmax.f32 v17, $0.0e+00;
	v18 =	vsub.f32 v18, v15;
	(pc) =	sbr.rel @p0 .LBB2_60-.Ltmp43, $4  }
0x5f7: {  	v17 =	vld [tilespmem:s11+$0xFFFFFFD0];
	v20 =	vsub.f32 v20, v15;
	[tilespmem:s9+$0xFFFFFFB0] =	vst v22;
	v22 =	vmul.f32 v25, v14;
	v25 =	vmax.f32 v16, $0.0e+00  }
0x5f8: {  	v16 =	vld [tilespmem:s11+$0xFFFFFFE0];
	v26 =	vsub.f32 v26, v15;
	[tilespmem:s9+$0xFFFFFFC0] =	vst v21;
	v27 =	vmul.f32 v25, v14;
	v25 =	vmax.f32 v18, $0.0e+00  }
0x5f9: {  	v21 =	vsub.f32 v23, v15;
	v18 =	vld [tilespmem:s11+$0xFFFFFFF0];
	v28 =	vmax.f32 v20, $0.0e+00;
	[tilespmem:s9+$0xFFFFFFD0] =	vst v22;
	v23 =	vmul.f32 v25, v14  }
0x5fa: {  	s11 =	sadd.s32 $0x80, s11;
	v20 =	vld [tilespmem:s8+$0xFFFFFF90];
	v22 =	vsub.f32 v24, v15;
	v25 =	vmax.f32 v26, $0.0e+00;
	v24 =	vmul.f32 v28, v14;
	[tilespmem:s9+$0xFFFFFFE0] =	vst v27  }
0x5fb: {  	v21 =	vmax.f32 v21, $0.0e+00;
	v19 =	vsub.f32 v19, v15;
	v25 =	vmul.f32 v25, v14;
	[tilespmem:s9+$0xFFFFFFF0] =	vst v23  }
0x5fc: {  	v21 =	vmul.f32 v21, v14;
	v22 =	vmax.f32 v22, $0.0e+00;
	v17 =	vsub.f32 v17, v15;
	[tilespmem:s9+$0xFFFFFF90] =	vst v24  }
0x5fd: {  	v22 =	vmul.f32 v22, v14;
	v19 =	vmax.f32 v19, $0.0e+00;
	v16 =	vsub.f32 v16, v15;
	[tilespmem:s8+$0x0] =	vst v25  }
0x5fe: {  	[tilespmem:s8+$0xFFFFFFA0] =	vst v21;
	v19 =	vmul.f32 v19, v14;
	v17 =	vmax.f32 v17, $0.0e+00;
	v18 =	vsub.f32 v18, v15  }
0x5ff: {  	v15 =	vsub.f32 v20, v15;
	[tilespmem:s8+$0xFFFFFFB0] =	vst v22;
	v17 =	vmul.f32 v17, v14;
	v16 =	vmax.f32 v16, $0.0e+00  }
0x600: {  	[tilespmem:s8+$0xFFFFFFC0] =	vst v19;
	v16 =	vmul.f32 v16, v14;
	v18 =	vmax.f32 v18, $0.0e+00  }
0x601: {  	v15 =	vmax.f32 v15, $0.0e+00;
	[tilespmem:s8+$0xFFFFFFD0] =	vst v17;
	v63 =	vmul.f32 v18, v14  }
0x602: {  	s7 =	sadd.s32 $0x1, s7;
	v14 =	vmul.f32 v15, v14;
	[tilespmem:s8+$0xFFFFFFE0] =	vst v16  }
0x603: {  	p0 =	sne.s32 s7, s5;
	[tilespmem:s8+$0xFFFFFFF0] =	vst v63  }
.Ltmp44:
0x604: {  	[tilespmem:s8+$0xFFFFFF90] =	vst v14;
	(pc) =	sbr.rel @p0 .LBB2_1-.Ltmp44, $4  }
0x605: {  	[hbm4b:s4+s2] =	stream.linear.scatter [tilespmem:s2], [sflag:$0x1], $0x8000, $0x38;
	[tilespmem:$0x10000] =	vst v63  }
0x606: {  	_ =	swait.ge [sflag:s6], $0x8000  }
0x607: {  	[sflag:s6] =	ssyncset.done $0x0  }
0x608: {  	[sflag:s6] =	ssyncadd.s32 $0xFFFF8000  }
0x609: {  	_ =	sfence.sel $0x180000  }
0x60a: {  	[bflag:$0x0] =	sbarrier.arrive $0xFFFF  }
0x60b: {  	p0 =	sne.s32 s1, $0x0;
	_ =	strace $0x90000047  }
0x60c: {  	s0 =	sadd.s32 @!p0 $0x100000, s0;
	[bflag:$0x2] =	sbarrier.arrive $0xFFFF  }
0x60d: {  	[sflag:s0] =	ssyncadd.tile.s32 @!p0 $0x1;
	_ =	shalt  }
.Lfunc_end2:
_tile_overlayer_lowered:
.L_overlay_start_2:
0x60e: {  	(tag) =	ssettag $0x2  }
0x60f: {  	s0 =	rddreg [dreg:$0x0];
	s2 =	stileid.u32  }
0x610: {  	s1 =	rddreg [dreg:$0x1];
	p0 =	sne.s32 s2, $0x0  }
0x611: {  	s3 =	rddreg [dreg:$0x2];
	[bflag:$0x3] =	sbarrier.arrive $0xFFFF;
	s2 =	simm.s32 @!p0 $0x1C01  }
0x612: {  	[timem:s3], [sflag:s2] =	dma.local @!p0 [hbm:s0], s1  }
0x613: {  	s0 =	simm.s32 @!p0 $0x1  }
0x614: {  	_ =	swait.ge @!p0 [sflag:s0], s1  }
0x615: {  	s1 =	ssub.s32 @!p0 $0x0, s1;
	[sflag:s0] =	ssyncset.done @!p0 $0x0  }
0x616: {  	[sflag:s0] =	ssyncadd.s32 @!p0 s1  }
0x617: {  	[bflag:$0x3] =	sbarrier.arrive $0xFFFF  }
0x618: {  	_ =	shalt  }

</sc_bundles>
